<compile_context>
chip_gen: v7x
topology: tpu7x:2x2x1
jax: 0.10.2.dev20260603
libtpu: 0.0.44.dev20260713+nightly
codegen_flags: <defaults>
</compile_context>

<pallas_src>
import functools

import jax
import jax.numpy as jnp
from jax import lax
from jax.experimental import pallas as pl
from jax.experimental.pallas import tpu as pltpu
from jax.experimental.pallas import tpu_sc as plsc

N = 10000
E = 320000
F = 128
H = 128
K = 64

NC = 2
NS = 16
NW = NC * NS
EPT = E // NW
CH = 80
NCH = EPT // CH
SELCH = 128
NSEL = EPT // SELCH + 1
NPAD = 10016
ZR = NPAD // NS
CR = 624
CR_LAST = N - CR * (NS - 1)
PKS = 14

_PREC = jax.lax.Precision.HIGHEST
_SC_PARAMS = pltpu.CompilerParams(needs_layout_passes=False,
                                  use_tc_tiling_on_sc=False)


def _flags_body(srcR, dstR, tidx, zi32, zf32, epk_out, flags_out, deg_out,
                dT_out, src_buf, dst_buf, epk_loc, tidx_v, flag_t, flag_s,
                deg_loc, dvec, mbufd, dsums):
    core = lax.axis_index("c")
    sub = lax.axis_index("s")
    wid = core * NS + sub

    pltpu.sync_copy(zi32, flag_t)
    pltpu.sync_copy(zi32, flag_s)
    pltpu.sync_copy(zf32, deg_loc)
    pltpu.sync_copy(tidx, tidx_v)
    pltpu.sync_copy(srcR.at[wid], src_buf)
    pltpu.sync_copy(dstR.at[wid], dst_buf)

    ones16i = jnp.full((16,), 1, jnp.int32)
    ones16f = jnp.full((16,), 1.0, jnp.float32)
    for t in range(5):
        tv = tidx_v[pl.ds(t * 16, 16)]
        plsc.store_scatter(flag_t, [tv], ones16i)
        plsc.store_scatter(flag_s, [tv], ones16i)

    def outer(j, _):
        for q in range(CH // 16):
            d = dst_buf[j, pl.ds(q * 16, 16)]
            s = src_buf[j, pl.ds(q * 16, 16)]
            epk_loc[j, pl.ds(q * 16, 16)] = jnp.left_shift(s, PKS) | d
            plsc.addupdate_scatter(deg_loc, [d], ones16f)
            ft = plsc.load_gather(flag_t, [d])
            plsc.store_scatter(flag_s, [s], ones16i, mask=ft > 0)
        return 0

    lax.fori_loop(0, NCH, outer, 0)

    for t in range(5):
        tv = tidx_v[pl.ds(t * 16, 16)]
        dvec[pl.ds(t * 16, 16)] = plsc.load_gather(deg_loc, [tv])
    pltpu.sync_copy(dvec, dsums.at[sub])
    plsc.subcore_barrier()

    @pl.when(sub == 0)
    def _():
        pltpu.sync_copy(dsums, mbufd)
        for t in range(5):
            v = mbufd[0, pl.ds(t * 16, 16)]
            for kk in range(1, NS):
                v = v + mbufd[kk, pl.ds(t * 16, 16)]
            dvec[pl.ds(t * 16, 16)] = v
        pltpu.sync_copy(dvec, dT_out.at[core])

    pltpu.sync_copy(epk_loc, epk_out.at[wid])
    pltpu.sync_copy(flag_s, flags_out.at[wid])
    pltpu.sync_copy(deg_loc, deg_out.at[pl.ds(wid * N, N)])


_flags = pl.kernel(
    _flags_body,
    out_type=(
        jax.ShapeDtypeStruct((NW, NCH, CH), jnp.int32),
        jax.ShapeDtypeStruct((NW, N), jnp.int32),
        jax.ShapeDtypeStruct((NW * N,), jnp.float32),
        jax.ShapeDtypeStruct((NC, 80), jnp.float32),
    ),
    mesh=plsc.VectorSubcoreMesh(core_axis_name="c", subcore_axis_name="s"),
    scratch_types=(
        pltpu.VMEM((NCH, CH), jnp.int32),
        pltpu.VMEM((NCH, CH), jnp.int32),
        pltpu.VMEM((NCH, CH), jnp.int32),
        pltpu.VMEM((80,), jnp.int32),
        pltpu.VMEM((N,), jnp.int32),
        pltpu.VMEM((N,), jnp.int32),
        pltpu.VMEM((N,), jnp.float32),
        pltpu.VMEM((80,), jnp.float32),
        pltpu.VMEM((NS, 80), jnp.float32),
        pltpu.VMEM_SHARED((NS, 80), jnp.float32),
    ),
    compiler_params=_SC_PARAMS,
)


def _or_tile(f_ref, o_ref):
    v = f_ref[0]
    for kk in range(1, NW):
        v = v | f_ref[kk]
    o_ref[0] = v


def _or_merge(flags):
    return pl.pallas_call(
        _or_tile,
        in_specs=[pl.BlockSpec((NW, N), lambda: (0, 0))],
        out_specs=pl.BlockSpec((1, N), lambda: (0, 0)),
        out_shape=jax.ShapeDtypeStruct((1, N), jnp.int32),
    )(flags)


def _seg1_body(table, epkR, zrows, flag_m, acc_out,
               epk_buf, fS, selpk, gsrc, gdst, rows, acc, sem):
    core = lax.axis_index("c")
    sub = lax.axis_index("s")
    wid = core * NS + sub

    pltpu.sync_copy(zrows.at[pl.ds(sub * ZR, ZR)], acc.at[pl.ds(sub * ZR, ZR)])
    pltpu.sync_copy(epkR.at[wid], epk_buf)
    pltpu.sync_copy(flag_m.at[0], fS)

    dmask = jnp.full((16,), (1 << PKS) - 1, jnp.int32)

    def outer(j, cnt):
        for q in range(CH // 16):
            w = epk_buf[j, pl.ds(q * 16, 16)]
            d = w & dmask
            m = plsc.load_gather(fS, [d]) > 0
            mi = jnp.where(m, 1, 0).astype(jnp.int32)
            c = plsc.cumsum(mi)
            pos = cnt + c - 1
            row = jnp.right_shift(pos, 7)
            col = jnp.bitwise_and(pos, SELCH - 1)
            plsc.store_scatter(selpk, [row, col], w, mask=m)
            cnt = cnt + plsc.all_reduce_population_count(m)
        return cnt

    cnt = lax.fori_loop(0, NCH, outer, jnp.zeros((16,), jnp.int32))
    cs = jnp.max(cnt)

    nch = jnp.right_shift(cs + SELCH - 1, 7)
    total = nch * SELCH
    iota = lax.iota(jnp.int32, 16)
    pad = jnp.full((16,), N, jnp.int32)
    for t in range(8):
        lp = cs + t * 16 + iota
        m2 = lp < total
        row = jnp.right_shift(lp, 7)
        col = jnp.bitwise_and(lp, SELCH - 1)
        plsc.store_scatter(selpk, [row, col], pad, mask=m2)

    plsc.subcore_barrier()

    def _ch(j, _):
        for q in range(SELCH // 16):
            w = selpk[j, pl.ds(q * 16, 16)]
            gsrc[pl.ds(q * 16, 16)] = jnp.right_shift(w, PKS)
            gdst[pl.ds(q * 16, 16)] = w & dmask
        pltpu.async_copy(table.at[gsrc], rows, sem).wait()
        pltpu.sync_copy(rows, acc.at[gdst], add=True)
        return 0

    lax.fori_loop(0, nch, _ch, 0)

    plsc.subcore_barrier()

    @pl.when(sub < NS - 1)
    def _():
        pltpu.sync_copy(acc.at[pl.ds(sub * CR, CR)],
                        acc_out.at[core, pl.ds(sub * CR, CR)])

    @pl.when(sub == NS - 1)
    def _():
        pltpu.sync_copy(acc.at[pl.ds((NS - 1) * CR, CR_LAST)],
                        acc_out.at[core, pl.ds((NS - 1) * CR, CR_LAST)])


_seg1 = pl.kernel(
    _seg1_body,
    out_type=jax.ShapeDtypeStruct((NC, N, F), jnp.float32),
    mesh=plsc.VectorSubcoreMesh(core_axis_name="c", subcore_axis_name="s"),
    scratch_types=(
        pltpu.VMEM((NCH, CH), jnp.int32),
        pltpu.VMEM((N,), jnp.int32),
        pltpu.VMEM((NSEL, SELCH), jnp.int32),
        pltpu.VMEM((SELCH,), jnp.int32),
        pltpu.VMEM((SELCH,), jnp.int32),
        pltpu.VMEM((SELCH, F), jnp.float32),
        pltpu.VMEM_SHARED((NPAD, F), jnp.float32),
        pltpu.SemaphoreType.DMA,
    ),
    compiler_params=_SC_PARAMS,
)


def _seg2_body(h1, epkR, tidx, zrows, a_out, h_out,
               epk_buf, tidx_v, flag_t, selpk, gsrc, gdst, rows,
               slot_buf, arows, hrows, acc, sem):
    core = lax.axis_index("c")
    sub = lax.axis_index("s")
    wid = core * NS + sub

    pltpu.sync_copy(tidx, tidx_v)
    pltpu.sync_copy(epkR.at[wid], epk_buf)

    zero16i = jnp.zeros((16,), jnp.int32)

    def _zf(i, _):
        flag_t[pl.ds(i * 16, 16)] = zero16i
        return 0

    lax.fori_loop(0, N // 16, _zf, 0)
    iota = lax.iota(jnp.int32, 16)
    for t in range(5):
        tv = tidx_v[pl.ds(t * 16, 16)]
        plsc.store_scatter(flag_t, [tv], iota + (t * 16 + 1))

    @pl.when(sub == 0)
    def _():
        pltpu.sync_copy(zrows.at[pl.ds(0, SELCH)], acc)

    @pl.when(jnp.logical_and(core == 0, sub == 1))
    def _():
        pltpu.async_copy(h1.at[tidx_v], hrows, sem).wait()
        pltpu.sync_copy(hrows, h_out)

    dmask = jnp.full((16,), (1 << PKS) - 1, jnp.int32)

    def outer(j, cnt):
        for q in range(CH // 16):
            w = epk_buf[j, pl.ds(q * 16, 16)]
            d = w & dmask
            g = plsc.load_gather(flag_t, [d])
            m = g > 0
            mi = jnp.where(m, 1, 0).astype(jnp.int32)
            c = plsc.cumsum(mi)
            pos = cnt + c - 1
            row = jnp.right_shift(pos, 7)
            col = jnp.bitwise_and(pos, SELCH - 1)
            wslot = (w & ~dmask) | (g - 1)
            plsc.store_scatter(selpk, [row, col], wslot, mask=m)
            cnt = cnt + plsc.all_reduce_population_count(m)
        return cnt

    cnt = lax.fori_loop(0, NCH, outer, jnp.zeros((16,), jnp.int32))
    cs = jnp.max(cnt)
    nch = jnp.right_shift(cs + SELCH - 1, 7)
    total = nch * SELCH
    pad = jnp.full((16,), 96, jnp.int32)
    for t in range(8):
        lp = cs + t * 16 + iota
        m2 = lp < total
        row = jnp.right_shift(lp, 7)
        col = jnp.bitwise_and(lp, SELCH - 1)
        plsc.store_scatter(selpk, [row, col], pad, mask=m2)

    plsc.subcore_barrier()

    def _ch(j, _):
        for q in range(SELCH // 16):
            w = selpk[j, pl.ds(q * 16, 16)]
            gsrc[pl.ds(q * 16, 16)] = jnp.right_shift(w, PKS)
            gdst[pl.ds(q * 16, 16)] = w & dmask
        pltpu.async_copy(h1.at[gsrc], rows, sem).wait()
        pltpu.sync_copy(rows, acc.at[gdst], add=True)
        return 0

    lax.fori_loop(0, nch, _ch, 0)

    plsc.subcore_barrier()

    @pl.when(sub == 0)
    def _():
        for t in range(5):
            tv = tidx_v[pl.ds(t * 16, 16)]
            slot_buf[pl.ds(t * 16, 16)] = plsc.load_gather(flag_t, [tv]) - 1
        pltpu.async_copy(acc.at[slot_buf], arows, sem).wait()
        pltpu.sync_copy(arows, a_out.at[core])


_seg2 = pl.kernel(
    _seg2_body,
    out_type=(
        jax.ShapeDtypeStruct((NC, 80, F), jnp.float32),
        jax.ShapeDtypeStruct((80, F), jnp.float32),
    ),
    mesh=plsc.VectorSubcoreMesh(core_axis_name="c", subcore_axis_name="s"),
    scratch_types=(
        pltpu.VMEM((NCH, CH), jnp.int32),
        pltpu.VMEM((80,), jnp.int32),
        pltpu.VMEM((N,), jnp.int32),
        pltpu.VMEM((NSEL, SELCH), jnp.int32),
        pltpu.VMEM((SELCH,), jnp.int32),
        pltpu.VMEM((SELCH,), jnp.int32),
        pltpu.VMEM((SELCH, F), jnp.float32),
        pltpu.VMEM((80,), jnp.int32),
        pltpu.VMEM((80, F), jnp.float32),
        pltpu.VMEM((80, F), jnp.float32),
        pltpu.VMEM_SHARED((SELCH, F), jnp.float32),
        pltpu.SemaphoreType.DMA,
    ),
    compiler_params=_SC_PARAMS,
)


def _dense_tile(aggp_ref, degp_ref, x_ref, wl_ref, wr_ref, b_ref, o_ref, *, act):
    deg = jnp.sum(degp_ref[...], axis=1)
    dinv = 1.0 / jnp.clip(deg, 1.0)[:, None]
    mean = (aggp_ref[0] + aggp_ref[1]) * dinv
    y = (lax.dot_general(mean, wl_ref[...], (((1,), (1,)), ((), ())),
                         precision=_PREC)
         + lax.dot_general(x_ref[...], wr_ref[...], (((1,), (1,)), ((), ())),
                           precision=_PREC)
         + b_ref[...])
    if act:
        y = jnp.maximum(y, 0.0)
    o_ref[...] = y


def _dense(aggp, degp_t, x, wl, b, wr, act):
    blk = 1000
    grid = N // blk
    return pl.pallas_call(
        functools.partial(_dense_tile, act=act),
        grid=(grid,),
        in_specs=[
            pl.BlockSpec((NC, blk, F), lambda i: (0, i, 0)),
            pl.BlockSpec((blk, NW), lambda i: (i, 0)),
            pl.BlockSpec((blk, F), lambda i: (i, 0)),
            pl.BlockSpec((H, F), lambda i: (0, 0)),
            pl.BlockSpec((H, F), lambda i: (0, 0)),
            pl.BlockSpec((1, H), lambda i: (0, 0)),
        ],
        out_specs=pl.BlockSpec((blk, H), lambda i: (i, 0)),
        out_shape=jax.ShapeDtypeStruct((N, H), jnp.float32),
    )(aggp, degp_t, x, wl, wr, b.reshape(1, H))


def _final_tile(a_ref, h_ref, d_ref, wl_ref, bl_ref, wr_ref,
                w1_ref, b1_ref, w2_ref, b2_ref, o_ref):
    deg = d_ref[0] + d_ref[1]
    dinv = 1.0 / jnp.clip(deg, 1.0)[:, None]
    mean = (a_ref[0] + a_ref[1]) * dinv
    emb = (lax.dot_general(mean, wl_ref[...], (((1,), (1,)), ((), ())),
                           precision=_PREC)
           + lax.dot_general(h_ref[...], wr_ref[...], (((1,), (1,)), ((), ())),
                             precision=_PREC)
           + bl_ref[...])
    curr = emb[0:1, :]
    dest = emb[1:2, :]
    nbr = emb[2:2 + K, :]
    w1a = w1_ref[:, 0:H]
    w1b = w1_ref[:, H:2 * H]
    w1c = w1_ref[:, 2 * H:3 * H]
    u = (lax.dot_general(curr, w1a, (((1,), (1,)), ((), ())), precision=_PREC)
         + lax.dot_general(dest, w1b, (((1,), (1,)), ((), ())), precision=_PREC)
         + b1_ref[...])
    hh = jnp.maximum(
        lax.dot_general(nbr, w1c, (((1,), (1,)), ((), ())), precision=_PREC)
        + u, 0.0)
    q = jnp.sum(hh * w2_ref[...], axis=1, keepdims=True) + b2_ref[0, 0]
    o_ref[...] = jnp.broadcast_to(q, (K, H))


def _final(a_t, h_t, d_t, wl, bl, wr, w1, b1, w2, b2):
    out = pl.pallas_call(
        _final_tile,
        in_specs=[
            pl.BlockSpec((NC, 80, F), lambda: (0, 0, 0)),
            pl.BlockSpec((80, F), lambda: (0, 0)),
            pl.BlockSpec((NC, 80), lambda: (0, 0)),
            pl.BlockSpec((H, F), lambda: (0, 0)),
            pl.BlockSpec((1, H), lambda: (0, 0)),
            pl.BlockSpec((H, F), lambda: (0, 0)),
            pl.BlockSpec((H, 3 * H), lambda: (0, 0)),
            pl.BlockSpec((1, H), lambda: (0, 0)),
            pl.BlockSpec((1, H), lambda: (0, 0)),
            pl.BlockSpec((1, 1), lambda: (0, 0)),
        ],
        out_specs=pl.BlockSpec((K, H), lambda: (0, 0)),
        out_shape=jax.ShapeDtypeStruct((K, H), jnp.float32),
    )(a_t, h_t, d_t, wl, bl.reshape(1, H), wr,
      w1, b1.reshape(1, H), w2, b2.reshape(1, 1))
    return out[:, :1]


def kernel(x, edge_index, curr_idx, dest_idx, neighbor_indices,
           Wl1, bl1, Wr1, Wl2, bl2, Wr2, W1, b1, W2, b2):
    srcR = edge_index[0].reshape(NW, NCH, CH)
    dstR = edge_index[1].reshape(NW, NCH, CH)
    zrows = jnp.zeros((NPAD, F), jnp.float32)
    zi32 = jnp.zeros((N,), jnp.int32)
    zf32 = jnp.zeros((N,), jnp.float32)

    tidx = jnp.concatenate([
        jnp.asarray(curr_idx, jnp.int32).reshape(1),
        jnp.asarray(dest_idx, jnp.int32).reshape(1),
        neighbor_indices.astype(jnp.int32),
        jnp.zeros((80 - 2 - K,), jnp.int32),
    ])

    epkR, flags, degp, d_t = _flags(srcR, dstR, tidx, zi32, zf32)
    flag_m = _or_merge(flags)
    degp_t = degp.reshape(NW, N).T

    aggp1 = _seg1(x, epkR, zrows, flag_m)
    h1 = _dense(aggp1, degp_t, x, Wl1, bl1, Wr1, act=True)

    a_t, h_t = _seg2(h1, epkR, tidx, zrows)
    return _final(a_t, h_t, d_t, Wl2, bl2, Wr2, W1, b1, W2, b2)

# --- scband reference (transcript-rebuilt; emitter-appended) ---
"""Pipeline reference for scband-fed-g-dqn-3307124818437 (READ-ONLY COPY).

The authoritative reference and input builder live on the scoring server;
editing this copy changes nothing except your own understanding.
"""

import jax, jax.numpy as jnp
import numpy as np

N = 10000
E = 320000
F_IN = 128
H = 128
K = 64


def _sage(x, edge_index, W_l, b_l, W_r):
    # PyG SAGEConv (mean aggregation): out = lin_l(mean_j x_j) + lin_r(x_i)
    src = edge_index[0]
    dst = edge_index[1]
    msg = x[src]
    agg = jax.ops.segment_sum(msg, dst, num_segments=x.shape[0])
    deg = jax.ops.segment_sum(jnp.ones((msg.shape[0],), dtype=x.dtype), dst, num_segments=x.shape[0])
    mean = agg / jnp.clip(deg, 1.0)[:, None]
    return mean @ W_l.T + b_l + x @ W_r.T


def setup_inputs(seed: int = 0) -> dict:
    key = jax.random.key(seed)
    ks = jax.random.split(key, 12)
    x = jax.random.normal(ks[0], (N, F_IN), dtype=jnp.float32)
    edge_index = jax.random.randint(ks[1], (2, E), 0, N, dtype=jnp.int32)
    neighbor_indices = jax.random.randint(ks[2], (K,), 0, N, dtype=jnp.int32)
    s_in = 1.0 / np.sqrt(F_IN)
    s_h = 1.0 / np.sqrt(H)
    s_3h = 1.0 / np.sqrt(3 * H)
    Wl1 = jax.random.normal(ks[3], (H, F_IN), dtype=jnp.float32) * s_in
    bl1 = jnp.zeros((H,), dtype=jnp.float32)
    Wr1 = jax.random.normal(ks[4], (H, F_IN), dtype=jnp.float32) * s_in
    Wl2 = jax.random.normal(ks[5], (H, H), dtype=jnp.float32) * s_h
    bl2 = jnp.zeros((H,), dtype=jnp.float32)
    Wr2 = jax.random.normal(ks[6], (H, H), dtype=jnp.float32) * s_h
    W1 = jax.random.normal(ks[7], (H, 3 * H), dtype=jnp.float32) * s_3h
    b1 = jnp.zeros((H,), dtype=jnp.float32)
    W2 = jax.random.normal(ks[8], (1, H), dtype=jnp.float32) * s_h
    b2 = jnp.zeros((1,), dtype=jnp.float32)
    return {
        'x': x,
        'edge_index': edge_index,
        'curr_idx': 123,
        'dest_idx': 9876,
        'neighbor_indices': neighbor_indices,
        'Wl1': Wl1, 'bl1': bl1, 'Wr1': Wr1,
        'Wl2': Wl2, 'bl2': bl2, 'Wr2': Wr2,
        'W1': W1, 'b1': b1, 'W2': W2, 'b2': b2,
    }


def reference(x, edge_index, curr_idx, dest_idx, neighbor_indices,
              Wl1, bl1, Wr1, Wl2, bl2, Wr2, W1, b1, W2, b2):
    h1 = jax.nn.relu(_sage(x, edge_index, Wl1, bl1, Wr1))
    node_embs = _sage(h1, edge_index, Wl2, bl2, Wr2)
    curr = node_embs[curr_idx]
    dest = node_embs[dest_idx]
    nbr = node_embs[neighbor_indices]
    k = nbr.shape[0]
    cat = jnp.concatenate([
        jnp.broadcast_to(curr[None, :], (k, H)),
        jnp.broadcast_to(dest[None, :], (k, H)),
        nbr,
    ], axis=1)
    hh = jax.nn.relu(cat @ W1.T + b1)
    q = hh @ W2.T + b2
    return q

if __name__ == "__main__":
    import jax
    _d = setup_inputs()
    print(jax.jit(kernel)(*tuple(_d.values())))

</pallas_src>

<mosaic_0001>
#map = affine_map<(d0, d1) -> (0, 0, 0)>
#map1 = affine_map<(d0, d1) -> (0)>
#map2 = affine_map<(d0, d1) -> (0, 0)>
module attributes {stable_mosaic.version = 14 : i64} {
  func.func @_flags_body(%arg0: i32, %arg1: i32, %arg2: memref<32x125x80xi32, #tpu.memory_space<hbm>>, %arg3: memref<32x125x80xi32, #tpu.memory_space<hbm>>, %arg4: memref<80xi32, #tpu.memory_space<hbm>>, %arg5: memref<10000xi32, #tpu.memory_space<hbm>>, %arg6: memref<10000xf32, #tpu.memory_space<hbm>>, %arg7: memref<32x125x80xi32, #tpu.memory_space<hbm>>, %arg8: memref<32x10000xi32, #tpu.memory_space<hbm>>, %arg9: memref<320000xf32, #tpu.memory_space<hbm>>, %arg10: memref<2x80xf32, #tpu.memory_space<hbm>>, %arg11: memref<125x80xi32, #tpu.memory_space<vmem>>, %arg12: memref<125x80xi32, #tpu.memory_space<vmem>>, %arg13: memref<125x80xi32, #tpu.memory_space<vmem>>, %arg14: memref<80xi32, #tpu.memory_space<vmem>>, %arg15: memref<10000xi32, #tpu.memory_space<vmem>>, %arg16: memref<10000xi32, #tpu.memory_space<vmem>>, %arg17: memref<10000xf32, #tpu.memory_space<vmem>>, %arg18: memref<80xf32, #tpu.memory_space<vmem>>, %arg19: memref<16x80xf32, #tpu.memory_space<vmem>>, %arg20: memref<16x80xf32, #tpu.memory_space<vmem_shared>>) attributes {dimension_semantics = [#tpu.dimension_semantics<core_parallel>, #tpu.dimension_semantics<subcore_parallel>], iteration_bounds = array<i64: 2, 16>, scalar_prefetch = 0 : i64, scratch_operands = 10 : i64, tpu.core_type = #tpu.core_type<sc_vector_subcore>, window_params = [{transform_indices = #map}, {transform_indices = #map}, {transform_indices = #map1}, {transform_indices = #map1}, {transform_indices = #map1}, {transform_indices = #map}, {transform_indices = #map2}, {transform_indices = #map1}, {transform_indices = #map2}]} {
    %mul3A = arith.constant 16 : i32
    %mul3A_0 = arith.muli %arg0, %mul3A : i32
    %add3A = arith.addi %mul3A_0, %arg1 : i32
    "tpu.region"() ({
      %run_scoped3A = tpu.sem_alloc : memref<!tpu.dma_semaphore, #tpu.memory_space<semaphore_mem>>
      tpu.enqueue_dma source(%arg5 : memref<10000xi32, #tpu.memory_space<hbm>>) target(%arg15 : memref<10000xi32, #tpu.memory_space<vmem>>) target_semaphore(%run_scoped3A : memref<!tpu.dma_semaphore, #tpu.memory_space<semaphore_mem>>)
      tpu.wait_dma2 semaphore(%run_scoped3A : memref<!tpu.dma_semaphore, #tpu.memory_space<semaphore_mem>>) src(%arg5 : memref<10000xi32, #tpu.memory_space<hbm>>) dst(%arg15 : memref<10000xi32, #tpu.memory_space<vmem>>)
      tpu.yield
    }) : () -> ()
    "tpu.region"() ({
      %run_scoped3A = tpu.sem_alloc : memref<!tpu.dma_semaphore, #tpu.memory_space<semaphore_mem>>
      tpu.enqueue_dma source(%arg5 : memref<10000xi32, #tpu.memory_space<hbm>>) target(%arg16 : memref<10000xi32, #tpu.memory_space<vmem>>) target_semaphore(%run_scoped3A : memref<!tpu.dma_semaphore, #tpu.memory_space<semaphore_mem>>)
      tpu.wait_dma2 semaphore(%run_scoped3A : memref<!tpu.dma_semaphore, #tpu.memory_space<semaphore_mem>>) src(%arg5 : memref<10000xi32, #tpu.memory_space<hbm>>) dst(%arg16 : memref<10000xi32, #tpu.memory_space<vmem>>)
      tpu.yield
    }) : () -> ()
    "tpu.region"() ({
      %run_scoped3A = tpu.sem_alloc : memref<!tpu.dma_semaphore, #tpu.memory_space<semaphore_mem>>
      tpu.enqueue_dma source(%arg6 : memref<10000xf32, #tpu.memory_space<hbm>>) target(%arg17 : memref<10000xf32, #tpu.memory_space<vmem>>) target_semaphore(%run_scoped3A : memref<!tpu.dma_semaphore, #tpu.memory_space<semaphore_mem>>)
      tpu.wait_dma2 semaphore(%run_scoped3A : memref<!tpu.dma_semaphore, #tpu.memory_space<semaphore_mem>>) src(%arg6 : memref<10000xf32, #tpu.memory_space<hbm>>) dst(%arg17 : memref<10000xf32, #tpu.memory_space<vmem>>)
      tpu.yield
    }) : () -> ()
    "tpu.region"() ({
      %run_scoped3A = tpu.sem_alloc : memref<!tpu.dma_semaphore, #tpu.memory_space<semaphore_mem>>
      tpu.enqueue_dma source(%arg4 : memref<80xi32, #tpu.memory_space<hbm>>) target(%arg14 : memref<80xi32, #tpu.memory_space<vmem>>) target_semaphore(%run_scoped3A : memref<!tpu.dma_semaphore, #tpu.memory_space<semaphore_mem>>)
      tpu.wait_dma2 semaphore(%run_scoped3A : memref<!tpu.dma_semaphore, #tpu.memory_space<semaphore_mem>>) src(%arg4 : memref<80xi32, #tpu.memory_space<hbm>>) dst(%arg14 : memref<80xi32, #tpu.memory_space<vmem>>)
      tpu.yield
    }) : () -> ()
    "tpu.region"() ({
      %run_scoped3A = tpu.sem_alloc : memref<!tpu.dma_semaphore, #tpu.memory_space<semaphore_mem>>
      %dma_start3A = arith.constant 0 : i32
      %dma_start3A_46 = arith.constant 0 : i32
      %dma_start3A_47 = tpu.memref_slice %arg2[%add3A, %dma_start3A, %dma_start3A_46] : memref<32x125x80xi32, #tpu.memory_space<hbm>> -> memref<1x125x80xi32, #tpu.memory_space<hbm>>
      %dma_start3A_48 = tpu.memref_squeeze %dma_start3A_47 : memref<1x125x80xi32, #tpu.memory_space<hbm>> -> memref<125x80xi32, #tpu.memory_space<hbm>>
      %dma_start3A_49 = arith.constant 0 : i32
      %dma_start3A_50 = arith.constant 0 : i32
      %dma_start3A_51 = tpu.memref_slice %arg2[%add3A, %dma_start3A_49, %dma_start3A_50] : memref<32x125x80xi32, #tpu.memory_space<hbm>> -> memref<1x125x80xi32, #tpu.memory_space<hbm>>
      %dma_start3A_52 = tpu.memref_squeeze %dma_start3A_51 : memref<1x125x80xi32, #tpu.memory_space<hbm>> -> memref<125x80xi32, #tpu.memory_space<hbm>>
      tpu.enqueue_dma source(%dma_start3A_52 : memref<125x80xi32, #tpu.memory_space<hbm>>) target(%arg11 : memref<125x80xi32, #tpu.memory_space<vmem>>) target_semaphore(%run_scoped3A : memref<!tpu.dma_semaphore, #tpu.memory_space<semaphore_mem>>)
      %dma_wait3A = arith.constant 0 : i32
      %dma_wait3A_53 = arith.constant 0 : i32
      %dma_wait3A_54 = tpu.memref_slice %arg2[%add3A, %dma_wait3A, %dma_wait3A_53] : memref<32x125x80xi32, #tpu.memory_space<hbm>> -> memref<1x125x80xi32, #tpu.memory_space<hbm>>
      %dma_wait3A_55 = tpu.memref_squeeze %dma_wait3A_54 : memref<1x125x80xi32, #tpu.memory_space<hbm>> -> memref<125x80xi32, #tpu.memory_space<hbm>>
      %dma_wait3A_56 = arith.constant 0 : i32
      %dma_wait3A_57 = arith.constant 0 : i32
      %dma_wait3A_58 = tpu.memref_slice %arg2[%add3A, %dma_wait3A_56, %dma_wait3A_57] : memref<32x125x80xi32, #tpu.memory_space<hbm>> -> memref<1x125x80xi32, #tpu.memory_space<hbm>>
      %dma_wait3A_59 = tpu.memref_squeeze %dma_wait3A_58 : memref<1x125x80xi32, #tpu.memory_space<hbm>> -> memref<125x80xi32, #tpu.memory_space<hbm>>
      tpu.wait_dma2 semaphore(%run_scoped3A : memref<!tpu.dma_semaphore, #tpu.memory_space<semaphore_mem>>) src(%dma_wait3A_59 : memref<125x80xi32, #tpu.memory_space<hbm>>) dst(%arg11 : memref<125x80xi32, #tpu.memory_space<vmem>>)
      tpu.yield
    }) : () -> ()
    "tpu.region"() ({
      %run_scoped3A = tpu.sem_alloc : memref<!tpu.dma_semaphore, #tpu.memory_space<semaphore_mem>>
      %dma_start3A = arith.constant 0 : i32
      %dma_start3A_46 = arith.constant 0 : i32
      %dma_start3A_47 = tpu.memref_slice %arg3[%add3A, %dma_start3A, %dma_start3A_46] : memref<32x125x80xi32, #tpu.memory_space<hbm>> -> memref<1x125x80xi32, #tpu.memory_space<hbm>>
      %dma_start3A_48 = tpu.memref_squeeze %dma_start3A_47 : memref<1x125x80xi32, #tpu.memory_space<hbm>> -> memref<125x80xi32, #tpu.memory_space<hbm>>
      %dma_start3A_49 = arith.constant 0 : i32
      %dma_start3A_50 = arith.constant 0 : i32
      %dma_start3A_51 = tpu.memref_slice %arg3[%add3A, %dma_start3A_49, %dma_start3A_50] : memref<32x125x80xi32, #tpu.memory_space<hbm>> -> memref<1x125x80xi32, #tpu.memory_space<hbm>>
      %dma_start3A_52 = tpu.memref_squeeze %dma_start3A_51 : memref<1x125x80xi32, #tpu.memory_space<hbm>> -> memref<125x80xi32, #tpu.memory_space<hbm>>
      tpu.enqueue_dma source(%dma_start3A_52 : memref<125x80xi32, #tpu.memory_space<hbm>>) target(%arg12 : memref<125x80xi32, #tpu.memory_space<vmem>>) target_semaphore(%run_scoped3A : memref<!tpu.dma_semaphore, #tpu.memory_space<semaphore_mem>>)
      %dma_wait3A = arith.constant 0 : i32
      %dma_wait3A_53 = arith.constant 0 : i32
      %dma_wait3A_54 = tpu.memref_slice %arg3[%add3A, %dma_wait3A, %dma_wait3A_53] : memref<32x125x80xi32, #tpu.memory_space<hbm>> -> memref<1x125x80xi32, #tpu.memory_space<hbm>>
      %dma_wait3A_55 = tpu.memref_squeeze %dma_wait3A_54 : memref<1x125x80xi32, #tpu.memory_space<hbm>> -> memref<125x80xi32, #tpu.memory_space<hbm>>
      %dma_wait3A_56 = arith.constant 0 : i32
      %dma_wait3A_57 = arith.constant 0 : i32
      %dma_wait3A_58 = tpu.memref_slice %arg3[%add3A, %dma_wait3A_56, %dma_wait3A_57] : memref<32x125x80xi32, #tpu.memory_space<hbm>> -> memref<1x125x80xi32, #tpu.memory_space<hbm>>
      %dma_wait3A_59 = tpu.memref_squeeze %dma_wait3A_58 : memref<1x125x80xi32, #tpu.memory_space<hbm>> -> memref<125x80xi32, #tpu.memory_space<hbm>>
      tpu.wait_dma2 semaphore(%run_scoped3A : memref<!tpu.dma_semaphore, #tpu.memory_space<semaphore_mem>>) src(%dma_wait3A_59 : memref<125x80xi32, #tpu.memory_space<hbm>>) dst(%arg12 : memref<125x80xi32, #tpu.memory_space<vmem>>)
      tpu.yield
    }) : () -> ()
    %broadcast_in_dim3A = arith.constant 1 : i32
    %broadcast_in_dim3A_1 = vector.broadcast %broadcast_in_dim3A : i32 to vector<16xi32>
    %broadcast_in_dim3A_2 = arith.constant 1.000000e+00 : f32
    %broadcast_in_dim3A_3 = vector.broadcast %broadcast_in_dim3A_2 : f32 to vector<16xf32>
    %get3A = arith.constant 0 : index
    %get3A_4 = tpu.vector_load %arg14[%get3A] {strides = array<i32>} : memref<80xi32, #tpu.memory_space<vmem>>, vector<16xi32>,
    tpu.vector_store_idx %arg15[%get3A_4], %broadcast_in_dim3A_1 : memref<10000xi32, #tpu.memory_space<vmem>>[vector<16xi32>], vector<16xi32>,
    tpu.vector_store_idx %arg16[%get3A_4], %broadcast_in_dim3A_1 : memref<10000xi32, #tpu.memory_space<vmem>>[vector<16xi32>], vector<16xi32>,
    %get3A_5 = arith.constant 16 : index
    %get3A_6 = tpu.vector_load %arg14[%get3A_5] {strides = array<i32>} : memref<80xi32, #tpu.memory_space<vmem>>, vector<16xi32>,
    tpu.vector_store_idx %arg15[%get3A_6], %broadcast_in_dim3A_1 : memref<10000xi32, #tpu.memory_space<vmem>>[vector<16xi32>], vector<16xi32>,
    tpu.vector_store_idx %arg16[%get3A_6], %broadcast_in_dim3A_1 : memref<10000xi32, #tpu.memory_space<vmem>>[vector<16xi32>], vector<16xi32>,
    %get3A_7 = arith.constant 32 : index
    %get3A_8 = tpu.vector_load %arg14[%get3A_7] {strides = array<i32>} : memref<80xi32, #tpu.memory_space<vmem>>, vector<16xi32>,
    tpu.vector_store_idx %arg15[%get3A_8], %broadcast_in_dim3A_1 : memref<10000xi32, #tpu.memory_space<vmem>>[vector<16xi32>], vector<16xi32>,
    tpu.vector_store_idx %arg16[%get3A_8], %broadcast_in_dim3A_1 : memref<10000xi32, #tpu.memory_space<vmem>>[vector<16xi32>], vector<16xi32>,
    %get3A_9 = arith.constant 48 : index
    %get3A_10 = tpu.vector_load %arg14[%get3A_9] {strides = array<i32>} : memref<80xi32, #tpu.memory_space<vmem>>, vector<16xi32>,
    tpu.vector_store_idx %arg15[%get3A_10], %broadcast_in_dim3A_1 : memref<10000xi32, #tpu.memory_space<vmem>>[vector<16xi32>], vector<16xi32>,
    tpu.vector_store_idx %arg16[%get3A_10], %broadcast_in_dim3A_1 : memref<10000xi32, #tpu.memory_space<vmem>>[vector<16xi32>], vector<16xi32>,
    %get3A_11 = arith.constant 64 : index
    %get3A_12 = tpu.vector_load %arg14[%get3A_11] {strides = array<i32>} : memref<80xi32, #tpu.memory_space<vmem>>, vector<16xi32>,
    tpu.vector_store_idx %arg15[%get3A_12], %broadcast_in_dim3A_1 : memref<10000xi32, #tpu.memory_space<vmem>>[vector<16xi32>], vector<16xi32>,
    tpu.vector_store_idx %arg16[%get3A_12], %broadcast_in_dim3A_1 : memref<10000xi32, #tpu.memory_space<vmem>>[vector<16xi32>], vector<16xi32>,
    %scan3A = arith.constant 0 : i32
    %scan3A_13 = arith.constant 0 : i32
    %scan3A_14 = arith.constant 125 : i32
    %scan3A_15 = arith.addi %scan3A_13, %scan3A_14 : i32
    %scan3A_16 = arith.constant 1 : i32
    %scan3A_17 = scf.for %scan3A_46 = %scan3A_13 to %scan3A_15 step %scan3A_16 iter_args(%scan3A_47 = %scan3A) -> (i32)  : i32 {
      %get3A_48 = arith.index_cast %scan3A_46 : i32 to index
      %get3A_49 = arith.constant 0 : index
      %get3A_50 = tpu.vector_load %arg12[%get3A_48, %get3A_49] {strides = array<i32>} : memref<125x80xi32, #tpu.memory_space<vmem>>, vector<16xi32>,
      %get3A_51 = arith.index_cast %scan3A_46 : i32 to index
      %get3A_52 = arith.constant 0 : index
      %get3A_53 = tpu.vector_load %arg11[%get3A_51, %get3A_52] {strides = array<i32>} : memref<125x80xi32, #tpu.memory_space<vmem>>, vector<16xi32>,
      %shift_left3A = arith.constant 14 : i32
      %shift_left3A_54 = vector.broadcast %shift_left3A : i32 to vector<16xi32>
      %shift_left3A_55 = arith.shli %get3A_53, %shift_left3A_54 : vector<16xi32>
      %or3A = arith.ori %shift_left3A_55, %get3A_50 : vector<16xi32>
      %swap3A_56 = arith.index_cast %scan3A_46 : i32 to index
      %swap3A_57 = arith.constant 0 : index
      %swap3A_58 = tpu.vector_load %arg13[%swap3A_56, %swap3A_57] {strides = array<i32>} : memref<125x80xi32, #tpu.memory_space<vmem>>, vector<16xi32>,
      tpu.vector_store %arg13[%swap3A_56, %swap3A_57], %or3A {strides = array<i32>} : memref<125x80xi32, #tpu.memory_space<vmem>>, vector<16xi32>,
      tpu.vector_store_idx %arg17[%get3A_50], %broadcast_in_dim3A_3 {add = true} : memref<10000xf32, #tpu.memory_space<vmem>>[vector<16xi32>], vector<16xf32>,
      %gather3A_59 = tpu.vector_load_idx %arg15[%get3A_50] : memref<10000xi32, #tpu.memory_space<vmem>>[vector<16xi32>], vector<16xi32>,
      %gt3A = arith.constant 0 : i32
      %gt3A_60 = vector.broadcast %gt3A : i32 to vector<16xi32>
      %gt3A_61 = arith.cmpi sgt, %gather3A_59, %gt3A_60 : vector<16xi32>
      tpu.vector_store_idx %arg16[%get3A_53], %broadcast_in_dim3A_1 masked %gt3A_61 : memref<10000xi32, #tpu.memory_space<vmem>>[vector<16xi32>], vector<16xi32>, vector<16xi1>
      %get3A_62 = arith.index_cast %scan3A_46 : i32 to index
      %get3A_63 = arith.constant 16 : index
      %get3A_64 = tpu.vector_load %arg12[%get3A_62, %get3A_63] {strides = array<i32>} : memref<125x80xi32, #tpu.memory_space<vmem>>, vector<16xi32>,
      %get3A_65 = arith.index_cast %scan3A_46 : i32 to index
      %get3A_66 = arith.constant 16 : index
      %get3A_67 = tpu.vector_load %arg11[%get3A_65, %get3A_66] {strides = array<i32>} : memref<125x80xi32, #tpu.memory_space<vmem>>, vector<16xi32>,
      %shift_left3A_68 = arith.constant 14 : i32
      %shift_left3A_69 = vector.broadcast %shift_left3A_68 : i32 to vector<16xi32>
      %shift_left3A_70 = arith.shli %get3A_67, %shift_left3A_69 : vector<16xi32>
      %or3A_71 = arith.ori %shift_left3A_70, %get3A_64 : vector<16xi32>
      %swap3A_72 = arith.index_cast %scan3A_46 : i32 to index
      %swap3A_73 = arith.constant 16 : index
      %swap3A_74 = tpu.vector_load %arg13[%swap3A_72, %swap3A_73] {strides = array<i32>} : memref<125x80xi32, #tpu.memory_space<vmem>>, vector<16xi32>,
      tpu.vector_store %arg13[%swap3A_72, %swap3A_73], %or3A_71 {strides = array<i32>} : memref<125x80xi32, #tpu.memory_space<vmem>>, vector<16xi32>,
      tpu.vector_store_idx %arg17[%get3A_64], %broadcast_in_dim3A_3 {add = true} : memref<10000xf32, #tpu.memory_space<vmem>>[vector<16xi32>], vector<16xf32>,
      %gather3A_75 = tpu.vector_load_idx %arg15[%get3A_64] : memref<10000xi32, #tpu.memory_space<vmem>>[vector<16xi32>], vector<16xi32>,
      %gt3A_76 = arith.constant 0 : i32
      %gt3A_77 = vector.broadcast %gt3A_76 : i32 to vector<16xi32>
      %gt3A_78 = arith.cmpi sgt, %gather3A_75, %gt3A_77 : vector<16xi32>
      tpu.vector_store_idx %arg16[%get3A_67], %broadcast_in_dim3A_1 masked %gt3A_78 : memref<10000xi32, #tpu.memory_space<vmem>>[vector<16xi32>], vector<16xi32>, vector<16xi1>
      %get3A_79 = arith.index_cast %scan3A_46 : i32 to index
      %get3A_80 = arith.constant 32 : index
      %get3A_81 = tpu.vector_load %arg12[%get3A_79, %get3A_80] {strides = array<i32>} : memref<125x80xi32, #tpu.memory_space<vmem>>, vector<16xi32>,
      %get3A_82 = arith.index_cast %scan3A_46 : i32 to index
      %get3A_83 = arith.constant 32 : index
      %get3A_84 = tpu.vector_load %arg11[%get3A_82, %get3A_83] {strides = array<i32>} : memref<125x80xi32, #tpu.memory_space<vmem>>, vector<16xi32>,
      %shift_left3A_85 = arith.constant 14 : i32
      %shift_left3A_86 = vector.broadcast %shift_left3A_85 : i32 to vector<16xi32>
      %shift_left3A_87 = arith.shli %get3A_84, %shift_left3A_86 : vector<16xi32>
      %or3A_88 = arith.ori %shift_left3A_87, %get3A_81 : vector<16xi32>
      %swap3A_89 = arith.index_cast %scan3A_46 : i32 to index
      %swap3A_90 = arith.constant 32 : index
      %swap3A_91 = tpu.vector_load %arg13[%swap3A_89, %swap3A_90] {strides = array<i32>} : memref<125x80xi32, #tpu.memory_space<vmem>>, vector<16xi32>,
      tpu.vector_store %arg13[%swap3A_89, %swap3A_90], %or3A_88 {strides = array<i32>} : memref<125x80xi32, #tpu.memory_space<vmem>>, vector<16xi32>,
      tpu.vector_store_idx %arg17[%get3A_81], %broadcast_in_dim3A_3 {add = true} : memref<10000xf32, #tpu.memory_space<vmem>>[vector<16xi32>], vector<16xf32>,
      %gather3A_92 = tpu.vector_load_idx %arg15[%get3A_81] : memref<10000xi32, #tpu.memory_space<vmem>>[vector<16xi32>], vector<16xi32>,
      %gt3A_93 = arith.constant 0 : i32
      %gt3A_94 = vector.broadcast %gt3A_93 : i32 to vector<16xi32>
      %gt3A_95 = arith.cmpi sgt, %gather3A_92, %gt3A_94 : vector<16xi32>
      tpu.vector_store_idx %arg16[%get3A_84], %broadcast_in_dim3A_1 masked %gt3A_95 : memref<10000xi32, #tpu.memory_space<vmem>>[vector<16xi32>], vector<16xi32>, vector<16xi1>
      %get3A_96 = arith.index_cast %scan3A_46 : i32 to index
      %get3A_97 = arith.constant 48 : index
      %get3A_98 = tpu.vector_load %arg12[%get3A_96, %get3A_97] {strides = array<i32>} : memref<125x80xi32, #tpu.memory_space<vmem>>, vector<16xi32>,
      %get3A_99 = arith.index_cast %scan3A_46 : i32 to index
      %get3A_100 = arith.constant 48 : index
      %get3A_101 = tpu.vector_load %arg11[%get3A_99, %get3A_100] {strides = array<i32>} : memref<125x80xi32, #tpu.memory_space<vmem>>, vector<16xi32>,
      %shift_left3A_102 = arith.constant 14 : i32
      %shift_left3A_103 = vector.broadcast %shift_left3A_102 : i32 to vector<16xi32>
      %shift_left3A_104 = arith.shli %get3A_101, %shift_left3A_103 : vector<16xi32>
      %or3A_105 = arith.ori %shift_left3A_104, %get3A_98 : vector<16xi32>
      %swap3A_106 = arith.index_cast %scan3A_46 : i32 to index
      %swap3A_107 = arith.constant 48 : index
      %swap3A_108 = tpu.vector_load %arg13[%swap3A_106, %swap3A_107] {strides = array<i32>} : memref<125x80xi32, #tpu.memory_space<vmem>>, vector<16xi32>,
      tpu.vector_store %arg13[%swap3A_106, %swap3A_107], %or3A_105 {strides = array<i32>} : memref<125x80xi32, #tpu.memory_space<vmem>>, vector<16xi32>,
      tpu.vector_store_idx %arg17[%get3A_98], %broadcast_in_dim3A_3 {add = true} : memref<10000xf32, #tpu.memory_space<vmem>>[vector<16xi32>], vector<16xf32>,
      %gather3A_109 = tpu.vector_load_idx %arg15[%get3A_98] : memref<10000xi32, #tpu.memory_space<vmem>>[vector<16xi32>], vector<16xi32>,
      %gt3A_110 = arith.constant 0 : i32
      %gt3A_111 = vector.broadcast %gt3A_110 : i32 to vector<16xi32>
      %gt3A_112 = arith.cmpi sgt, %gather3A_109, %gt3A_111 : vector<16xi32>
      tpu.vector_store_idx %arg16[%get3A_101], %broadcast_in_dim3A_1 masked %gt3A_112 : memref<10000xi32, #tpu.memory_space<vmem>>[vector<16xi32>], vector<16xi32>, vector<16xi1>
      %get3A_113 = arith.index_cast %scan3A_46 : i32 to index
      %get3A_114 = arith.constant 64 : index
      %get3A_115 = tpu.vector_load %arg12[%get3A_113, %get3A_114] {strides = array<i32>} : memref<125x80xi32, #tpu.memory_space<vmem>>, vector<16xi32>,
      %get3A_116 = arith.index_cast %scan3A_46 : i32 to index
      %get3A_117 = arith.constant 64 : index
      %get3A_118 = tpu.vector_load %arg11[%get3A_116, %get3A_117] {strides = array<i32>} : memref<125x80xi32, #tpu.memory_space<vmem>>, vector<16xi32>,
      %shift_left3A_119 = arith.constant 14 : i32
      %shift_left3A_120 = vector.broadcast %shift_left3A_119 : i32 to vector<16xi32>
      %shift_left3A_121 = arith.shli %get3A_118, %shift_left3A_120 : vector<16xi32>
      %or3A_122 = arith.ori %shift_left3A_121, %get3A_115 : vector<16xi32>
      %swap3A_123 = arith.index_cast %scan3A_46 : i32 to index
      %swap3A_124 = arith.constant 64 : index
      %swap3A_125 = tpu.vector_load %arg13[%swap3A_123, %swap3A_124] {strides = array<i32>} : memref<125x80xi32, #tpu.memory_space<vmem>>, vector<16xi32>,
      tpu.vector_store %arg13[%swap3A_123, %swap3A_124], %or3A_122 {strides = array<i32>} : memref<125x80xi32, #tpu.memory_space<vmem>>, vector<16xi32>,
      tpu.vector_store_idx %arg17[%get3A_115], %broadcast_in_dim3A_3 {add = true} : memref<10000xf32, #tpu.memory_space<vmem>>[vector<16xi32>], vector<16xf32>,
      %gather3A_126 = tpu.vector_load_idx %arg15[%get3A_115] : memref<10000xi32, #tpu.memory_space<vmem>>[vector<16xi32>], vector<16xi32>,
      %gt3A_127 = arith.constant 0 : i32
      %gt3A_128 = vector.broadcast %gt3A_127 : i32 to vector<16xi32>
      %gt3A_129 = arith.cmpi sgt, %gather3A_126, %gt3A_128 : vector<16xi32>
      tpu.vector_store_idx %arg16[%get3A_118], %broadcast_in_dim3A_1 masked %gt3A_129 : memref<10000xi32, #tpu.memory_space<vmem>>[vector<16xi32>], vector<16xi32>, vector<16xi1>
      %scan3A_130 = arith.constant 0 : i32
      scf.yield %scan3A_130 : i32
    }
    %scan3A_18 = arith.constant 125 : i32
    %get3A_19 = arith.constant 0 : index
    %get3A_20 = tpu.vector_load %arg14[%get3A_19] {strides = array<i32>} : memref<80xi32, #tpu.memory_space<vmem>>, vector<16xi32>,
    %gather3A = tpu.vector_load_idx %arg17[%get3A_20] : memref<10000xf32, #tpu.memory_space<vmem>>[vector<16xi32>], vector<16xf32>,
    %swap3A = arith.constant 0 : index
    %swap3A_21 = tpu.vector_load %arg18[%swap3A] {strides = array<i32>} : memref<80xf32, #tpu.memory_space<vmem>>, vector<16xf32>,
    tpu.vector_store %arg18[%swap3A], %gather3A {strides = array<i32>} : memref<80xf32, #tpu.memory_space<vmem>>, vector<16xf32>,
    %get3A_22 = arith.constant 16 : index
    %get3A_23 = tpu.vector_load %arg14[%get3A_22] {strides = array<i32>} : memref<80xi32, #tpu.memory_space<vmem>>, vector<16xi32>,
    %gather3A_24 = tpu.vector_load_idx %arg17[%get3A_23] : memref<10000xf32, #tpu.memory_space<vmem>>[vector<16xi32>], vector<16xf32>,
    %swap3A_25 = arith.constant 16 : index
    %swap3A_26 = tpu.vector_load %arg18[%swap3A_25] {strides = array<i32>} : memref<80xf32, #tpu.memory_space<vmem>>, vector<16xf32>,
    tpu.vector_store %arg18[%swap3A_25], %gather3A_24 {strides = array<i32>} : memref<80xf32, #tpu.memory_space<vmem>>, vector<16xf32>,
    %get3A_27 = arith.constant 32 : index
    %get3A_28 = tpu.vector_load %arg14[%get3A_27] {strides = array<i32>} : memref<80xi32, #tpu.memory_space<vmem>>, vector<16xi32>,
    %gather3A_29 = tpu.vector_load_idx %arg17[%get3A_28] : memref<10000xf32, #tpu.memory_space<vmem>>[vector<16xi32>], vector<16xf32>,
    %swap3A_30 = arith.constant 32 : index
    %swap3A_31 = tpu.vector_load %arg18[%swap3A_30] {strides = array<i32>} : memref<80xf32, #tpu.memory_space<vmem>>, vector<16xf32>,
    tpu.vector_store %arg18[%swap3A_30], %gather3A_29 {strides = array<i32>} : memref<80xf32, #tpu.memory_space<vmem>>, vector<16xf32>,
    %get3A_32 = arith.constant 48 : index
    %get3A_33 = tpu.vector_load %arg14[%get3A_32] {strides = array<i32>} : memref<80xi32, #tpu.memory_space<vmem>>, vector<16xi32>,
    %gather3A_34 = tpu.vector_load_idx %arg17[%get3A_33] : memref<10000xf32, #tpu.memory_space<vmem>>[vector<16xi32>], vector<16xf32>,
    %swap3A_35 = arith.constant 48 : index
    %swap3A_36 = tpu.vector_load %arg18[%swap3A_35] {strides = array<i32>} : memref<80xf32, #tpu.memory_space<vmem>>, vector<16xf32>,
    tpu.vector_store %arg18[%swap3A_35], %gather3A_34 {strides = array<i32>} : memref<80xf32, #tpu.memory_space<vmem>>, vector<16xf32>,
    %get3A_37 = arith.constant 64 : index
    %get3A_38 = tpu.vector_load %arg14[%get3A_37] {strides = array<i32>} : memref<80xi32, #tpu.memory_space<vmem>>, vector<16xi32>,
    %gather3A_39 = tpu.vector_load_idx %arg17[%get3A_38] : memref<10000xf32, #tpu.memory_space<vmem>>[vector<16xi32>], vector<16xf32>,
    %swap3A_40 = arith.constant 64 : index
    %swap3A_41 = tpu.vector_load %arg18[%swap3A_40] {strides = array<i32>} : memref<80xf32, #tpu.memory_space<vmem>>, vector<16xf32>,
    tpu.vector_store %arg18[%swap3A_40], %gather3A_39 {strides = array<i32>} : memref<80xf32, #tpu.memory_space<vmem>>, vector<16xf32>,
    "tpu.region"() ({
      %run_scoped3A = tpu.sem_alloc : memref<!tpu.dma_semaphore, #tpu.memory_space<semaphore_mem>>
      %dma_start3A = arith.constant 0 : i32
      %dma_start3A_46 = tpu.memref_slice %arg20[%arg1, %dma_start3A] : memref<16x80xf32, #tpu.memory_space<vmem_shared>> -> memref<1x80xf32, #tpu.memory_space<vmem_shared>>
      %dma_start3A_47 = tpu.memref_squeeze %dma_start3A_46 : memref<1x80xf32, #tpu.memory_space<vmem_shared>> -> memref<80xf32, #tpu.memory_space<vmem_shared>>
      %dma_start3A_48 = arith.constant 0 : i32
      %dma_start3A_49 = tpu.memref_slice %arg20[%arg1, %dma_start3A_48] : memref<16x80xf32, #tpu.memory_space<vmem_shared>> -> memref<1x80xf32, #tpu.memory_space<vmem_shared>>
      %dma_start3A_50 = tpu.memref_squeeze %dma_start3A_49 : memref<1x80xf32, #tpu.memory_space<vmem_shared>> -> memref<80xf32, #tpu.memory_space<vmem_shared>>
      tpu.enqueue_dma source(%arg18 : memref<80xf32, #tpu.memory_space<vmem>>) target(%dma_start3A_50 : memref<80xf32, #tpu.memory_space<vmem_shared>>) target_semaphore(%run_scoped3A : memref<!tpu.dma_semaphore, #tpu.memory_space<semaphore_mem>>)
      %dma_wait3A = arith.constant 0 : i32
      %dma_wait3A_51 = tpu.memref_slice %arg20[%arg1, %dma_wait3A] : memref<16x80xf32, #tpu.memory_space<vmem_shared>> -> memref<1x80xf32, #tpu.memory_space<vmem_shared>>
      %dma_wait3A_52 = tpu.memref_squeeze %dma_wait3A_51 : memref<1x80xf32, #tpu.memory_space<vmem_shared>> -> memref<80xf32, #tpu.memory_space<vmem_shared>>
      %dma_wait3A_53 = arith.constant 0 : i32
      %dma_wait3A_54 = tpu.memref_slice %arg20[%arg1, %dma_wait3A_53] : memref<16x80xf32, #tpu.memory_space<vmem_shared>> -> memref<1x80xf32, #tpu.memory_space<vmem_shared>>
      %dma_wait3A_55 = tpu.memref_squeeze %dma_wait3A_54 : memref<1x80xf32, #tpu.memory_space<vmem_shared>> -> memref<80xf32, #tpu.memory_space<vmem_shared>>
      tpu.wait_dma2 semaphore(%run_scoped3A : memref<!tpu.dma_semaphore, #tpu.memory_space<semaphore_mem>>) src(%arg18 : memref<80xf32, #tpu.memory_space<vmem>>) dst(%dma_wait3A_55 : memref<80xf32, #tpu.memory_space<vmem_shared>>)
      tpu.yield
    }) : () -> ()
    %barrier3A = arith.constant 0 : index
    tpu.barrier barrier_id(%barrier3A)
    %eq3A = arith.constant 0 : i32
    %eq3A_42 = arith.cmpi eq, %arg1, %eq3A : i32
    %convert_element_type3A = arith.extui %eq3A_42 : i1 to i32
    %cond3A = arith.constant 0 : i32
    %cond3A_43 = arith.cmpi ne, %convert_element_type3A, %cond3A : i32
    scf.if %cond3A_43 {
      "tpu.region"() ({
        %run_scoped3A = tpu.sem_alloc : memref<!tpu.dma_semaphore, #tpu.memory_space<semaphore_mem>>
        tpu.enqueue_dma source(%arg20 : memref<16x80xf32, #tpu.memory_space<vmem_shared>>) target(%arg19 : memref<16x80xf32, #tpu.memory_space<vmem>>) target_semaphore(%run_scoped3A : memref<!tpu.dma_semaphore, #tpu.memory_space<semaphore_mem>>)
        tpu.wait_dma2 semaphore(%run_scoped3A : memref<!tpu.dma_semaphore, #tpu.memory_space<semaphore_mem>>) src(%arg20 : memref<16x80xf32, #tpu.memory_space<vmem_shared>>) dst(%arg19 : memref<16x80xf32, #tpu.memory_space<vmem>>)
        tpu.yield
      }) : () -> ()
      %get3A_46 = arith.constant 0 : i32
      %get3A_47 = arith.index_cast %get3A_46 : i32 to index
      %get3A_48 = arith.constant 0 : index
      %get3A_49 = tpu.vector_load %arg19[%get3A_47, %get3A_48] {strides = array<i32>} : memref<16x80xf32, #tpu.memory_space<vmem>>, vector<16xf32>,
      %get3A_50 = arith.constant 1 : i32
      %get3A_51 = arith.index_cast %get3A_50 : i32 to index
      %get3A_52 = arith.constant 0 : index
      %get3A_53 = tpu.vector_load %arg19[%get3A_51, %get3A_52] {strides = array<i32>} : memref<16x80xf32, #tpu.memory_space<vmem>>, vector<16xf32>,
      %add3A_54 = arith.addf %get3A_49, %get3A_53 : vector<16xf32>
      %get3A_55 = arith.constant 2 : i32
      %get3A_56 = arith.index_cast %get3A_55 : i32 to index
      %get3A_57 = arith.constant 0 : index
      %get3A_58 = tpu.vector_load %arg19[%get3A_56, %get3A_57] {strides = array<i32>} : memref<16x80xf32, #tpu.memory_space<vmem>>, vector<16xf32>,
      %add3A_59 = arith.addf %add3A_54, %get3A_58 : vector<16xf32>
      %get3A_60 = arith.constant 3 : i32
      %get3A_61 = arith.index_cast %get3A_60 : i32 to index
      %get3A_62 = arith.constant 0 : index
      %get3A_63 = tpu.vector_load %arg19[%get3A_61, %get3A_62] {strides = array<i32>} : memref<16x80xf32, #tpu.memory_space<vmem>>, vector<16xf32>,
      %add3A_64 = arith.addf %add3A_59, %get3A_63 : vector<16xf32>
      %get3A_65 = arith.constant 4 : i32
      %get3A_66 = arith.index_cast %get3A_65 : i32 to index
      %get3A_67 = arith.constant 0 : index
      %get3A_68 = tpu.vector_load %arg19[%get3A_66, %get3A_67] {strides = array<i32>} : memref<16x80xf32, #tpu.memory_space<vmem>>, vector<16xf32>,
      %add3A_69 = arith.addf %add3A_64, %get3A_68 : vector<16xf32>
      %get3A_70 = arith.constant 5 : i32
      %get3A_71 = arith.index_cast %get3A_70 : i32 to index
      %get3A_72 = arith.constant 0 : index
      %get3A_73 = tpu.vector_load %arg19[%get3A_71, %get3A_72] {strides = array<i32>} : memref<16x80xf32, #tpu.memory_space<vmem>>, vector<16xf32>,
      %add3A_74 = arith.addf %add3A_69, %get3A_73 : vector<16xf32>
      %get3A_75 = arith.constant 6 : i32
      %get3A_76 = arith.index_cast %get3A_75 : i32 to index
      %get3A_77 = arith.constant 0 : index
      %get3A_78 = tpu.vector_load %arg19[%get3A_76, %get3A_77] {strides = array<i32>} : memref<16x80xf32, #tpu.memory_space<vmem>>, vector<16xf32>,
      %add3A_79 = arith.addf %add3A_74, %get3A_78 : vector<16xf32>
      %get3A_80 = arith.constant 7 : i32
      %get3A_81 = arith.index_cast %get3A_80 : i32 to index
      %get3A_82 = arith.constant 0 : index
      %get3A_83 = tpu.vector_load %arg19[%get3A_81, %get3A_82] {strides = array<i32>} : memref<16x80xf32, #tpu.memory_space<vmem>>, vector<16xf32>,
      %add3A_84 = arith.addf %add3A_79, %get3A_83 : vector<16xf32>
      %get3A_85 = arith.constant 8 : i32
      %get3A_86 = arith.index_cast %get3A_85 : i32 to index
      %get3A_87 = arith.constant 0 : index
      %get3A_88 = tpu.vector_load %arg19[%get3A_86, %get3A_87] {strides = array<i32>} : memref<16x80xf32, #tpu.memory_space<vmem>>, vector<16xf32>,
      %add3A_89 = arith.addf %add3A_84, %get3A_88 : vector<16xf32>
      %get3A_90 = arith.constant 9 : i32
      %get3A_91 = arith.index_cast %get3A_90 : i32 to index
      %get3A_92 = arith.constant 0 : index
      %get3A_93 = tpu.vector_load %arg19[%get3A_91, %get3A_92] {strides = array<i32>} : memref<16x80xf32, #tpu.memory_space<vmem>>, vector<16xf32>,
      %add3A_94 = arith.addf %add3A_89, %get3A_93 : vector<16xf32>
      %get3A_95 = arith.constant 10 : i32
      %get3A_96 = arith.index_cast %get3A_95 : i32 to index
      %get3A_97 = arith.constant 0 : index
      %get3A_98 = tpu.vector_load %arg19[%get3A_96, %get3A_97] {strides = array<i32>} : memref<16x80xf32, #tpu.memory_space<vmem>>, vector<16xf32>,
      %add3A_99 = arith.addf %add3A_94, %get3A_98 : vector<16xf32>
      %get3A_100 = arith.constant 11 : i32
      %get3A_101 = arith.index_cast %get3A_100 : i32 to index
      %get3A_102 = arith.constant 0 : index
      %get3A_103 = tpu.vector_load %arg19[%get3A_101, %get3A_102] {strides = array<i32>} : memref<16x80xf32, #tpu.memory_space<vmem>>, vector<16xf32>,
      %add3A_104 = arith.addf %add3A_99, %get3A_103 : vector<16xf32>
      %get3A_105 = arith.constant 12 : i32
      %get3A_106 = arith.index_cast %get3A_105 : i32 to index
      %get3A_107 = arith.constant 0 : index
      %get3A_108 = tpu.vector_load %arg19[%get3A_106, %get3A_107] {strides = array<i32>} : memref<16x80xf32, #tpu.memory_space<vmem>>, vector<16xf32>,
      %add3A_109 = arith.addf %add3A_104, %get3A_108 : vector<16xf32>
      %get3A_110 = arith.constant 13 : i32
      %get3A_111 = arith.index_cast %get3A_110 : i32 to index
      %get3A_112 = arith.constant 0 : index
      %get3A_113 = tpu.vector_load %arg19[%get3A_111, %get3A_112] {strides = array<i32>} : memref<16x80xf32, #tpu.memory_space<vmem>>, vector<16xf32>,
      %add3A_114 = arith.addf %add3A_109, %get3A_113 : vector<16xf32>
      %get3A_115 = arith.constant 14 : i32
      %get3A_116 = arith.index_cast %get3A_115 : i32 to index
      %get3A_117 = arith.constant 0 : index
      %get3A_118 = tpu.vector_load %arg19[%get3A_116, %get3A_117] {strides = array<i32>} : memref<16x80xf32, #tpu.memory_space<vmem>>, vector<16xf32>,
      %add3A_119 = arith.addf %add3A_114, %get3A_118 : vector<16xf32>
      %get3A_120 = arith.constant 15 : i32
      %get3A_121 = arith.index_cast %get3A_120 : i32 to index
      %get3A_122 = arith.constant 0 : index
      %get3A_123 = tpu.vector_load %arg19[%get3A_121, %get3A_122] {strides = array<i32>} : memref<16x80xf32, #tpu.memory_space<vmem>>, vector<16xf32>,
      %add3A_124 = arith.addf %add3A_119, %get3A_123 : vector<16xf32>
      %swap3A_125 = arith.constant 0 : index
      %swap3A_126 = tpu.vector_load %arg18[%swap3A_125] {strides = array<i32>} : memref<80xf32, #tpu.memory_space<vmem>>, vector<16xf32>,
      tpu.vector_store %arg18[%swap3A_125], %add3A_124 {strides = array<i32>} : memref<80xf32, #tpu.memory_space<vmem>>, vector<16xf32>,
      %get3A_127 = arith.constant 0 : i32
      %get3A_128 = arith.index_cast %get3A_127 : i32 to index
      %get3A_129 = arith.constant 16 : index
      %get3A_130 = tpu.vector_load %arg19[%get3A_128, %get3A_129] {strides = array<i32>} : memref<16x80xf32, #tpu.memory_space<vmem>>, vector<16xf32>,
      %get3A_131 = arith.constant 1 : i32
      %get3A_132 = arith.index_cast %get3A_131 : i32 to index
      %get3A_133 = arith.constant 16 : index
      %get3A_134 = tpu.vector_load %arg19[%get3A_132, %get3A_133] {strides = array<i32>} : memref<16x80xf32, #tpu.memory_space<vmem>>, vector<16xf32>,
      %add3A_135 = arith.addf %get3A_130, %get3A_134 : vector<16xf32>
      %get3A_136 = arith.constant 2 : i32
      %get3A_137 = arith.index_cast %get3A_136 : i32 to index
      %get3A_138 = arith.constant 16 : index
      %get3A_139 = tpu.vector_load %arg19[%get3A_137, %get3A_138] {strides = array<i32>} : memref<16x80xf32, #tpu.memory_space<vmem>>, vector<16xf32>,
      %add3A_140 = arith.addf %add3A_135, %get3A_139 : vector<16xf32>
      %get3A_141 = arith.constant 3 : i32
      %get3A_142 = arith.index_cast %get3A_141 : i32 to index
      %get3A_143 = arith.constant 16 : index
      %get3A_144 = tpu.vector_load %arg19[%get3A_142, %get3A_143] {strides = array<i32>} : memref<16x80xf32, #tpu.memory_space<vmem>>, vector<16xf32>,
      %add3A_145 = arith.addf %add3A_140, %get3A_144 : vector<16xf32>
      %get3A_146 = arith.constant 4 : i32
      %get3A_147 = arith.index_cast %get3A_146 : i32 to index
      %get3A_148 = arith.constant 16 : index
      %get3A_149 = tpu.vector_load %arg19[%get3A_147, %get3A_148] {strides = array<i32>} : memref<16x80xf32, #tpu.memory_space<vmem>>, vector<16xf32>,
      %add3A_150 = arith.addf %add3A_145, %get3A_149 : vector<16xf32>
      %get3A_151 = arith.constant 5 : i32
      %get3A_152 = arith.index_cast %get3A_151 : i32 to index
      %get3A_153 = arith.constant 16 : index
      %get3A_154 = tpu.vector_load %arg19[%get3A_152, %get3A_153] {strides = array<i32>} : memref<16x80xf32, #tpu.memory_space<vmem>>, vector<16xf32>,
      %add3A_155 = arith.addf %add3A_150, %get3A_154 : vector<16xf32>
      %get3A_156 = arith.constant 6 : i32
      %get3A_157 = arith.index_cast %get3A_156 : i32 to index
      %get3A_158 = arith.constant 16 : index
      %get3A_159 = tpu.vector_load %arg19[%get3A_157, %get3A_158] {strides = array<i32>} : memref<16x80xf32, #tpu.memory_space<vmem>>, vector<16xf32>,
      %add3A_160 = arith.addf %add3A_155, %get3A_159 : vector<16xf32>
      %get3A_161 = arith.constant 7 : i32
      %get3A_162 = arith.index_cast %get3A_161 : i32 to index
      %get3A_163 = arith.constant 16 : index
      %get3A_164 = tpu.vector_load %arg19[%get3A_162, %get3A_163] {strides = array<i32>} : memref<16x80xf32, #tpu.memory_space<vmem>>, vector<16xf32>,
      %add3A_165 = arith.addf %add3A_160, %get3A_164 : vector<16xf32>
      %get3A_166 = arith.constant 8 : i32
      %get3A_167 = arith.index_cast %get3A_166 : i32 to index
      %get3A_168 = arith.constant 16 : index
      %get3A_169 = tpu.vector_load %arg19[%get3A_167, %get3A_168] {strides = array<i32>} : memref<16x80xf32, #tpu.memory_space<vmem>>, vector<16xf32>,
      %add3A_170 = arith.addf %add3A_165, %get3A_169 : vector<16xf32>
      %get3A_171 = arith.constant 9 : i32
      %get3A_172 = arith.index_cast %get3A_171 : i32 to index
      %get3A_173 = arith.constant 16 : index
      %get3A_174 = tpu.vector_load %arg19[%get3A_172, %get3A_173] {strides = array<i32>} : memref<16x80xf32, #tpu.memory_space<vmem>>, vector<16xf32>,
      %add3A_175 = arith.addf %add3A_170, %get3A_174 : vector<16xf32>
      %get3A_176 = arith.constant 10 : i32
      %get3A_177 = arith.index_cast %get3A_176 : i32 to index
      %get3A_178 = arith.constant 16 : index
      %get3A_179 = tpu.vector_load %arg19[%get3A_177, %get3A_178] {strides = array<i32>} : memref<16x80xf32, #tpu.memory_space<vmem>>, vector<16xf32>,
      %add3A_180 = arith.addf %add3A_175, %get3A_179 : vector<16xf32>
      %get3A_181 = arith.constant 11 : i32
      %get3A_182 = arith.index_cast %get3A_181 : i32 to index
      %get3A_183 = arith.constant 16 : index
      %get3A_184 = tpu.vector_load %arg19[%get3A_182, %get3A_183] {strides = array<i32>} : memref<16x80xf32, #tpu.memory_space<vmem>>, vector<16xf32>,
      %add3A_185 = arith.addf %add3A_180, %get3A_184 : vector<16xf32>
      %get3A_186 = arith.constant 12 : i32
      %get3A_187 = arith.index_cast %get3A_186 : i32 to index
      %get3A_188 = arith.constant 16 : index
      %get3A_189 = tpu.vector_load %arg19[%get3A_187, %get3A_188] {strides = array<i32>} : memref<16x80xf32, #tpu.memory_space<vmem>>, vector<16xf32>,
      %add3A_190 = arith.addf %add3A_185, %get3A_189 : vector<16xf32>
      %get3A_191 = arith.constant 13 : i32
      %get3A_192 = arith.index_cast %get3A_191 : i32 to index
      %get3A_193 = arith.constant 16 : index
      %get3A_194 = tpu.vector_load %arg19[%get3A_192, %get3A_193] {strides = array<i32>} : memref<16x80xf32, #tpu.memory_space<vmem>>, vector<16xf32>,
      %add3A_195 = arith.addf %add3A_190, %get3A_194 : vector<16xf32>
      %get3A_196 = arith.constant 14 : i32
      %get3A_197 = arith.index_cast %get3A_196 : i32 to index
      %get3A_198 = arith.constant 16 : index
      %get3A_199 = tpu.vector_load %arg19[%get3A_197, %get3A_198] {strides = array<i32>} : memref<16x80xf32, #tpu.memory_space<vmem>>, vector<16xf32>,
      %add3A_200 = arith.addf %add3A_195, %get3A_199 : vector<16xf32>
      %get3A_201 = arith.constant 15 : i32
      %get3A_202 = arith.index_cast %get3A_201 : i32 to index
      %get3A_203 = arith.constant 16 : index
      %get3A_204 = tpu.vector_load %arg19[%get3A_202, %get3A_203] {strides = array<i32>} : memref<16x80xf32, #tpu.memory_space<vmem>>, vector<16xf32>,
      %add3A_205 = arith.addf %add3A_200, %get3A_204 : vector<16xf32>
      %swap3A_206 = arith.constant 16 : index
      %swap3A_207 = tpu.vector_load %arg18[%swap3A_206] {strides = array<i32>} : memref<80xf32, #tpu.memory_space<vmem>>, vector<16xf32>,
      tpu.vector_store %arg18[%swap3A_206], %add3A_205 {strides = array<i32>} : memref<80xf32, #tpu.memory_space<vmem>>, vector<16xf32>,
      %get3A_208 = arith.constant 0 : i32
      %get3A_209 = arith.index_cast %get3A_208 : i32 to index
      %get3A_210 = arith.constant 32 : index
      %get3A_211 = tpu.vector_load %arg19[%get3A_209, %get3A_210] {strides = array<i32>} : memref<16x80xf32, #tpu.memory_space<vmem>>, vector<16xf32>,
      %get3A_212 = arith.constant 1 : i32
      %get3A_213 = arith.index_cast %get3A_212 : i32 to index
      %get3A_214 = arith.constant 32 : index
      %get3A_215 = tpu.vector_load %arg19[%get3A_213, %get3A_214] {strides = array<i32>} : memref<16x80xf32, #tpu.memory_space<vmem>>, vector<16xf32>,
      %add3A_216 = arith.addf %get3A_211, %get3A_215 : vector<16xf32>
      %get3A_217 = arith.constant 2 : i32
      %get3A_218 = arith.index_cast %get3A_217 : i32 to index
      %get3A_219 = arith.constant 32 : index
      %get3A_220 = tpu.vector_load %arg19[%get3A_218, %get3A_219] {strides = array<i32>} : memref<16x80xf32, #tpu.memory_space<vmem>>, vector<16xf32>,
      %add3A_221 = arith.addf %add3A_216, %get3A_220 : vector<16xf32>
      %get3A_222 = arith.constant 3 : i32
      %get3A_223 = arith.index_cast %get3A_222 : i32 to index
      %get3A_224 = arith.constant 32 : index
      %get3A_225 = tpu.vector_load %arg19[%get3A_223, %get3A_224] {strides = array<i32>} : memref<16x80xf32, #tpu.memory_space<vmem>>, vector<16xf32>,
      %add3A_226 = arith.addf %add3A_221, %get3A_225 : vector<16xf32>
      %get3A_227 = arith.constant 4 : i32
      %get3A_228 = arith.index_cast %get3A_227 : i32 to index
      %get3A_229 = arith.constant 32 : index
      %get3A_230 = tpu.vector_load %arg19[%get3A_228, %get3A_229] {strides = array<i32>} : memref<16x80xf32, #tpu.memory_space<vmem>>, vector<16xf32>,
      %add3A_231 = arith.addf %add3A_226, %get3A_230 : vector<16xf32>
      %get3A_232 = arith.constant 5 : i32
      %get3A_233 = arith.index_cast %get3A_232 : i32 to index
      %get3A_234 = arith.constant 32 : index
      %get3A_235 = tpu.vector_load %arg19[%get3A_233, %get3A_234] {strides = array<i32>} : memref<16x80xf32, #tpu.memory_space<vmem>>, vector<16xf32>,
      %add3A_236 = arith.addf %add3A_231, %get3A_235 : vector<16xf32>
      %get3A_237 = arith.constant 6 : i32
      %get3A_238 = arith.index_cast %get3A_237 : i32 to index
      %get3A_239 = arith.constant 32 : index
      %get3A_240 = tpu.vector_load %arg19[%get3A_238, %get3A_239] {strides = array<i32>} : memref<16x80xf32, #tpu.memory_space<vmem>>, vector<16xf32>,
      %add3A_241 = arith.addf %add3A_236, %get3A_240 : vector<16xf32>
      %get3A_242 = arith.constant 7 : i32
      %get3A_243 = arith.index_cast %get3A_242 : i32 to index
      %get3A_244 = arith.constant 32 : index
      %get3A_245 = tpu.vector_load %arg19[%get3A_243, %get3A_244] {strides = array<i32>} : memref<16x80xf32, #tpu.memory_space<vmem>>, vector<16xf32>,
      %add3A_246 = arith.addf %add3A_241, %get3A_245 : vector<16xf32>
      %get3A_247 = arith.constant 8 : i32
      %get3A_248 = arith.index_cast %get3A_247 : i32 to index
      %get3A_249 = arith.constant 32 : index
      %get3A_250 = tpu.vector_load %arg19[%get3A_248, %get3A_249] {strides = array<i32>} : memref<16x80xf32, #tpu.memory_space<vmem>>, vector<16xf32>,
      %add3A_251 = arith.addf %add3A_246, %get3A_250 : vector<16xf32>
      %get3A_252 = arith.constant 9 : i32
      %get3A_253 = arith.index_cast %get3A_252 : i32 to index
      %get3A_254 = arith.constant 32 : index
      %get3A_255 = tpu.vector_load %arg19[%get3A_253, %get3A_254] {strides = array<i32>} : memref<16x80xf32, #tpu.memory_space<vmem>>, vector<16xf32>,
      %add3A_256 = arith.addf %add3A_251, %get3A_255 : vector<16xf32>
      %get3A_257 = arith.constant 10 : i32
      %get3A_258 = arith.index_cast %get3A_257 : i32 to index
      %get3A_259 = arith.constant 32 : index
      %get3A_260 = tpu.vector_load %arg19[%get3A_258, %get3A_259] {strides = array<i32>} : memref<16x80xf32, #tpu.memory_space<vmem>>, vector<16xf32>,
      %add3A_261 = arith.addf %add3A_256, %get3A_260 : vector<16xf32>
      %get3A_262 = arith.constant 11 : i32
      %get3A_263 = arith.index_cast %get3A_262 : i32 to index
      %get3A_264 = arith.constant 32 : index
      %get3A_265 = tpu.vector_load %arg19[%get3A_263, %get3A_264] {strides = array<i32>} : memref<16x80xf32, #tpu.memory_space<vmem>>, vector<16xf32>,
      %add3A_266 = arith.addf %add3A_261, %get3A_265 : vector<16xf32>
      %get3A_267 = arith.constant 12 : i32
      %get3A_268 = arith.index_cast %get3A_267 : i32 to index
      %get3A_269 = arith.constant 32 : index
      %get3A_270 = tpu.vector_load %arg19[%get3A_268, %get3A_269] {strides = array<i32>} : memref<16x80xf32, #tpu.memory_space<vmem>>, vector<16xf32>,
      %add3A_271 = arith.addf %add3A_266, %get3A_270 : vector<16xf32>
      %get3A_272 = arith.constant 13 : i32
      %get3A_273 = arith.index_cast %get3A_272 : i32 to index
      %get3A_274 = arith.constant 32 : index
      %get3A_275 = tpu.vector_load %arg19[%get3A_273, %get3A_274] {strides = array<i32>} : memref<16x80xf32, #tpu.memory_space<vmem>>, vector<16xf32>,
      %add3A_276 = arith.addf %add3A_271, %get3A_275 : vector<16xf32>
      %get3A_277 = arith.constant 14 : i32
      %get3A_278 = arith.index_cast %get3A_277 : i32 to index
      %get3A_279 = arith.constant 32 : index
      %get3A_280 = tpu.vector_load %arg19[%get3A_278, %get3A_279] {strides = array<i32>} : memref<16x80xf32, #tpu.memory_space<vmem>>, vector<16xf32>,
      %add3A_281 = arith.addf %add3A_276, %get3A_280 : vector<16xf32>
      %get3A_282 = arith.constant 15 : i32
      %get3A_283 = arith.index_cast %get3A_282 : i32 to index
      %get3A_284 = arith.constant 32 : index
      %get3A_285 = tpu.vector_load %arg19[%get3A_283, %get3A_284] {strides = array<i32>} : memref<16x80xf32, #tpu.memory_space<vmem>>, vector<16xf32>,
      %add3A_286 = arith.addf %add3A_281, %get3A_285 : vector<16xf32>
      %swap3A_287 = arith.constant 32 : index
      %swap3A_288 = tpu.vector_load %arg18[%swap3A_287] {strides = array<i32>} : memref<80xf32, #tpu.memory_space<vmem>>, vector<16xf32>,
      tpu.vector_store %arg18[%swap3A_287], %add3A_286 {strides = array<i32>} : memref<80xf32, #tpu.memory_space<vmem>>, vector<16xf32>,
      %get3A_289 = arith.constant 0 : i32
      %get3A_290 = arith.index_cast %get3A_289 : i32 to index
      %get3A_291 = arith.constant 48 : index
      %get3A_292 = tpu.vector_load %arg19[%get3A_290, %get3A_291] {strides = array<i32>} : memref<16x80xf32, #tpu.memory_space<vmem>>, vector<16xf32>,
      %get3A_293 = arith.constant 1 : i32
      %get3A_294 = arith.index_cast %get3A_293 : i32 to index
      %get3A_295 = arith.constant 48 : index
      %get3A_296 = tpu.vector_load %arg19[%get3A_294, %get3A_295] {strides = array<i32>} : memref<16x80xf32, #tpu.memory_space<vmem>>, vector<16xf32>,
      %add3A_297 = arith.addf %get3A_292, %get3A_296 : vector<16xf32>
      %get3A_298 = arith.constant 2 : i32
      %get3A_299 = arith.index_cast %get3A_298 : i32 to index
      %get3A_300 = arith.constant 48 : index
      %get3A_301 = tpu.vector_load %arg19[%get3A_299, %get3A_300] {strides = array<i32>} : memref<16x80xf32, #tpu.memory_space<vmem>>, vector<16xf32>,
      %add3A_302 = arith.addf %add3A_297, %get3A_301 : vector<16xf32>
      %get3A_303 = arith.constant 3 : i32
      %get3A_304 = arith.index_cast %get3A_303 : i32 to index
      %get3A_305 = arith.constant 48 : index
      %get3A_306 = tpu.vector_load %arg19[%get3A_304, %get3A_305] {strides = array<i32>} : memref<16x80xf32, #tpu.memory_space<vmem>>, vector<16xf32>,
      %add3A_307 = arith.addf %add3A_302, %get3A_306 : vector<16xf32>
      %get3A_308 = arith.constant 4 : i32
      %get3A_309 = arith.index_cast %get3A_308 : i32 to index
      %get3A_310 = arith.constant 48 : index
      %get3A_311 = tpu.vector_load %arg19[%get3A_309, %get3A_310] {strides = array<i32>} : memref<16x80xf32, #tpu.memory_space<vmem>>, vector<16xf32>,
      %add3A_312 = arith.addf %add3A_307, %get3A_311 : vector<16xf32>
      %get3A_313 = arith.constant 5 : i32
      %get3A_314 = arith.index_cast %get3A_313 : i32 to index
      %get3A_315 = arith.constant 48 : index
      %get3A_316 = tpu.vector_load %arg19[%get3A_314, %get3A_315] {strides = array<i32>} : memref<16x80xf32, #tpu.memory_space<vmem>>, vector<16xf32>,
      %add3A_317 = arith.addf %add3A_312, %get3A_316 : vector<16xf32>
      %get3A_318 = arith.constant 6 : i32
      %get3A_319 = arith.index_cast %get3A_318 : i32 to index
      %get3A_320 = arith.constant 48 : index
      %get3A_321 = tpu.vector_load %arg19[%get3A_319, %get3A_320] {strides = array<i32>} : memref<16x80xf32, #tpu.memory_space<vmem>>, vector<16xf32>,
      %add3A_322 = arith.addf %add3A_317, %get3A_321 : vector<16xf32>
      %get3A_323 = arith.constant 7 : i32
      %get3A_324 = arith.index_cast %get3A_323 : i32 to index
      %get3A_325 = arith.constant 48 : index
      %get3A_326 = tpu.vector_load %arg19[%get3A_324, %get3A_325] {strides = array<i32>} : memref<16x80xf32, #tpu.memory_space<vmem>>, vector<16xf32>,
      %add3A_327 = arith.addf %add3A_322, %get3A_326 : vector<16xf32>
      %get3A_328 = arith.constant 8 : i32
      %get3A_329 = arith.index_cast %get3A_328 : i32 to index
      %get3A_330 = arith.constant 48 : index
      %get3A_331 = tpu.vector_load %arg19[%get3A_329, %get3A_330] {strides = array<i32>} : memref<16x80xf32, #tpu.memory_space<vmem>>, vector<16xf32>,
      %add3A_332 = arith.addf %add3A_327, %get3A_331 : vector<16xf32>
      %get3A_333 = arith.constant 9 : i32
      %get3A_334 = arith.index_cast %get3A_333 : i32 to index
      %get3A_335 = arith.constant 48 : index
      %get3A_336 = tpu.vector_load %arg19[%get3A_334, %get3A_335] {strides = array<i32>} : memref<16x80xf32, #tpu.memory_space<vmem>>, vector<16xf32>,
      %add3A_337 = arith.addf %add3A_332, %get3A_336 : vector<16xf32>
      %get3A_338 = arith.constant 10 : i32
      %get3A_339 = arith.index_cast %get3A_338 : i32 to index
      %get3A_340 = arith.constant 48 : index
      %get3A_341 = tpu.vector_load %arg19[%get3A_339, %get3A_340] {strides = array<i32>} : memref<16x80xf32, #tpu.memory_space<vmem>>, vector<16xf32>,
      %add3A_342 = arith.addf %add3A_337, %get3A_341 : vector<16xf32>
      %get3A_343 = arith.constant 11 : i32
      %get3A_344 = arith.index_cast %get3A_343 : i32 to index
      %get3A_345 = arith.constant 48 : index
      %get3A_346 = tpu.vector_load %arg19[%get3A_344, %get3A_345] {strides = array<i32>} : memref<16x80xf32, #tpu.memory_space<vmem>>, vector<16xf32>,
      %add3A_347 = arith.addf %add3A_342, %get3A_346 : vector<16xf32>
      %get3A_348 = arith.constant 12 : i32
      %get3A_349 = arith.index_cast %get3A_348 : i32 to index
      %get3A_350 = arith.constant 48 : index
      %get3A_351 = tpu.vector_load %arg19[%get3A_349, %get3A_350] {strides = array<i32>} : memref<16x80xf32, #tpu.memory_space<vmem>>, vector<16xf32>,
      %add3A_352 = arith.addf %add3A_347, %get3A_351 : vector<16xf32>
      %get3A_353 = arith.constant 13 : i32
      %get3A_354 = arith.index_cast %get3A_353 : i32 to index
      %get3A_355 = arith.constant 48 : index
      %get3A_356 = tpu.vector_load %arg19[%get3A_354, %get3A_355] {strides = array<i32>} : memref<16x80xf32, #tpu.memory_space<vmem>>, vector<16xf32>,
      %add3A_357 = arith.addf %add3A_352, %get3A_356 : vector<16xf32>
      %get3A_358 = arith.constant 14 : i32
      %get3A_359 = arith.index_cast %get3A_358 : i32 to index
      %get3A_360 = arith.constant 48 : index
      %get3A_361 = tpu.vector_load %arg19[%get3A_359, %get3A_360] {strides = array<i32>} : memref<16x80xf32, #tpu.memory_space<vmem>>, vector<16xf32>,
      %add3A_362 = arith.addf %add3A_357, %get3A_361 : vector<16xf32>
      %get3A_363 = arith.constant 15 : i32
      %get3A_364 = arith.index_cast %get3A_363 : i32 to index
      %get3A_365 = arith.constant 48 : index
      %get3A_366 = tpu.vector_load %arg19[%get3A_364, %get3A_365] {strides = array<i32>} : memref<16x80xf32, #tpu.memory_space<vmem>>, vector<16xf32>,
      %add3A_367 = arith.addf %add3A_362, %get3A_366 : vector<16xf32>
      %swap3A_368 = arith.constant 48 : index
      %swap3A_369 = tpu.vector_load %arg18[%swap3A_368] {strides = array<i32>} : memref<80xf32, #tpu.memory_space<vmem>>, vector<16xf32>,
      tpu.vector_store %arg18[%swap3A_368], %add3A_367 {strides = array<i32>} : memref<80xf32, #tpu.memory_space<vmem>>, vector<16xf32>,
      %get3A_370 = arith.constant 0 : i32
      %get3A_371 = arith.index_cast %get3A_370 : i32 to index
      %get3A_372 = arith.constant 64 : index
      %get3A_373 = tpu.vector_load %arg19[%get3A_371, %get3A_372] {strides = array<i32>} : memref<16x80xf32, #tpu.memory_space<vmem>>, vector<16xf32>,
      %get3A_374 = arith.constant 1 : i32
      %get3A_375 = arith.index_cast %get3A_374 : i32 to index
      %get3A_376 = arith.constant 64 : index
      %get3A_377 = tpu.vector_load %arg19[%get3A_375, %get3A_376] {strides = array<i32>} : memref<16x80xf32, #tpu.memory_space<vmem>>, vector<16xf32>,
      %add3A_378 = arith.addf %get3A_373, %get3A_377 : vector<16xf32>
      %get3A_379 = arith.constant 2 : i32
      %get3A_380 = arith.index_cast %get3A_379 : i32 to index
      %get3A_381 = arith.constant 64 : index
      %get3A_382 = tpu.vector_load %arg19[%get3A_380, %get3A_381] {strides = array<i32>} : memref<16x80xf32, #tpu.memory_space<vmem>>, vector<16xf32>,
      %add3A_383 = arith.addf %add3A_378, %get3A_382 : vector<16xf32>
      %get3A_384 = arith.constant 3 : i32
      %get3A_385 = arith.index_cast %get3A_384 : i32 to index
      %get3A_386 = arith.constant 64 : index
      %get3A_387 = tpu.vector_load %arg19[%get3A_385, %get3A_386] {strides = array<i32>} : memref<16x80xf32, #tpu.memory_space<vmem>>, vector<16xf32>,
      %add3A_388 = arith.addf %add3A_383, %get3A_387 : vector<16xf32>
      %get3A_389 = arith.constant 4 : i32
      %get3A_390 = arith.index_cast %get3A_389 : i32 to index
      %get3A_391 = arith.constant 64 : index
      %get3A_392 = tpu.vector_load %arg19[%get3A_390, %get3A_391] {strides = array<i32>} : memref<16x80xf32, #tpu.memory_space<vmem>>, vector<16xf32>,
      %add3A_393 = arith.addf %add3A_388, %get3A_392 : vector<16xf32>
      %get3A_394 = arith.constant 5 : i32
      %get3A_395 = arith.index_cast %get3A_394 : i32 to index
      %get3A_396 = arith.constant 64 : index
      %get3A_397 = tpu.vector_load %arg19[%get3A_395, %get3A_396] {strides = array<i32>} : memref<16x80xf32, #tpu.memory_space<vmem>>, vector<16xf32>,
      %add3A_398 = arith.addf %add3A_393, %get3A_397 : vector<16xf32>
      %get3A_399 = arith.constant 6 : i32
      %get3A_400 = arith.index_cast %get3A_399 : i32 to index
      %get3A_401 = arith.constant 64 : index
      %get3A_402 = tpu.vector_load %arg19[%get3A_400, %get3A_401] {strides = array<i32>} : memref<16x80xf32, #tpu.memory_space<vmem>>, vector<16xf32>,
      %add3A_403 = arith.addf %add3A_398, %get3A_402 : vector<16xf32>
      %get3A_404 = arith.constant 7 : i32
      %get3A_405 = arith.index_cast %get3A_404 : i32 to index
      %get3A_406 = arith.constant 64 : index
      %get3A_407 = tpu.vector_load %arg19[%get3A_405, %get3A_406] {strides = array<i32>} : memref<16x80xf32, #tpu.memory_space<vmem>>, vector<16xf32>,
      %add3A_408 = arith.addf %add3A_403, %get3A_407 : vector<16xf32>
      %get3A_409 = arith.constant 8 : i32
      %get3A_410 = arith.index_cast %get3A_409 : i32 to index
      %get3A_411 = arith.constant 64 : index
      %get3A_412 = tpu.vector_load %arg19[%get3A_410, %get3A_411] {strides = array<i32>} : memref<16x80xf32, #tpu.memory_space<vmem>>, vector<16xf32>,
      %add3A_413 = arith.addf %add3A_408, %get3A_412 : vector<16xf32>
      %get3A_414 = arith.constant 9 : i32
      %get3A_415 = arith.index_cast %get3A_414 : i32 to index
      %get3A_416 = arith.constant 64 : index
      %get3A_417 = tpu.vector_load %arg19[%get3A_415, %get3A_416] {strides = array<i32>} : memref<16x80xf32, #tpu.memory_space<vmem>>, vector<16xf32>,
      %add3A_418 = arith.addf %add3A_413, %get3A_417 : vector<16xf32>
      %get3A_419 = arith.constant 10 : i32
      %get3A_420 = arith.index_cast %get3A_419 : i32 to index
      %get3A_421 = arith.constant 64 : index
      %get3A_422 = tpu.vector_load %arg19[%get3A_420, %get3A_421] {strides = array<i32>} : memref<16x80xf32, #tpu.memory_space<vmem>>, vector<16xf32>,
      %add3A_423 = arith.addf %add3A_418, %get3A_422 : vector<16xf32>
      %get3A_424 = arith.constant 11 : i32
      %get3A_425 = arith.index_cast %get3A_424 : i32 to index
      %get3A_426 = arith.constant 64 : index
      %get3A_427 = tpu.vector_load %arg19[%get3A_425, %get3A_426] {strides = array<i32>} : memref<16x80xf32, #tpu.memory_space<vmem>>, vector<16xf32>,
      %add3A_428 = arith.addf %add3A_423, %get3A_427 : vector<16xf32>
      %get3A_429 = arith.constant 12 : i32
      %get3A_430 = arith.index_cast %get3A_429 : i32 to index
      %get3A_431 = arith.constant 64 : index
      %get3A_432 = tpu.vector_load %arg19[%get3A_430, %get3A_431] {strides = array<i32>} : memref<16x80xf32, #tpu.memory_space<vmem>>, vector<16xf32>,
      %add3A_433 = arith.addf %add3A_428, %get3A_432 : vector<16xf32>
      %get3A_434 = arith.constant 13 : i32
      %get3A_435 = arith.index_cast %get3A_434 : i32 to index
      %get3A_436 = arith.constant 64 : index
      %get3A_437 = tpu.vector_load %arg19[%get3A_435, %get3A_436] {strides = array<i32>} : memref<16x80xf32, #tpu.memory_space<vmem>>, vector<16xf32>,
      %add3A_438 = arith.addf %add3A_433, %get3A_437 : vector<16xf32>
      %get3A_439 = arith.constant 14 : i32
      %get3A_440 = arith.index_cast %get3A_439 : i32 to index
      %get3A_441 = arith.constant 64 : index
      %get3A_442 = tpu.vector_load %arg19[%get3A_440, %get3A_441] {strides = array<i32>} : memref<16x80xf32, #tpu.memory_space<vmem>>, vector<16xf32>,
      %add3A_443 = arith.addf %add3A_438, %get3A_442 : vector<16xf32>
      %get3A_444 = arith.constant 15 : i32
      %get3A_445 = arith.index_cast %get3A_444 : i32 to index
      %get3A_446 = arith.constant 64 : index
      %get3A_447 = tpu.vector_load %arg19[%get3A_445, %get3A_446] {strides = array<i32>} : memref<16x80xf32, #tpu.memory_space<vmem>>, vector<16xf32>,
      %add3A_448 = arith.addf %add3A_443, %get3A_447 : vector<16xf32>
      %swap3A_449 = arith.constant 64 : index
      %swap3A_450 = tpu.vector_load %arg18[%swap3A_449] {strides = array<i32>} : memref<80xf32, #tpu.memory_space<vmem>>, vector<16xf32>,
      tpu.vector_store %arg18[%swap3A_449], %add3A_448 {strides = array<i32>} : memref<80xf32, #tpu.memory_space<vmem>>, vector<16xf32>,
      "tpu.region"() ({
        %run_scoped3A = tpu.sem_alloc : memref<!tpu.dma_semaphore, #tpu.memory_space<semaphore_mem>>
        %dma_start3A = arith.constant 0 : i32
        %dma_start3A_451 = tpu.memref_slice %arg10[%arg0, %dma_start3A] : memref<2x80xf32, #tpu.memory_space<hbm>> -> memref<1x80xf32, #tpu.memory_space<hbm>>
        %dma_start3A_452 = tpu.memref_squeeze %dma_start3A_451 : memref<1x80xf32, #tpu.memory_space<hbm>> -> memref<80xf32, #tpu.memory_space<hbm>>
        %dma_start3A_453 = arith.constant 0 : i32
        %dma_start3A_454 = tpu.memref_slice %arg10[%arg0, %dma_start3A_453] : memref<2x80xf32, #tpu.memory_space<hbm>> -> memref<1x80xf32, #tpu.memory_space<hbm>>
        %dma_start3A_455 = tpu.memref_squeeze %dma_start3A_454 : memref<1x80xf32, #tpu.memory_space<hbm>> -> memref<80xf32, #tpu.memory_space<hbm>>
        tpu.enqueue_dma source(%arg18 : memref<80xf32, #tpu.memory_space<vmem>>) target(%dma_start3A_455 : memref<80xf32, #tpu.memory_space<hbm>>) target_semaphore(%run_scoped3A : memref<!tpu.dma_semaphore, #tpu.memory_space<semaphore_mem>>)
        %dma_wait3A = arith.constant 0 : i32
        %dma_wait3A_456 = tpu.memref_slice %arg10[%arg0, %dma_wait3A] : memref<2x80xf32, #tpu.memory_space<hbm>> -> memref<1x80xf32, #tpu.memory_space<hbm>>
        %dma_wait3A_457 = tpu.memref_squeeze %dma_wait3A_456 : memref<1x80xf32, #tpu.memory_space<hbm>> -> memref<80xf32, #tpu.memory_space<hbm>>
        %dma_wait3A_458 = arith.constant 0 : i32
        %dma_wait3A_459 = tpu.memref_slice %arg10[%arg0, %dma_wait3A_458] : memref<2x80xf32, #tpu.memory_space<hbm>> -> memref<1x80xf32, #tpu.memory_space<hbm>>
        %dma_wait3A_460 = tpu.memref_squeeze %dma_wait3A_459 : memref<1x80xf32, #tpu.memory_space<hbm>> -> memref<80xf32, #tpu.memory_space<hbm>>
        tpu.wait_dma2 semaphore(%run_scoped3A : memref<!tpu.dma_semaphore, #tpu.memory_space<semaphore_mem>>) src(%arg18 : memref<80xf32, #tpu.memory_space<vmem>>) dst(%dma_wait3A_460 : memref<80xf32, #tpu.memory_space<hbm>>)
        tpu.yield
      }) : () -> ()
    } else {
    }
    "tpu.region"() ({
      %run_scoped3A = tpu.sem_alloc : memref<!tpu.dma_semaphore, #tpu.memory_space<semaphore_mem>>
      %dma_start3A = arith.constant 0 : i32
      %dma_start3A_46 = arith.constant 0 : i32
      %dma_start3A_47 = tpu.memref_slice %arg7[%add3A, %dma_start3A, %dma_start3A_46] : memref<32x125x80xi32, #tpu.memory_space<hbm>> -> memref<1x125x80xi32, #tpu.memory_space<hbm>>
      %dma_start3A_48 = tpu.memref_squeeze %dma_start3A_47 : memref<1x125x80xi32, #tpu.memory_space<hbm>> -> memref<125x80xi32, #tpu.memory_space<hbm>>
      %dma_start3A_49 = arith.constant 0 : i32
      %dma_start3A_50 = arith.constant 0 : i32
      %dma_start3A_51 = tpu.memref_slice %arg7[%add3A, %dma_start3A_49, %dma_start3A_50] : memref<32x125x80xi32, #tpu.memory_space<hbm>> -> memref<1x125x80xi32, #tpu.memory_space<hbm>>
      %dma_start3A_52 = tpu.memref_squeeze %dma_start3A_51 : memref<1x125x80xi32, #tpu.memory_space<hbm>> -> memref<125x80xi32, #tpu.memory_space<hbm>>
      tpu.enqueue_dma source(%arg13 : memref<125x80xi32, #tpu.memory_space<vmem>>) target(%dma_start3A_52 : memref<125x80xi32, #tpu.memory_space<hbm>>) target_semaphore(%run_scoped3A : memref<!tpu.dma_semaphore, #tpu.memory_space<semaphore_mem>>)
      %dma_wait3A = arith.constant 0 : i32
      %dma_wait3A_53 = arith.constant 0 : i32
      %dma_wait3A_54 = tpu.memref_slice %arg7[%add3A, %dma_wait3A, %dma_wait3A_53] : memref<32x125x80xi32, #tpu.memory_space<hbm>> -> memref<1x125x80xi32, #tpu.memory_space<hbm>>
      %dma_wait3A_55 = tpu.memref_squeeze %dma_wait3A_54 : memref<1x125x80xi32, #tpu.memory_space<hbm>> -> memref<125x80xi32, #tpu.memory_space<hbm>>
      %dma_wait3A_56 = arith.constant 0 : i32
      %dma_wait3A_57 = arith.constant 0 : i32
      %dma_wait3A_58 = tpu.memref_slice %arg7[%add3A, %dma_wait3A_56, %dma_wait3A_57] : memref<32x125x80xi32, #tpu.memory_space<hbm>> -> memref<1x125x80xi32, #tpu.memory_space<hbm>>
      %dma_wait3A_59 = tpu.memref_squeeze %dma_wait3A_58 : memref<1x125x80xi32, #tpu.memory_space<hbm>> -> memref<125x80xi32, #tpu.memory_space<hbm>>
      tpu.wait_dma2 semaphore(%run_scoped3A : memref<!tpu.dma_semaphore, #tpu.memory_space<semaphore_mem>>) src(%arg13 : memref<125x80xi32, #tpu.memory_space<vmem>>) dst(%dma_wait3A_59 : memref<125x80xi32, #tpu.memory_space<hbm>>)
      tpu.yield
    }) : () -> ()
    "tpu.region"() ({
      %run_scoped3A = tpu.sem_alloc : memref<!tpu.dma_semaphore, #tpu.memory_space<semaphore_mem>>
      %dma_start3A = arith.constant 0 : i32
      %dma_start3A_46 = tpu.memref_slice %arg8[%add3A, %dma_start3A] : memref<32x10000xi32, #tpu.memory_space<hbm>> -> memref<1x10000xi32, #tpu.memory_space<hbm>>
      %dma_start3A_47 = tpu.memref_squeeze %dma_start3A_46 : memref<1x10000xi32, #tpu.memory_space<hbm>> -> memref<10000xi32, #tpu.memory_space<hbm>>
      %dma_start3A_48 = arith.constant 0 : i32
      %dma_start3A_49 = tpu.memref_slice %arg8[%add3A, %dma_start3A_48] : memref<32x10000xi32, #tpu.memory_space<hbm>> -> memref<1x10000xi32, #tpu.memory_space<hbm>>
      %dma_start3A_50 = tpu.memref_squeeze %dma_start3A_49 : memref<1x10000xi32, #tpu.memory_space<hbm>> -> memref<10000xi32, #tpu.memory_space<hbm>>
      tpu.enqueue_dma source(%arg16 : memref<10000xi32, #tpu.memory_space<vmem>>) target(%dma_start3A_50 : memref<10000xi32, #tpu.memory_space<hbm>>) target_semaphore(%run_scoped3A : memref<!tpu.dma_semaphore, #tpu.memory_space<semaphore_mem>>)
      %dma_wait3A = arith.constant 0 : i32
      %dma_wait3A_51 = tpu.memref_slice %arg8[%add3A, %dma_wait3A] : memref<32x10000xi32, #tpu.memory_space<hbm>> -> memref<1x10000xi32, #tpu.memory_space<hbm>>
      %dma_wait3A_52 = tpu.memref_squeeze %dma_wait3A_51 : memref<1x10000xi32, #tpu.memory_space<hbm>> -> memref<10000xi32, #tpu.memory_space<hbm>>
      %dma_wait3A_53 = arith.constant 0 : i32
      %dma_wait3A_54 = tpu.memref_slice %arg8[%add3A, %dma_wait3A_53] : memref<32x10000xi32, #tpu.memory_space<hbm>> -> memref<1x10000xi32, #tpu.memory_space<hbm>>
      %dma_wait3A_55 = tpu.memref_squeeze %dma_wait3A_54 : memref<1x10000xi32, #tpu.memory_space<hbm>> -> memref<10000xi32, #tpu.memory_space<hbm>>
      tpu.wait_dma2 semaphore(%run_scoped3A : memref<!tpu.dma_semaphore, #tpu.memory_space<semaphore_mem>>) src(%arg16 : memref<10000xi32, #tpu.memory_space<vmem>>) dst(%dma_wait3A_55 : memref<10000xi32, #tpu.memory_space<hbm>>)
      tpu.yield
    }) : () -> ()
    %mul3A_44 = arith.constant 10000 : i32
    %mul3A_45 = arith.muli %add3A, %mul3A_44 : i32
    "tpu.region"() ({
      %run_scoped3A = tpu.sem_alloc : memref<!tpu.dma_semaphore, #tpu.memory_space<semaphore_mem>>
      %dma_start3A = tpu.memref_slice %arg9[%mul3A_45] : memref<320000xf32, #tpu.memory_space<hbm>> -> memref<10000xf32, #tpu.memory_space<hbm>>
      %dma_start3A_46 = tpu.memref_slice %arg9[%mul3A_45] : memref<320000xf32, #tpu.memory_space<hbm>> -> memref<10000xf32, #tpu.memory_space<hbm>>
      tpu.enqueue_dma source(%arg17 : memref<10000xf32, #tpu.memory_space<vmem>>) target(%dma_start3A_46 : memref<10000xf32, #tpu.memory_space<hbm>>) target_semaphore(%run_scoped3A : memref<!tpu.dma_semaphore, #tpu.memory_space<semaphore_mem>>)
      %dma_wait3A = tpu.memref_slice %arg9[%mul3A_45] : memref<320000xf32, #tpu.memory_space<hbm>> -> memref<10000xf32, #tpu.memory_space<hbm>>
      %dma_wait3A_47 = tpu.memref_slice %arg9[%mul3A_45] : memref<320000xf32, #tpu.memory_space<hbm>> -> memref<10000xf32, #tpu.memory_space<hbm>>
      tpu.wait_dma2 semaphore(%run_scoped3A : memref<!tpu.dma_semaphore, #tpu.memory_space<semaphore_mem>>) src(%arg17 : memref<10000xf32, #tpu.memory_space<vmem>>) dst(%dma_wait3A_47 : memref<10000xf32, #tpu.memory_space<hbm>>)
      tpu.yield
    }) : () -> ()
    return
  }
}

#map = affine_map<(d0, d1) -> (0, 0)>
#map1 = affine_map<(d0, d1) -> (0, 0, 0)>
#map2 = affine_map<(d0, d1) -> (0)>
module attributes {stable_mosaic.version = 14 : i64} {
  func.func @_seg2_body(%arg0: i32, %arg1: i32, %arg2: memref<10000x128xf32, #tpu.memory_space<hbm>>, %arg3: memref<32x125x80xi32, #tpu.memory_space<hbm>>, %arg4: memref<80xi32, #tpu.memory_space<hbm>>, %arg5: memref<10016x128xf32, #tpu.memory_space<hbm>>, %arg6: memref<2x80x128xf32, #tpu.memory_space<hbm>>, %arg7: memref<80x128xf32, #tpu.memory_space<hbm>>, %arg8: memref<125x80xi32, #tpu.memory_space<vmem>>, %arg9: memref<80xi32, #tpu.memory_space<vmem>>, %arg10: memref<10000xi32, #tpu.memory_space<vmem>>, %arg11: memref<79x128xi32, #tpu.memory_space<vmem>>, %arg12: memref<128xi32, #tpu.memory_space<vmem>>, %arg13: memref<128xi32, #tpu.memory_space<vmem>>, %arg14: memref<128x128xf32, #tpu.memory_space<vmem>>, %arg15: memref<80xi32, #tpu.memory_space<vmem>>, %arg16: memref<80x128xf32, #tpu.memory_space<vmem>>, %arg17: memref<80x128xf32, #tpu.memory_space<vmem>>, %arg18: memref<128x128xf32, #tpu.memory_space<vmem_shared>>, %arg19: memref<!tpu.dma_semaphore, #tpu.memory_space<semaphore_mem>>) attributes {dimension_semantics = [#tpu.dimension_semantics<core_parallel>, #tpu.dimension_semantics<subcore_parallel>], iteration_bounds = array<i64: 2, 16>, scalar_prefetch = 0 : i64, scratch_operands = 12 : i64, tpu.core_type = #tpu.core_type<sc_vector_subcore>, window_params = [{transform_indices = #map}, {transform_indices = #map1}, {transform_indices = #map2}, {transform_indices = #map}, {transform_indices = #map1}, {transform_indices = #map}]} {
    %mul3A = arith.constant 16 : i32
    %mul3A_0 = arith.muli %arg0, %mul3A : i32
    %add3A = arith.addi %mul3A_0, %arg1 : i32
    "tpu.region"() ({
      %run_scoped3A = tpu.sem_alloc : memref<!tpu.dma_semaphore, #tpu.memory_space<semaphore_mem>>
      tpu.enqueue_dma source(%arg4 : memref<80xi32, #tpu.memory_space<hbm>>) target(%arg9 : memref<80xi32, #tpu.memory_space<vmem>>) target_semaphore(%run_scoped3A : memref<!tpu.dma_semaphore, #tpu.memory_space<semaphore_mem>>)
      tpu.wait_dma2 semaphore(%run_scoped3A : memref<!tpu.dma_semaphore, #tpu.memory_space<semaphore_mem>>) src(%arg4 : memref<80xi32, #tpu.memory_space<hbm>>) dst(%arg9 : memref<80xi32, #tpu.memory_space<vmem>>)
      tpu.yield
    }) : () -> ()
    "tpu.region"() ({
      %run_scoped3A = tpu.sem_alloc : memref<!tpu.dma_semaphore, #tpu.memory_space<semaphore_mem>>
      %dma_start3A = arith.constant 0 : i32
      %dma_start3A_178 = arith.constant 0 : i32
      %dma_start3A_179 = tpu.memref_slice %arg3[%add3A, %dma_start3A, %dma_start3A_178] : memref<32x125x80xi32, #tpu.memory_space<hbm>> -> memref<1x125x80xi32, #tpu.memory_space<hbm>>
      %dma_start3A_180 = tpu.memref_squeeze %dma_start3A_179 : memref<1x125x80xi32, #tpu.memory_space<hbm>> -> memref<125x80xi32, #tpu.memory_space<hbm>>
      %dma_start3A_181 = arith.constant 0 : i32
      %dma_start3A_182 = arith.constant 0 : i32
      %dma_start3A_183 = tpu.memref_slice %arg3[%add3A, %dma_start3A_181, %dma_start3A_182] : memref<32x125x80xi32, #tpu.memory_space<hbm>> -> memref<1x125x80xi32, #tpu.memory_space<hbm>>
      %dma_start3A_184 = tpu.memref_squeeze %dma_start3A_183 : memref<1x125x80xi32, #tpu.memory_space<hbm>> -> memref<125x80xi32, #tpu.memory_space<hbm>>
      tpu.enqueue_dma source(%dma_start3A_184 : memref<125x80xi32, #tpu.memory_space<hbm>>) target(%arg8 : memref<125x80xi32, #tpu.memory_space<vmem>>) target_semaphore(%run_scoped3A : memref<!tpu.dma_semaphore, #tpu.memory_space<semaphore_mem>>)
      %dma_wait3A = arith.constant 0 : i32
      %dma_wait3A_185 = arith.constant 0 : i32
      %dma_wait3A_186 = tpu.memref_slice %arg3[%add3A, %dma_wait3A, %dma_wait3A_185] : memref<32x125x80xi32, #tpu.memory_space<hbm>> -> memref<1x125x80xi32, #tpu.memory_space<hbm>>
      %dma_wait3A_187 = tpu.memref_squeeze %dma_wait3A_186 : memref<1x125x80xi32, #tpu.memory_space<hbm>> -> memref<125x80xi32, #tpu.memory_space<hbm>>
      %dma_wait3A_188 = arith.constant 0 : i32
      %dma_wait3A_189 = arith.constant 0 : i32
      %dma_wait3A_190 = tpu.memref_slice %arg3[%add3A, %dma_wait3A_188, %dma_wait3A_189] : memref<32x125x80xi32, #tpu.memory_space<hbm>> -> memref<1x125x80xi32, #tpu.memory_space<hbm>>
      %dma_wait3A_191 = tpu.memref_squeeze %dma_wait3A_190 : memref<1x125x80xi32, #tpu.memory_space<hbm>> -> memref<125x80xi32, #tpu.memory_space<hbm>>
      tpu.wait_dma2 semaphore(%run_scoped3A : memref<!tpu.dma_semaphore, #tpu.memory_space<semaphore_mem>>) src(%dma_wait3A_191 : memref<125x80xi32, #tpu.memory_space<hbm>>) dst(%arg8 : memref<125x80xi32, #tpu.memory_space<vmem>>)
      tpu.yield
    }) : () -> ()
    %broadcast_in_dim3A = arith.constant 0 : i32
    %broadcast_in_dim3A_1 = vector.broadcast %broadcast_in_dim3A : i32 to vector<16xi32>
    %scan3A = arith.constant 0 : i32
    %scan3A_2 = arith.constant 0 : i32
    %scan3A_3 = arith.constant 625 : i32
    %scan3A_4 = arith.addi %scan3A_2, %scan3A_3 : i32
    %scan3A_5 = arith.constant 1 : i32
    %scan3A_6 = scf.for %scan3A_178 = %scan3A_2 to %scan3A_4 step %scan3A_5 iter_args(%scan3A_179 = %scan3A) -> (i32)  : i32 {
      %mul3A_180 = arith.constant 16 : i32
      %mul3A_181 = arith.muli %scan3A_178, %mul3A_180 : i32
      %swap3A = arith.index_cast %mul3A_181 : i32 to index
      %swap3A_182 = tpu.vector_load %arg10[%swap3A] {strides = array<i32>} : memref<10000xi32, #tpu.memory_space<vmem>>, vector<16xi32>,
      tpu.vector_store %arg10[%swap3A], %broadcast_in_dim3A_1 {strides = array<i32>} : memref<10000xi32, #tpu.memory_space<vmem>>, vector<16xi32>,
      %scan3A_183 = arith.constant 0 : i32
      scf.yield %scan3A_183 : i32
    }
    %scan3A_7 = arith.constant 625 : i32
    %iota3A = tpu.iota {dimensions = array<i32: 0>} : vector<16xi32>
    %get3A = arith.constant 0 : index
    %get3A_8 = tpu.vector_load %arg9[%get3A] {strides = array<i32>} : memref<80xi32, #tpu.memory_space<vmem>>, vector<16xi32>,
    %add3A_9 = arith.constant 1 : i32
    %add3A_10 = vector.broadcast %add3A_9 : i32 to vector<16xi32>
    %add3A_11 = arith.addi %iota3A, %add3A_10 : vector<16xi32>
    tpu.vector_store_idx %arg10[%get3A_8], %add3A_11 : memref<10000xi32, #tpu.memory_space<vmem>>[vector<16xi32>], vector<16xi32>,
    %get3A_12 = arith.constant 16 : index
    %get3A_13 = tpu.vector_load %arg9[%get3A_12] {strides = array<i32>} : memref<80xi32, #tpu.memory_space<vmem>>, vector<16xi32>,
    %add3A_14 = arith.constant 17 : i32
    %add3A_15 = vector.broadcast %add3A_14 : i32 to vector<16xi32>
    %add3A_16 = arith.addi %iota3A, %add3A_15 : vector<16xi32>
    tpu.vector_store_idx %arg10[%get3A_13], %add3A_16 : memref<10000xi32, #tpu.memory_space<vmem>>[vector<16xi32>], vector<16xi32>,
    %get3A_17 = arith.constant 32 : index
    %get3A_18 = tpu.vector_load %arg9[%get3A_17] {strides = array<i32>} : memref<80xi32, #tpu.memory_space<vmem>>, vector<16xi32>,
    %add3A_19 = arith.constant 33 : i32
    %add3A_20 = vector.broadcast %add3A_19 : i32 to vector<16xi32>
    %add3A_21 = arith.addi %iota3A, %add3A_20 : vector<16xi32>
    tpu.vector_store_idx %arg10[%get3A_18], %add3A_21 : memref<10000xi32, #tpu.memory_space<vmem>>[vector<16xi32>], vector<16xi32>,
    %get3A_22 = arith.constant 48 : index
    %get3A_23 = tpu.vector_load %arg9[%get3A_22] {strides = array<i32>} : memref<80xi32, #tpu.memory_space<vmem>>, vector<16xi32>,
    %add3A_24 = arith.constant 49 : i32
    %add3A_25 = vector.broadcast %add3A_24 : i32 to vector<16xi32>
    %add3A_26 = arith.addi %iota3A, %add3A_25 : vector<16xi32>
    tpu.vector_store_idx %arg10[%get3A_23], %add3A_26 : memref<10000xi32, #tpu.memory_space<vmem>>[vector<16xi32>], vector<16xi32>,
    %get3A_27 = arith.constant 64 : index
    %get3A_28 = tpu.vector_load %arg9[%get3A_27] {strides = array<i32>} : memref<80xi32, #tpu.memory_space<vmem>>, vector<16xi32>,
    %add3A_29 = arith.constant 65 : i32
    %add3A_30 = vector.broadcast %add3A_29 : i32 to vector<16xi32>
    %add3A_31 = arith.addi %iota3A, %add3A_30 : vector<16xi32>
    tpu.vector_store_idx %arg10[%get3A_28], %add3A_31 : memref<10000xi32, #tpu.memory_space<vmem>>[vector<16xi32>], vector<16xi32>,
    %eq3A = arith.constant 0 : i32
    %eq3A_32 = arith.cmpi eq, %arg1, %eq3A : i32
    %convert_element_type3A = arith.extui %eq3A_32 : i1 to i32
    %cond3A = arith.constant 0 : i32
    %cond3A_33 = arith.cmpi ne, %convert_element_type3A, %cond3A : i32
    scf.if %cond3A_33 {
      "tpu.region"() ({
        %run_scoped3A = tpu.sem_alloc : memref<!tpu.dma_semaphore, #tpu.memory_space<semaphore_mem>>
        %dma_start3A = arith.constant 0 : i32
        %dma_start3A_178 = arith.constant 0 : i32
        %dma_start3A_179 = tpu.memref_slice %arg5[%dma_start3A, %dma_start3A_178] : memref<10016x128xf32, #tpu.memory_space<hbm>> -> memref<128x128xf32, #tpu.memory_space<hbm>>
        tpu.enqueue_dma source(%dma_start3A_179 : memref<128x128xf32, #tpu.memory_space<hbm>>) target(%arg18 : memref<128x128xf32, #tpu.memory_space<vmem_shared>>) target_semaphore(%run_scoped3A : memref<!tpu.dma_semaphore, #tpu.memory_space<semaphore_mem>>)
        %dma_wait3A = arith.constant 0 : i32
        %dma_wait3A_180 = arith.constant 0 : i32
        %dma_wait3A_181 = tpu.memref_slice %arg5[%dma_wait3A, %dma_wait3A_180] : memref<10016x128xf32, #tpu.memory_space<hbm>> -> memref<128x128xf32, #tpu.memory_space<hbm>>
        tpu.wait_dma2 semaphore(%run_scoped3A : memref<!tpu.dma_semaphore, #tpu.memory_space<semaphore_mem>>) src(%dma_wait3A_181 : memref<128x128xf32, #tpu.memory_space<hbm>>) dst(%arg18 : memref<128x128xf32, #tpu.memory_space<vmem_shared>>)
        tpu.yield
      }) : () -> ()
    } else {
    }
    %eq3A_34 = arith.constant 0 : i32
    %eq3A_35 = arith.cmpi eq, %arg0, %eq3A_34 : i32
    %eq3A_36 = arith.constant 1 : i32
    %eq3A_37 = arith.cmpi eq, %arg1, %eq3A_36 : i32
    %and3A = arith.andi %eq3A_35, %eq3A_37 : i1
    %convert_element_type3A_38 = arith.extui %and3A : i1 to i32
    %cond3A_39 = arith.constant 0 : i32
    %cond3A_40 = arith.cmpi ne, %convert_element_type3A_38, %cond3A_39 : i32
    scf.if %cond3A_40 {
      %dma_start3A = arith.constant 0 : i32
      %dma_start3A_178 = arith.constant 0 : i32
      %dma_start3A_179 = tpu.memref_slice %arg2[%dma_start3A, %dma_start3A_178] : memref<10000x128xf32, #tpu.memory_space<hbm>> -> memref<10000x128xf32, #tpu.memory_space<hbm>>
      tpu.enqueue_indirect_dma source(%dma_start3A_179 : memref<10000x128xf32, #tpu.memory_space<hbm>>) target(%arg17 : memref<80x128xf32, #tpu.memory_space<vmem>>) offsets(%arg9 : memref<80xi32, #tpu.memory_space<vmem>>) semaphore(%arg19 : memref<!tpu.dma_semaphore, #tpu.memory_space<semaphore_mem>>)
      %dma_wait3A = arith.constant 0 : i32
      %dma_wait3A_180 = arith.constant 0 : i32
      %dma_wait3A_181 = tpu.memref_slice %arg2[%dma_wait3A, %dma_wait3A_180] : memref<10000x128xf32, #tpu.memory_space<hbm>> -> memref<10000x128xf32, #tpu.memory_space<hbm>>
      tpu.wait_indirect_dma semaphore(%arg19 : memref<!tpu.dma_semaphore, #tpu.memory_space<semaphore_mem>>) src(%dma_wait3A_181 : memref<10000x128xf32, #tpu.memory_space<hbm>>) dst(%arg17 : memref<80x128xf32, #tpu.memory_space<vmem>>)
      "tpu.region"() ({
        %run_scoped3A = tpu.sem_alloc : memref<!tpu.dma_semaphore, #tpu.memory_space<semaphore_mem>>
        tpu.enqueue_dma source(%arg17 : memref<80x128xf32, #tpu.memory_space<vmem>>) target(%arg7 : memref<80x128xf32, #tpu.memory_space<hbm>>) target_semaphore(%run_scoped3A : memref<!tpu.dma_semaphore, #tpu.memory_space<semaphore_mem>>)
        tpu.wait_dma2 semaphore(%run_scoped3A : memref<!tpu.dma_semaphore, #tpu.memory_space<semaphore_mem>>) src(%arg17 : memref<80x128xf32, #tpu.memory_space<vmem>>) dst(%arg7 : memref<80x128xf32, #tpu.memory_space<hbm>>)
        tpu.yield
      }) : () -> ()
    } else {
    }
    %broadcast_in_dim3A_41 = arith.constant 16383 : i32
    %broadcast_in_dim3A_42 = vector.broadcast %broadcast_in_dim3A_41 : i32 to vector<16xi32>
    %broadcast_in_dim3A_43 = arith.constant 0 : i32
    %broadcast_in_dim3A_44 = vector.broadcast %broadcast_in_dim3A_43 : i32 to vector<16xi32>
    %scan3A_45 = arith.constant 0 : i32
    %scan3A_46 = arith.constant 125 : i32
    %scan3A_47 = arith.addi %scan3A_45, %scan3A_46 : i32
    %scan3A_48 = arith.constant 1 : i32
    %scan3A_49 = scf.for %scan3A_178 = %scan3A_45 to %scan3A_47 step %scan3A_48 iter_args(%scan3A_179 = %broadcast_in_dim3A_44) -> (vector<16xi32>)  : i32 {
      %get3A_180 = arith.index_cast %scan3A_178 : i32 to index
      %get3A_181 = arith.constant 0 : index
      %get3A_182 = tpu.vector_load %arg8[%get3A_180, %get3A_181] {strides = array<i32>} : memref<125x80xi32, #tpu.memory_space<vmem>>, vector<16xi32>,
      %and3A_183 = arith.andi %get3A_182, %broadcast_in_dim3A_42 : vector<16xi32>
      %gather3A = tpu.vector_load_idx %arg10[%and3A_183] : memref<10000xi32, #tpu.memory_space<vmem>>[vector<16xi32>], vector<16xi32>,
      %gt3A = arith.constant 0 : i32
      %gt3A_184 = vector.broadcast %gt3A : i32 to vector<16xi32>
      %gt3A_185 = arith.cmpi sgt, %gather3A, %gt3A_184 : vector<16xi32>
      %jit3A = arith.constant 1 : i32
      %jit3A_186 = arith.constant 0 : i32
      %broadcast_in_dim3A_187 = vector.broadcast %jit3A : i32 to vector<16xi32>
      %broadcast_in_dim3A_188 = vector.broadcast %jit3A_186 : i32 to vector<16xi32>
      %select_n3A = arith.select %gt3A_185, %broadcast_in_dim3A_187, %broadcast_in_dim3A_188 : vector<16xi1>, vector<16xi32>
      %broadcast_in_dim3A_189 = arith.constant true
      %broadcast_in_dim3A_190 = vector.broadcast %broadcast_in_dim3A_189 : i1 to vector<16xi1>
      %masked_cumsum3A = tpu.scan <sum>, %select_n3A masked %broadcast_in_dim3A_190 : vector<16xi32>, vector<16xi1> -> vector<16xi32>
      %add3A_191 = arith.addi %scan3A_179, %masked_cumsum3A : vector<16xi32>
      %sub3A_192 = arith.constant 1 : i32
      %sub3A_193 = vector.broadcast %sub3A_192 : i32 to vector<16xi32>
      %sub3A_194 = arith.subi %add3A_191, %sub3A_193 : vector<16xi32>
      %shift_right_arithmetic3A_195 = arith.constant 7 : i32
      %shift_right_arithmetic3A_196 = vector.broadcast %shift_right_arithmetic3A_195 : i32 to vector<16xi32>
      %shift_right_arithmetic3A_197 = arith.shrsi %sub3A_194, %shift_right_arithmetic3A_196 : vector<16xi32>
      %and3A_198 = arith.constant 127 : i32
      %and3A_199 = vector.broadcast %and3A_198 : i32 to vector<16xi32>
      %and3A_200 = arith.andi %sub3A_194, %and3A_199 : vector<16xi32>
      %not3A = arith.constant dense<-1> : vector<16xi32>
      %not3A_201 = arith.xori %broadcast_in_dim3A_42, %not3A : vector<16xi32>
      %and3A_202 = arith.andi %get3A_182, %not3A_201 : vector<16xi32>
      %sub3A_203 = arith.constant 1 : i32
      %sub3A_204 = vector.broadcast %sub3A_203 : i32 to vector<16xi32>
      %sub3A_205 = arith.subi %gather3A, %sub3A_204 : vector<16xi32>
      %or3A = arith.ori %and3A_202, %sub3A_205 : vector<16xi32>
      tpu.vector_store_idx %arg11[%shift_right_arithmetic3A_197, %and3A_200], %or3A masked %gt3A_185 : memref<79x128xi32, #tpu.memory_space<vmem>>[vector<16xi32>, vector<16xi32>], vector<16xi32>, vector<16xi1>
      %all_reduce_population_count3A = tpu.all_reduce %gt3A_185 {dim = 0 : i64, kind = #tpu.reduction_kind<sum>} : vector<16xi1> -> vector<16xi32>
      %add3A_206 = arith.addi %scan3A_179, %all_reduce_population_count3A : vector<16xi32>
      %get3A_207 = arith.index_cast %scan3A_178 : i32 to index
      %get3A_208 = arith.constant 16 : index
      %get3A_209 = tpu.vector_load %arg8[%get3A_207, %get3A_208] {strides = array<i32>} : memref<125x80xi32, #tpu.memory_space<vmem>>, vector<16xi32>,
      %and3A_210 = arith.andi %get3A_209, %broadcast_in_dim3A_42 : vector<16xi32>
      %gather3A_211 = tpu.vector_load_idx %arg10[%and3A_210] : memref<10000xi32, #tpu.memory_space<vmem>>[vector<16xi32>], vector<16xi32>,
      %gt3A_212 = arith.constant 0 : i32
      %gt3A_213 = vector.broadcast %gt3A_212 : i32 to vector<16xi32>
      %gt3A_214 = arith.cmpi sgt, %gather3A_211, %gt3A_213 : vector<16xi32>
      %jit3A_215 = arith.constant 1 : i32
      %jit3A_216 = arith.constant 0 : i32
      %broadcast_in_dim3A_217 = vector.broadcast %jit3A_215 : i32 to vector<16xi32>
      %broadcast_in_dim3A_218 = vector.broadcast %jit3A_216 : i32 to vector<16xi32>
      %select_n3A_219 = arith.select %gt3A_214, %broadcast_in_dim3A_217, %broadcast_in_dim3A_218 : vector<16xi1>, vector<16xi32>
      %broadcast_in_dim3A_220 = arith.constant true
      %broadcast_in_dim3A_221 = vector.broadcast %broadcast_in_dim3A_220 : i1 to vector<16xi1>
      %masked_cumsum3A_222 = tpu.scan <sum>, %select_n3A_219 masked %broadcast_in_dim3A_221 : vector<16xi32>, vector<16xi1> -> vector<16xi32>
      %add3A_223 = arith.addi %add3A_206, %masked_cumsum3A_222 : vector<16xi32>
      %sub3A_224 = arith.constant 1 : i32
      %sub3A_225 = vector.broadcast %sub3A_224 : i32 to vector<16xi32>
      %sub3A_226 = arith.subi %add3A_223, %sub3A_225 : vector<16xi32>
      %shift_right_arithmetic3A_227 = arith.constant 7 : i32
      %shift_right_arithmetic3A_228 = vector.broadcast %shift_right_arithmetic3A_227 : i32 to vector<16xi32>
      %shift_right_arithmetic3A_229 = arith.shrsi %sub3A_226, %shift_right_arithmetic3A_228 : vector<16xi32>
      %and3A_230 = arith.constant 127 : i32
      %and3A_231 = vector.broadcast %and3A_230 : i32 to vector<16xi32>
      %and3A_232 = arith.andi %sub3A_226, %and3A_231 : vector<16xi32>
      %not3A_233 = arith.constant dense<-1> : vector<16xi32>
      %not3A_234 = arith.xori %broadcast_in_dim3A_42, %not3A_233 : vector<16xi32>
      %and3A_235 = arith.andi %get3A_209, %not3A_234 : vector<16xi32>
      %sub3A_236 = arith.constant 1 : i32
      %sub3A_237 = vector.broadcast %sub3A_236 : i32 to vector<16xi32>
      %sub3A_238 = arith.subi %gather3A_211, %sub3A_237 : vector<16xi32>
      %or3A_239 = arith.ori %and3A_235, %sub3A_238 : vector<16xi32>
      tpu.vector_store_idx %arg11[%shift_right_arithmetic3A_229, %and3A_232], %or3A_239 masked %gt3A_214 : memref<79x128xi32, #tpu.memory_space<vmem>>[vector<16xi32>, vector<16xi32>], vector<16xi32>, vector<16xi1>
      %all_reduce_population_count3A_240 = tpu.all_reduce %gt3A_214 {dim = 0 : i64, kind = #tpu.reduction_kind<sum>} : vector<16xi1> -> vector<16xi32>
      %add3A_241 = arith.addi %add3A_206, %all_reduce_population_count3A_240 : vector<16xi32>
      %get3A_242 = arith.index_cast %scan3A_178 : i32 to index
      %get3A_243 = arith.constant 32 : index
      %get3A_244 = tpu.vector_load %arg8[%get3A_242, %get3A_243] {strides = array<i32>} : memref<125x80xi32, #tpu.memory_space<vmem>>, vector<16xi32>,
      %and3A_245 = arith.andi %get3A_244, %broadcast_in_dim3A_42 : vector<16xi32>
      %gather3A_246 = tpu.vector_load_idx %arg10[%and3A_245] : memref<10000xi32, #tpu.memory_space<vmem>>[vector<16xi32>], vector<16xi32>,
      %gt3A_247 = arith.constant 0 : i32
      %gt3A_248 = vector.broadcast %gt3A_247 : i32 to vector<16xi32>
      %gt3A_249 = arith.cmpi sgt, %gather3A_246, %gt3A_248 : vector<16xi32>
      %jit3A_250 = arith.constant 1 : i32
      %jit3A_251 = arith.constant 0 : i32
      %broadcast_in_dim3A_252 = vector.broadcast %jit3A_250 : i32 to vector<16xi32>
      %broadcast_in_dim3A_253 = vector.broadcast %jit3A_251 : i32 to vector<16xi32>
      %select_n3A_254 = arith.select %gt3A_249, %broadcast_in_dim3A_252, %broadcast_in_dim3A_253 : vector<16xi1>, vector<16xi32>
      %broadcast_in_dim3A_255 = arith.constant true
      %broadcast_in_dim3A_256 = vector.broadcast %broadcast_in_dim3A_255 : i1 to vector<16xi1>
      %masked_cumsum3A_257 = tpu.scan <sum>, %select_n3A_254 masked %broadcast_in_dim3A_256 : vector<16xi32>, vector<16xi1> -> vector<16xi32>
      %add3A_258 = arith.addi %add3A_241, %masked_cumsum3A_257 : vector<16xi32>
      %sub3A_259 = arith.constant 1 : i32
      %sub3A_260 = vector.broadcast %sub3A_259 : i32 to vector<16xi32>
      %sub3A_261 = arith.subi %add3A_258, %sub3A_260 : vector<16xi32>
      %shift_right_arithmetic3A_262 = arith.constant 7 : i32
      %shift_right_arithmetic3A_263 = vector.broadcast %shift_right_arithmetic3A_262 : i32 to vector<16xi32>
      %shift_right_arithmetic3A_264 = arith.shrsi %sub3A_261, %shift_right_arithmetic3A_263 : vector<16xi32>
      %and3A_265 = arith.constant 127 : i32
      %and3A_266 = vector.broadcast %and3A_265 : i32 to vector<16xi32>
      %and3A_267 = arith.andi %sub3A_261, %and3A_266 : vector<16xi32>
      %not3A_268 = arith.constant dense<-1> : vector<16xi32>
      %not3A_269 = arith.xori %broadcast_in_dim3A_42, %not3A_268 : vector<16xi32>
      %and3A_270 = arith.andi %get3A_244, %not3A_269 : vector<16xi32>
      %sub3A_271 = arith.constant 1 : i32
      %sub3A_272 = vector.broadcast %sub3A_271 : i32 to vector<16xi32>
      %sub3A_273 = arith.subi %gather3A_246, %sub3A_272 : vector<16xi32>
      %or3A_274 = arith.ori %and3A_270, %sub3A_273 : vector<16xi32>
      tpu.vector_store_idx %arg11[%shift_right_arithmetic3A_264, %and3A_267], %or3A_274 masked %gt3A_249 : memref<79x128xi32, #tpu.memory_space<vmem>>[vector<16xi32>, vector<16xi32>], vector<16xi32>, vector<16xi1>
      %all_reduce_population_count3A_275 = tpu.all_reduce %gt3A_249 {dim = 0 : i64, kind = #tpu.reduction_kind<sum>} : vector<16xi1> -> vector<16xi32>
      %add3A_276 = arith.addi %add3A_241, %all_reduce_population_count3A_275 : vector<16xi32>
      %get3A_277 = arith.index_cast %scan3A_178 : i32 to index
      %get3A_278 = arith.constant 48 : index
      %get3A_279 = tpu.vector_load %arg8[%get3A_277, %get3A_278] {strides = array<i32>} : memref<125x80xi32, #tpu.memory_space<vmem>>, vector<16xi32>,
      %and3A_280 = arith.andi %get3A_279, %broadcast_in_dim3A_42 : vector<16xi32>
      %gather3A_281 = tpu.vector_load_idx %arg10[%and3A_280] : memref<10000xi32, #tpu.memory_space<vmem>>[vector<16xi32>], vector<16xi32>,
      %gt3A_282 = arith.constant 0 : i32
      %gt3A_283 = vector.broadcast %gt3A_282 : i32 to vector<16xi32>
      %gt3A_284 = arith.cmpi sgt, %gather3A_281, %gt3A_283 : vector<16xi32>
      %jit3A_285 = arith.constant 1 : i32
      %jit3A_286 = arith.constant 0 : i32
      %broadcast_in_dim3A_287 = vector.broadcast %jit3A_285 : i32 to vector<16xi32>
      %broadcast_in_dim3A_288 = vector.broadcast %jit3A_286 : i32 to vector<16xi32>
      %select_n3A_289 = arith.select %gt3A_284, %broadcast_in_dim3A_287, %broadcast_in_dim3A_288 : vector<16xi1>, vector<16xi32>
      %broadcast_in_dim3A_290 = arith.constant true
      %broadcast_in_dim3A_291 = vector.broadcast %broadcast_in_dim3A_290 : i1 to vector<16xi1>
      %masked_cumsum3A_292 = tpu.scan <sum>, %select_n3A_289 masked %broadcast_in_dim3A_291 : vector<16xi32>, vector<16xi1> -> vector<16xi32>
      %add3A_293 = arith.addi %add3A_276, %masked_cumsum3A_292 : vector<16xi32>
      %sub3A_294 = arith.constant 1 : i32
      %sub3A_295 = vector.broadcast %sub3A_294 : i32 to vector<16xi32>
      %sub3A_296 = arith.subi %add3A_293, %sub3A_295 : vector<16xi32>
      %shift_right_arithmetic3A_297 = arith.constant 7 : i32
      %shift_right_arithmetic3A_298 = vector.broadcast %shift_right_arithmetic3A_297 : i32 to vector<16xi32>
      %shift_right_arithmetic3A_299 = arith.shrsi %sub3A_296, %shift_right_arithmetic3A_298 : vector<16xi32>
      %and3A_300 = arith.constant 127 : i32
      %and3A_301 = vector.broadcast %and3A_300 : i32 to vector<16xi32>
      %and3A_302 = arith.andi %sub3A_296, %and3A_301 : vector<16xi32>
      %not3A_303 = arith.constant dense<-1> : vector<16xi32>
      %not3A_304 = arith.xori %broadcast_in_dim3A_42, %not3A_303 : vector<16xi32>
      %and3A_305 = arith.andi %get3A_279, %not3A_304 : vector<16xi32>
      %sub3A_306 = arith.constant 1 : i32
      %sub3A_307 = vector.broadcast %sub3A_306 : i32 to vector<16xi32>
      %sub3A_308 = arith.subi %gather3A_281, %sub3A_307 : vector<16xi32>
      %or3A_309 = arith.ori %and3A_305, %sub3A_308 : vector<16xi32>
      tpu.vector_store_idx %arg11[%shift_right_arithmetic3A_299, %and3A_302], %or3A_309 masked %gt3A_284 : memref<79x128xi32, #tpu.memory_space<vmem>>[vector<16xi32>, vector<16xi32>], vector<16xi32>, vector<16xi1>
      %all_reduce_population_count3A_310 = tpu.all_reduce %gt3A_284 {dim = 0 : i64, kind = #tpu.reduction_kind<sum>} : vector<16xi1> -> vector<16xi32>
      %add3A_311 = arith.addi %add3A_276, %all_reduce_population_count3A_310 : vector<16xi32>
      %get3A_312 = arith.index_cast %scan3A_178 : i32 to index
      %get3A_313 = arith.constant 64 : index
      %get3A_314 = tpu.vector_load %arg8[%get3A_312, %get3A_313] {strides = array<i32>} : memref<125x80xi32, #tpu.memory_space<vmem>>, vector<16xi32>,
      %and3A_315 = arith.andi %get3A_314, %broadcast_in_dim3A_42 : vector<16xi32>
      %gather3A_316 = tpu.vector_load_idx %arg10[%and3A_315] : memref<10000xi32, #tpu.memory_space<vmem>>[vector<16xi32>], vector<16xi32>,
      %gt3A_317 = arith.constant 0 : i32
      %gt3A_318 = vector.broadcast %gt3A_317 : i32 to vector<16xi32>
      %gt3A_319 = arith.cmpi sgt, %gather3A_316, %gt3A_318 : vector<16xi32>
      %jit3A_320 = arith.constant 1 : i32
      %jit3A_321 = arith.constant 0 : i32
      %broadcast_in_dim3A_322 = vector.broadcast %jit3A_320 : i32 to vector<16xi32>
      %broadcast_in_dim3A_323 = vector.broadcast %jit3A_321 : i32 to vector<16xi32>
      %select_n3A_324 = arith.select %gt3A_319, %broadcast_in_dim3A_322, %broadcast_in_dim3A_323 : vector<16xi1>, vector<16xi32>
      %broadcast_in_dim3A_325 = arith.constant true
      %broadcast_in_dim3A_326 = vector.broadcast %broadcast_in_dim3A_325 : i1 to vector<16xi1>
      %masked_cumsum3A_327 = tpu.scan <sum>, %select_n3A_324 masked %broadcast_in_dim3A_326 : vector<16xi32>, vector<16xi1> -> vector<16xi32>
      %add3A_328 = arith.addi %add3A_311, %masked_cumsum3A_327 : vector<16xi32>
      %sub3A_329 = arith.constant 1 : i32
      %sub3A_330 = vector.broadcast %sub3A_329 : i32 to vector<16xi32>
      %sub3A_331 = arith.subi %add3A_328, %sub3A_330 : vector<16xi32>
      %shift_right_arithmetic3A_332 = arith.constant 7 : i32
      %shift_right_arithmetic3A_333 = vector.broadcast %shift_right_arithmetic3A_332 : i32 to vector<16xi32>
      %shift_right_arithmetic3A_334 = arith.shrsi %sub3A_331, %shift_right_arithmetic3A_333 : vector<16xi32>
      %and3A_335 = arith.constant 127 : i32
      %and3A_336 = vector.broadcast %and3A_335 : i32 to vector<16xi32>
      %and3A_337 = arith.andi %sub3A_331, %and3A_336 : vector<16xi32>
      %not3A_338 = arith.constant dense<-1> : vector<16xi32>
      %not3A_339 = arith.xori %broadcast_in_dim3A_42, %not3A_338 : vector<16xi32>
      %and3A_340 = arith.andi %get3A_314, %not3A_339 : vector<16xi32>
      %sub3A_341 = arith.constant 1 : i32
      %sub3A_342 = vector.broadcast %sub3A_341 : i32 to vector<16xi32>
      %sub3A_343 = arith.subi %gather3A_316, %sub3A_342 : vector<16xi32>
      %or3A_344 = arith.ori %and3A_340, %sub3A_343 : vector<16xi32>
      tpu.vector_store_idx %arg11[%shift_right_arithmetic3A_334, %and3A_337], %or3A_344 masked %gt3A_319 : memref<79x128xi32, #tpu.memory_space<vmem>>[vector<16xi32>, vector<16xi32>], vector<16xi32>, vector<16xi1>
      %all_reduce_population_count3A_345 = tpu.all_reduce %gt3A_319 {dim = 0 : i64, kind = #tpu.reduction_kind<sum>} : vector<16xi1> -> vector<16xi32>
      %add3A_346 = arith.addi %add3A_311, %all_reduce_population_count3A_345 : vector<16xi32>
      scf.yield %add3A_346 : vector<16xi32>
    }
    %scan3A_50 = arith.constant 125 : i32
    %reduce_max3A = arith.constant true
    %reduce_max3A_51 = vector.broadcast %reduce_max3A : i1 to vector<16xi1>
    %reduce_max3A_52 = arith.constant -2147483648 : i32
    %reduce_max3A_53 = vector.broadcast %reduce_max3A_52 : i32 to vector<16xi32>
    %reduce_max3A_54 = arith.xori %scan3A_49, %reduce_max3A_53 : vector<16xi32>
    %reduce_max3A_55 = tpu.scan <max>, %reduce_max3A_54 masked %reduce_max3A_51 : vector<16xi32>, vector<16xi1> -> vector<16xi32>
    %reduce_max3A_56 = arith.xori %reduce_max3A_55, %reduce_max3A_53 : vector<16xi32>
    %reduce_max3A_57 = vector.extract %reduce_max3A_56[15] : i32 from vector<16xi32>
    %add3A_58 = arith.constant 128 : i32
    %add3A_59 = arith.addi %reduce_max3A_57, %add3A_58 : i32
    %sub3A = arith.constant 1 : i32
    %sub3A_60 = arith.subi %add3A_59, %sub3A : i32
    %shift_right_arithmetic3A = arith.constant 7 : i32
    %shift_right_arithmetic3A_61 = arith.shrsi %sub3A_60, %shift_right_arithmetic3A : i32
    %mul3A_62 = arith.constant 128 : i32
    %mul3A_63 = arith.muli %shift_right_arithmetic3A_61, %mul3A_62 : i32
    %broadcast_in_dim3A_64 = arith.constant 96 : i32
    %broadcast_in_dim3A_65 = vector.broadcast %broadcast_in_dim3A_64 : i32 to vector<16xi32>
    %add3A_66 = arith.constant 0 : i32
    %add3A_67 = arith.addi %reduce_max3A_57, %add3A_66 : i32
    %add3A_68 = vector.broadcast %add3A_67 : i32 to vector<16xi32>
    %add3A_69 = arith.addi %add3A_68, %iota3A : vector<16xi32>
    %lt3A = vector.broadcast %mul3A_63 : i32 to vector<16xi32>
    %lt3A_70 = arith.cmpi slt, %add3A_69, %lt3A : vector<16xi32>
    %shift_right_arithmetic3A_71 = arith.constant 7 : i32
    %shift_right_arithmetic3A_72 = vector.broadcast %shift_right_arithmetic3A_71 : i32 to vector<16xi32>
    %shift_right_arithmetic3A_73 = arith.shrsi %add3A_69, %shift_right_arithmetic3A_72 : vector<16xi32>
    %and3A_74 = arith.constant 127 : i32
    %and3A_75 = vector.broadcast %and3A_74 : i32 to vector<16xi32>
    %and3A_76 = arith.andi %add3A_69, %and3A_75 : vector<16xi32>
    tpu.vector_store_idx %arg11[%shift_right_arithmetic3A_73, %and3A_76], %broadcast_in_dim3A_65 masked %lt3A_70 : memref<79x128xi32, #tpu.memory_space<vmem>>[vector<16xi32>, vector<16xi32>], vector<16xi32>, vector<16xi1>
    %add3A_77 = arith.constant 16 : i32
    %add3A_78 = arith.addi %reduce_max3A_57, %add3A_77 : i32
    %add3A_79 = vector.broadcast %add3A_78 : i32 to vector<16xi32>
    %add3A_80 = arith.addi %add3A_79, %iota3A : vector<16xi32>
    %lt3A_81 = vector.broadcast %mul3A_63 : i32 to vector<16xi32>
    %lt3A_82 = arith.cmpi slt, %add3A_80, %lt3A_81 : vector<16xi32>
    %shift_right_arithmetic3A_83 = arith.constant 7 : i32
    %shift_right_arithmetic3A_84 = vector.broadcast %shift_right_arithmetic3A_83 : i32 to vector<16xi32>
    %shift_right_arithmetic3A_85 = arith.shrsi %add3A_80, %shift_right_arithmetic3A_84 : vector<16xi32>
    %and3A_86 = arith.constant 127 : i32
    %and3A_87 = vector.broadcast %and3A_86 : i32 to vector<16xi32>
    %and3A_88 = arith.andi %add3A_80, %and3A_87 : vector<16xi32>
    tpu.vector_store_idx %arg11[%shift_right_arithmetic3A_85, %and3A_88], %broadcast_in_dim3A_65 masked %lt3A_82 : memref<79x128xi32, #tpu.memory_space<vmem>>[vector<16xi32>, vector<16xi32>], vector<16xi32>, vector<16xi1>
    %add3A_89 = arith.constant 32 : i32
    %add3A_90 = arith.addi %reduce_max3A_57, %add3A_89 : i32
    %add3A_91 = vector.broadcast %add3A_90 : i32 to vector<16xi32>
    %add3A_92 = arith.addi %add3A_91, %iota3A : vector<16xi32>
    %lt3A_93 = vector.broadcast %mul3A_63 : i32 to vector<16xi32>
    %lt3A_94 = arith.cmpi slt, %add3A_92, %lt3A_93 : vector<16xi32>
    %shift_right_arithmetic3A_95 = arith.constant 7 : i32
    %shift_right_arithmetic3A_96 = vector.broadcast %shift_right_arithmetic3A_95 : i32 to vector<16xi32>
    %shift_right_arithmetic3A_97 = arith.shrsi %add3A_92, %shift_right_arithmetic3A_96 : vector<16xi32>
    %and3A_98 = arith.constant 127 : i32
    %and3A_99 = vector.broadcast %and3A_98 : i32 to vector<16xi32>
    %and3A_100 = arith.andi %add3A_92, %and3A_99 : vector<16xi32>
    tpu.vector_store_idx %arg11[%shift_right_arithmetic3A_97, %and3A_100], %broadcast_in_dim3A_65 masked %lt3A_94 : memref<79x128xi32, #tpu.memory_space<vmem>>[vector<16xi32>, vector<16xi32>], vector<16xi32>, vector<16xi1>
    %add3A_101 = arith.constant 48 : i32
    %add3A_102 = arith.addi %reduce_max3A_57, %add3A_101 : i32
    %add3A_103 = vector.broadcast %add3A_102 : i32 to vector<16xi32>
    %add3A_104 = arith.addi %add3A_103, %iota3A : vector<16xi32>
    %lt3A_105 = vector.broadcast %mul3A_63 : i32 to vector<16xi32>
    %lt3A_106 = arith.cmpi slt, %add3A_104, %lt3A_105 : vector<16xi32>
    %shift_right_arithmetic3A_107 = arith.constant 7 : i32
    %shift_right_arithmetic3A_108 = vector.broadcast %shift_right_arithmetic3A_107 : i32 to vector<16xi32>
    %shift_right_arithmetic3A_109 = arith.shrsi %add3A_104, %shift_right_arithmetic3A_108 : vector<16xi32>
    %and3A_110 = arith.constant 127 : i32
    %and3A_111 = vector.broadcast %and3A_110 : i32 to vector<16xi32>
    %and3A_112 = arith.andi %add3A_104, %and3A_111 : vector<16xi32>
    tpu.vector_store_idx %arg11[%shift_right_arithmetic3A_109, %and3A_112], %broadcast_in_dim3A_65 masked %lt3A_106 : memref<79x128xi32, #tpu.memory_space<vmem>>[vector<16xi32>, vector<16xi32>], vector<16xi32>, vector<16xi1>
    %add3A_113 = arith.constant 64 : i32
    %add3A_114 = arith.addi %reduce_max3A_57, %add3A_113 : i32
    %add3A_115 = vector.broadcast %add3A_114 : i32 to vector<16xi32>
    %add3A_116 = arith.addi %add3A_115, %iota3A : vector<16xi32>
    %lt3A_117 = vector.broadcast %mul3A_63 : i32 to vector<16xi32>
    %lt3A_118 = arith.cmpi slt, %add3A_116, %lt3A_117 : vector<16xi32>
    %shift_right_arithmetic3A_119 = arith.constant 7 : i32
    %shift_right_arithmetic3A_120 = vector.broadcast %shift_right_arithmetic3A_119 : i32 to vector<16xi32>
    %shift_right_arithmetic3A_121 = arith.shrsi %add3A_116, %shift_right_arithmetic3A_120 : vector<16xi32>
    %and3A_122 = arith.constant 127 : i32
    %and3A_123 = vector.broadcast %and3A_122 : i32 to vector<16xi32>
    %and3A_124 = arith.andi %add3A_116, %and3A_123 : vector<16xi32>
    tpu.vector_store_idx %arg11[%shift_right_arithmetic3A_121, %and3A_124], %broadcast_in_dim3A_65 masked %lt3A_118 : memref<79x128xi32, #tpu.memory_space<vmem>>[vector<16xi32>, vector<16xi32>], vector<16xi32>, vector<16xi1>
    %add3A_125 = arith.constant 80 : i32
    %add3A_126 = arith.addi %reduce_max3A_57, %add3A_125 : i32
    %add3A_127 = vector.broadcast %add3A_126 : i32 to vector<16xi32>
    %add3A_128 = arith.addi %add3A_127, %iota3A : vector<16xi32>
    %lt3A_129 = vector.broadcast %mul3A_63 : i32 to vector<16xi32>
    %lt3A_130 = arith.cmpi slt, %add3A_128, %lt3A_129 : vector<16xi32>
    %shift_right_arithmetic3A_131 = arith.constant 7 : i32
    %shift_right_arithmetic3A_132 = vector.broadcast %shift_right_arithmetic3A_131 : i32 to vector<16xi32>
    %shift_right_arithmetic3A_133 = arith.shrsi %add3A_128, %shift_right_arithmetic3A_132 : vector<16xi32>
    %and3A_134 = arith.constant 127 : i32
    %and3A_135 = vector.broadcast %and3A_134 : i32 to vector<16xi32>
    %and3A_136 = arith.andi %add3A_128, %and3A_135 : vector<16xi32>
    tpu.vector_store_idx %arg11[%shift_right_arithmetic3A_133, %and3A_136], %broadcast_in_dim3A_65 masked %lt3A_130 : memref<79x128xi32, #tpu.memory_space<vmem>>[vector<16xi32>, vector<16xi32>], vector<16xi32>, vector<16xi1>
    %add3A_137 = arith.constant 96 : i32
    %add3A_138 = arith.addi %reduce_max3A_57, %add3A_137 : i32
    %add3A_139 = vector.broadcast %add3A_138 : i32 to vector<16xi32>
    %add3A_140 = arith.addi %add3A_139, %iota3A : vector<16xi32>
    %lt3A_141 = vector.broadcast %mul3A_63 : i32 to vector<16xi32>
    %lt3A_142 = arith.cmpi slt, %add3A_140, %lt3A_141 : vector<16xi32>
    %shift_right_arithmetic3A_143 = arith.constant 7 : i32
    %shift_right_arithmetic3A_144 = vector.broadcast %shift_right_arithmetic3A_143 : i32 to vector<16xi32>
    %shift_right_arithmetic3A_145 = arith.shrsi %add3A_140, %shift_right_arithmetic3A_144 : vector<16xi32>
    %and3A_146 = arith.constant 127 : i32
    %and3A_147 = vector.broadcast %and3A_146 : i32 to vector<16xi32>
    %and3A_148 = arith.andi %add3A_140, %and3A_147 : vector<16xi32>
    tpu.vector_store_idx %arg11[%shift_right_arithmetic3A_145, %and3A_148], %broadcast_in_dim3A_65 masked %lt3A_142 : memref<79x128xi32, #tpu.memory_space<vmem>>[vector<16xi32>, vector<16xi32>], vector<16xi32>, vector<16xi1>
    %add3A_149 = arith.constant 112 : i32
    %add3A_150 = arith.addi %reduce_max3A_57, %add3A_149 : i32
    %add3A_151 = vector.broadcast %add3A_150 : i32 to vector<16xi32>
    %add3A_152 = arith.addi %add3A_151, %iota3A : vector<16xi32>
    %lt3A_153 = vector.broadcast %mul3A_63 : i32 to vector<16xi32>
    %lt3A_154 = arith.cmpi slt, %add3A_152, %lt3A_153 : vector<16xi32>
    %shift_right_arithmetic3A_155 = arith.constant 7 : i32
    %shift_right_arithmetic3A_156 = vector.broadcast %shift_right_arithmetic3A_155 : i32 to vector<16xi32>
    %shift_right_arithmetic3A_157 = arith.shrsi %add3A_152, %shift_right_arithmetic3A_156 : vector<16xi32>
    %and3A_158 = arith.constant 127 : i32
    %and3A_159 = vector.broadcast %and3A_158 : i32 to vector<16xi32>
    %and3A_160 = arith.andi %add3A_152, %and3A_159 : vector<16xi32>
    tpu.vector_store_idx %arg11[%shift_right_arithmetic3A_157, %and3A_160], %broadcast_in_dim3A_65 masked %lt3A_154 : memref<79x128xi32, #tpu.memory_space<vmem>>[vector<16xi32>, vector<16xi32>], vector<16xi32>, vector<16xi1>
    %barrier3A = arith.constant 0 : index
    tpu.barrier barrier_id(%barrier3A)
    %while3A = arith.constant 0 : i32
    %while3A_161 = arith.constant 0 : i32
    %while3A_162 = arith.subi %shift_right_arithmetic3A_61, %while3A : i32
    %while3A_163 = arith.addi %while3A, %while3A_162 : i32
    %while3A_164 = arith.constant 1 : i32
    %while3A_165 = arith.divsi %while3A_162, %while3A_164 : i32
    %while3A_166 = arith.muli %while3A_165, %while3A_164 : i32
    %while3A_167 = arith.addi %while3A, %while3A_166 : i32
    %while3A_168 = arith.constant 1 : i32
    %while3A_169 = scf.for %while3A_178 = %while3A to %while3A_167 step %while3A_168 iter_args(%while3A_179 = %while3A_161) -> (i32)  : i32 {
      %get3A_180 = arith.index_cast %while3A_178 : i32 to index
      %get3A_181 = arith.constant 0 : index
      %get3A_182 = tpu.vector_load %arg11[%get3A_180, %get3A_181] {strides = array<i32>} : memref<79x128xi32, #tpu.memory_space<vmem>>, vector<16xi32>,
      %shift_right_arithmetic3A_183 = arith.constant 14 : i32
      %shift_right_arithmetic3A_184 = vector.broadcast %shift_right_arithmetic3A_183 : i32 to vector<16xi32>
      %shift_right_arithmetic3A_185 = arith.shrsi %get3A_182, %shift_right_arithmetic3A_184 : vector<16xi32>
      %swap3A = arith.constant 0 : index
      %swap3A_186 = tpu.vector_load %arg12[%swap3A] {strides = array<i32>} : memref<128xi32, #tpu.memory_space<vmem>>, vector<16xi32>,
      tpu.vector_store %arg12[%swap3A], %shift_right_arithmetic3A_185 {strides = array<i32>} : memref<128xi32, #tpu.memory_space<vmem>>, vector<16xi32>,
      %and3A_187 = arith.andi %get3A_182, %broadcast_in_dim3A_42 : vector<16xi32>
      %swap3A_188 = arith.constant 0 : index
      %swap3A_189 = tpu.vector_load %arg13[%swap3A_188] {strides = array<i32>} : memref<128xi32, #tpu.memory_space<vmem>>, vector<16xi32>,
      tpu.vector_store %arg13[%swap3A_188], %and3A_187 {strides = array<i32>} : memref<128xi32, #tpu.memory_space<vmem>>, vector<16xi32>,
      %get3A_190 = arith.index_cast %while3A_178 : i32 to index
      %get3A_191 = arith.constant 16 : index
      %get3A_192 = tpu.vector_load %arg11[%get3A_190, %get3A_191] {strides = array<i32>} : memref<79x128xi32, #tpu.memory_space<vmem>>, vector<16xi32>,
      %shift_right_arithmetic3A_193 = arith.constant 14 : i32
      %shift_right_arithmetic3A_194 = vector.broadcast %shift_right_arithmetic3A_193 : i32 to vector<16xi32>
      %shift_right_arithmetic3A_195 = arith.shrsi %get3A_192, %shift_right_arithmetic3A_194 : vector<16xi32>
      %swap3A_196 = arith.constant 16 : index
      %swap3A_197 = tpu.vector_load %arg12[%swap3A_196] {strides = array<i32>} : memref<128xi32, #tpu.memory_space<vmem>>, vector<16xi32>,
      tpu.vector_store %arg12[%swap3A_196], %shift_right_arithmetic3A_195 {strides = array<i32>} : memref<128xi32, #tpu.memory_space<vmem>>, vector<16xi32>,
      %and3A_198 = arith.andi %get3A_192, %broadcast_in_dim3A_42 : vector<16xi32>
      %swap3A_199 = arith.constant 16 : index
      %swap3A_200 = tpu.vector_load %arg13[%swap3A_199] {strides = array<i32>} : memref<128xi32, #tpu.memory_space<vmem>>, vector<16xi32>,
      tpu.vector_store %arg13[%swap3A_199], %and3A_198 {strides = array<i32>} : memref<128xi32, #tpu.memory_space<vmem>>, vector<16xi32>,
      %get3A_201 = arith.index_cast %while3A_178 : i32 to index
      %get3A_202 = arith.constant 32 : index
      %get3A_203 = tpu.vector_load %arg11[%get3A_201, %get3A_202] {strides = array<i32>} : memref<79x128xi32, #tpu.memory_space<vmem>>, vector<16xi32>,
      %shift_right_arithmetic3A_204 = arith.constant 14 : i32
      %shift_right_arithmetic3A_205 = vector.broadcast %shift_right_arithmetic3A_204 : i32 to vector<16xi32>
      %shift_right_arithmetic3A_206 = arith.shrsi %get3A_203, %shift_right_arithmetic3A_205 : vector<16xi32>
      %swap3A_207 = arith.constant 32 : index
      %swap3A_208 = tpu.vector_load %arg12[%swap3A_207] {strides = array<i32>} : memref<128xi32, #tpu.memory_space<vmem>>, vector<16xi32>,
      tpu.vector_store %arg12[%swap3A_207], %shift_right_arithmetic3A_206 {strides = array<i32>} : memref<128xi32, #tpu.memory_space<vmem>>, vector<16xi32>,
      %and3A_209 = arith.andi %get3A_203, %broadcast_in_dim3A_42 : vector<16xi32>
      %swap3A_210 = arith.constant 32 : index
      %swap3A_211 = tpu.vector_load %arg13[%swap3A_210] {strides = array<i32>} : memref<128xi32, #tpu.memory_space<vmem>>, vector<16xi32>,
      tpu.vector_store %arg13[%swap3A_210], %and3A_209 {strides = array<i32>} : memref<128xi32, #tpu.memory_space<vmem>>, vector<16xi32>,
      %get3A_212 = arith.index_cast %while3A_178 : i32 to index
      %get3A_213 = arith.constant 48 : index
      %get3A_214 = tpu.vector_load %arg11[%get3A_212, %get3A_213] {strides = array<i32>} : memref<79x128xi32, #tpu.memory_space<vmem>>, vector<16xi32>,
      %shift_right_arithmetic3A_215 = arith.constant 14 : i32
      %shift_right_arithmetic3A_216 = vector.broadcast %shift_right_arithmetic3A_215 : i32 to vector<16xi32>
      %shift_right_arithmetic3A_217 = arith.shrsi %get3A_214, %shift_right_arithmetic3A_216 : vector<16xi32>
      %swap3A_218 = arith.constant 48 : index
      %swap3A_219 = tpu.vector_load %arg12[%swap3A_218] {strides = array<i32>} : memref<128xi32, #tpu.memory_space<vmem>>, vector<16xi32>,
      tpu.vector_store %arg12[%swap3A_218], %shift_right_arithmetic3A_217 {strides = array<i32>} : memref<128xi32, #tpu.memory_space<vmem>>, vector<16xi32>,
      %and3A_220 = arith.andi %get3A_214, %broadcast_in_dim3A_42 : vector<16xi32>
      %swap3A_221 = arith.constant 48 : index
      %swap3A_222 = tpu.vector_load %arg13[%swap3A_221] {strides = array<i32>} : memref<128xi32, #tpu.memory_space<vmem>>, vector<16xi32>,
      tpu.vector_store %arg13[%swap3A_221], %and3A_220 {strides = array<i32>} : memref<128xi32, #tpu.memory_space<vmem>>, vector<16xi32>,
      %get3A_223 = arith.index_cast %while3A_178 : i32 to index
      %get3A_224 = arith.constant 64 : index
      %get3A_225 = tpu.vector_load %arg11[%get3A_223, %get3A_224] {strides = array<i32>} : memref<79x128xi32, #tpu.memory_space<vmem>>, vector<16xi32>,
      %shift_right_arithmetic3A_226 = arith.constant 14 : i32
      %shift_right_arithmetic3A_227 = vector.broadcast %shift_right_arithmetic3A_226 : i32 to vector<16xi32>
      %shift_right_arithmetic3A_228 = arith.shrsi %get3A_225, %shift_right_arithmetic3A_227 : vector<16xi32>
      %swap3A_229 = arith.constant 64 : index
      %swap3A_230 = tpu.vector_load %arg12[%swap3A_229] {strides = array<i32>} : memref<128xi32, #tpu.memory_space<vmem>>, vector<16xi32>,
      tpu.vector_store %arg12[%swap3A_229], %shift_right_arithmetic3A_228 {strides = array<i32>} : memref<128xi32, #tpu.memory_space<vmem>>, vector<16xi32>,
      %and3A_231 = arith.andi %get3A_225, %broadcast_in_dim3A_42 : vector<16xi32>
      %swap3A_232 = arith.constant 64 : index
      %swap3A_233 = tpu.vector_load %arg13[%swap3A_232] {strides = array<i32>} : memref<128xi32, #tpu.memory_space<vmem>>, vector<16xi32>,
      tpu.vector_store %arg13[%swap3A_232], %and3A_231 {strides = array<i32>} : memref<128xi32, #tpu.memory_space<vmem>>, vector<16xi32>,
      %get3A_234 = arith.index_cast %while3A_178 : i32 to index
      %get3A_235 = arith.constant 80 : index
      %get3A_236 = tpu.vector_load %arg11[%get3A_234, %get3A_235] {strides = array<i32>} : memref<79x128xi32, #tpu.memory_space<vmem>>, vector<16xi32>,
      %shift_right_arithmetic3A_237 = arith.constant 14 : i32
      %shift_right_arithmetic3A_238 = vector.broadcast %shift_right_arithmetic3A_237 : i32 to vector<16xi32>
      %shift_right_arithmetic3A_239 = arith.shrsi %get3A_236, %shift_right_arithmetic3A_238 : vector<16xi32>
      %swap3A_240 = arith.constant 80 : index
      %swap3A_241 = tpu.vector_load %arg12[%swap3A_240] {strides = array<i32>} : memref<128xi32, #tpu.memory_space<vmem>>, vector<16xi32>,
      tpu.vector_store %arg12[%swap3A_240], %shift_right_arithmetic3A_239 {strides = array<i32>} : memref<128xi32, #tpu.memory_space<vmem>>, vector<16xi32>,
      %and3A_242 = arith.andi %get3A_236, %broadcast_in_dim3A_42 : vector<16xi32>
      %swap3A_243 = arith.constant 80 : index
      %swap3A_244 = tpu.vector_load %arg13[%swap3A_243] {strides = array<i32>} : memref<128xi32, #tpu.memory_space<vmem>>, vector<16xi32>,
      tpu.vector_store %arg13[%swap3A_243], %and3A_242 {strides = array<i32>} : memref<128xi32, #tpu.memory_space<vmem>>, vector<16xi32>,
      %get3A_245 = arith.index_cast %while3A_178 : i32 to index
      %get3A_246 = arith.constant 96 : index
      %get3A_247 = tpu.vector_load %arg11[%get3A_245, %get3A_246] {strides = array<i32>} : memref<79x128xi32, #tpu.memory_space<vmem>>, vector<16xi32>,
      %shift_right_arithmetic3A_248 = arith.constant 14 : i32
      %shift_right_arithmetic3A_249 = vector.broadcast %shift_right_arithmetic3A_248 : i32 to vector<16xi32>
      %shift_right_arithmetic3A_250 = arith.shrsi %get3A_247, %shift_right_arithmetic3A_249 : vector<16xi32>
      %swap3A_251 = arith.constant 96 : index
      %swap3A_252 = tpu.vector_load %arg12[%swap3A_251] {strides = array<i32>} : memref<128xi32, #tpu.memory_space<vmem>>, vector<16xi32>,
      tpu.vector_store %arg12[%swap3A_251], %shift_right_arithmetic3A_250 {strides = array<i32>} : memref<128xi32, #tpu.memory_space<vmem>>, vector<16xi32>,
      %and3A_253 = arith.andi %get3A_247, %broadcast_in_dim3A_42 : vector<16xi32>
      %swap3A_254 = arith.constant 96 : index
      %swap3A_255 = tpu.vector_load %arg13[%swap3A_254] {strides = array<i32>} : memref<128xi32, #tpu.memory_space<vmem>>, vector<16xi32>,
      tpu.vector_store %arg13[%swap3A_254], %and3A_253 {strides = array<i32>} : memref<128xi32, #tpu.memory_space<vmem>>, vector<16xi32>,
      %get3A_256 = arith.index_cast %while3A_178 : i32 to index
      %get3A_257 = arith.constant 112 : index
      %get3A_258 = tpu.vector_load %arg11[%get3A_256, %get3A_257] {strides = array<i32>} : memref<79x128xi32, #tpu.memory_space<vmem>>, vector<16xi32>,
      %shift_right_arithmetic3A_259 = arith.constant 14 : i32
      %shift_right_arithmetic3A_260 = vector.broadcast %shift_right_arithmetic3A_259 : i32 to vector<16xi32>
      %shift_right_arithmetic3A_261 = arith.shrsi %get3A_258, %shift_right_arithmetic3A_260 : vector<16xi32>
      %swap3A_262 = arith.constant 112 : index
      %swap3A_263 = tpu.vector_load %arg12[%swap3A_262] {strides = array<i32>} : memref<128xi32, #tpu.memory_space<vmem>>, vector<16xi32>,
      tpu.vector_store %arg12[%swap3A_262], %shift_right_arithmetic3A_261 {strides = array<i32>} : memref<128xi32, #tpu.memory_space<vmem>>, vector<16xi32>,
      %and3A_264 = arith.andi %get3A_258, %broadcast_in_dim3A_42 : vector<16xi32>
      %swap3A_265 = arith.constant 112 : index
      %swap3A_266 = tpu.vector_load %arg13[%swap3A_265] {strides = array<i32>} : memref<128xi32, #tpu.memory_space<vmem>>, vector<16xi32>,
      tpu.vector_store %arg13[%swap3A_265], %and3A_264 {strides = array<i32>} : memref<128xi32, #tpu.memory_space<vmem>>, vector<16xi32>,
      %dma_start3A = arith.constant 0 : i32
      %dma_start3A_267 = arith.constant 0 : i32
      %dma_start3A_268 = tpu.memref_slice %arg2[%dma_start3A, %dma_start3A_267] : memref<10000x128xf32, #tpu.memory_space<hbm>> -> memref<10000x128xf32, #tpu.memory_space<hbm>>
      tpu.enqueue_indirect_dma source(%dma_start3A_268 : memref<10000x128xf32, #tpu.memory_space<hbm>>) target(%arg14 : memref<128x128xf32, #tpu.memory_space<vmem>>) offsets(%arg12 : memref<128xi32, #tpu.memory_space<vmem>>) semaphore(%arg19 : memref<!tpu.dma_semaphore, #tpu.memory_space<semaphore_mem>>)
      %dma_wait3A = arith.constant 0 : i32
      %dma_wait3A_269 = arith.constant 0 : i32
      %dma_wait3A_270 = tpu.memref_slice %arg2[%dma_wait3A, %dma_wait3A_269] : memref<10000x128xf32, #tpu.memory_space<hbm>> -> memref<10000x128xf32, #tpu.memory_space<hbm>>
      tpu.wait_indirect_dma semaphore(%arg19 : memref<!tpu.dma_semaphore, #tpu.memory_space<semaphore_mem>>) src(%dma_wait3A_270 : memref<10000x128xf32, #tpu.memory_space<hbm>>) dst(%arg14 : memref<128x128xf32, #tpu.memory_space<vmem>>)
      "tpu.region"() ({
        %run_scoped3A = tpu.sem_alloc : memref<!tpu.dma_semaphore, #tpu.memory_space<semaphore_mem>>
        %dma_start3A_272 = arith.constant 0 : i32
        %dma_start3A_273 = arith.constant 0 : i32
        %dma_start3A_274 = tpu.memref_slice %arg18[%dma_start3A_272, %dma_start3A_273] : memref<128x128xf32, #tpu.memory_space<vmem_shared>> -> memref<128x128xf32, #tpu.memory_space<vmem_shared>>
        tpu.enqueue_indirect_dma source(%arg14 : memref<128x128xf32, #tpu.memory_space<vmem>>) target(%dma_start3A_274 : memref<128x128xf32, #tpu.memory_space<vmem_shared>>) offsets(%arg13 : memref<128xi32, #tpu.memory_space<vmem>>) semaphore(%run_scoped3A : memref<!tpu.dma_semaphore, #tpu.memory_space<semaphore_mem>>) {add = true}
        %dma_wait3A_275 = arith.constant 0 : i32
        %dma_wait3A_276 = arith.constant 0 : i32
        %dma_wait3A_277 = tpu.memref_slice %arg18[%dma_wait3A_275, %dma_wait3A_276] : memref<128x128xf32, #tpu.memory_space<vmem_shared>> -> memref<128x128xf32, #tpu.memory_space<vmem_shared>>
        tpu.wait_indirect_dma semaphore(%run_scoped3A : memref<!tpu.dma_semaphore, #tpu.memory_space<semaphore_mem>>) src(%arg14 : memref<128x128xf32, #tpu.memory_space<vmem>>) dst(%dma_wait3A_277 : memref<128x128xf32, #tpu.memory_space<vmem_shared>>)
        tpu.yield
      }) : () -> ()
      %while3A_271 = arith.constant 0 : i32
      scf.yield %while3A_271 : i32
    }
    %while3A_170 = arith.constant 1 : i32
    %while3A_171 = scf.for %while3A_178 = %while3A_167 to %while3A_163 step %while3A_170 iter_args(%while3A_179 = %while3A_169) -> (i32)  : i32 {
      %get3A_180 = arith.index_cast %while3A_178 : i32 to index
      %get3A_181 = arith.constant 0 : index
      %get3A_182 = tpu.vector_load %arg11[%get3A_180, %get3A_181] {strides = array<i32>} : memref<79x128xi32, #tpu.memory_space<vmem>>, vector<16xi32>,
      %shift_right_arithmetic3A_183 = arith.constant 14 : i32
      %shift_right_arithmetic3A_184 = vector.broadcast %shift_right_arithmetic3A_183 : i32 to vector<16xi32>
      %shift_right_arithmetic3A_185 = arith.shrsi %get3A_182, %shift_right_arithmetic3A_184 : vector<16xi32>
      %swap3A = arith.constant 0 : index
      %swap3A_186 = tpu.vector_load %arg12[%swap3A] {strides = array<i32>} : memref<128xi32, #tpu.memory_space<vmem>>, vector<16xi32>,
      tpu.vector_store %arg12[%swap3A], %shift_right_arithmetic3A_185 {strides = array<i32>} : memref<128xi32, #tpu.memory_space<vmem>>, vector<16xi32>,
      %and3A_187 = arith.andi %get3A_182, %broadcast_in_dim3A_42 : vector<16xi32>
      %swap3A_188 = arith.constant 0 : index
      %swap3A_189 = tpu.vector_load %arg13[%swap3A_188] {strides = array<i32>} : memref<128xi32, #tpu.memory_space<vmem>>, vector<16xi32>,
      tpu.vector_store %arg13[%swap3A_188], %and3A_187 {strides = array<i32>} : memref<128xi32, #tpu.memory_space<vmem>>, vector<16xi32>,
      %get3A_190 = arith.index_cast %while3A_178 : i32 to index
      %get3A_191 = arith.constant 16 : index
      %get3A_192 = tpu.vector_load %arg11[%get3A_190, %get3A_191] {strides = array<i32>} : memref<79x128xi32, #tpu.memory_space<vmem>>, vector<16xi32>,
      %shift_right_arithmetic3A_193 = arith.constant 14 : i32
      %shift_right_arithmetic3A_194 = vector.broadcast %shift_right_arithmetic3A_193 : i32 to vector<16xi32>
      %shift_right_arithmetic3A_195 = arith.shrsi %get3A_192, %shift_right_arithmetic3A_194 : vector<16xi32>
      %swap3A_196 = arith.constant 16 : index
      %swap3A_197 = tpu.vector_load %arg12[%swap3A_196] {strides = array<i32>} : memref<128xi32, #tpu.memory_space<vmem>>, vector<16xi32>,
      tpu.vector_store %arg12[%swap3A_196], %shift_right_arithmetic3A_195 {strides = array<i32>} : memref<128xi32, #tpu.memory_space<vmem>>, vector<16xi32>,
      %and3A_198 = arith.andi %get3A_192, %broadcast_in_dim3A_42 : vector<16xi32>
      %swap3A_199 = arith.constant 16 : index
      %swap3A_200 = tpu.vector_load %arg13[%swap3A_199] {strides = array<i32>} : memref<128xi32, #tpu.memory_space<vmem>>, vector<16xi32>,
      tpu.vector_store %arg13[%swap3A_199], %and3A_198 {strides = array<i32>} : memref<128xi32, #tpu.memory_space<vmem>>, vector<16xi32>,
      %get3A_201 = arith.index_cast %while3A_178 : i32 to index
      %get3A_202 = arith.constant 32 : index
      %get3A_203 = tpu.vector_load %arg11[%get3A_201, %get3A_202] {strides = array<i32>} : memref<79x128xi32, #tpu.memory_space<vmem>>, vector<16xi32>,
      %shift_right_arithmetic3A_204 = arith.constant 14 : i32
      %shift_right_arithmetic3A_205 = vector.broadcast %shift_right_arithmetic3A_204 : i32 to vector<16xi32>
      %shift_right_arithmetic3A_206 = arith.shrsi %get3A_203, %shift_right_arithmetic3A_205 : vector<16xi32>
      %swap3A_207 = arith.constant 32 : index
      %swap3A_208 = tpu.vector_load %arg12[%swap3A_207] {strides = array<i32>} : memref<128xi32, #tpu.memory_space<vmem>>, vector<16xi32>,
      tpu.vector_store %arg12[%swap3A_207], %shift_right_arithmetic3A_206 {strides = array<i32>} : memref<128xi32, #tpu.memory_space<vmem>>, vector<16xi32>,
      %and3A_209 = arith.andi %get3A_203, %broadcast_in_dim3A_42 : vector<16xi32>
      %swap3A_210 = arith.constant 32 : index
      %swap3A_211 = tpu.vector_load %arg13[%swap3A_210] {strides = array<i32>} : memref<128xi32, #tpu.memory_space<vmem>>, vector<16xi32>,
      tpu.vector_store %arg13[%swap3A_210], %and3A_209 {strides = array<i32>} : memref<128xi32, #tpu.memory_space<vmem>>, vector<16xi32>,
      %get3A_212 = arith.index_cast %while3A_178 : i32 to index
      %get3A_213 = arith.constant 48 : index
      %get3A_214 = tpu.vector_load %arg11[%get3A_212, %get3A_213] {strides = array<i32>} : memref<79x128xi32, #tpu.memory_space<vmem>>, vector<16xi32>,
      %shift_right_arithmetic3A_215 = arith.constant 14 : i32
      %shift_right_arithmetic3A_216 = vector.broadcast %shift_right_arithmetic3A_215 : i32 to vector<16xi32>
      %shift_right_arithmetic3A_217 = arith.shrsi %get3A_214, %shift_right_arithmetic3A_216 : vector<16xi32>
      %swap3A_218 = arith.constant 48 : index
      %swap3A_219 = tpu.vector_load %arg12[%swap3A_218] {strides = array<i32>} : memref<128xi32, #tpu.memory_space<vmem>>, vector<16xi32>,
      tpu.vector_store %arg12[%swap3A_218], %shift_right_arithmetic3A_217 {strides = array<i32>} : memref<128xi32, #tpu.memory_space<vmem>>, vector<16xi32>,
      %and3A_220 = arith.andi %get3A_214, %broadcast_in_dim3A_42 : vector<16xi32>
      %swap3A_221 = arith.constant 48 : index
      %swap3A_222 = tpu.vector_load %arg13[%swap3A_221] {strides = array<i32>} : memref<128xi32, #tpu.memory_space<vmem>>, vector<16xi32>,
      tpu.vector_store %arg13[%swap3A_221], %and3A_220 {strides = array<i32>} : memref<128xi32, #tpu.memory_space<vmem>>, vector<16xi32>,
      %get3A_223 = arith.index_cast %while3A_178 : i32 to index
      %get3A_224 = arith.constant 64 : index
      %get3A_225 = tpu.vector_load %arg11[%get3A_223, %get3A_224] {strides = array<i32>} : memref<79x128xi32, #tpu.memory_space<vmem>>, vector<16xi32>,
      %shift_right_arithmetic3A_226 = arith.constant 14 : i32
      %shift_right_arithmetic3A_227 = vector.broadcast %shift_right_arithmetic3A_226 : i32 to vector<16xi32>
      %shift_right_arithmetic3A_228 = arith.shrsi %get3A_225, %shift_right_arithmetic3A_227 : vector<16xi32>
      %swap3A_229 = arith.constant 64 : index
      %swap3A_230 = tpu.vector_load %arg12[%swap3A_229] {strides = array<i32>} : memref<128xi32, #tpu.memory_space<vmem>>, vector<16xi32>,
      tpu.vector_store %arg12[%swap3A_229], %shift_right_arithmetic3A_228 {strides = array<i32>} : memref<128xi32, #tpu.memory_space<vmem>>, vector<16xi32>,
      %and3A_231 = arith.andi %get3A_225, %broadcast_in_dim3A_42 : vector<16xi32>
      %swap3A_232 = arith.constant 64 : index
      %swap3A_233 = tpu.vector_load %arg13[%swap3A_232] {strides = array<i32>} : memref<128xi32, #tpu.memory_space<vmem>>, vector<16xi32>,
      tpu.vector_store %arg13[%swap3A_232], %and3A_231 {strides = array<i32>} : memref<128xi32, #tpu.memory_space<vmem>>, vector<16xi32>,
      %get3A_234 = arith.index_cast %while3A_178 : i32 to index
      %get3A_235 = arith.constant 80 : index
      %get3A_236 = tpu.vector_load %arg11[%get3A_234, %get3A_235] {strides = array<i32>} : memref<79x128xi32, #tpu.memory_space<vmem>>, vector<16xi32>,
      %shift_right_arithmetic3A_237 = arith.constant 14 : i32
      %shift_right_arithmetic3A_238 = vector.broadcast %shift_right_arithmetic3A_237 : i32 to vector<16xi32>
      %shift_right_arithmetic3A_239 = arith.shrsi %get3A_236, %shift_right_arithmetic3A_238 : vector<16xi32>
      %swap3A_240 = arith.constant 80 : index
      %swap3A_241 = tpu.vector_load %arg12[%swap3A_240] {strides = array<i32>} : memref<128xi32, #tpu.memory_space<vmem>>, vector<16xi32>,
      tpu.vector_store %arg12[%swap3A_240], %shift_right_arithmetic3A_239 {strides = array<i32>} : memref<128xi32, #tpu.memory_space<vmem>>, vector<16xi32>,
      %and3A_242 = arith.andi %get3A_236, %broadcast_in_dim3A_42 : vector<16xi32>
      %swap3A_243 = arith.constant 80 : index
      %swap3A_244 = tpu.vector_load %arg13[%swap3A_243] {strides = array<i32>} : memref<128xi32, #tpu.memory_space<vmem>>, vector<16xi32>,
      tpu.vector_store %arg13[%swap3A_243], %and3A_242 {strides = array<i32>} : memref<128xi32, #tpu.memory_space<vmem>>, vector<16xi32>,
      %get3A_245 = arith.index_cast %while3A_178 : i32 to index
      %get3A_246 = arith.constant 96 : index
      %get3A_247 = tpu.vector_load %arg11[%get3A_245, %get3A_246] {strides = array<i32>} : memref<79x128xi32, #tpu.memory_space<vmem>>, vector<16xi32>,
      %shift_right_arithmetic3A_248 = arith.constant 14 : i32
      %shift_right_arithmetic3A_249 = vector.broadcast %shift_right_arithmetic3A_248 : i32 to vector<16xi32>
      %shift_right_arithmetic3A_250 = arith.shrsi %get3A_247, %shift_right_arithmetic3A_249 : vector<16xi32>
      %swap3A_251 = arith.constant 96 : index
      %swap3A_252 = tpu.vector_load %arg12[%swap3A_251] {strides = array<i32>} : memref<128xi32, #tpu.memory_space<vmem>>, vector<16xi32>,
      tpu.vector_store %arg12[%swap3A_251], %shift_right_arithmetic3A_250 {strides = array<i32>} : memref<128xi32, #tpu.memory_space<vmem>>, vector<16xi32>,
      %and3A_253 = arith.andi %get3A_247, %broadcast_in_dim3A_42 : vector<16xi32>
      %swap3A_254 = arith.constant 96 : index
      %swap3A_255 = tpu.vector_load %arg13[%swap3A_254] {strides = array<i32>} : memref<128xi32, #tpu.memory_space<vmem>>, vector<16xi32>,
      tpu.vector_store %arg13[%swap3A_254], %and3A_253 {strides = array<i32>} : memref<128xi32, #tpu.memory_space<vmem>>, vector<16xi32>,
      %get3A_256 = arith.index_cast %while3A_178 : i32 to index
      %get3A_257 = arith.constant 112 : index
      %get3A_258 = tpu.vector_load %arg11[%get3A_256, %get3A_257] {strides = array<i32>} : memref<79x128xi32, #tpu.memory_space<vmem>>, vector<16xi32>,
      %shift_right_arithmetic3A_259 = arith.constant 14 : i32
      %shift_right_arithmetic3A_260 = vector.broadcast %shift_right_arithmetic3A_259 : i32 to vector<16xi32>
      %shift_right_arithmetic3A_261 = arith.shrsi %get3A_258, %shift_right_arithmetic3A_260 : vector<16xi32>
      %swap3A_262 = arith.constant 112 : index
      %swap3A_263 = tpu.vector_load %arg12[%swap3A_262] {strides = array<i32>} : memref<128xi32, #tpu.memory_space<vmem>>, vector<16xi32>,
      tpu.vector_store %arg12[%swap3A_262], %shift_right_arithmetic3A_261 {strides = array<i32>} : memref<128xi32, #tpu.memory_space<vmem>>, vector<16xi32>,
      %and3A_264 = arith.andi %get3A_258, %broadcast_in_dim3A_42 : vector<16xi32>
      %swap3A_265 = arith.constant 112 : index
      %swap3A_266 = tpu.vector_load %arg13[%swap3A_265] {strides = array<i32>} : memref<128xi32, #tpu.memory_space<vmem>>, vector<16xi32>,
      tpu.vector_store %arg13[%swap3A_265], %and3A_264 {strides = array<i32>} : memref<128xi32, #tpu.memory_space<vmem>>, vector<16xi32>,
      %dma_start3A = arith.constant 0 : i32
      %dma_start3A_267 = arith.constant 0 : i32
      %dma_start3A_268 = tpu.memref_slice %arg2[%dma_start3A, %dma_start3A_267] : memref<10000x128xf32, #tpu.memory_space<hbm>> -> memref<10000x128xf32, #tpu.memory_space<hbm>>
      tpu.enqueue_indirect_dma source(%dma_start3A_268 : memref<10000x128xf32, #tpu.memory_space<hbm>>) target(%arg14 : memref<128x128xf32, #tpu.memory_space<vmem>>) offsets(%arg12 : memref<128xi32, #tpu.memory_space<vmem>>) semaphore(%arg19 : memref<!tpu.dma_semaphore, #tpu.memory_space<semaphore_mem>>)
      %dma_wait3A = arith.constant 0 : i32
      %dma_wait3A_269 = arith.constant 0 : i32
      %dma_wait3A_270 = tpu.memref_slice %arg2[%dma_wait3A, %dma_wait3A_269] : memref<10000x128xf32, #tpu.memory_space<hbm>> -> memref<10000x128xf32, #tpu.memory_space<hbm>>
      tpu.wait_indirect_dma semaphore(%arg19 : memref<!tpu.dma_semaphore, #tpu.memory_space<semaphore_mem>>) src(%dma_wait3A_270 : memref<10000x128xf32, #tpu.memory_space<hbm>>) dst(%arg14 : memref<128x128xf32, #tpu.memory_space<vmem>>)
      "tpu.region"() ({
        %run_scoped3A = tpu.sem_alloc : memref<!tpu.dma_semaphore, #tpu.memory_space<semaphore_mem>>
        %dma_start3A_272 = arith.constant 0 : i32
        %dma_start3A_273 = arith.constant 0 : i32
        %dma_start3A_274 = tpu.memref_slice %arg18[%dma_start3A_272, %dma_start3A_273] : memref<128x128xf32, #tpu.memory_space<vmem_shared>> -> memref<128x128xf32, #tpu.memory_space<vmem_shared>>
        tpu.enqueue_indirect_dma source(%arg14 : memref<128x128xf32, #tpu.memory_space<vmem>>) target(%dma_start3A_274 : memref<128x128xf32, #tpu.memory_space<vmem_shared>>) offsets(%arg13 : memref<128xi32, #tpu.memory_space<vmem>>) semaphore(%run_scoped3A : memref<!tpu.dma_semaphore, #tpu.memory_space<semaphore_mem>>) {add = true}
        %dma_wait3A_275 = arith.constant 0 : i32
        %dma_wait3A_276 = arith.constant 0 : i32
        %dma_wait3A_277 = tpu.memref_slice %arg18[%dma_wait3A_275, %dma_wait3A_276] : memref<128x128xf32, #tpu.memory_space<vmem_shared>> -> memref<128x128xf32, #tpu.memory_space<vmem_shared>>
        tpu.wait_indirect_dma semaphore(%run_scoped3A : memref<!tpu.dma_semaphore, #tpu.memory_space<semaphore_mem>>) src(%arg14 : memref<128x128xf32, #tpu.memory_space<vmem>>) dst(%dma_wait3A_277 : memref<128x128xf32, #tpu.memory_space<vmem_shared>>)
        tpu.yield
      }) : () -> ()
      %while3A_271 = arith.constant 0 : i32
      scf.yield %while3A_271 : i32
    }
    %barrier3A_172 = arith.constant 0 : index
    tpu.barrier barrier_id(%barrier3A_172)
    %eq3A_173 = arith.constant 0 : i32
    %eq3A_174 = arith.cmpi eq, %arg1, %eq3A_173 : i32
    %convert_element_type3A_175 = arith.extui %eq3A_174 : i1 to i32
    %cond3A_176 = arith.constant 0 : i32
    %cond3A_177 = arith.cmpi ne, %convert_element_type3A_175, %cond3A_176 : i32
    scf.if %cond3A_177 {
      %get3A_178 = arith.constant 0 : index
      %get3A_179 = tpu.vector_load %arg9[%get3A_178] {strides = array<i32>} : memref<80xi32, #tpu.memory_space<vmem>>, vector<16xi32>,
      %gather3A = tpu.vector_load_idx %arg10[%get3A_179] : memref<10000xi32, #tpu.memory_space<vmem>>[vector<16xi32>], vector<16xi32>,
      %sub3A_180 = arith.constant 1 : i32
      %sub3A_181 = vector.broadcast %sub3A_180 : i32 to vector<16xi32>
      %sub3A_182 = arith.subi %gather3A, %sub3A_181 : vector<16xi32>
      %swap3A = arith.constant 0 : index
      %swap3A_183 = tpu.vector_load %arg15[%swap3A] {strides = array<i32>} : memref<80xi32, #tpu.memory_space<vmem>>, vector<16xi32>,
      tpu.vector_store %arg15[%swap3A], %sub3A_182 {strides = array<i32>} : memref<80xi32, #tpu.memory_space<vmem>>, vector<16xi32>,
      %get3A_184 = arith.constant 16 : index
      %get3A_185 = tpu.vector_load %arg9[%get3A_184] {strides = array<i32>} : memref<80xi32, #tpu.memory_space<vmem>>, vector<16xi32>,
      %gather3A_186 = tpu.vector_load_idx %arg10[%get3A_185] : memref<10000xi32, #tpu.memory_space<vmem>>[vector<16xi32>], vector<16xi32>,
      %sub3A_187 = arith.constant 1 : i32
      %sub3A_188 = vector.broadcast %sub3A_187 : i32 to vector<16xi32>
      %sub3A_189 = arith.subi %gather3A_186, %sub3A_188 : vector<16xi32>
      %swap3A_190 = arith.constant 16 : index
      %swap3A_191 = tpu.vector_load %arg15[%swap3A_190] {strides = array<i32>} : memref<80xi32, #tpu.memory_space<vmem>>, vector<16xi32>,
      tpu.vector_store %arg15[%swap3A_190], %sub3A_189 {strides = array<i32>} : memref<80xi32, #tpu.memory_space<vmem>>, vector<16xi32>,
      %get3A_192 = arith.constant 32 : index
      %get3A_193 = tpu.vector_load %arg9[%get3A_192] {strides = array<i32>} : memref<80xi32, #tpu.memory_space<vmem>>, vector<16xi32>,
      %gather3A_194 = tpu.vector_load_idx %arg10[%get3A_193] : memref<10000xi32, #tpu.memory_space<vmem>>[vector<16xi32>], vector<16xi32>,
      %sub3A_195 = arith.constant 1 : i32
      %sub3A_196 = vector.broadcast %sub3A_195 : i32 to vector<16xi32>
      %sub3A_197 = arith.subi %gather3A_194, %sub3A_196 : vector<16xi32>
      %swap3A_198 = arith.constant 32 : index
      %swap3A_199 = tpu.vector_load %arg15[%swap3A_198] {strides = array<i32>} : memref<80xi32, #tpu.memory_space<vmem>>, vector<16xi32>,
      tpu.vector_store %arg15[%swap3A_198], %sub3A_197 {strides = array<i32>} : memref<80xi32, #tpu.memory_space<vmem>>, vector<16xi32>,
      %get3A_200 = arith.constant 48 : index
      %get3A_201 = tpu.vector_load %arg9[%get3A_200] {strides = array<i32>} : memref<80xi32, #tpu.memory_space<vmem>>, vector<16xi32>,
      %gather3A_202 = tpu.vector_load_idx %arg10[%get3A_201] : memref<10000xi32, #tpu.memory_space<vmem>>[vector<16xi32>], vector<16xi32>,
      %sub3A_203 = arith.constant 1 : i32
      %sub3A_204 = vector.broadcast %sub3A_203 : i32 to vector<16xi32>
      %sub3A_205 = arith.subi %gather3A_202, %sub3A_204 : vector<16xi32>
      %swap3A_206 = arith.constant 48 : index
      %swap3A_207 = tpu.vector_load %arg15[%swap3A_206] {strides = array<i32>} : memref<80xi32, #tpu.memory_space<vmem>>, vector<16xi32>,
      tpu.vector_store %arg15[%swap3A_206], %sub3A_205 {strides = array<i32>} : memref<80xi32, #tpu.memory_space<vmem>>, vector<16xi32>,
      %get3A_208 = arith.constant 64 : index
      %get3A_209 = tpu.vector_load %arg9[%get3A_208] {strides = array<i32>} : memref<80xi32, #tpu.memory_space<vmem>>, vector<16xi32>,
      %gather3A_210 = tpu.vector_load_idx %arg10[%get3A_209] : memref<10000xi32, #tpu.memory_space<vmem>>[vector<16xi32>], vector<16xi32>,
      %sub3A_211 = arith.constant 1 : i32
      %sub3A_212 = vector.broadcast %sub3A_211 : i32 to vector<16xi32>
      %sub3A_213 = arith.subi %gather3A_210, %sub3A_212 : vector<16xi32>
      %swap3A_214 = arith.constant 64 : index
      %swap3A_215 = tpu.vector_load %arg15[%swap3A_214] {strides = array<i32>} : memref<80xi32, #tpu.memory_space<vmem>>, vector<16xi32>,
      tpu.vector_store %arg15[%swap3A_214], %sub3A_213 {strides = array<i32>} : memref<80xi32, #tpu.memory_space<vmem>>, vector<16xi32>,
      %dma_start3A = arith.constant 0 : i32
      %dma_start3A_216 = arith.constant 0 : i32
      %dma_start3A_217 = tpu.memref_slice %arg18[%dma_start3A, %dma_start3A_216] : memref<128x128xf32, #tpu.memory_space<vmem_shared>> -> memref<128x128xf32, #tpu.memory_space<vmem_shared>>
      tpu.enqueue_indirect_dma source(%dma_start3A_217 : memref<128x128xf32, #tpu.memory_space<vmem_shared>>) target(%arg16 : memref<80x128xf32, #tpu.memory_space<vmem>>) offsets(%arg15 : memref<80xi32, #tpu.memory_space<vmem>>) semaphore(%arg19 : memref<!tpu.dma_semaphore, #tpu.memory_space<semaphore_mem>>)
      %dma_wait3A = arith.constant 0 : i32
      %dma_wait3A_218 = arith.constant 0 : i32
      %dma_wait3A_219 = tpu.memref_slice %arg18[%dma_wait3A, %dma_wait3A_218] : memref<128x128xf32, #tpu.memory_space<vmem_shared>> -> memref<128x128xf32, #tpu.memory_space<vmem_shared>>
      tpu.wait_indirect_dma semaphore(%arg19 : memref<!tpu.dma_semaphore, #tpu.memory_space<semaphore_mem>>) src(%dma_wait3A_219 : memref<128x128xf32, #tpu.memory_space<vmem_shared>>) dst(%arg16 : memref<80x128xf32, #tpu.memory_space<vmem>>)
      "tpu.region"() ({
        %run_scoped3A = tpu.sem_alloc : memref<!tpu.dma_semaphore, #tpu.memory_space<semaphore_mem>>
        %dma_start3A_220 = arith.constant 0 : i32
        %dma_start3A_221 = arith.constant 0 : i32
        %dma_start3A_222 = tpu.memref_slice %arg6[%arg0, %dma_start3A_220, %dma_start3A_221] : memref<2x80x128xf32, #tpu.memory_space<hbm>> -> memref<1x80x128xf32, #tpu.memory_space<hbm>>
        %dma_start3A_223 = tpu.memref_squeeze %dma_start3A_222 : memref<1x80x128xf32, #tpu.memory_space<hbm>> -> memref<80x128xf32, #tpu.memory_space<hbm>>
        %dma_start3A_224 = arith.constant 0 : i32
        %dma_start3A_225 = arith.constant 0 : i32
        %dma_start3A_226 = tpu.memref_slice %arg6[%arg0, %dma_start3A_224, %dma_start3A_225] : memref<2x80x128xf32, #tpu.memory_space<hbm>> -> memref<1x80x128xf32, #tpu.memory_space<hbm>>
        %dma_start3A_227 = tpu.memref_squeeze %dma_start3A_226 : memref<1x80x128xf32, #tpu.memory_space<hbm>> -> memref<80x128xf32, #tpu.memory_space<hbm>>
        tpu.enqueue_dma source(%arg16 : memref<80x128xf32, #tpu.memory_space<vmem>>) target(%dma_start3A_227 : memref<80x128xf32, #tpu.memory_space<hbm>>) target_semaphore(%run_scoped3A : memref<!tpu.dma_semaphore, #tpu.memory_space<semaphore_mem>>)
        %dma_wait3A_228 = arith.constant 0 : i32
        %dma_wait3A_229 = arith.constant 0 : i32
        %dma_wait3A_230 = tpu.memref_slice %arg6[%arg0, %dma_wait3A_228, %dma_wait3A_229] : memref<2x80x128xf32, #tpu.memory_space<hbm>> -> memref<1x80x128xf32, #tpu.memory_space<hbm>>
        %dma_wait3A_231 = tpu.memref_squeeze %dma_wait3A_230 : memref<1x80x128xf32, #tpu.memory_space<hbm>> -> memref<80x128xf32, #tpu.memory_space<hbm>>
        %dma_wait3A_232 = arith.constant 0 : i32
        %dma_wait3A_233 = arith.constant 0 : i32
        %dma_wait3A_234 = tpu.memref_slice %arg6[%arg0, %dma_wait3A_232, %dma_wait3A_233] : memref<2x80x128xf32, #tpu.memory_space<hbm>> -> memref<1x80x128xf32, #tpu.memory_space<hbm>>
        %dma_wait3A_235 = tpu.memref_squeeze %dma_wait3A_234 : memref<1x80x128xf32, #tpu.memory_space<hbm>> -> memref<80x128xf32, #tpu.memory_space<hbm>>
        tpu.wait_dma2 semaphore(%run_scoped3A : memref<!tpu.dma_semaphore, #tpu.memory_space<semaphore_mem>>) src(%arg16 : memref<80x128xf32, #tpu.memory_space<vmem>>) dst(%dma_wait3A_235 : memref<80x128xf32, #tpu.memory_space<hbm>>)
        tpu.yield
      }) : () -> ()
    } else {
    }
    return
  }
}

#map = affine_map<(d0, d1) -> (0, 0)>
#map1 = affine_map<(d0, d1) -> (0, 0, 0)>
module attributes {stable_mosaic.version = 14 : i64} {
  func.func @_seg1_body(%arg0: i32, %arg1: i32, %arg2: memref<10000x128xf32, #tpu.memory_space<hbm>>, %arg3: memref<32x125x80xi32, #tpu.memory_space<hbm>>, %arg4: memref<10016x128xf32, #tpu.memory_space<hbm>>, %arg5: memref<1x10000xi32, #tpu.memory_space<hbm>>, %arg6: memref<2x10000x128xf32, #tpu.memory_space<hbm>>, %arg7: memref<125x80xi32, #tpu.memory_space<vmem>>, %arg8: memref<10000xi32, #tpu.memory_space<vmem>>, %arg9: memref<79x128xi32, #tpu.memory_space<vmem>>, %arg10: memref<128xi32, #tpu.memory_space<vmem>>, %arg11: memref<128xi32, #tpu.memory_space<vmem>>, %arg12: memref<128x128xf32, #tpu.memory_space<vmem>>, %arg13: memref<10016x128xf32, #tpu.memory_space<vmem_shared>>, %arg14: memref<!tpu.dma_semaphore, #tpu.memory_space<semaphore_mem>>) attributes {dimension_semantics = [#tpu.dimension_semantics<core_parallel>, #tpu.dimension_semantics<subcore_parallel>], iteration_bounds = array<i64: 2, 16>, scalar_prefetch = 0 : i64, scratch_operands = 8 : i64, tpu.core_type = #tpu.core_type<sc_vector_subcore>, window_params = [{transform_indices = #map}, {transform_indices = #map1}, {transform_indices = #map}, {transform_indices = #map}, {transform_indices = #map1}]} {
    %mul3A = arith.constant 16 : i32
    %mul3A_0 = arith.muli %arg0, %mul3A : i32
    %add3A = arith.addi %mul3A_0, %arg1 : i32
    %mul3A_1 = arith.constant 626 : i32
    %mul3A_2 = arith.muli %arg1, %mul3A_1 : i32
    %mul3A_3 = arith.constant 626 : i32
    %mul3A_4 = arith.muli %arg1, %mul3A_3 : i32
    "tpu.region"() ({
      %run_scoped3A_141 = tpu.sem_alloc : memref<!tpu.dma_semaphore, #tpu.memory_space<semaphore_mem>>
      %dma_start3A = arith.constant 0 : i32
      %dma_start3A_142 = tpu.memref_slice %arg13[%mul3A_4, %dma_start3A] : memref<10016x128xf32, #tpu.memory_space<vmem_shared>> -> memref<626x128xf32, #tpu.memory_space<vmem_shared>>
      %dma_start3A_143 = arith.constant 0 : i32
      %dma_start3A_144 = tpu.memref_slice %arg4[%mul3A_2, %dma_start3A_143] : memref<10016x128xf32, #tpu.memory_space<hbm>> -> memref<626x128xf32, #tpu.memory_space<hbm>>
      tpu.enqueue_dma source(%dma_start3A_144 : memref<626x128xf32, #tpu.memory_space<hbm>>) target(%dma_start3A_142 : memref<626x128xf32, #tpu.memory_space<vmem_shared>>) target_semaphore(%run_scoped3A_141 : memref<!tpu.dma_semaphore, #tpu.memory_space<semaphore_mem>>)
      %dma_wait3A = arith.constant 0 : i32
      %dma_wait3A_145 = tpu.memref_slice %arg13[%mul3A_4, %dma_wait3A] : memref<10016x128xf32, #tpu.memory_space<vmem_shared>> -> memref<626x128xf32, #tpu.memory_space<vmem_shared>>
      %dma_wait3A_146 = arith.constant 0 : i32
      %dma_wait3A_147 = tpu.memref_slice %arg4[%mul3A_2, %dma_wait3A_146] : memref<10016x128xf32, #tpu.memory_space<hbm>> -> memref<626x128xf32, #tpu.memory_space<hbm>>
      tpu.wait_dma2 semaphore(%run_scoped3A_141 : memref<!tpu.dma_semaphore, #tpu.memory_space<semaphore_mem>>) src(%dma_wait3A_147 : memref<626x128xf32, #tpu.memory_space<hbm>>) dst(%dma_wait3A_145 : memref<626x128xf32, #tpu.memory_space<vmem_shared>>)
      tpu.yield
    }) : () -> ()
    "tpu.region"() ({
      %run_scoped3A_141 = tpu.sem_alloc : memref<!tpu.dma_semaphore, #tpu.memory_space<semaphore_mem>>
      %dma_start3A = arith.constant 0 : i32
      %dma_start3A_142 = arith.constant 0 : i32
      %dma_start3A_143 = tpu.memref_slice %arg3[%add3A, %dma_start3A, %dma_start3A_142] : memref<32x125x80xi32, #tpu.memory_space<hbm>> -> memref<1x125x80xi32, #tpu.memory_space<hbm>>
      %dma_start3A_144 = tpu.memref_squeeze %dma_start3A_143 : memref<1x125x80xi32, #tpu.memory_space<hbm>> -> memref<125x80xi32, #tpu.memory_space<hbm>>
      %dma_start3A_145 = arith.constant 0 : i32
      %dma_start3A_146 = arith.constant 0 : i32
      %dma_start3A_147 = tpu.memref_slice %arg3[%add3A, %dma_start3A_145, %dma_start3A_146] : memref<32x125x80xi32, #tpu.memory_space<hbm>> -> memref<1x125x80xi32, #tpu.memory_space<hbm>>
      %dma_start3A_148 = tpu.memref_squeeze %dma_start3A_147 : memref<1x125x80xi32, #tpu.memory_space<hbm>> -> memref<125x80xi32, #tpu.memory_space<hbm>>
      tpu.enqueue_dma source(%dma_start3A_148 : memref<125x80xi32, #tpu.memory_space<hbm>>) target(%arg7 : memref<125x80xi32, #tpu.memory_space<vmem>>) target_semaphore(%run_scoped3A_141 : memref<!tpu.dma_semaphore, #tpu.memory_space<semaphore_mem>>)
      %dma_wait3A = arith.constant 0 : i32
      %dma_wait3A_149 = arith.constant 0 : i32
      %dma_wait3A_150 = tpu.memref_slice %arg3[%add3A, %dma_wait3A, %dma_wait3A_149] : memref<32x125x80xi32, #tpu.memory_space<hbm>> -> memref<1x125x80xi32, #tpu.memory_space<hbm>>
      %dma_wait3A_151 = tpu.memref_squeeze %dma_wait3A_150 : memref<1x125x80xi32, #tpu.memory_space<hbm>> -> memref<125x80xi32, #tpu.memory_space<hbm>>
      %dma_wait3A_152 = arith.constant 0 : i32
      %dma_wait3A_153 = arith.constant 0 : i32
      %dma_wait3A_154 = tpu.memref_slice %arg3[%add3A, %dma_wait3A_152, %dma_wait3A_153] : memref<32x125x80xi32, #tpu.memory_space<hbm>> -> memref<1x125x80xi32, #tpu.memory_space<hbm>>
      %dma_wait3A_155 = tpu.memref_squeeze %dma_wait3A_154 : memref<1x125x80xi32, #tpu.memory_space<hbm>> -> memref<125x80xi32, #tpu.memory_space<hbm>>
      tpu.wait_dma2 semaphore(%run_scoped3A_141 : memref<!tpu.dma_semaphore, #tpu.memory_space<semaphore_mem>>) src(%dma_wait3A_155 : memref<125x80xi32, #tpu.memory_space<hbm>>) dst(%arg7 : memref<125x80xi32, #tpu.memory_space<vmem>>)
      tpu.yield
    }) : () -> ()
    %run_scoped3A = arith.constant 0 : i32
    "tpu.region"() ({
      %run_scoped3A_141 = tpu.sem_alloc : memref<!tpu.dma_semaphore, #tpu.memory_space<semaphore_mem>>
      %dma_start3A = arith.constant 0 : i32
      %dma_start3A_142 = tpu.memref_slice %arg5[%run_scoped3A, %dma_start3A] : memref<1x10000xi32, #tpu.memory_space<hbm>> -> memref<1x10000xi32, #tpu.memory_space<hbm>>
      %dma_start3A_143 = tpu.memref_squeeze %dma_start3A_142 : memref<1x10000xi32, #tpu.memory_space<hbm>> -> memref<10000xi32, #tpu.memory_space<hbm>>
      %dma_start3A_144 = arith.constant 0 : i32
      %dma_start3A_145 = tpu.memref_slice %arg5[%run_scoped3A, %dma_start3A_144] : memref<1x10000xi32, #tpu.memory_space<hbm>> -> memref<1x10000xi32, #tpu.memory_space<hbm>>
      %dma_start3A_146 = tpu.memref_squeeze %dma_start3A_145 : memref<1x10000xi32, #tpu.memory_space<hbm>> -> memref<10000xi32, #tpu.memory_space<hbm>>
      tpu.enqueue_dma source(%dma_start3A_146 : memref<10000xi32, #tpu.memory_space<hbm>>) target(%arg8 : memref<10000xi32, #tpu.memory_space<vmem>>) target_semaphore(%run_scoped3A_141 : memref<!tpu.dma_semaphore, #tpu.memory_space<semaphore_mem>>)
      %dma_wait3A = arith.constant 0 : i32
      %dma_wait3A_147 = tpu.memref_slice %arg5[%run_scoped3A, %dma_wait3A] : memref<1x10000xi32, #tpu.memory_space<hbm>> -> memref<1x10000xi32, #tpu.memory_space<hbm>>
      %dma_wait3A_148 = tpu.memref_squeeze %dma_wait3A_147 : memref<1x10000xi32, #tpu.memory_space<hbm>> -> memref<10000xi32, #tpu.memory_space<hbm>>
      %dma_wait3A_149 = arith.constant 0 : i32
      %dma_wait3A_150 = tpu.memref_slice %arg5[%run_scoped3A, %dma_wait3A_149] : memref<1x10000xi32, #tpu.memory_space<hbm>> -> memref<1x10000xi32, #tpu.memory_space<hbm>>
      %dma_wait3A_151 = tpu.memref_squeeze %dma_wait3A_150 : memref<1x10000xi32, #tpu.memory_space<hbm>> -> memref<10000xi32, #tpu.memory_space<hbm>>
      tpu.wait_dma2 semaphore(%run_scoped3A_141 : memref<!tpu.dma_semaphore, #tpu.memory_space<semaphore_mem>>) src(%dma_wait3A_151 : memref<10000xi32, #tpu.memory_space<hbm>>) dst(%arg8 : memref<10000xi32, #tpu.memory_space<vmem>>)
      tpu.yield
    }) : () -> ()
    %broadcast_in_dim3A = arith.constant 16383 : i32
    %broadcast_in_dim3A_5 = vector.broadcast %broadcast_in_dim3A : i32 to vector<16xi32>
    %broadcast_in_dim3A_6 = arith.constant 0 : i32
    %broadcast_in_dim3A_7 = vector.broadcast %broadcast_in_dim3A_6 : i32 to vector<16xi32>
    %scan3A = arith.constant 0 : i32
    %scan3A_8 = arith.constant 125 : i32
    %scan3A_9 = arith.addi %scan3A, %scan3A_8 : i32
    %scan3A_10 = arith.constant 1 : i32
    %scan3A_11 = scf.for %scan3A_141 = %scan3A to %scan3A_9 step %scan3A_10 iter_args(%scan3A_142 = %broadcast_in_dim3A_7) -> (vector<16xi32>)  : i32 {
      %get3A = arith.index_cast %scan3A_141 : i32 to index
      %get3A_143 = arith.constant 0 : index
      %get3A_144 = tpu.vector_load %arg7[%get3A, %get3A_143] {strides = array<i32>} : memref<125x80xi32, #tpu.memory_space<vmem>>, vector<16xi32>,
      %and3A_145 = arith.andi %get3A_144, %broadcast_in_dim3A_5 : vector<16xi32>
      %gather3A = tpu.vector_load_idx %arg8[%and3A_145] : memref<10000xi32, #tpu.memory_space<vmem>>[vector<16xi32>], vector<16xi32>,
      %gt3A = arith.constant 0 : i32
      %gt3A_146 = vector.broadcast %gt3A : i32 to vector<16xi32>
      %gt3A_147 = arith.cmpi sgt, %gather3A, %gt3A_146 : vector<16xi32>
      %jit3A = arith.constant 1 : i32
      %jit3A_148 = arith.constant 0 : i32
      %broadcast_in_dim3A_149 = vector.broadcast %jit3A : i32 to vector<16xi32>
      %broadcast_in_dim3A_150 = vector.broadcast %jit3A_148 : i32 to vector<16xi32>
      %select_n3A = arith.select %gt3A_147, %broadcast_in_dim3A_149, %broadcast_in_dim3A_150 : vector<16xi1>, vector<16xi32>
      %broadcast_in_dim3A_151 = arith.constant true
      %broadcast_in_dim3A_152 = vector.broadcast %broadcast_in_dim3A_151 : i1 to vector<16xi1>
      %masked_cumsum3A = tpu.scan <sum>, %select_n3A masked %broadcast_in_dim3A_152 : vector<16xi32>, vector<16xi1> -> vector<16xi32>
      %add3A_153 = arith.addi %scan3A_142, %masked_cumsum3A : vector<16xi32>
      %sub3A_154 = arith.constant 1 : i32
      %sub3A_155 = vector.broadcast %sub3A_154 : i32 to vector<16xi32>
      %sub3A_156 = arith.subi %add3A_153, %sub3A_155 : vector<16xi32>
      %shift_right_arithmetic3A_157 = arith.constant 7 : i32
      %shift_right_arithmetic3A_158 = vector.broadcast %shift_right_arithmetic3A_157 : i32 to vector<16xi32>
      %shift_right_arithmetic3A_159 = arith.shrsi %sub3A_156, %shift_right_arithmetic3A_158 : vector<16xi32>
      %and3A_160 = arith.constant 127 : i32
      %and3A_161 = vector.broadcast %and3A_160 : i32 to vector<16xi32>
      %and3A_162 = arith.andi %sub3A_156, %and3A_161 : vector<16xi32>
      tpu.vector_store_idx %arg9[%shift_right_arithmetic3A_159, %and3A_162], %get3A_144 masked %gt3A_147 : memref<79x128xi32, #tpu.memory_space<vmem>>[vector<16xi32>, vector<16xi32>], vector<16xi32>, vector<16xi1>
      %all_reduce_population_count3A = tpu.all_reduce %gt3A_147 {dim = 0 : i64, kind = #tpu.reduction_kind<sum>} : vector<16xi1> -> vector<16xi32>
      %add3A_163 = arith.addi %scan3A_142, %all_reduce_population_count3A : vector<16xi32>
      %get3A_164 = arith.index_cast %scan3A_141 : i32 to index
      %get3A_165 = arith.constant 16 : index
      %get3A_166 = tpu.vector_load %arg7[%get3A_164, %get3A_165] {strides = array<i32>} : memref<125x80xi32, #tpu.memory_space<vmem>>, vector<16xi32>,
      %and3A_167 = arith.andi %get3A_166, %broadcast_in_dim3A_5 : vector<16xi32>
      %gather3A_168 = tpu.vector_load_idx %arg8[%and3A_167] : memref<10000xi32, #tpu.memory_space<vmem>>[vector<16xi32>], vector<16xi32>,
      %gt3A_169 = arith.constant 0 : i32
      %gt3A_170 = vector.broadcast %gt3A_169 : i32 to vector<16xi32>
      %gt3A_171 = arith.cmpi sgt, %gather3A_168, %gt3A_170 : vector<16xi32>
      %jit3A_172 = arith.constant 1 : i32
      %jit3A_173 = arith.constant 0 : i32
      %broadcast_in_dim3A_174 = vector.broadcast %jit3A_172 : i32 to vector<16xi32>
      %broadcast_in_dim3A_175 = vector.broadcast %jit3A_173 : i32 to vector<16xi32>
      %select_n3A_176 = arith.select %gt3A_171, %broadcast_in_dim3A_174, %broadcast_in_dim3A_175 : vector<16xi1>, vector<16xi32>
      %broadcast_in_dim3A_177 = arith.constant true
      %broadcast_in_dim3A_178 = vector.broadcast %broadcast_in_dim3A_177 : i1 to vector<16xi1>
      %masked_cumsum3A_179 = tpu.scan <sum>, %select_n3A_176 masked %broadcast_in_dim3A_178 : vector<16xi32>, vector<16xi1> -> vector<16xi32>
      %add3A_180 = arith.addi %add3A_163, %masked_cumsum3A_179 : vector<16xi32>
      %sub3A_181 = arith.constant 1 : i32
      %sub3A_182 = vector.broadcast %sub3A_181 : i32 to vector<16xi32>
      %sub3A_183 = arith.subi %add3A_180, %sub3A_182 : vector<16xi32>
      %shift_right_arithmetic3A_184 = arith.constant 7 : i32
      %shift_right_arithmetic3A_185 = vector.broadcast %shift_right_arithmetic3A_184 : i32 to vector<16xi32>
      %shift_right_arithmetic3A_186 = arith.shrsi %sub3A_183, %shift_right_arithmetic3A_185 : vector<16xi32>
      %and3A_187 = arith.constant 127 : i32
      %and3A_188 = vector.broadcast %and3A_187 : i32 to vector<16xi32>
      %and3A_189 = arith.andi %sub3A_183, %and3A_188 : vector<16xi32>
      tpu.vector_store_idx %arg9[%shift_right_arithmetic3A_186, %and3A_189], %get3A_166 masked %gt3A_171 : memref<79x128xi32, #tpu.memory_space<vmem>>[vector<16xi32>, vector<16xi32>], vector<16xi32>, vector<16xi1>
      %all_reduce_population_count3A_190 = tpu.all_reduce %gt3A_171 {dim = 0 : i64, kind = #tpu.reduction_kind<sum>} : vector<16xi1> -> vector<16xi32>
      %add3A_191 = arith.addi %add3A_163, %all_reduce_population_count3A_190 : vector<16xi32>
      %get3A_192 = arith.index_cast %scan3A_141 : i32 to index
      %get3A_193 = arith.constant 32 : index
      %get3A_194 = tpu.vector_load %arg7[%get3A_192, %get3A_193] {strides = array<i32>} : memref<125x80xi32, #tpu.memory_space<vmem>>, vector<16xi32>,
      %and3A_195 = arith.andi %get3A_194, %broadcast_in_dim3A_5 : vector<16xi32>
      %gather3A_196 = tpu.vector_load_idx %arg8[%and3A_195] : memref<10000xi32, #tpu.memory_space<vmem>>[vector<16xi32>], vector<16xi32>,
      %gt3A_197 = arith.constant 0 : i32
      %gt3A_198 = vector.broadcast %gt3A_197 : i32 to vector<16xi32>
      %gt3A_199 = arith.cmpi sgt, %gather3A_196, %gt3A_198 : vector<16xi32>
      %jit3A_200 = arith.constant 1 : i32
      %jit3A_201 = arith.constant 0 : i32
      %broadcast_in_dim3A_202 = vector.broadcast %jit3A_200 : i32 to vector<16xi32>
      %broadcast_in_dim3A_203 = vector.broadcast %jit3A_201 : i32 to vector<16xi32>
      %select_n3A_204 = arith.select %gt3A_199, %broadcast_in_dim3A_202, %broadcast_in_dim3A_203 : vector<16xi1>, vector<16xi32>
      %broadcast_in_dim3A_205 = arith.constant true
      %broadcast_in_dim3A_206 = vector.broadcast %broadcast_in_dim3A_205 : i1 to vector<16xi1>
      %masked_cumsum3A_207 = tpu.scan <sum>, %select_n3A_204 masked %broadcast_in_dim3A_206 : vector<16xi32>, vector<16xi1> -> vector<16xi32>
      %add3A_208 = arith.addi %add3A_191, %masked_cumsum3A_207 : vector<16xi32>
      %sub3A_209 = arith.constant 1 : i32
      %sub3A_210 = vector.broadcast %sub3A_209 : i32 to vector<16xi32>
      %sub3A_211 = arith.subi %add3A_208, %sub3A_210 : vector<16xi32>
      %shift_right_arithmetic3A_212 = arith.constant 7 : i32
      %shift_right_arithmetic3A_213 = vector.broadcast %shift_right_arithmetic3A_212 : i32 to vector<16xi32>
      %shift_right_arithmetic3A_214 = arith.shrsi %sub3A_211, %shift_right_arithmetic3A_213 : vector<16xi32>
      %and3A_215 = arith.constant 127 : i32
      %and3A_216 = vector.broadcast %and3A_215 : i32 to vector<16xi32>
      %and3A_217 = arith.andi %sub3A_211, %and3A_216 : vector<16xi32>
      tpu.vector_store_idx %arg9[%shift_right_arithmetic3A_214, %and3A_217], %get3A_194 masked %gt3A_199 : memref<79x128xi32, #tpu.memory_space<vmem>>[vector<16xi32>, vector<16xi32>], vector<16xi32>, vector<16xi1>
      %all_reduce_population_count3A_218 = tpu.all_reduce %gt3A_199 {dim = 0 : i64, kind = #tpu.reduction_kind<sum>} : vector<16xi1> -> vector<16xi32>
      %add3A_219 = arith.addi %add3A_191, %all_reduce_population_count3A_218 : vector<16xi32>
      %get3A_220 = arith.index_cast %scan3A_141 : i32 to index
      %get3A_221 = arith.constant 48 : index
      %get3A_222 = tpu.vector_load %arg7[%get3A_220, %get3A_221] {strides = array<i32>} : memref<125x80xi32, #tpu.memory_space<vmem>>, vector<16xi32>,
      %and3A_223 = arith.andi %get3A_222, %broadcast_in_dim3A_5 : vector<16xi32>
      %gather3A_224 = tpu.vector_load_idx %arg8[%and3A_223] : memref<10000xi32, #tpu.memory_space<vmem>>[vector<16xi32>], vector<16xi32>,
      %gt3A_225 = arith.constant 0 : i32
      %gt3A_226 = vector.broadcast %gt3A_225 : i32 to vector<16xi32>
      %gt3A_227 = arith.cmpi sgt, %gather3A_224, %gt3A_226 : vector<16xi32>
      %jit3A_228 = arith.constant 1 : i32
      %jit3A_229 = arith.constant 0 : i32
      %broadcast_in_dim3A_230 = vector.broadcast %jit3A_228 : i32 to vector<16xi32>
      %broadcast_in_dim3A_231 = vector.broadcast %jit3A_229 : i32 to vector<16xi32>
      %select_n3A_232 = arith.select %gt3A_227, %broadcast_in_dim3A_230, %broadcast_in_dim3A_231 : vector<16xi1>, vector<16xi32>
      %broadcast_in_dim3A_233 = arith.constant true
      %broadcast_in_dim3A_234 = vector.broadcast %broadcast_in_dim3A_233 : i1 to vector<16xi1>
      %masked_cumsum3A_235 = tpu.scan <sum>, %select_n3A_232 masked %broadcast_in_dim3A_234 : vector<16xi32>, vector<16xi1> -> vector<16xi32>
      %add3A_236 = arith.addi %add3A_219, %masked_cumsum3A_235 : vector<16xi32>
      %sub3A_237 = arith.constant 1 : i32
      %sub3A_238 = vector.broadcast %sub3A_237 : i32 to vector<16xi32>
      %sub3A_239 = arith.subi %add3A_236, %sub3A_238 : vector<16xi32>
      %shift_right_arithmetic3A_240 = arith.constant 7 : i32
      %shift_right_arithmetic3A_241 = vector.broadcast %shift_right_arithmetic3A_240 : i32 to vector<16xi32>
      %shift_right_arithmetic3A_242 = arith.shrsi %sub3A_239, %shift_right_arithmetic3A_241 : vector<16xi32>
      %and3A_243 = arith.constant 127 : i32
      %and3A_244 = vector.broadcast %and3A_243 : i32 to vector<16xi32>
      %and3A_245 = arith.andi %sub3A_239, %and3A_244 : vector<16xi32>
      tpu.vector_store_idx %arg9[%shift_right_arithmetic3A_242, %and3A_245], %get3A_222 masked %gt3A_227 : memref<79x128xi32, #tpu.memory_space<vmem>>[vector<16xi32>, vector<16xi32>], vector<16xi32>, vector<16xi1>
      %all_reduce_population_count3A_246 = tpu.all_reduce %gt3A_227 {dim = 0 : i64, kind = #tpu.reduction_kind<sum>} : vector<16xi1> -> vector<16xi32>
      %add3A_247 = arith.addi %add3A_219, %all_reduce_population_count3A_246 : vector<16xi32>
      %get3A_248 = arith.index_cast %scan3A_141 : i32 to index
      %get3A_249 = arith.constant 64 : index
      %get3A_250 = tpu.vector_load %arg7[%get3A_248, %get3A_249] {strides = array<i32>} : memref<125x80xi32, #tpu.memory_space<vmem>>, vector<16xi32>,
      %and3A_251 = arith.andi %get3A_250, %broadcast_in_dim3A_5 : vector<16xi32>
      %gather3A_252 = tpu.vector_load_idx %arg8[%and3A_251] : memref<10000xi32, #tpu.memory_space<vmem>>[vector<16xi32>], vector<16xi32>,
      %gt3A_253 = arith.constant 0 : i32
      %gt3A_254 = vector.broadcast %gt3A_253 : i32 to vector<16xi32>
      %gt3A_255 = arith.cmpi sgt, %gather3A_252, %gt3A_254 : vector<16xi32>
      %jit3A_256 = arith.constant 1 : i32
      %jit3A_257 = arith.constant 0 : i32
      %broadcast_in_dim3A_258 = vector.broadcast %jit3A_256 : i32 to vector<16xi32>
      %broadcast_in_dim3A_259 = vector.broadcast %jit3A_257 : i32 to vector<16xi32>
      %select_n3A_260 = arith.select %gt3A_255, %broadcast_in_dim3A_258, %broadcast_in_dim3A_259 : vector<16xi1>, vector<16xi32>
      %broadcast_in_dim3A_261 = arith.constant true
      %broadcast_in_dim3A_262 = vector.broadcast %broadcast_in_dim3A_261 : i1 to vector<16xi1>
      %masked_cumsum3A_263 = tpu.scan <sum>, %select_n3A_260 masked %broadcast_in_dim3A_262 : vector<16xi32>, vector<16xi1> -> vector<16xi32>
      %add3A_264 = arith.addi %add3A_247, %masked_cumsum3A_263 : vector<16xi32>
      %sub3A_265 = arith.constant 1 : i32
      %sub3A_266 = vector.broadcast %sub3A_265 : i32 to vector<16xi32>
      %sub3A_267 = arith.subi %add3A_264, %sub3A_266 : vector<16xi32>
      %shift_right_arithmetic3A_268 = arith.constant 7 : i32
      %shift_right_arithmetic3A_269 = vector.broadcast %shift_right_arithmetic3A_268 : i32 to vector<16xi32>
      %shift_right_arithmetic3A_270 = arith.shrsi %sub3A_267, %shift_right_arithmetic3A_269 : vector<16xi32>
      %and3A_271 = arith.constant 127 : i32
      %and3A_272 = vector.broadcast %and3A_271 : i32 to vector<16xi32>
      %and3A_273 = arith.andi %sub3A_267, %and3A_272 : vector<16xi32>
      tpu.vector_store_idx %arg9[%shift_right_arithmetic3A_270, %and3A_273], %get3A_250 masked %gt3A_255 : memref<79x128xi32, #tpu.memory_space<vmem>>[vector<16xi32>, vector<16xi32>], vector<16xi32>, vector<16xi1>
      %all_reduce_population_count3A_274 = tpu.all_reduce %gt3A_255 {dim = 0 : i64, kind = #tpu.reduction_kind<sum>} : vector<16xi1> -> vector<16xi32>
      %add3A_275 = arith.addi %add3A_247, %all_reduce_population_count3A_274 : vector<16xi32>
      scf.yield %add3A_275 : vector<16xi32>
    }
    %scan3A_12 = arith.constant 125 : i32
    %reduce_max3A = arith.constant true
    %reduce_max3A_13 = vector.broadcast %reduce_max3A : i1 to vector<16xi1>
    %reduce_max3A_14 = arith.constant -2147483648 : i32
    %reduce_max3A_15 = vector.broadcast %reduce_max3A_14 : i32 to vector<16xi32>
    %reduce_max3A_16 = arith.xori %scan3A_11, %reduce_max3A_15 : vector<16xi32>
    %reduce_max3A_17 = tpu.scan <max>, %reduce_max3A_16 masked %reduce_max3A_13 : vector<16xi32>, vector<16xi1> -> vector<16xi32>
    %reduce_max3A_18 = arith.xori %reduce_max3A_17, %reduce_max3A_15 : vector<16xi32>
    %reduce_max3A_19 = vector.extract %reduce_max3A_18[15] : i32 from vector<16xi32>
    %add3A_20 = arith.constant 128 : i32
    %add3A_21 = arith.addi %reduce_max3A_19, %add3A_20 : i32
    %sub3A = arith.constant 1 : i32
    %sub3A_22 = arith.subi %add3A_21, %sub3A : i32
    %shift_right_arithmetic3A = arith.constant 7 : i32
    %shift_right_arithmetic3A_23 = arith.shrsi %sub3A_22, %shift_right_arithmetic3A : i32
    %mul3A_24 = arith.constant 128 : i32
    %mul3A_25 = arith.muli %shift_right_arithmetic3A_23, %mul3A_24 : i32
    %iota3A = tpu.iota {dimensions = array<i32: 0>} : vector<16xi32>
    %broadcast_in_dim3A_26 = arith.constant 10000 : i32
    %broadcast_in_dim3A_27 = vector.broadcast %broadcast_in_dim3A_26 : i32 to vector<16xi32>
    %add3A_28 = arith.constant 0 : i32
    %add3A_29 = arith.addi %reduce_max3A_19, %add3A_28 : i32
    %add3A_30 = vector.broadcast %add3A_29 : i32 to vector<16xi32>
    %add3A_31 = arith.addi %add3A_30, %iota3A : vector<16xi32>
    %lt3A = vector.broadcast %mul3A_25 : i32 to vector<16xi32>
    %lt3A_32 = arith.cmpi slt, %add3A_31, %lt3A : vector<16xi32>
    %shift_right_arithmetic3A_33 = arith.constant 7 : i32
    %shift_right_arithmetic3A_34 = vector.broadcast %shift_right_arithmetic3A_33 : i32 to vector<16xi32>
    %shift_right_arithmetic3A_35 = arith.shrsi %add3A_31, %shift_right_arithmetic3A_34 : vector<16xi32>
    %and3A = arith.constant 127 : i32
    %and3A_36 = vector.broadcast %and3A : i32 to vector<16xi32>
    %and3A_37 = arith.andi %add3A_31, %and3A_36 : vector<16xi32>
    tpu.vector_store_idx %arg9[%shift_right_arithmetic3A_35, %and3A_37], %broadcast_in_dim3A_27 masked %lt3A_32 : memref<79x128xi32, #tpu.memory_space<vmem>>[vector<16xi32>, vector<16xi32>], vector<16xi32>, vector<16xi1>
    %add3A_38 = arith.constant 16 : i32
    %add3A_39 = arith.addi %reduce_max3A_19, %add3A_38 : i32
    %add3A_40 = vector.broadcast %add3A_39 : i32 to vector<16xi32>
    %add3A_41 = arith.addi %add3A_40, %iota3A : vector<16xi32>
    %lt3A_42 = vector.broadcast %mul3A_25 : i32 to vector<16xi32>
    %lt3A_43 = arith.cmpi slt, %add3A_41, %lt3A_42 : vector<16xi32>
    %shift_right_arithmetic3A_44 = arith.constant 7 : i32
    %shift_right_arithmetic3A_45 = vector.broadcast %shift_right_arithmetic3A_44 : i32 to vector<16xi32>
    %shift_right_arithmetic3A_46 = arith.shrsi %add3A_41, %shift_right_arithmetic3A_45 : vector<16xi32>
    %and3A_47 = arith.constant 127 : i32
    %and3A_48 = vector.broadcast %and3A_47 : i32 to vector<16xi32>
    %and3A_49 = arith.andi %add3A_41, %and3A_48 : vector<16xi32>
    tpu.vector_store_idx %arg9[%shift_right_arithmetic3A_46, %and3A_49], %broadcast_in_dim3A_27 masked %lt3A_43 : memref<79x128xi32, #tpu.memory_space<vmem>>[vector<16xi32>, vector<16xi32>], vector<16xi32>, vector<16xi1>
    %add3A_50 = arith.constant 32 : i32
    %add3A_51 = arith.addi %reduce_max3A_19, %add3A_50 : i32
    %add3A_52 = vector.broadcast %add3A_51 : i32 to vector<16xi32>
    %add3A_53 = arith.addi %add3A_52, %iota3A : vector<16xi32>
    %lt3A_54 = vector.broadcast %mul3A_25 : i32 to vector<16xi32>
    %lt3A_55 = arith.cmpi slt, %add3A_53, %lt3A_54 : vector<16xi32>
    %shift_right_arithmetic3A_56 = arith.constant 7 : i32
    %shift_right_arithmetic3A_57 = vector.broadcast %shift_right_arithmetic3A_56 : i32 to vector<16xi32>
    %shift_right_arithmetic3A_58 = arith.shrsi %add3A_53, %shift_right_arithmetic3A_57 : vector<16xi32>
    %and3A_59 = arith.constant 127 : i32
    %and3A_60 = vector.broadcast %and3A_59 : i32 to vector<16xi32>
    %and3A_61 = arith.andi %add3A_53, %and3A_60 : vector<16xi32>
    tpu.vector_store_idx %arg9[%shift_right_arithmetic3A_58, %and3A_61], %broadcast_in_dim3A_27 masked %lt3A_55 : memref<79x128xi32, #tpu.memory_space<vmem>>[vector<16xi32>, vector<16xi32>], vector<16xi32>, vector<16xi1>
    %add3A_62 = arith.constant 48 : i32
    %add3A_63 = arith.addi %reduce_max3A_19, %add3A_62 : i32
    %add3A_64 = vector.broadcast %add3A_63 : i32 to vector<16xi32>
    %add3A_65 = arith.addi %add3A_64, %iota3A : vector<16xi32>
    %lt3A_66 = vector.broadcast %mul3A_25 : i32 to vector<16xi32>
    %lt3A_67 = arith.cmpi slt, %add3A_65, %lt3A_66 : vector<16xi32>
    %shift_right_arithmetic3A_68 = arith.constant 7 : i32
    %shift_right_arithmetic3A_69 = vector.broadcast %shift_right_arithmetic3A_68 : i32 to vector<16xi32>
    %shift_right_arithmetic3A_70 = arith.shrsi %add3A_65, %shift_right_arithmetic3A_69 : vector<16xi32>
    %and3A_71 = arith.constant 127 : i32
    %and3A_72 = vector.broadcast %and3A_71 : i32 to vector<16xi32>
    %and3A_73 = arith.andi %add3A_65, %and3A_72 : vector<16xi32>
    tpu.vector_store_idx %arg9[%shift_right_arithmetic3A_70, %and3A_73], %broadcast_in_dim3A_27 masked %lt3A_67 : memref<79x128xi32, #tpu.memory_space<vmem>>[vector<16xi32>, vector<16xi32>], vector<16xi32>, vector<16xi1>
    %add3A_74 = arith.constant 64 : i32
    %add3A_75 = arith.addi %reduce_max3A_19, %add3A_74 : i32
    %add3A_76 = vector.broadcast %add3A_75 : i32 to vector<16xi32>
    %add3A_77 = arith.addi %add3A_76, %iota3A : vector<16xi32>
    %lt3A_78 = vector.broadcast %mul3A_25 : i32 to vector<16xi32>
    %lt3A_79 = arith.cmpi slt, %add3A_77, %lt3A_78 : vector<16xi32>
    %shift_right_arithmetic3A_80 = arith.constant 7 : i32
    %shift_right_arithmetic3A_81 = vector.broadcast %shift_right_arithmetic3A_80 : i32 to vector<16xi32>
    %shift_right_arithmetic3A_82 = arith.shrsi %add3A_77, %shift_right_arithmetic3A_81 : vector<16xi32>
    %and3A_83 = arith.constant 127 : i32
    %and3A_84 = vector.broadcast %and3A_83 : i32 to vector<16xi32>
    %and3A_85 = arith.andi %add3A_77, %and3A_84 : vector<16xi32>
    tpu.vector_store_idx %arg9[%shift_right_arithmetic3A_82, %and3A_85], %broadcast_in_dim3A_27 masked %lt3A_79 : memref<79x128xi32, #tpu.memory_space<vmem>>[vector<16xi32>, vector<16xi32>], vector<16xi32>, vector<16xi1>
    %add3A_86 = arith.constant 80 : i32
    %add3A_87 = arith.addi %reduce_max3A_19, %add3A_86 : i32
    %add3A_88 = vector.broadcast %add3A_87 : i32 to vector<16xi32>
    %add3A_89 = arith.addi %add3A_88, %iota3A : vector<16xi32>
    %lt3A_90 = vector.broadcast %mul3A_25 : i32 to vector<16xi32>
    %lt3A_91 = arith.cmpi slt, %add3A_89, %lt3A_90 : vector<16xi32>
    %shift_right_arithmetic3A_92 = arith.constant 7 : i32
    %shift_right_arithmetic3A_93 = vector.broadcast %shift_right_arithmetic3A_92 : i32 to vector<16xi32>
    %shift_right_arithmetic3A_94 = arith.shrsi %add3A_89, %shift_right_arithmetic3A_93 : vector<16xi32>
    %and3A_95 = arith.constant 127 : i32
    %and3A_96 = vector.broadcast %and3A_95 : i32 to vector<16xi32>
    %and3A_97 = arith.andi %add3A_89, %and3A_96 : vector<16xi32>
    tpu.vector_store_idx %arg9[%shift_right_arithmetic3A_94, %and3A_97], %broadcast_in_dim3A_27 masked %lt3A_91 : memref<79x128xi32, #tpu.memory_space<vmem>>[vector<16xi32>, vector<16xi32>], vector<16xi32>, vector<16xi1>
    %add3A_98 = arith.constant 96 : i32
    %add3A_99 = arith.addi %reduce_max3A_19, %add3A_98 : i32
    %add3A_100 = vector.broadcast %add3A_99 : i32 to vector<16xi32>
    %add3A_101 = arith.addi %add3A_100, %iota3A : vector<16xi32>
    %lt3A_102 = vector.broadcast %mul3A_25 : i32 to vector<16xi32>
    %lt3A_103 = arith.cmpi slt, %add3A_101, %lt3A_102 : vector<16xi32>
    %shift_right_arithmetic3A_104 = arith.constant 7 : i32
    %shift_right_arithmetic3A_105 = vector.broadcast %shift_right_arithmetic3A_104 : i32 to vector<16xi32>
    %shift_right_arithmetic3A_106 = arith.shrsi %add3A_101, %shift_right_arithmetic3A_105 : vector<16xi32>
    %and3A_107 = arith.constant 127 : i32
    %and3A_108 = vector.broadcast %and3A_107 : i32 to vector<16xi32>
    %and3A_109 = arith.andi %add3A_101, %and3A_108 : vector<16xi32>
    tpu.vector_store_idx %arg9[%shift_right_arithmetic3A_106, %and3A_109], %broadcast_in_dim3A_27 masked %lt3A_103 : memref<79x128xi32, #tpu.memory_space<vmem>>[vector<16xi32>, vector<16xi32>], vector<16xi32>, vector<16xi1>
    %add3A_110 = arith.constant 112 : i32
    %add3A_111 = arith.addi %reduce_max3A_19, %add3A_110 : i32
    %add3A_112 = vector.broadcast %add3A_111 : i32 to vector<16xi32>
    %add3A_113 = arith.addi %add3A_112, %iota3A : vector<16xi32>
    %lt3A_114 = vector.broadcast %mul3A_25 : i32 to vector<16xi32>
    %lt3A_115 = arith.cmpi slt, %add3A_113, %lt3A_114 : vector<16xi32>
    %shift_right_arithmetic3A_116 = arith.constant 7 : i32
    %shift_right_arithmetic3A_117 = vector.broadcast %shift_right_arithmetic3A_116 : i32 to vector<16xi32>
    %shift_right_arithmetic3A_118 = arith.shrsi %add3A_113, %shift_right_arithmetic3A_117 : vector<16xi32>
    %and3A_119 = arith.constant 127 : i32
    %and3A_120 = vector.broadcast %and3A_119 : i32 to vector<16xi32>
    %and3A_121 = arith.andi %add3A_113, %and3A_120 : vector<16xi32>
    tpu.vector_store_idx %arg9[%shift_right_arithmetic3A_118, %and3A_121], %broadcast_in_dim3A_27 masked %lt3A_115 : memref<79x128xi32, #tpu.memory_space<vmem>>[vector<16xi32>, vector<16xi32>], vector<16xi32>, vector<16xi1>
    %barrier3A = arith.constant 0 : index
    tpu.barrier barrier_id(%barrier3A)
    %while3A = arith.constant 0 : i32
    %while3A_122 = arith.constant 0 : i32
    %while3A_123 = arith.subi %shift_right_arithmetic3A_23, %while3A : i32
    %while3A_124 = arith.addi %while3A, %while3A_123 : i32
    %while3A_125 = arith.constant 1 : i32
    %while3A_126 = arith.divsi %while3A_123, %while3A_125 : i32
    %while3A_127 = arith.muli %while3A_126, %while3A_125 : i32
    %while3A_128 = arith.addi %while3A, %while3A_127 : i32
    %while3A_129 = arith.constant 1 : i32
    %while3A_130 = scf.for %while3A_141 = %while3A to %while3A_128 step %while3A_129 iter_args(%while3A_142 = %while3A_122) -> (i32)  : i32 {
      %get3A = arith.index_cast %while3A_141 : i32 to index
      %get3A_143 = arith.constant 0 : index
      %get3A_144 = tpu.vector_load %arg9[%get3A, %get3A_143] {strides = array<i32>} : memref<79x128xi32, #tpu.memory_space<vmem>>, vector<16xi32>,
      %shift_right_arithmetic3A_145 = arith.constant 14 : i32
      %shift_right_arithmetic3A_146 = vector.broadcast %shift_right_arithmetic3A_145 : i32 to vector<16xi32>
      %shift_right_arithmetic3A_147 = arith.shrsi %get3A_144, %shift_right_arithmetic3A_146 : vector<16xi32>
      %swap3A = arith.constant 0 : index
      %swap3A_148 = tpu.vector_load %arg10[%swap3A] {strides = array<i32>} : memref<128xi32, #tpu.memory_space<vmem>>, vector<16xi32>,
      tpu.vector_store %arg10[%swap3A], %shift_right_arithmetic3A_147 {strides = array<i32>} : memref<128xi32, #tpu.memory_space<vmem>>, vector<16xi32>,
      %and3A_149 = arith.andi %get3A_144, %broadcast_in_dim3A_5 : vector<16xi32>
      %swap3A_150 = arith.constant 0 : index
      %swap3A_151 = tpu.vector_load %arg11[%swap3A_150] {strides = array<i32>} : memref<128xi32, #tpu.memory_space<vmem>>, vector<16xi32>,
      tpu.vector_store %arg11[%swap3A_150], %and3A_149 {strides = array<i32>} : memref<128xi32, #tpu.memory_space<vmem>>, vector<16xi32>,
      %get3A_152 = arith.index_cast %while3A_141 : i32 to index
      %get3A_153 = arith.constant 16 : index
      %get3A_154 = tpu.vector_load %arg9[%get3A_152, %get3A_153] {strides = array<i32>} : memref<79x128xi32, #tpu.memory_space<vmem>>, vector<16xi32>,
      %shift_right_arithmetic3A_155 = arith.constant 14 : i32
      %shift_right_arithmetic3A_156 = vector.broadcast %shift_right_arithmetic3A_155 : i32 to vector<16xi32>
      %shift_right_arithmetic3A_157 = arith.shrsi %get3A_154, %shift_right_arithmetic3A_156 : vector<16xi32>
      %swap3A_158 = arith.constant 16 : index
      %swap3A_159 = tpu.vector_load %arg10[%swap3A_158] {strides = array<i32>} : memref<128xi32, #tpu.memory_space<vmem>>, vector<16xi32>,
      tpu.vector_store %arg10[%swap3A_158], %shift_right_arithmetic3A_157 {strides = array<i32>} : memref<128xi32, #tpu.memory_space<vmem>>, vector<16xi32>,
      %and3A_160 = arith.andi %get3A_154, %broadcast_in_dim3A_5 : vector<16xi32>
      %swap3A_161 = arith.constant 16 : index
      %swap3A_162 = tpu.vector_load %arg11[%swap3A_161] {strides = array<i32>} : memref<128xi32, #tpu.memory_space<vmem>>, vector<16xi32>,
      tpu.vector_store %arg11[%swap3A_161], %and3A_160 {strides = array<i32>} : memref<128xi32, #tpu.memory_space<vmem>>, vector<16xi32>,
      %get3A_163 = arith.index_cast %while3A_141 : i32 to index
      %get3A_164 = arith.constant 32 : index
      %get3A_165 = tpu.vector_load %arg9[%get3A_163, %get3A_164] {strides = array<i32>} : memref<79x128xi32, #tpu.memory_space<vmem>>, vector<16xi32>,
      %shift_right_arithmetic3A_166 = arith.constant 14 : i32
      %shift_right_arithmetic3A_167 = vector.broadcast %shift_right_arithmetic3A_166 : i32 to vector<16xi32>
      %shift_right_arithmetic3A_168 = arith.shrsi %get3A_165, %shift_right_arithmetic3A_167 : vector<16xi32>
      %swap3A_169 = arith.constant 32 : index
      %swap3A_170 = tpu.vector_load %arg10[%swap3A_169] {strides = array<i32>} : memref<128xi32, #tpu.memory_space<vmem>>, vector<16xi32>,
      tpu.vector_store %arg10[%swap3A_169], %shift_right_arithmetic3A_168 {strides = array<i32>} : memref<128xi32, #tpu.memory_space<vmem>>, vector<16xi32>,
      %and3A_171 = arith.andi %get3A_165, %broadcast_in_dim3A_5 : vector<16xi32>
      %swap3A_172 = arith.constant 32 : index
      %swap3A_173 = tpu.vector_load %arg11[%swap3A_172] {strides = array<i32>} : memref<128xi32, #tpu.memory_space<vmem>>, vector<16xi32>,
      tpu.vector_store %arg11[%swap3A_172], %and3A_171 {strides = array<i32>} : memref<128xi32, #tpu.memory_space<vmem>>, vector<16xi32>,
      %get3A_174 = arith.index_cast %while3A_141 : i32 to index
      %get3A_175 = arith.constant 48 : index
      %get3A_176 = tpu.vector_load %arg9[%get3A_174, %get3A_175] {strides = array<i32>} : memref<79x128xi32, #tpu.memory_space<vmem>>, vector<16xi32>,
      %shift_right_arithmetic3A_177 = arith.constant 14 : i32
      %shift_right_arithmetic3A_178 = vector.broadcast %shift_right_arithmetic3A_177 : i32 to vector<16xi32>
      %shift_right_arithmetic3A_179 = arith.shrsi %get3A_176, %shift_right_arithmetic3A_178 : vector<16xi32>
      %swap3A_180 = arith.constant 48 : index
      %swap3A_181 = tpu.vector_load %arg10[%swap3A_180] {strides = array<i32>} : memref<128xi32, #tpu.memory_space<vmem>>, vector<16xi32>,
      tpu.vector_store %arg10[%swap3A_180], %shift_right_arithmetic3A_179 {strides = array<i32>} : memref<128xi32, #tpu.memory_space<vmem>>, vector<16xi32>,
      %and3A_182 = arith.andi %get3A_176, %broadcast_in_dim3A_5 : vector<16xi32>
      %swap3A_183 = arith.constant 48 : index
      %swap3A_184 = tpu.vector_load %arg11[%swap3A_183] {strides = array<i32>} : memref<128xi32, #tpu.memory_space<vmem>>, vector<16xi32>,
      tpu.vector_store %arg11[%swap3A_183], %and3A_182 {strides = array<i32>} : memref<128xi32, #tpu.memory_space<vmem>>, vector<16xi32>,
      %get3A_185 = arith.index_cast %while3A_141 : i32 to index
      %get3A_186 = arith.constant 64 : index
      %get3A_187 = tpu.vector_load %arg9[%get3A_185, %get3A_186] {strides = array<i32>} : memref<79x128xi32, #tpu.memory_space<vmem>>, vector<16xi32>,
      %shift_right_arithmetic3A_188 = arith.constant 14 : i32
      %shift_right_arithmetic3A_189 = vector.broadcast %shift_right_arithmetic3A_188 : i32 to vector<16xi32>
      %shift_right_arithmetic3A_190 = arith.shrsi %get3A_187, %shift_right_arithmetic3A_189 : vector<16xi32>
      %swap3A_191 = arith.constant 64 : index
      %swap3A_192 = tpu.vector_load %arg10[%swap3A_191] {strides = array<i32>} : memref<128xi32, #tpu.memory_space<vmem>>, vector<16xi32>,
      tpu.vector_store %arg10[%swap3A_191], %shift_right_arithmetic3A_190 {strides = array<i32>} : memref<128xi32, #tpu.memory_space<vmem>>, vector<16xi32>,
      %and3A_193 = arith.andi %get3A_187, %broadcast_in_dim3A_5 : vector<16xi32>
      %swap3A_194 = arith.constant 64 : index
      %swap3A_195 = tpu.vector_load %arg11[%swap3A_194] {strides = array<i32>} : memref<128xi32, #tpu.memory_space<vmem>>, vector<16xi32>,
      tpu.vector_store %arg11[%swap3A_194], %and3A_193 {strides = array<i32>} : memref<128xi32, #tpu.memory_space<vmem>>, vector<16xi32>,
      %get3A_196 = arith.index_cast %while3A_141 : i32 to index
      %get3A_197 = arith.constant 80 : index
      %get3A_198 = tpu.vector_load %arg9[%get3A_196, %get3A_197] {strides = array<i32>} : memref<79x128xi32, #tpu.memory_space<vmem>>, vector<16xi32>,
      %shift_right_arithmetic3A_199 = arith.constant 14 : i32
      %shift_right_arithmetic3A_200 = vector.broadcast %shift_right_arithmetic3A_199 : i32 to vector<16xi32>
      %shift_right_arithmetic3A_201 = arith.shrsi %get3A_198, %shift_right_arithmetic3A_200 : vector<16xi32>
      %swap3A_202 = arith.constant 80 : index
      %swap3A_203 = tpu.vector_load %arg10[%swap3A_202] {strides = array<i32>} : memref<128xi32, #tpu.memory_space<vmem>>, vector<16xi32>,
      tpu.vector_store %arg10[%swap3A_202], %shift_right_arithmetic3A_201 {strides = array<i32>} : memref<128xi32, #tpu.memory_space<vmem>>, vector<16xi32>,
      %and3A_204 = arith.andi %get3A_198, %broadcast_in_dim3A_5 : vector<16xi32>
      %swap3A_205 = arith.constant 80 : index
      %swap3A_206 = tpu.vector_load %arg11[%swap3A_205] {strides = array<i32>} : memref<128xi32, #tpu.memory_space<vmem>>, vector<16xi32>,
      tpu.vector_store %arg11[%swap3A_205], %and3A_204 {strides = array<i32>} : memref<128xi32, #tpu.memory_space<vmem>>, vector<16xi32>,
      %get3A_207 = arith.index_cast %while3A_141 : i32 to index
      %get3A_208 = arith.constant 96 : index
      %get3A_209 = tpu.vector_load %arg9[%get3A_207, %get3A_208] {strides = array<i32>} : memref<79x128xi32, #tpu.memory_space<vmem>>, vector<16xi32>,
      %shift_right_arithmetic3A_210 = arith.constant 14 : i32
      %shift_right_arithmetic3A_211 = vector.broadcast %shift_right_arithmetic3A_210 : i32 to vector<16xi32>
      %shift_right_arithmetic3A_212 = arith.shrsi %get3A_209, %shift_right_arithmetic3A_211 : vector<16xi32>
      %swap3A_213 = arith.constant 96 : index
      %swap3A_214 = tpu.vector_load %arg10[%swap3A_213] {strides = array<i32>} : memref<128xi32, #tpu.memory_space<vmem>>, vector<16xi32>,
      tpu.vector_store %arg10[%swap3A_213], %shift_right_arithmetic3A_212 {strides = array<i32>} : memref<128xi32, #tpu.memory_space<vmem>>, vector<16xi32>,
      %and3A_215 = arith.andi %get3A_209, %broadcast_in_dim3A_5 : vector<16xi32>
      %swap3A_216 = arith.constant 96 : index
      %swap3A_217 = tpu.vector_load %arg11[%swap3A_216] {strides = array<i32>} : memref<128xi32, #tpu.memory_space<vmem>>, vector<16xi32>,
      tpu.vector_store %arg11[%swap3A_216], %and3A_215 {strides = array<i32>} : memref<128xi32, #tpu.memory_space<vmem>>, vector<16xi32>,
      %get3A_218 = arith.index_cast %while3A_141 : i32 to index
      %get3A_219 = arith.constant 112 : index
      %get3A_220 = tpu.vector_load %arg9[%get3A_218, %get3A_219] {strides = array<i32>} : memref<79x128xi32, #tpu.memory_space<vmem>>, vector<16xi32>,
      %shift_right_arithmetic3A_221 = arith.constant 14 : i32
      %shift_right_arithmetic3A_222 = vector.broadcast %shift_right_arithmetic3A_221 : i32 to vector<16xi32>
      %shift_right_arithmetic3A_223 = arith.shrsi %get3A_220, %shift_right_arithmetic3A_222 : vector<16xi32>
      %swap3A_224 = arith.constant 112 : index
      %swap3A_225 = tpu.vector_load %arg10[%swap3A_224] {strides = array<i32>} : memref<128xi32, #tpu.memory_space<vmem>>, vector<16xi32>,
      tpu.vector_store %arg10[%swap3A_224], %shift_right_arithmetic3A_223 {strides = array<i32>} : memref<128xi32, #tpu.memory_space<vmem>>, vector<16xi32>,
      %and3A_226 = arith.andi %get3A_220, %broadcast_in_dim3A_5 : vector<16xi32>
      %swap3A_227 = arith.constant 112 : index
      %swap3A_228 = tpu.vector_load %arg11[%swap3A_227] {strides = array<i32>} : memref<128xi32, #tpu.memory_space<vmem>>, vector<16xi32>,
      tpu.vector_store %arg11[%swap3A_227], %and3A_226 {strides = array<i32>} : memref<128xi32, #tpu.memory_space<vmem>>, vector<16xi32>,
      %dma_start3A = arith.constant 0 : i32
      %dma_start3A_229 = arith.constant 0 : i32
      %dma_start3A_230 = tpu.memref_slice %arg2[%dma_start3A, %dma_start3A_229] : memref<10000x128xf32, #tpu.memory_space<hbm>> -> memref<10000x128xf32, #tpu.memory_space<hbm>>
      tpu.enqueue_indirect_dma source(%dma_start3A_230 : memref<10000x128xf32, #tpu.memory_space<hbm>>) target(%arg12 : memref<128x128xf32, #tpu.memory_space<vmem>>) offsets(%arg10 : memref<128xi32, #tpu.memory_space<vmem>>) semaphore(%arg14 : memref<!tpu.dma_semaphore, #tpu.memory_space<semaphore_mem>>)
      %dma_wait3A = arith.constant 0 : i32
      %dma_wait3A_231 = arith.constant 0 : i32
      %dma_wait3A_232 = tpu.memref_slice %arg2[%dma_wait3A, %dma_wait3A_231] : memref<10000x128xf32, #tpu.memory_space<hbm>> -> memref<10000x128xf32, #tpu.memory_space<hbm>>
      tpu.wait_indirect_dma semaphore(%arg14 : memref<!tpu.dma_semaphore, #tpu.memory_space<semaphore_mem>>) src(%dma_wait3A_232 : memref<10000x128xf32, #tpu.memory_space<hbm>>) dst(%arg12 : memref<128x128xf32, #tpu.memory_space<vmem>>)
      "tpu.region"() ({
        %run_scoped3A_234 = tpu.sem_alloc : memref<!tpu.dma_semaphore, #tpu.memory_space<semaphore_mem>>
        %dma_start3A_235 = arith.constant 0 : i32
        %dma_start3A_236 = arith.constant 0 : i32
        %dma_start3A_237 = tpu.memref_slice %arg13[%dma_start3A_235, %dma_start3A_236] : memref<10016x128xf32, #tpu.memory_space<vmem_shared>> -> memref<10016x128xf32, #tpu.memory_space<vmem_shared>>
        tpu.enqueue_indirect_dma source(%arg12 : memref<128x128xf32, #tpu.memory_space<vmem>>) target(%dma_start3A_237 : memref<10016x128xf32, #tpu.memory_space<vmem_shared>>) offsets(%arg11 : memref<128xi32, #tpu.memory_space<vmem>>) semaphore(%run_scoped3A_234 : memref<!tpu.dma_semaphore, #tpu.memory_space<semaphore_mem>>) {add = true}
        %dma_wait3A_238 = arith.constant 0 : i32
        %dma_wait3A_239 = arith.constant 0 : i32
        %dma_wait3A_240 = tpu.memref_slice %arg13[%dma_wait3A_238, %dma_wait3A_239] : memref<10016x128xf32, #tpu.memory_space<vmem_shared>> -> memref<10016x128xf32, #tpu.memory_space<vmem_shared>>
        tpu.wait_indirect_dma semaphore(%run_scoped3A_234 : memref<!tpu.dma_semaphore, #tpu.memory_space<semaphore_mem>>) src(%arg12 : memref<128x128xf32, #tpu.memory_space<vmem>>) dst(%dma_wait3A_240 : memref<10016x128xf32, #tpu.memory_space<vmem_shared>>)
        tpu.yield
      }) : () -> ()
      %while3A_233 = arith.constant 0 : i32
      scf.yield %while3A_233 : i32
    }
    %while3A_131 = arith.constant 1 : i32
    %while3A_132 = scf.for %while3A_141 = %while3A_128 to %while3A_124 step %while3A_131 iter_args(%while3A_142 = %while3A_130) -> (i32)  : i32 {
      %get3A = arith.index_cast %while3A_141 : i32 to index
      %get3A_143 = arith.constant 0 : index
      %get3A_144 = tpu.vector_load %arg9[%get3A, %get3A_143] {strides = array<i32>} : memref<79x128xi32, #tpu.memory_space<vmem>>, vector<16xi32>,
      %shift_right_arithmetic3A_145 = arith.constant 14 : i32
      %shift_right_arithmetic3A_146 = vector.broadcast %shift_right_arithmetic3A_145 : i32 to vector<16xi32>
      %shift_right_arithmetic3A_147 = arith.shrsi %get3A_144, %shift_right_arithmetic3A_146 : vector<16xi32>
      %swap3A = arith.constant 0 : index
      %swap3A_148 = tpu.vector_load %arg10[%swap3A] {strides = array<i32>} : memref<128xi32, #tpu.memory_space<vmem>>, vector<16xi32>,
      tpu.vector_store %arg10[%swap3A], %shift_right_arithmetic3A_147 {strides = array<i32>} : memref<128xi32, #tpu.memory_space<vmem>>, vector<16xi32>,
      %and3A_149 = arith.andi %get3A_144, %broadcast_in_dim3A_5 : vector<16xi32>
      %swap3A_150 = arith.constant 0 : index
      %swap3A_151 = tpu.vector_load %arg11[%swap3A_150] {strides = array<i32>} : memref<128xi32, #tpu.memory_space<vmem>>, vector<16xi32>,
      tpu.vector_store %arg11[%swap3A_150], %and3A_149 {strides = array<i32>} : memref<128xi32, #tpu.memory_space<vmem>>, vector<16xi32>,
      %get3A_152 = arith.index_cast %while3A_141 : i32 to index
      %get3A_153 = arith.constant 16 : index
      %get3A_154 = tpu.vector_load %arg9[%get3A_152, %get3A_153] {strides = array<i32>} : memref<79x128xi32, #tpu.memory_space<vmem>>, vector<16xi32>,
      %shift_right_arithmetic3A_155 = arith.constant 14 : i32
      %shift_right_arithmetic3A_156 = vector.broadcast %shift_right_arithmetic3A_155 : i32 to vector<16xi32>
      %shift_right_arithmetic3A_157 = arith.shrsi %get3A_154, %shift_right_arithmetic3A_156 : vector<16xi32>
      %swap3A_158 = arith.constant 16 : index
      %swap3A_159 = tpu.vector_load %arg10[%swap3A_158] {strides = array<i32>} : memref<128xi32, #tpu.memory_space<vmem>>, vector<16xi32>,
      tpu.vector_store %arg10[%swap3A_158], %shift_right_arithmetic3A_157 {strides = array<i32>} : memref<128xi32, #tpu.memory_space<vmem>>, vector<16xi32>,
      %and3A_160 = arith.andi %get3A_154, %broadcast_in_dim3A_5 : vector<16xi32>
      %swap3A_161 = arith.constant 16 : index
      %swap3A_162 = tpu.vector_load %arg11[%swap3A_161] {strides = array<i32>} : memref<128xi32, #tpu.memory_space<vmem>>, vector<16xi32>,
      tpu.vector_store %arg11[%swap3A_161], %and3A_160 {strides = array<i32>} : memref<128xi32, #tpu.memory_space<vmem>>, vector<16xi32>,
      %get3A_163 = arith.index_cast %while3A_141 : i32 to index
      %get3A_164 = arith.constant 32 : index
      %get3A_165 = tpu.vector_load %arg9[%get3A_163, %get3A_164] {strides = array<i32>} : memref<79x128xi32, #tpu.memory_space<vmem>>, vector<16xi32>,
      %shift_right_arithmetic3A_166 = arith.constant 14 : i32
      %shift_right_arithmetic3A_167 = vector.broadcast %shift_right_arithmetic3A_166 : i32 to vector<16xi32>
      %shift_right_arithmetic3A_168 = arith.shrsi %get3A_165, %shift_right_arithmetic3A_167 : vector<16xi32>
      %swap3A_169 = arith.constant 32 : index
      %swap3A_170 = tpu.vector_load %arg10[%swap3A_169] {strides = array<i32>} : memref<128xi32, #tpu.memory_space<vmem>>, vector<16xi32>,
      tpu.vector_store %arg10[%swap3A_169], %shift_right_arithmetic3A_168 {strides = array<i32>} : memref<128xi32, #tpu.memory_space<vmem>>, vector<16xi32>,
      %and3A_171 = arith.andi %get3A_165, %broadcast_in_dim3A_5 : vector<16xi32>
      %swap3A_172 = arith.constant 32 : index
      %swap3A_173 = tpu.vector_load %arg11[%swap3A_172] {strides = array<i32>} : memref<128xi32, #tpu.memory_space<vmem>>, vector<16xi32>,
      tpu.vector_store %arg11[%swap3A_172], %and3A_171 {strides = array<i32>} : memref<128xi32, #tpu.memory_space<vmem>>, vector<16xi32>,
      %get3A_174 = arith.index_cast %while3A_141 : i32 to index
      %get3A_175 = arith.constant 48 : index
      %get3A_176 = tpu.vector_load %arg9[%get3A_174, %get3A_175] {strides = array<i32>} : memref<79x128xi32, #tpu.memory_space<vmem>>, vector<16xi32>,
      %shift_right_arithmetic3A_177 = arith.constant 14 : i32
      %shift_right_arithmetic3A_178 = vector.broadcast %shift_right_arithmetic3A_177 : i32 to vector<16xi32>
      %shift_right_arithmetic3A_179 = arith.shrsi %get3A_176, %shift_right_arithmetic3A_178 : vector<16xi32>
      %swap3A_180 = arith.constant 48 : index
      %swap3A_181 = tpu.vector_load %arg10[%swap3A_180] {strides = array<i32>} : memref<128xi32, #tpu.memory_space<vmem>>, vector<16xi32>,
      tpu.vector_store %arg10[%swap3A_180], %shift_right_arithmetic3A_179 {strides = array<i32>} : memref<128xi32, #tpu.memory_space<vmem>>, vector<16xi32>,
      %and3A_182 = arith.andi %get3A_176, %broadcast_in_dim3A_5 : vector<16xi32>
      %swap3A_183 = arith.constant 48 : index
      %swap3A_184 = tpu.vector_load %arg11[%swap3A_183] {strides = array<i32>} : memref<128xi32, #tpu.memory_space<vmem>>, vector<16xi32>,
      tpu.vector_store %arg11[%swap3A_183], %and3A_182 {strides = array<i32>} : memref<128xi32, #tpu.memory_space<vmem>>, vector<16xi32>,
      %get3A_185 = arith.index_cast %while3A_141 : i32 to index
      %get3A_186 = arith.constant 64 : index
      %get3A_187 = tpu.vector_load %arg9[%get3A_185, %get3A_186] {strides = array<i32>} : memref<79x128xi32, #tpu.memory_space<vmem>>, vector<16xi32>,
      %shift_right_arithmetic3A_188 = arith.constant 14 : i32
      %shift_right_arithmetic3A_189 = vector.broadcast %shift_right_arithmetic3A_188 : i32 to vector<16xi32>
      %shift_right_arithmetic3A_190 = arith.shrsi %get3A_187, %shift_right_arithmetic3A_189 : vector<16xi32>
      %swap3A_191 = arith.constant 64 : index
      %swap3A_192 = tpu.vector_load %arg10[%swap3A_191] {strides = array<i32>} : memref<128xi32, #tpu.memory_space<vmem>>, vector<16xi32>,
      tpu.vector_store %arg10[%swap3A_191], %shift_right_arithmetic3A_190 {strides = array<i32>} : memref<128xi32, #tpu.memory_space<vmem>>, vector<16xi32>,
      %and3A_193 = arith.andi %get3A_187, %broadcast_in_dim3A_5 : vector<16xi32>
      %swap3A_194 = arith.constant 64 : index
      %swap3A_195 = tpu.vector_load %arg11[%swap3A_194] {strides = array<i32>} : memref<128xi32, #tpu.memory_space<vmem>>, vector<16xi32>,
      tpu.vector_store %arg11[%swap3A_194], %and3A_193 {strides = array<i32>} : memref<128xi32, #tpu.memory_space<vmem>>, vector<16xi32>,
      %get3A_196 = arith.index_cast %while3A_141 : i32 to index
      %get3A_197 = arith.constant 80 : index
      %get3A_198 = tpu.vector_load %arg9[%get3A_196, %get3A_197] {strides = array<i32>} : memref<79x128xi32, #tpu.memory_space<vmem>>, vector<16xi32>,
      %shift_right_arithmetic3A_199 = arith.constant 14 : i32
      %shift_right_arithmetic3A_200 = vector.broadcast %shift_right_arithmetic3A_199 : i32 to vector<16xi32>
      %shift_right_arithmetic3A_201 = arith.shrsi %get3A_198, %shift_right_arithmetic3A_200 : vector<16xi32>
      %swap3A_202 = arith.constant 80 : index
      %swap3A_203 = tpu.vector_load %arg10[%swap3A_202] {strides = array<i32>} : memref<128xi32, #tpu.memory_space<vmem>>, vector<16xi32>,
      tpu.vector_store %arg10[%swap3A_202], %shift_right_arithmetic3A_201 {strides = array<i32>} : memref<128xi32, #tpu.memory_space<vmem>>, vector<16xi32>,
      %and3A_204 = arith.andi %get3A_198, %broadcast_in_dim3A_5 : vector<16xi32>
      %swap3A_205 = arith.constant 80 : index
      %swap3A_206 = tpu.vector_load %arg11[%swap3A_205] {strides = array<i32>} : memref<128xi32, #tpu.memory_space<vmem>>, vector<16xi32>,
      tpu.vector_store %arg11[%swap3A_205], %and3A_204 {strides = array<i32>} : memref<128xi32, #tpu.memory_space<vmem>>, vector<16xi32>,
      %get3A_207 = arith.index_cast %while3A_141 : i32 to index
      %get3A_208 = arith.constant 96 : index
      %get3A_209 = tpu.vector_load %arg9[%get3A_207, %get3A_208] {strides = array<i32>} : memref<79x128xi32, #tpu.memory_space<vmem>>, vector<16xi32>,
      %shift_right_arithmetic3A_210 = arith.constant 14 : i32
      %shift_right_arithmetic3A_211 = vector.broadcast %shift_right_arithmetic3A_210 : i32 to vector<16xi32>
      %shift_right_arithmetic3A_212 = arith.shrsi %get3A_209, %shift_right_arithmetic3A_211 : vector<16xi32>
      %swap3A_213 = arith.constant 96 : index
      %swap3A_214 = tpu.vector_load %arg10[%swap3A_213] {strides = array<i32>} : memref<128xi32, #tpu.memory_space<vmem>>, vector<16xi32>,
      tpu.vector_store %arg10[%swap3A_213], %shift_right_arithmetic3A_212 {strides = array<i32>} : memref<128xi32, #tpu.memory_space<vmem>>, vector<16xi32>,
      %and3A_215 = arith.andi %get3A_209, %broadcast_in_dim3A_5 : vector<16xi32>
      %swap3A_216 = arith.constant 96 : index
      %swap3A_217 = tpu.vector_load %arg11[%swap3A_216] {strides = array<i32>} : memref<128xi32, #tpu.memory_space<vmem>>, vector<16xi32>,
      tpu.vector_store %arg11[%swap3A_216], %and3A_215 {strides = array<i32>} : memref<128xi32, #tpu.memory_space<vmem>>, vector<16xi32>,
      %get3A_218 = arith.index_cast %while3A_141 : i32 to index
      %get3A_219 = arith.constant 112 : index
      %get3A_220 = tpu.vector_load %arg9[%get3A_218, %get3A_219] {strides = array<i32>} : memref<79x128xi32, #tpu.memory_space<vmem>>, vector<16xi32>,
      %shift_right_arithmetic3A_221 = arith.constant 14 : i32
      %shift_right_arithmetic3A_222 = vector.broadcast %shift_right_arithmetic3A_221 : i32 to vector<16xi32>
      %shift_right_arithmetic3A_223 = arith.shrsi %get3A_220, %shift_right_arithmetic3A_222 : vector<16xi32>
      %swap3A_224 = arith.constant 112 : index
      %swap3A_225 = tpu.vector_load %arg10[%swap3A_224] {strides = array<i32>} : memref<128xi32, #tpu.memory_space<vmem>>, vector<16xi32>,
      tpu.vector_store %arg10[%swap3A_224], %shift_right_arithmetic3A_223 {strides = array<i32>} : memref<128xi32, #tpu.memory_space<vmem>>, vector<16xi32>,
      %and3A_226 = arith.andi %get3A_220, %broadcast_in_dim3A_5 : vector<16xi32>
      %swap3A_227 = arith.constant 112 : index
      %swap3A_228 = tpu.vector_load %arg11[%swap3A_227] {strides = array<i32>} : memref<128xi32, #tpu.memory_space<vmem>>, vector<16xi32>,
      tpu.vector_store %arg11[%swap3A_227], %and3A_226 {strides = array<i32>} : memref<128xi32, #tpu.memory_space<vmem>>, vector<16xi32>,
      %dma_start3A = arith.constant 0 : i32
      %dma_start3A_229 = arith.constant 0 : i32
      %dma_start3A_230 = tpu.memref_slice %arg2[%dma_start3A, %dma_start3A_229] : memref<10000x128xf32, #tpu.memory_space<hbm>> -> memref<10000x128xf32, #tpu.memory_space<hbm>>
      tpu.enqueue_indirect_dma source(%dma_start3A_230 : memref<10000x128xf32, #tpu.memory_space<hbm>>) target(%arg12 : memref<128x128xf32, #tpu.memory_space<vmem>>) offsets(%arg10 : memref<128xi32, #tpu.memory_space<vmem>>) semaphore(%arg14 : memref<!tpu.dma_semaphore, #tpu.memory_space<semaphore_mem>>)
      %dma_wait3A = arith.constant 0 : i32
      %dma_wait3A_231 = arith.constant 0 : i32
      %dma_wait3A_232 = tpu.memref_slice %arg2[%dma_wait3A, %dma_wait3A_231] : memref<10000x128xf32, #tpu.memory_space<hbm>> -> memref<10000x128xf32, #tpu.memory_space<hbm>>
      tpu.wait_indirect_dma semaphore(%arg14 : memref<!tpu.dma_semaphore, #tpu.memory_space<semaphore_mem>>) src(%dma_wait3A_232 : memref<10000x128xf32, #tpu.memory_space<hbm>>) dst(%arg12 : memref<128x128xf32, #tpu.memory_space<vmem>>)
      "tpu.region"() ({
        %run_scoped3A_234 = tpu.sem_alloc : memref<!tpu.dma_semaphore, #tpu.memory_space<semaphore_mem>>
        %dma_start3A_235 = arith.constant 0 : i32
        %dma_start3A_236 = arith.constant 0 : i32
        %dma_start3A_237 = tpu.memref_slice %arg13[%dma_start3A_235, %dma_start3A_236] : memref<10016x128xf32, #tpu.memory_space<vmem_shared>> -> memref<10016x128xf32, #tpu.memory_space<vmem_shared>>
        tpu.enqueue_indirect_dma source(%arg12 : memref<128x128xf32, #tpu.memory_space<vmem>>) target(%dma_start3A_237 : memref<10016x128xf32, #tpu.memory_space<vmem_shared>>) offsets(%arg11 : memref<128xi32, #tpu.memory_space<vmem>>) semaphore(%run_scoped3A_234 : memref<!tpu.dma_semaphore, #tpu.memory_space<semaphore_mem>>) {add = true}
        %dma_wait3A_238 = arith.constant 0 : i32
        %dma_wait3A_239 = arith.constant 0 : i32
        %dma_wait3A_240 = tpu.memref_slice %arg13[%dma_wait3A_238, %dma_wait3A_239] : memref<10016x128xf32, #tpu.memory_space<vmem_shared>> -> memref<10016x128xf32, #tpu.memory_space<vmem_shared>>
        tpu.wait_indirect_dma semaphore(%run_scoped3A_234 : memref<!tpu.dma_semaphore, #tpu.memory_space<semaphore_mem>>) src(%arg12 : memref<128x128xf32, #tpu.memory_space<vmem>>) dst(%dma_wait3A_240 : memref<10016x128xf32, #tpu.memory_space<vmem_shared>>)
        tpu.yield
      }) : () -> ()
      %while3A_233 = arith.constant 0 : i32
      scf.yield %while3A_233 : i32
    }
    %barrier3A_133 = arith.constant 0 : index
    tpu.barrier barrier_id(%barrier3A_133)
    %lt3A_134 = arith.constant 15 : i32
    %lt3A_135 = arith.cmpi slt, %arg1, %lt3A_134 : i32
    %convert_element_type3A = arith.extui %lt3A_135 : i1 to i32
    %cond3A = arith.constant 0 : i32
    %cond3A_136 = arith.cmpi ne, %convert_element_type3A, %cond3A : i32
    scf.if %cond3A_136 {
      %mul3A_141 = arith.constant 624 : i32
      %mul3A_142 = arith.muli %arg1, %mul3A_141 : i32
      %mul3A_143 = arith.constant 624 : i32
      %mul3A_144 = arith.muli %arg1, %mul3A_143 : i32
      "tpu.region"() ({
        %run_scoped3A_145 = tpu.sem_alloc : memref<!tpu.dma_semaphore, #tpu.memory_space<semaphore_mem>>
        %dma_start3A = arith.constant 0 : i32
        %dma_start3A_146 = tpu.memref_slice %arg6[%arg0, %mul3A_144, %dma_start3A] : memref<2x10000x128xf32, #tpu.memory_space<hbm>> -> memref<1x624x128xf32, #tpu.memory_space<hbm>>
        %dma_start3A_147 = tpu.memref_squeeze %dma_start3A_146 : memref<1x624x128xf32, #tpu.memory_space<hbm>> -> memref<624x128xf32, #tpu.memory_space<hbm>>
        %dma_start3A_148 = arith.constant 0 : i32
        %dma_start3A_149 = tpu.memref_slice %arg13[%mul3A_142, %dma_start3A_148] : memref<10016x128xf32, #tpu.memory_space<vmem_shared>> -> memref<624x128xf32, #tpu.memory_space<vmem_shared>>
        tpu.enqueue_dma source(%dma_start3A_149 : memref<624x128xf32, #tpu.memory_space<vmem_shared>>) target(%dma_start3A_147 : memref<624x128xf32, #tpu.memory_space<hbm>>) target_semaphore(%run_scoped3A_145 : memref<!tpu.dma_semaphore, #tpu.memory_space<semaphore_mem>>)
        %dma_wait3A = arith.constant 0 : i32
        %dma_wait3A_150 = tpu.memref_slice %arg6[%arg0, %mul3A_144, %dma_wait3A] : memref<2x10000x128xf32, #tpu.memory_space<hbm>> -> memref<1x624x128xf32, #tpu.memory_space<hbm>>
        %dma_wait3A_151 = tpu.memref_squeeze %dma_wait3A_150 : memref<1x624x128xf32, #tpu.memory_space<hbm>> -> memref<624x128xf32, #tpu.memory_space<hbm>>
        %dma_wait3A_152 = arith.constant 0 : i32
        %dma_wait3A_153 = tpu.memref_slice %arg13[%mul3A_142, %dma_wait3A_152] : memref<10016x128xf32, #tpu.memory_space<vmem_shared>> -> memref<624x128xf32, #tpu.memory_space<vmem_shared>>
        tpu.wait_dma2 semaphore(%run_scoped3A_145 : memref<!tpu.dma_semaphore, #tpu.memory_space<semaphore_mem>>) src(%dma_wait3A_153 : memref<624x128xf32, #tpu.memory_space<vmem_shared>>) dst(%dma_wait3A_151 : memref<624x128xf32, #tpu.memory_space<hbm>>)
        tpu.yield
      }) : () -> ()
    } else {
    }
    %eq3A = arith.constant 15 : i32
    %eq3A_137 = arith.cmpi eq, %arg1, %eq3A : i32
    %convert_element_type3A_138 = arith.extui %eq3A_137 : i1 to i32
    %cond3A_139 = arith.constant 0 : i32
    %cond3A_140 = arith.cmpi ne, %convert_element_type3A_138, %cond3A_139 : i32
    scf.if %cond3A_140 {
      "tpu.region"() ({
        %run_scoped3A_141 = tpu.sem_alloc : memref<!tpu.dma_semaphore, #tpu.memory_space<semaphore_mem>>
        %dma_start3A = arith.constant 9360 : i32
        %dma_start3A_142 = arith.constant 0 : i32
        %dma_start3A_143 = tpu.memref_slice %arg6[%arg0, %dma_start3A, %dma_start3A_142] : memref<2x10000x128xf32, #tpu.memory_space<hbm>> -> memref<1x640x128xf32, #tpu.memory_space<hbm>>
        %dma_start3A_144 = tpu.memref_squeeze %dma_start3A_143 : memref<1x640x128xf32, #tpu.memory_space<hbm>> -> memref<640x128xf32, #tpu.memory_space<hbm>>
        %dma_start3A_145 = arith.constant 9360 : i32
        %dma_start3A_146 = arith.constant 0 : i32
        %dma_start3A_147 = tpu.memref_slice %arg13[%dma_start3A_145, %dma_start3A_146] : memref<10016x128xf32, #tpu.memory_space<vmem_shared>> -> memref<640x128xf32, #tpu.memory_space<vmem_shared>>
        tpu.enqueue_dma source(%dma_start3A_147 : memref<640x128xf32, #tpu.memory_space<vmem_shared>>) target(%dma_start3A_144 : memref<640x128xf32, #tpu.memory_space<hbm>>) target_semaphore(%run_scoped3A_141 : memref<!tpu.dma_semaphore, #tpu.memory_space<semaphore_mem>>)
        %dma_wait3A = arith.constant 9360 : i32
        %dma_wait3A_148 = arith.constant 0 : i32
        %dma_wait3A_149 = tpu.memref_slice %arg6[%arg0, %dma_wait3A, %dma_wait3A_148] : memref<2x10000x128xf32, #tpu.memory_space<hbm>> -> memref<1x640x128xf32, #tpu.memory_space<hbm>>
        %dma_wait3A_150 = tpu.memref_squeeze %dma_wait3A_149 : memref<1x640x128xf32, #tpu.memory_space<hbm>> -> memref<640x128xf32, #tpu.memory_space<hbm>>
        %dma_wait3A_151 = arith.constant 9360 : i32
        %dma_wait3A_152 = arith.constant 0 : i32
        %dma_wait3A_153 = tpu.memref_slice %arg13[%dma_wait3A_151, %dma_wait3A_152] : memref<10016x128xf32, #tpu.memory_space<vmem_shared>> -> memref<640x128xf32, #tpu.memory_space<vmem_shared>>
        tpu.wait_dma2 semaphore(%run_scoped3A_141 : memref<!tpu.dma_semaphore, #tpu.memory_space<semaphore_mem>>) src(%dma_wait3A_153 : memref<640x128xf32, #tpu.memory_space<vmem_shared>>) dst(%dma_wait3A_150 : memref<640x128xf32, #tpu.memory_space<hbm>>)
        tpu.yield
      }) : () -> ()
    } else {
    }
    return
  }
}

module attributes {stable_mosaic.version = 14 : i64} {
  func.func @_or_tile(%arg0: memref<32x10000xi32, #tpu.memory_space<vmem>>, %arg1: memref<1x10000xi32, #tpu.memory_space<vmem>>) attributes {dimension_semantics = [], scalar_prefetch = 0 : i64, scratch_operands = 0 : i64, tpu.core_type = #tpu.core_type<tc>} {
    %get3A = arith.constant 0 : index
    %get3A_0 = arith.constant 0 : index
    %get3A_1 = vector.load %arg0[%get3A, %get3A_0] : memref<32x10000xi32, #tpu.memory_space<vmem>>, vector<1x10000xi32>
    %get3A_2 = vector.shape_cast %get3A_1 : vector<1x10000xi32> to vector<10000xi32>
    %get3A_3 = arith.constant 1 : index
    %get3A_4 = arith.constant 0 : index
    %get3A_5 = vector.load %arg0[%get3A_3, %get3A_4] : memref<32x10000xi32, #tpu.memory_space<vmem>>, vector<1x10000xi32>
    %get3A_6 = vector.shape_cast %get3A_5 : vector<1x10000xi32> to vector<10000xi32>
    %or3A = arith.ori %get3A_2, %get3A_6 : vector<10000xi32>
    %get3A_7 = arith.constant 2 : index
    %get3A_8 = arith.constant 0 : index
    %get3A_9 = vector.load %arg0[%get3A_7, %get3A_8] : memref<32x10000xi32, #tpu.memory_space<vmem>>, vector<1x10000xi32>
    %get3A_10 = vector.shape_cast %get3A_9 : vector<1x10000xi32> to vector<10000xi32>
    %or3A_11 = arith.ori %or3A, %get3A_10 : vector<10000xi32>
    %get3A_12 = arith.constant 3 : index
    %get3A_13 = arith.constant 0 : index
    %get3A_14 = vector.load %arg0[%get3A_12, %get3A_13] : memref<32x10000xi32, #tpu.memory_space<vmem>>, vector<1x10000xi32>
    %get3A_15 = vector.shape_cast %get3A_14 : vector<1x10000xi32> to vector<10000xi32>
    %or3A_16 = arith.ori %or3A_11, %get3A_15 : vector<10000xi32>
    %get3A_17 = arith.constant 4 : index
    %get3A_18 = arith.constant 0 : index
    %get3A_19 = vector.load %arg0[%get3A_17, %get3A_18] : memref<32x10000xi32, #tpu.memory_space<vmem>>, vector<1x10000xi32>
    %get3A_20 = vector.shape_cast %get3A_19 : vector<1x10000xi32> to vector<10000xi32>
    %or3A_21 = arith.ori %or3A_16, %get3A_20 : vector<10000xi32>
    %get3A_22 = arith.constant 5 : index
    %get3A_23 = arith.constant 0 : index
    %get3A_24 = vector.load %arg0[%get3A_22, %get3A_23] : memref<32x10000xi32, #tpu.memory_space<vmem>>, vector<1x10000xi32>
    %get3A_25 = vector.shape_cast %get3A_24 : vector<1x10000xi32> to vector<10000xi32>
    %or3A_26 = arith.ori %or3A_21, %get3A_25 : vector<10000xi32>
    %get3A_27 = arith.constant 6 : index
    %get3A_28 = arith.constant 0 : index
    %get3A_29 = vector.load %arg0[%get3A_27, %get3A_28] : memref<32x10000xi32, #tpu.memory_space<vmem>>, vector<1x10000xi32>
    %get3A_30 = vector.shape_cast %get3A_29 : vector<1x10000xi32> to vector<10000xi32>
    %or3A_31 = arith.ori %or3A_26, %get3A_30 : vector<10000xi32>
    %get3A_32 = arith.constant 7 : index
    %get3A_33 = arith.constant 0 : index
    %get3A_34 = vector.load %arg0[%get3A_32, %get3A_33] : memref<32x10000xi32, #tpu.memory_space<vmem>>, vector<1x10000xi32>
    %get3A_35 = vector.shape_cast %get3A_34 : vector<1x10000xi32> to vector<10000xi32>
    %or3A_36 = arith.ori %or3A_31, %get3A_35 : vector<10000xi32>
    %get3A_37 = arith.constant 8 : index
    %get3A_38 = arith.constant 0 : index
    %get3A_39 = vector.load %arg0[%get3A_37, %get3A_38] : memref<32x10000xi32, #tpu.memory_space<vmem>>, vector<1x10000xi32>
    %get3A_40 = vector.shape_cast %get3A_39 : vector<1x10000xi32> to vector<10000xi32>
    %or3A_41 = arith.ori %or3A_36, %get3A_40 : vector<10000xi32>
    %get3A_42 = arith.constant 9 : index
    %get3A_43 = arith.constant 0 : index
    %get3A_44 = vector.load %arg0[%get3A_42, %get3A_43] : memref<32x10000xi32, #tpu.memory_space<vmem>>, vector<1x10000xi32>
    %get3A_45 = vector.shape_cast %get3A_44 : vector<1x10000xi32> to vector<10000xi32>
    %or3A_46 = arith.ori %or3A_41, %get3A_45 : vector<10000xi32>
    %get3A_47 = arith.constant 10 : index
    %get3A_48 = arith.constant 0 : index
    %get3A_49 = vector.load %arg0[%get3A_47, %get3A_48] : memref<32x10000xi32, #tpu.memory_space<vmem>>, vector<1x10000xi32>
    %get3A_50 = vector.shape_cast %get3A_49 : vector<1x10000xi32> to vector<10000xi32>
    %or3A_51 = arith.ori %or3A_46, %get3A_50 : vector<10000xi32>
    %get3A_52 = arith.constant 11 : index
    %get3A_53 = arith.constant 0 : index
    %get3A_54 = vector.load %arg0[%get3A_52, %get3A_53] : memref<32x10000xi32, #tpu.memory_space<vmem>>, vector<1x10000xi32>
    %get3A_55 = vector.shape_cast %get3A_54 : vector<1x10000xi32> to vector<10000xi32>
    %or3A_56 = arith.ori %or3A_51, %get3A_55 : vector<10000xi32>
    %get3A_57 = arith.constant 12 : index
    %get3A_58 = arith.constant 0 : index
    %get3A_59 = vector.load %arg0[%get3A_57, %get3A_58] : memref<32x10000xi32, #tpu.memory_space<vmem>>, vector<1x10000xi32>
    %get3A_60 = vector.shape_cast %get3A_59 : vector<1x10000xi32> to vector<10000xi32>
    %or3A_61 = arith.ori %or3A_56, %get3A_60 : vector<10000xi32>
    %get3A_62 = arith.constant 13 : index
    %get3A_63 = arith.constant 0 : index
    %get3A_64 = vector.load %arg0[%get3A_62, %get3A_63] : memref<32x10000xi32, #tpu.memory_space<vmem>>, vector<1x10000xi32>
    %get3A_65 = vector.shape_cast %get3A_64 : vector<1x10000xi32> to vector<10000xi32>
    %or3A_66 = arith.ori %or3A_61, %get3A_65 : vector<10000xi32>
    %get3A_67 = arith.constant 14 : index
    %get3A_68 = arith.constant 0 : index
    %get3A_69 = vector.load %arg0[%get3A_67, %get3A_68] : memref<32x10000xi32, #tpu.memory_space<vmem>>, vector<1x10000xi32>
    %get3A_70 = vector.shape_cast %get3A_69 : vector<1x10000xi32> to vector<10000xi32>
    %or3A_71 = arith.ori %or3A_66, %get3A_70 : vector<10000xi32>
    %get3A_72 = arith.constant 15 : index
    %get3A_73 = arith.constant 0 : index
    %get3A_74 = vector.load %arg0[%get3A_72, %get3A_73] : memref<32x10000xi32, #tpu.memory_space<vmem>>, vector<1x10000xi32>
    %get3A_75 = vector.shape_cast %get3A_74 : vector<1x10000xi32> to vector<10000xi32>
    %or3A_76 = arith.ori %or3A_71, %get3A_75 : vector<10000xi32>
    %get3A_77 = arith.constant 16 : index
    %get3A_78 = arith.constant 0 : index
    %get3A_79 = vector.load %arg0[%get3A_77, %get3A_78] : memref<32x10000xi32, #tpu.memory_space<vmem>>, vector<1x10000xi32>
    %get3A_80 = vector.shape_cast %get3A_79 : vector<1x10000xi32> to vector<10000xi32>
    %or3A_81 = arith.ori %or3A_76, %get3A_80 : vector<10000xi32>
    %get3A_82 = arith.constant 17 : index
    %get3A_83 = arith.constant 0 : index
    %get3A_84 = vector.load %arg0[%get3A_82, %get3A_83] : memref<32x10000xi32, #tpu.memory_space<vmem>>, vector<1x10000xi32>
    %get3A_85 = vector.shape_cast %get3A_84 : vector<1x10000xi32> to vector<10000xi32>
    %or3A_86 = arith.ori %or3A_81, %get3A_85 : vector<10000xi32>
    %get3A_87 = arith.constant 18 : index
    %get3A_88 = arith.constant 0 : index
    %get3A_89 = vector.load %arg0[%get3A_87, %get3A_88] : memref<32x10000xi32, #tpu.memory_space<vmem>>, vector<1x10000xi32>
    %get3A_90 = vector.shape_cast %get3A_89 : vector<1x10000xi32> to vector<10000xi32>
    %or3A_91 = arith.ori %or3A_86, %get3A_90 : vector<10000xi32>
    %get3A_92 = arith.constant 19 : index
    %get3A_93 = arith.constant 0 : index
    %get3A_94 = vector.load %arg0[%get3A_92, %get3A_93] : memref<32x10000xi32, #tpu.memory_space<vmem>>, vector<1x10000xi32>
    %get3A_95 = vector.shape_cast %get3A_94 : vector<1x10000xi32> to vector<10000xi32>
    %or3A_96 = arith.ori %or3A_91, %get3A_95 : vector<10000xi32>
    %get3A_97 = arith.constant 20 : index
    %get3A_98 = arith.constant 0 : index
    %get3A_99 = vector.load %arg0[%get3A_97, %get3A_98] : memref<32x10000xi32, #tpu.memory_space<vmem>>, vector<1x10000xi32>
    %get3A_100 = vector.shape_cast %get3A_99 : vector<1x10000xi32> to vector<10000xi32>
    %or3A_101 = arith.ori %or3A_96, %get3A_100 : vector<10000xi32>
    %get3A_102 = arith.constant 21 : index
    %get3A_103 = arith.constant 0 : index
    %get3A_104 = vector.load %arg0[%get3A_102, %get3A_103] : memref<32x10000xi32, #tpu.memory_space<vmem>>, vector<1x10000xi32>
    %get3A_105 = vector.shape_cast %get3A_104 : vector<1x10000xi32> to vector<10000xi32>
    %or3A_106 = arith.ori %or3A_101, %get3A_105 : vector<10000xi32>
    %get3A_107 = arith.constant 22 : index
    %get3A_108 = arith.constant 0 : index
    %get3A_109 = vector.load %arg0[%get3A_107, %get3A_108] : memref<32x10000xi32, #tpu.memory_space<vmem>>, vector<1x10000xi32>
    %get3A_110 = vector.shape_cast %get3A_109 : vector<1x10000xi32> to vector<10000xi32>
    %or3A_111 = arith.ori %or3A_106, %get3A_110 : vector<10000xi32>
    %get3A_112 = arith.constant 23 : index
    %get3A_113 = arith.constant 0 : index
    %get3A_114 = vector.load %arg0[%get3A_112, %get3A_113] : memref<32x10000xi32, #tpu.memory_space<vmem>>, vector<1x10000xi32>
    %get3A_115 = vector.shape_cast %get3A_114 : vector<1x10000xi32> to vector<10000xi32>
    %or3A_116 = arith.ori %or3A_111, %get3A_115 : vector<10000xi32>
    %get3A_117 = arith.constant 24 : index
    %get3A_118 = arith.constant 0 : index
    %get3A_119 = vector.load %arg0[%get3A_117, %get3A_118] : memref<32x10000xi32, #tpu.memory_space<vmem>>, vector<1x10000xi32>
    %get3A_120 = vector.shape_cast %get3A_119 : vector<1x10000xi32> to vector<10000xi32>
    %or3A_121 = arith.ori %or3A_116, %get3A_120 : vector<10000xi32>
    %get3A_122 = arith.constant 25 : index
    %get3A_123 = arith.constant 0 : index
    %get3A_124 = vector.load %arg0[%get3A_122, %get3A_123] : memref<32x10000xi32, #tpu.memory_space<vmem>>, vector<1x10000xi32>
    %get3A_125 = vector.shape_cast %get3A_124 : vector<1x10000xi32> to vector<10000xi32>
    %or3A_126 = arith.ori %or3A_121, %get3A_125 : vector<10000xi32>
    %get3A_127 = arith.constant 26 : index
    %get3A_128 = arith.constant 0 : index
    %get3A_129 = vector.load %arg0[%get3A_127, %get3A_128] : memref<32x10000xi32, #tpu.memory_space<vmem>>, vector<1x10000xi32>
    %get3A_130 = vector.shape_cast %get3A_129 : vector<1x10000xi32> to vector<10000xi32>
    %or3A_131 = arith.ori %or3A_126, %get3A_130 : vector<10000xi32>
    %get3A_132 = arith.constant 27 : index
    %get3A_133 = arith.constant 0 : index
    %get3A_134 = vector.load %arg0[%get3A_132, %get3A_133] : memref<32x10000xi32, #tpu.memory_space<vmem>>, vector<1x10000xi32>
    %get3A_135 = vector.shape_cast %get3A_134 : vector<1x10000xi32> to vector<10000xi32>
    %or3A_136 = arith.ori %or3A_131, %get3A_135 : vector<10000xi32>
    %get3A_137 = arith.constant 28 : index
    %get3A_138 = arith.constant 0 : index
    %get3A_139 = vector.load %arg0[%get3A_137, %get3A_138] : memref<32x10000xi32, #tpu.memory_space<vmem>>, vector<1x10000xi32>
    %get3A_140 = vector.shape_cast %get3A_139 : vector<1x10000xi32> to vector<10000xi32>
    %or3A_141 = arith.ori %or3A_136, %get3A_140 : vector<10000xi32>
    %get3A_142 = arith.constant 29 : index
    %get3A_143 = arith.constant 0 : index
    %get3A_144 = vector.load %arg0[%get3A_142, %get3A_143] : memref<32x10000xi32, #tpu.memory_space<vmem>>, vector<1x10000xi32>
    %get3A_145 = vector.shape_cast %get3A_144 : vector<1x10000xi32> to vector<10000xi32>
    %or3A_146 = arith.ori %or3A_141, %get3A_145 : vector<10000xi32>
    %get3A_147 = arith.constant 30 : index
    %get3A_148 = arith.constant 0 : index
    %get3A_149 = vector.load %arg0[%get3A_147, %get3A_148] : memref<32x10000xi32, #tpu.memory_space<vmem>>, vector<1x10000xi32>
    %get3A_150 = vector.shape_cast %get3A_149 : vector<1x10000xi32> to vector<10000xi32>
    %or3A_151 = arith.ori %or3A_146, %get3A_150 : vector<10000xi32>
    %get3A_152 = arith.constant 31 : index
    %get3A_153 = arith.constant 0 : index
    %get3A_154 = vector.load %arg0[%get3A_152, %get3A_153] : memref<32x10000xi32, #tpu.memory_space<vmem>>, vector<1x10000xi32>
    %get3A_155 = vector.shape_cast %get3A_154 : vector<1x10000xi32> to vector<10000xi32>
    %or3A_156 = arith.ori %or3A_151, %get3A_155 : vector<10000xi32>
    %swap3A = arith.constant 0 : index
    %swap3A_157 = arith.constant 0 : index
    %swap3A_158 = vector.load %arg1[%swap3A, %swap3A_157] : memref<1x10000xi32, #tpu.memory_space<vmem>>, vector<1x10000xi32>
    %swap3A_159 = vector.shape_cast %swap3A_158 : vector<1x10000xi32> to vector<10000xi32>
    %swap3A_160 = vector.shape_cast %or3A_156 : vector<10000xi32> to vector<1x10000xi32>
    tpu.vector_store %arg1[%swap3A, %swap3A_157], %swap3A_160 {strides = array<i32>} : memref<1x10000xi32, #tpu.memory_space<vmem>>, vector<1x10000xi32>,
    return
  }
}

module attributes {stable_mosaic.version = 14 : i64} {
  func.func @_dense_tile(%arg0: i32, %arg1: memref<2x1000x128xf32, #tpu.memory_space<vmem>>, %arg2: memref<1000x32xf32, #tpu.memory_space<vmem>>, %arg3: memref<1000x128xf32, #tpu.memory_space<vmem>>, %arg4: memref<128x128xf32, #tpu.memory_space<vmem>>, %arg5: memref<128x128xf32, #tpu.memory_space<vmem>>, %arg6: memref<1x128xf32, #tpu.memory_space<vmem>>, %arg7: memref<1000x128xf32, #tpu.memory_space<vmem>>) attributes {dimension_semantics = [#tpu.dimension_semantics<arbitrary>], iteration_bounds = array<i64: 10>, scalar_prefetch = 0 : i64, scratch_operands = 0 : i64, tpu.core_type = #tpu.core_type<tc>, window_params = [{transform_indices = @transform_0, window_bounds = array<i64: 2, 1000, 128>}, {transform_indices = @transform_1, window_bounds = array<i64: 1000, 32>}, {transform_indices = @transform_2, window_bounds = array<i64: 1000, 128>}, {pipeline_mode = #tpu.pipeline_mode<synchronous>, transform_indices = @transform_3, window_bounds = array<i64: 128, 128>}, {pipeline_mode = #tpu.pipeline_mode<synchronous>, transform_indices = @transform_4, window_bounds = array<i64: 128, 128>}, {pipeline_mode = #tpu.pipeline_mode<synchronous>, transform_indices = @transform_5, window_bounds = array<i64: 1, 128>}, {transform_indices = @transform_6, window_bounds = array<i64: 1000, 128>}]} {
    %get3A = arith.constant 0 : index
    %get3A_0 = arith.constant 0 : index
    %get3A_1 = vector.load %arg2[%get3A, %get3A_0] : memref<1000x32xf32, #tpu.memory_space<vmem>>, vector<1000x32xf32>
    %reduce_sum3A = arith.constant dense<0.000000e+00> : vector<1000xf32>
    %reduce_sum3A_2 = vector.multi_reduction <add>, %get3A_1, %reduce_sum3A [1] : vector<1000x32xf32> to vector<1000xf32>
    %jit3A = arith.constant 1.000000e+00 : f32
    %max3A = vector.broadcast %jit3A : f32 to vector<1000xf32>
    %max3A_3 = arith.maximumf %max3A, %reduce_sum3A_2 : vector<1000xf32>
    %broadcast_in_dim3A = vector.shape_cast %max3A_3 : vector<1000xf32> to vector<1000x1xf32>
    %div3A = arith.constant 1.000000e+00 : f32
    %div3A_4 = vector.broadcast %div3A : f32 to vector<1000x1xf32>
    %div3A_5 = arith.divf %div3A_4, %broadcast_in_dim3A : vector<1000x1xf32>
    %get3A_6 = arith.constant 0 : index
    %get3A_7 = arith.constant 0 : index
    %get3A_8 = arith.constant 0 : index
    %get3A_9 = vector.load %arg1[%get3A_6, %get3A_7, %get3A_8] : memref<2x1000x128xf32, #tpu.memory_space<vmem>>, vector<1x1000x128xf32>
    %get3A_10 = vector.shape_cast %get3A_9 : vector<1x1000x128xf32> to vector<1000x128xf32>
    %get3A_11 = arith.constant 1 : index
    %get3A_12 = arith.constant 0 : index
    %get3A_13 = arith.constant 0 : index
    %get3A_14 = vector.load %arg1[%get3A_11, %get3A_12, %get3A_13] : memref<2x1000x128xf32, #tpu.memory_space<vmem>>, vector<1x1000x128xf32>
    %get3A_15 = vector.shape_cast %get3A_14 : vector<1x1000x128xf32> to vector<1000x128xf32>
    %add3A = arith.addf %get3A_10, %get3A_15 : vector<1000x128xf32>
    %mul3A = vector.broadcast %div3A_5 : vector<1000x1xf32> to vector<1000x128xf32>
    %mul3A_16 = arith.mulf %add3A, %mul3A : vector<1000x128xf32>
    %get3A_17 = arith.constant 0 : index
    %get3A_18 = arith.constant 0 : index
    %get3A_19 = vector.load %arg4[%get3A_17, %get3A_18] : memref<128x128xf32, #tpu.memory_space<vmem>>, vector<128x128xf32>
    %dot_general3A = arith.constant dense<0.000000e+00> : vector<1000x128xf32>
    %dot_general3A_20 = tpu.matmul %mul3A_16, %get3A_19, %dot_general3A {dimension_numbers = #tpu.dot_dimension_numbers<[1], [1], [0], [0], [0, 0, 1, 0], [], []>, precision = #tpu.contract_precision<fp32>, transpose_lhs_hint = false} : vector<1000x128xf32>, vector<128x128xf32>, vector<1000x128xf32> -> vector<1000x128xf32>
    %get3A_21 = arith.constant 0 : index
    %get3A_22 = arith.constant 0 : index
    %get3A_23 = vector.load %arg3[%get3A_21, %get3A_22] : memref<1000x128xf32, #tpu.memory_space<vmem>>, vector<1000x128xf32>
    %get3A_24 = arith.constant 0 : index
    %get3A_25 = arith.constant 0 : index
    %get3A_26 = vector.load %arg5[%get3A_24, %get3A_25] : memref<128x128xf32, #tpu.memory_space<vmem>>, vector<128x128xf32>
    %dot_general3A_27 = arith.constant dense<0.000000e+00> : vector<1000x128xf32>
    %dot_general3A_28 = tpu.matmul %get3A_23, %get3A_26, %dot_general3A_27 {dimension_numbers = #tpu.dot_dimension_numbers<[1], [1], [0], [0], [0, 0, 1, 0], [], []>, precision = #tpu.contract_precision<fp32>, transpose_lhs_hint = false} : vector<1000x128xf32>, vector<128x128xf32>, vector<1000x128xf32> -> vector<1000x128xf32>
    %add3A_29 = arith.addf %dot_general3A_20, %dot_general3A_28 : vector<1000x128xf32>
    %get3A_30 = arith.constant 0 : index
    %get3A_31 = arith.constant 0 : index
    %get3A_32 = vector.load %arg6[%get3A_30, %get3A_31] : memref<1x128xf32, #tpu.memory_space<vmem>>, vector<1x128xf32>
    %add3A_33 = vector.broadcast %get3A_32 : vector<1x128xf32> to vector<1000x128xf32>
    %add3A_34 = arith.addf %add3A_29, %add3A_33 : vector<1000x128xf32>
    %max3A_35 = arith.constant 0.000000e+00 : f32
    %max3A_36 = vector.broadcast %max3A_35 : f32 to vector<1000x128xf32>
    %max3A_37 = arith.maximumf %add3A_34, %max3A_36 : vector<1000x128xf32>
    %swap3A = arith.constant 0 : index
    %swap3A_38 = arith.constant 0 : index
    %swap3A_39 = vector.load %arg7[%swap3A, %swap3A_38] : memref<1000x128xf32, #tpu.memory_space<vmem>>, vector<1000x128xf32>
    tpu.vector_store %arg7[%swap3A, %swap3A_38], %max3A_37 {strides = array<i32>} : memref<1000x128xf32, #tpu.memory_space<vmem>>, vector<1000x128xf32>,
    return
  }
  func.func @transform_0(%arg0: i32) -> (i32, i32, i32) {
    %c0_i32 = arith.constant 0 : i32
    %c0_i32_0 = arith.constant 0 : i32
    %c0_i32_1 = arith.constant 0 : i32
    return %c0_i32, %arg0, %c0_i32_0 : i32, i32, i32
  }
  func.func @transform_1(%arg0: i32) -> (i32, i32) {
    %c0_i32 = arith.constant 0 : i32
    %c0_i32_0 = arith.constant 0 : i32
    return %arg0, %c0_i32 : i32, i32
  }
  func.func @transform_2(%arg0: i32) -> (i32, i32) {
    %c0_i32 = arith.constant 0 : i32
    %c0_i32_0 = arith.constant 0 : i32
    return %arg0, %c0_i32 : i32, i32
  }
  func.func @transform_3(%arg0: i32) -> (i32, i32) {
    %c0_i32 = arith.constant 0 : i32
    %c0_i32_0 = arith.constant 0 : i32
    %c0_i32_1 = arith.constant 0 : i32
    return %c0_i32, %c0_i32_0 : i32, i32
  }
  func.func @transform_4(%arg0: i32) -> (i32, i32) {
    %c0_i32 = arith.constant 0 : i32
    %c0_i32_0 = arith.constant 0 : i32
    %c0_i32_1 = arith.constant 0 : i32
    return %c0_i32, %c0_i32_0 : i32, i32
  }
  func.func @transform_5(%arg0: i32) -> (i32, i32) {
    %c0_i32 = arith.constant 0 : i32
    %c0_i32_0 = arith.constant 0 : i32
    %c0_i32_1 = arith.constant 0 : i32
    return %c0_i32, %c0_i32_0 : i32, i32
  }
  func.func @transform_6(%arg0: i32) -> (i32, i32) {
    %c0_i32 = arith.constant 0 : i32
    %c0_i32_0 = arith.constant 0 : i32
    return %arg0, %c0_i32 : i32, i32
  }
}

module attributes {stable_mosaic.version = 14 : i64} {
  func.func @_final_tile(%arg0: memref<2x80x128xf32, #tpu.memory_space<vmem>>, %arg1: memref<80x128xf32, #tpu.memory_space<vmem>>, %arg2: memref<2x80xf32, #tpu.memory_space<vmem>>, %arg3: memref<128x128xf32, #tpu.memory_space<vmem>>, %arg4: memref<1x128xf32, #tpu.memory_space<vmem>>, %arg5: memref<128x128xf32, #tpu.memory_space<vmem>>, %arg6: memref<128x384xf32, #tpu.memory_space<vmem>>, %arg7: memref<1x128xf32, #tpu.memory_space<vmem>>, %arg8: memref<1x128xf32, #tpu.memory_space<vmem>>, %arg9: memref<1x1xf32, #tpu.memory_space<vmem>>, %arg10: memref<64x128xf32, #tpu.memory_space<vmem>>) attributes {dimension_semantics = [], scalar_prefetch = 0 : i64, scratch_operands = 0 : i64, tpu.core_type = #tpu.core_type<tc>} {
    %get3A = arith.constant 0 : index
    %get3A_0 = arith.constant 0 : index
    %get3A_1 = vector.load %arg2[%get3A, %get3A_0] : memref<2x80xf32, #tpu.memory_space<vmem>>, vector<1x80xf32>
    %get3A_2 = vector.shape_cast %get3A_1 : vector<1x80xf32> to vector<80xf32>
    %get3A_3 = arith.constant 1 : index
    %get3A_4 = arith.constant 0 : index
    %get3A_5 = vector.load %arg2[%get3A_3, %get3A_4] : memref<2x80xf32, #tpu.memory_space<vmem>>, vector<1x80xf32>
    %get3A_6 = vector.shape_cast %get3A_5 : vector<1x80xf32> to vector<80xf32>
    %add3A = arith.addf %get3A_2, %get3A_6 : vector<80xf32>
    %jit3A = arith.constant 1.000000e+00 : f32
    %max3A = vector.broadcast %jit3A : f32 to vector<80xf32>
    %max3A_7 = arith.maximumf %max3A, %add3A : vector<80xf32>
    %broadcast_in_dim3A = vector.shape_cast %max3A_7 : vector<80xf32> to vector<80x1xf32>
    %div3A = arith.constant 1.000000e+00 : f32
    %div3A_8 = vector.broadcast %div3A : f32 to vector<80x1xf32>
    %div3A_9 = arith.divf %div3A_8, %broadcast_in_dim3A : vector<80x1xf32>
    %get3A_10 = arith.constant 0 : index
    %get3A_11 = arith.constant 0 : index
    %get3A_12 = arith.constant 0 : index
    %get3A_13 = vector.load %arg0[%get3A_10, %get3A_11, %get3A_12] : memref<2x80x128xf32, #tpu.memory_space<vmem>>, vector<1x80x128xf32>
    %get3A_14 = vector.shape_cast %get3A_13 : vector<1x80x128xf32> to vector<80x128xf32>
    %get3A_15 = arith.constant 1 : index
    %get3A_16 = arith.constant 0 : index
    %get3A_17 = arith.constant 0 : index
    %get3A_18 = vector.load %arg0[%get3A_15, %get3A_16, %get3A_17] : memref<2x80x128xf32, #tpu.memory_space<vmem>>, vector<1x80x128xf32>
    %get3A_19 = vector.shape_cast %get3A_18 : vector<1x80x128xf32> to vector<80x128xf32>
    %add3A_20 = arith.addf %get3A_14, %get3A_19 : vector<80x128xf32>
    %mul3A = vector.broadcast %div3A_9 : vector<80x1xf32> to vector<80x128xf32>
    %mul3A_21 = arith.mulf %add3A_20, %mul3A : vector<80x128xf32>
    %get3A_22 = arith.constant 0 : index
    %get3A_23 = arith.constant 0 : index
    %get3A_24 = vector.load %arg3[%get3A_22, %get3A_23] : memref<128x128xf32, #tpu.memory_space<vmem>>, vector<128x128xf32>
    %dot_general3A = arith.constant dense<0.000000e+00> : vector<80x128xf32>
    %dot_general3A_25 = tpu.matmul %mul3A_21, %get3A_24, %dot_general3A {dimension_numbers = #tpu.dot_dimension_numbers<[1], [1], [0], [0], [0, 0, 1, 0], [], []>, precision = #tpu.contract_precision<fp32>, transpose_lhs_hint = false} : vector<80x128xf32>, vector<128x128xf32>, vector<80x128xf32> -> vector<80x128xf32>
    %get3A_26 = arith.constant 0 : index
    %get3A_27 = arith.constant 0 : index
    %get3A_28 = vector.load %arg1[%get3A_26, %get3A_27] : memref<80x128xf32, #tpu.memory_space<vmem>>, vector<80x128xf32>
    %get3A_29 = arith.constant 0 : index
    %get3A_30 = arith.constant 0 : index
    %get3A_31 = vector.load %arg5[%get3A_29, %get3A_30] : memref<128x128xf32, #tpu.memory_space<vmem>>, vector<128x128xf32>
    %dot_general3A_32 = arith.constant dense<0.000000e+00> : vector<80x128xf32>
    %dot_general3A_33 = tpu.matmul %get3A_28, %get3A_31, %dot_general3A_32 {dimension_numbers = #tpu.dot_dimension_numbers<[1], [1], [0], [0], [0, 0, 1, 0], [], []>, precision = #tpu.contract_precision<fp32>, transpose_lhs_hint = false} : vector<80x128xf32>, vector<128x128xf32>, vector<80x128xf32> -> vector<80x128xf32>
    %add3A_34 = arith.addf %dot_general3A_25, %dot_general3A_33 : vector<80x128xf32>
    %get3A_35 = arith.constant 0 : index
    %get3A_36 = arith.constant 0 : index
    %get3A_37 = vector.load %arg4[%get3A_35, %get3A_36] : memref<1x128xf32, #tpu.memory_space<vmem>>, vector<1x128xf32>
    %add3A_38 = vector.broadcast %get3A_37 : vector<1x128xf32> to vector<80x128xf32>
    %add3A_39 = arith.addf %add3A_34, %add3A_38 : vector<80x128xf32>
    %slice3A = vector.extract_strided_slice %add3A_39 {offsets = [0, 0], sizes = [1, 128], strides = [1, 1]} : vector<80x128xf32> to vector<1x128xf32>
    %slice3A_40 = vector.extract_strided_slice %add3A_39 {offsets = [1, 0], sizes = [1, 128], strides = [1, 1]} : vector<80x128xf32> to vector<1x128xf32>
    %slice3A_41 = vector.extract_strided_slice %add3A_39 {offsets = [2, 0], sizes = [64, 128], strides = [1, 1]} : vector<80x128xf32> to vector<64x128xf32>
    %get3A_42 = arith.constant 0 : index
    %get3A_43 = arith.constant 0 : index
    %get3A_44 = vector.load %arg6[%get3A_42, %get3A_43] : memref<128x384xf32, #tpu.memory_space<vmem>>, vector<128x128xf32>
    %get3A_45 = arith.constant 0 : index
    %get3A_46 = arith.constant 128 : index
    %get3A_47 = vector.load %arg6[%get3A_45, %get3A_46] : memref<128x384xf32, #tpu.memory_space<vmem>>, vector<128x128xf32>
    %get3A_48 = arith.constant 0 : index
    %get3A_49 = arith.constant 256 : index
    %get3A_50 = vector.load %arg6[%get3A_48, %get3A_49] : memref<128x384xf32, #tpu.memory_space<vmem>>, vector<128x128xf32>
    %dot_general3A_51 = arith.constant dense<0.000000e+00> : vector<1x128xf32>
    %dot_general3A_52 = tpu.matmul %slice3A, %get3A_44, %dot_general3A_51 {dimension_numbers = #tpu.dot_dimension_numbers<[1], [1], [0], [0], [0, 0, 1, 0], [], []>, precision = #tpu.contract_precision<fp32>, transpose_lhs_hint = false} : vector<1x128xf32>, vector<128x128xf32>, vector<1x128xf32> -> vector<1x128xf32>
    %dot_general3A_53 = arith.constant dense<0.000000e+00> : vector<1x128xf32>
    %dot_general3A_54 = tpu.matmul %slice3A_40, %get3A_47, %dot_general3A_53 {dimension_numbers = #tpu.dot_dimension_numbers<[1], [1], [0], [0], [0, 0, 1, 0], [], []>, precision = #tpu.contract_precision<fp32>, transpose_lhs_hint = false} : vector<1x128xf32>, vector<128x128xf32>, vector<1x128xf32> -> vector<1x128xf32>
    %add3A_55 = arith.addf %dot_general3A_52, %dot_general3A_54 : vector<1x128xf32>
    %get3A_56 = arith.constant 0 : index
    %get3A_57 = arith.constant 0 : index
    %get3A_58 = vector.load %arg7[%get3A_56, %get3A_57] : memref<1x128xf32, #tpu.memory_space<vmem>>, vector<1x128xf32>
    %add3A_59 = arith.addf %add3A_55, %get3A_58 : vector<1x128xf32>
    %dot_general3A_60 = arith.constant dense<0.000000e+00> : vector<64x128xf32>
    %dot_general3A_61 = tpu.matmul %slice3A_41, %get3A_50, %dot_general3A_60 {dimension_numbers = #tpu.dot_dimension_numbers<[1], [1], [0], [0], [0, 0, 1, 0], [], []>, precision = #tpu.contract_precision<fp32>, transpose_lhs_hint = false} : vector<64x128xf32>, vector<128x128xf32>, vector<64x128xf32> -> vector<64x128xf32>
    %add3A_62 = vector.broadcast %add3A_59 : vector<1x128xf32> to vector<64x128xf32>
    %add3A_63 = arith.addf %dot_general3A_61, %add3A_62 : vector<64x128xf32>
    %max3A_64 = arith.constant 0.000000e+00 : f32
    %max3A_65 = vector.broadcast %max3A_64 : f32 to vector<64x128xf32>
    %max3A_66 = arith.maximumf %add3A_63, %max3A_65 : vector<64x128xf32>
    %get3A_67 = arith.constant 0 : index
    %get3A_68 = arith.constant 0 : index
    %get3A_69 = vector.load %arg8[%get3A_67, %get3A_68] : memref<1x128xf32, #tpu.memory_space<vmem>>, vector<1x128xf32>
    %mul3A_70 = vector.broadcast %get3A_69 : vector<1x128xf32> to vector<64x128xf32>
    %mul3A_71 = arith.mulf %max3A_66, %mul3A_70 : vector<64x128xf32>
    %reduce_sum3A = arith.constant dense<0.000000e+00> : vector<64xf32>
    %reduce_sum3A_72 = vector.multi_reduction <add>, %mul3A_71, %reduce_sum3A [1] : vector<64x128xf32> to vector<64xf32>
    %broadcast_in_dim3A_73 = vector.shape_cast %reduce_sum3A_72 : vector<64xf32> to vector<64x1xf32>
    %get3A_74 = arith.constant 0 : index
    %get3A_75 = arith.constant 0 : index
    %get3A_76 = vector.load %arg9[%get3A_74, %get3A_75] : memref<1x1xf32, #tpu.memory_space<vmem>>, vector<1x1xf32>
    %get3A_77 = vector.extract %get3A_76[0, 0] : f32 from vector<1x1xf32>
    %add3A_78 = vector.broadcast %get3A_77 : f32 to vector<64x1xf32>
    %add3A_79 = arith.addf %broadcast_in_dim3A_73, %add3A_78 : vector<64x1xf32>
    %broadcast_in_dim3A_80 = vector.shape_cast %add3A_79 : vector<64x1xf32> to vector<64x1xf32>
    %broadcast_in_dim3A_81 = vector.broadcast %broadcast_in_dim3A_80 : vector<64x1xf32> to vector<64x128xf32>
    %swap3A = arith.constant 0 : index
    %swap3A_82 = arith.constant 0 : index
    %swap3A_83 = vector.load %arg10[%swap3A, %swap3A_82] : memref<64x128xf32, #tpu.memory_space<vmem>>, vector<64x128xf32>
    tpu.vector_store %arg10[%swap3A, %swap3A_82], %broadcast_in_dim3A_81 {strides = array<i32>} : memref<64x128xf32, #tpu.memory_space<vmem>>, vector<64x128xf32>,
    return
  }
}

</mosaic_0001>

<sc_bundles>
// kernel: kernel.11.cloned.1.call-start
scs
__scs_entry_jumppad:
0x0: {  	(pc) =	sbr.rel $0x88, $3  }
0x1: {  	(tag) =	ssettag $0x0;
	lr =	simm.s32 $0x1  }
0x2: {  	[smem:$0x3F92] =	sst lr;
	_ =	strace $0xD0000000  }
0x3: {  	_ = 	snop  }
0x4: {  	_ = 	snop  }
0x5: {  	_ = 	snop  }
0x6: {  	_ = 	snop  }
0x7: {  	_ = 	snop  }
__scs_overlays_trampoline_lowered:
0x8: {  	[smem:$0x3FA1] =	sst s0  }
0x9: {  	[smem:$0x3FA2] =	sst s1  }
0xa: {  	[smem:$0x3FA3] =	sst s2  }
0xb: {  	[smem:$0x3FA4] =	sst s3  }
0xc: {  	[smem:$0x3FA5] =	sst s4  }
0xd: {  	[smem:$0x3FA6] =	sst s5  }
0xe: {  	[smem:$0x3FA7] =	sst s6  }
0xf: {  	[smem:$0x3FA8] =	sst s7  }
0x10: {  	[smem:$0x3FA9] =	sst s8  }
0x11: {  	[smem:$0x3FAA] =	sst s9;
	s0 =	simm.s32 @!p0 $0x0  }
0x12: {  	s1 =	sld [smem:$0x3F90];
	s0 =	simm.s32 @p0 $0x1  }
0x13: {  	[smem:$0x3FAB] =	sst s0;
	s0 =	simm.s32 @!p1 $0x0  }
0x14: {  	s2 =	sld [smem:$0x3F8F];
	s0 =	simm.s32 @p1 $0x1  }
0x15: {  	[smem:$0x3FAC] =	sst s0;
	s0 =	simm.s32 @!p2 $0x0  }
0x16: {  	s3 =	sld [smem:$0x3FDB];
	s0 =	simm.s32 @p2 $0x1  }
0x17: {  	s4 =	simm.s32 $0x1BF5;
	[smem:$0x3FAE] =	sst s0  }
0x18: {  	s0 =	sld [smem:$0x3F91];
	_ =	swait.ge [sflag:s4], $0x0  }
0x19: {  	s7 =	sld [smem:$0x3F92]  }
0x1a: {  	s8 =	sadd.s32 $0xFFFFE003, lr  }
0x1b: {  	s9 =	sadd.s32 $0xFFFFFEF7, lr;
	s5 =	simm.s32 $0xFFFFFFFF;
	p2 =	slt.u32 s8, $0xFFFFF086  }
0x1c: {  	p1 =	slt.u32 s9, $0xF7A;
	s5 =	simm.s32 @!p2 $0x0  }
0x1d: {  	s5 =	simm.s32 @p1 $0x1;
	p0 =	seq.s32 s7, s2  }
0x1e: {  	s7 =	smul.u32 @!p0 $0xF7A, s2;
	p2 =	seq.s32 @!p0 s5, $0x0  }
0x1f: {  	s9 =	smul.u32 $0xF7A, s1;
	s8 =	simm.s32 @!p0 $0x1BF5;
	p2 =	por !p2, p0  }
0x20: {  	[sflag:s8] =	ssyncset.s32 @!p0 $0xFFFFF086;
	s6 =	sadd.s32 @!p0 s3, s7;
	s7 =	simm.s32 @!p0 $0x108  }
0x21: {  	s3 =	sadd.s32 s3, s9;
	s6 =	sadd.s32 @!p0 $0x88, s6;
	s7 =	simm.s32 @p2 $0x1082  }
0x22: {  	[simem:s7], [sflag:s8] =	dma.local @!p0 [hbm:s6], $0xF7A  }
0x23: {  	s9 =	sor.u32 $0xD0000000, s2;
	s6 =	simm.s32 $0x108;
	_ =	swait.ge @!p0 [sflag:s8], $0x0  }
0x24: {  	s3 =	sadd.s32 $0x88, s3;
	s6 =	simm.s32 @!p1 $0x1082;
	[sflag:s4] =	ssyncset.s32 $0xFFFFF086  }
0x25: {  	[simem:s6], [sflag:s4] =	dma.local [hbm:s3], $0xF7A  }
0x26: {  	[smem:$0x3F92] =	sst s1;
	(tag) =	ssettag s2;
	_ =	strace s9  }
0x27: {  	s1 =	sld [smem:$0x3FA2]  }
0x28: {  	s2 =	sld [smem:$0x3FA3]  }
0x29: {  	s4 =	sld [smem:$0x3FA5]  }
0x2a: {  	p0 =	seq.s32 s5, $0x0;
	s5 =	sld [smem:$0x3FA6]  }
0x2b: {  	s6 =	sld [smem:$0x3FA7]  }
0x2c: {  	s7 =	sld [smem:$0x3FA8]  }
0x2d: {  	s3 =	simm.s32 $0x108;
	s8 =	sld [smem:$0x3FA9]  }
0x2e: {  	s3 =	simm.s32 @!p0 $0x1082;
	s9 =	sld [smem:$0x3FAA]  }
0x2f: {  	lr =	sadd.s32 s0, s3;
	s0 =	sld [smem:$0x3FA1]  }
0x30: {  	s3 =	sld [smem:$0x3FA4]  }
0x31: {  	[smem:$0x3FAD] =	sst s10  }
0x32: {  	s10 =	sld [smem:$0x3FAB];
	_ =	sdelay $0x3  }
0x33: {  	p0 =	seq.s32 s10, $0x1;
	s10 =	sld [smem:$0x3FAD];
	_ =	sdelay $0x3  }
0x34: {  	[smem:$0x3FAD] =	sst s10  }
0x35: {  	s10 =	sld [smem:$0x3FAC];
	_ =	sdelay $0x3  }
0x36: {  	p1 =	seq.s32 s10, $0x1;
	s10 =	sld [smem:$0x3FAD];
	_ =	sdelay $0x3  }
0x37: {  	[smem:$0x3FAD] =	sst s10  }
0x38: {  	s10 =	sld [smem:$0x3FAE]  }
0x39: {  	_ = 	snop;
	(pc) =	sbr.ind lr, $3  }
0x3a: {  	_ = 	snop  }
0x3b: {  	_ = 	snop  }
0x3c: {  	p2 =	seq.s32 s10, $0x1;
	s10 =	sld [smem:$0x3FAD]  }
0x3d: {  	_ =	shalt  }
0x3e: {  	_ =	shalt  }
0x3f: {  	_ =	shalt  }
0x40: {  	_ =	shalt  }
0x41: {  	_ =	shalt  }
0x42: {  	_ =	shalt  }
0x43: {  	_ =	shalt  }
0x44: {  	_ =	shalt  }
0x45: {  	_ =	shalt  }
0x46: {  	_ =	shalt  }
0x47: {  	_ =	shalt  }
0x48: {  	_ =	shalt  }
0x49: {  	_ =	shalt  }
0x4a: {  	_ =	shalt  }
0x4b: {  	_ =	shalt  }
0x4c: {  	_ =	shalt  }
0x4d: {  	_ =	shalt  }
0x4e: {  	_ =	shalt  }
0x4f: {  	_ =	shalt  }
0x50: {  	_ =	shalt  }
0x51: {  	_ =	shalt  }
0x52: {  	_ =	shalt  }
0x53: {  	_ =	shalt  }
0x54: {  	_ =	shalt  }
0x55: {  	_ =	shalt  }
0x56: {  	_ =	shalt  }
0x57: {  	_ =	shalt  }
0x58: {  	_ =	shalt  }
0x59: {  	_ =	shalt  }
0x5a: {  	_ =	shalt  }
0x5b: {  	_ =	shalt  }
0x5c: {  	_ =	shalt  }
0x5d: {  	_ =	shalt  }
0x5e: {  	_ =	shalt  }
0x5f: {  	_ =	shalt  }
0x60: {  	_ =	shalt  }
0x61: {  	_ =	shalt  }
0x62: {  	_ =	shalt  }
0x63: {  	_ =	shalt  }
0x64: {  	_ =	shalt  }
0x65: {  	_ =	shalt  }
0x66: {  	_ =	shalt  }
0x67: {  	_ =	shalt  }
0x68: {  	_ =	shalt  }
0x69: {  	_ =	shalt  }
0x6a: {  	_ =	shalt  }
0x6b: {  	_ =	shalt  }
0x6c: {  	_ =	shalt  }
0x6d: {  	_ =	shalt  }
0x6e: {  	_ =	shalt  }
0x6f: {  	_ =	shalt  }
0x70: {  	_ =	shalt  }
0x71: {  	_ =	shalt  }
0x72: {  	_ =	shalt  }
0x73: {  	_ =	shalt  }
0x74: {  	_ =	shalt  }
0x75: {  	_ =	shalt  }
0x76: {  	_ =	shalt  }
0x77: {  	_ =	shalt  }
0x78: {  	_ =	shalt  }
0x79: {  	_ =	shalt  }
0x7a: {  	_ =	shalt  }
0x7b: {  	_ =	shalt  }
0x7c: {  	_ =	shalt  }
0x7d: {  	_ =	shalt  }
0x7e: {  	_ =	shalt  }
0x7f: {  	_ =	shalt  }
0x80: {  	_ =	shalt  }
0x81: {  	_ =	shalt  }
0x82: {  	_ =	shalt  }
0x83: {  	_ =	shalt  }
0x84: {  	_ =	shalt  }
0x85: {  	_ =	shalt  }
0x86: {  	_ =	shalt  }
0x87: {  	_ =	shalt  }
.Lfunc_end0:
.L_simem_size_0:
called_computation.1_lowered:
.L_overlay_start_0:
0x88: {  	s2 =	sld [smem:$0x3FD9]  }
0x89: {  	s3 =	sld [smem:$0x3FFE];
	_ =	sdelay $0x1  }
0x8a: {  	s1 =	srdreg.scid  }
0x8b: {  	s0 =	sand.u32 $0x1, s1  }
0x8c: {  	s17 =	sshll.u32 s0, $0xA;
	s2 =	sadd.s32 s3, s2  }
0x8d: {  	s2 =	sadd.s32 s2, s17  }
0x8e: {  	[smem:$0x3FB9] =	sst s2  }
0x8f: {  	_ = 	snop  }
0x90: {  	s2 =	sld [smem:$0x3FC9];
	(tm) =	ssettm $0x1  }
0x91: {  	s18 =	sld [smem:$0x3FFB];
	_ =	sdelay $0x3  }
0x92: {  	_ =	strace s18  }
0x93: {  	s3 =	sld [smem:$0x3FFC];
	_ =	sdelay $0x3  }
0x94: {  	_ =	strace s3  }
0x95: {  	s3 =	sld [smem:$0x3FFD];
	_ =	sdelay $0x3  }
0x96: {  	_ =	strace s3  }
0x97: {  	_ =	strace $0x8FFFFFFF  }
0x98: {  	s19 =	sld [smem:$0x3FDB];
	_ =	sdelay $0x1  }
0x99: {  	s4 =	simm.s32 $_scs_section_size  }
0x9a: {  	s5 =	simm.s32 $_size__tile_overlayer_lowered;
	s6 =	simm.s32 $_tile_overlayer_lowered  }
0x9b: {  	s22 =	simm.s32 $0x1BFF;
	s21 =	sshll.u32 s6, $0x1;
	s3 =	sadd.s32 s4, s19  }
0x9c: {  	s7 =	simm.s32 $0x0;
	s20 =	sshll.u32 s5, $0x1;
	s5 =	sadd.s32 s21, s3  }
0x9d: {  	[timem:s7], [sflag:s22] =	dma.local [hbm:s5], s20  }
0x9e: {  	_ =	swait.ge [sflag:s22], s20  }
0x9f: {  	s4 =	ssub.s32 $0x0, s20;
	[sflag:s22] =	ssyncset.done $0x0  }
0xa0: {  	[sflag:s22] =	ssyncadd.s32 s4;
	_ =	sdelay $0x1  }
0xa1: {  	s23 =	simm.s32 $0x1B8B  }
0xa2: {  	_ =	swait.ge [sflag:s23], $0x1  }
0xa3: {  	[sflag:s23] =	ssyncset.done $0x0  }
0xa4: {  	s25 =	simm.s32 $0x1B8E;
	s24 =	sld [smem:$0x3FFE];
	[sflag:s23] =	ssyncadd.s32 $0xFFFFFFFF  }
0xa5: {  	s26 =	simm.s32 $execute0_lowered;
	[smem:$0x3FD2] =	sst s25  }
0xa6: {  	s5 =	sshll.u32 s26, $0x1;
	_ =	strace $0x80000049;
	[dreg:$0x1] =	wrdreg $0xFFFFFFFF  }
0xa7: {  	s28 =	simm.s32 $_size_execute0_lowered;
	s3 =	sadd.s32 s3, s5;
	[dreg:$0x0] =	wrdreg $0x0  }
0xa8: {  	s5 =	sshll.u32 s28, $0x1;
	[dreg:$0x2] =	wrdreg s3  }
0xa9: {  	[dreg:$0x3] =	wrdreg s5  }
0xaa: {  	[dreg:$0x4] =	wrdreg $0xC0  }
0xab: {  	_ =	task [dreg:s7], $0x5FFFF  }
0xac: {  	[dreg:$0x1] =	wrdreg $0xFFFFFFFF  }
0xad: {  	[dreg:$0x0] =	wrdreg $0x60  }
0xae: {  	[dreg:$0x2] =	wrdreg s2  }
0xaf: {  	[dreg:$0x3] =	wrdreg s24  }
0xb0: {  	[dreg:$0x4] =	wrdreg $0xB6A00  }
0xb1: {  	[dreg:$0x5] =	wrdreg $0x9  }
0xb2: {  	_ =	task.clear_ibuf [dreg:s7], $0x6FFFF;
	_ =	strace $0x90000049  }
0xb3: {  	s29 =	simm.s32 $0x9;
	_ =	strace $0x8000004B  }
0xb4: {  	_ =	swait.ge [sflag:s29], $0x1  }
0xb5: {  	[sflag:s29] =	ssyncadd.s32 $0xFFFFFFFF  }
0xb6: {  	_ =	strace $0x9000004B  }
0xb7: {  	_ =	sfence  }
0xb8: {  	s30 =	sld [smem:$0x0];
	_ =	sdelay $0x2  }
0xb9: {  	s31 =	sshll.u32 s1, $0xD;
	s1 =	sshrl.u32 s1, $0x2  }
0xba: {  	s3 =	sand.u32 $0x4000, s31;
	s1 =	sadd.s32 s1, s30  }
0xbb: {  	s0 =	sor.u32 s3, s0;
	s1 =	sshll.u32 s1, $0x11  }
0xbc: {  	s0 =	sor.u32 s1, s0  }
0xbd: {  	s0 =	sadd.s32 $0x8F2B, s0  }
0xbe: {  	[sflag:s0] =	ssyncadd.remote.s32 $0x1  }
0xbf: {  	_ =	sfence.sel $0xFFFF  }
0xc0: {  	[dreg:$0x0] =	wrdreg $0xFFFFFFFF;
	(pc) =	sbr.abs _section_cstart, $3  }
0xc1: {  	[dreg:$0x1] =	wrdreg $0xFFFFFFFF  }
0xc2: {  	_ =	task.clear_ibuf [dreg:s7], $0x2FFFF;
	_ =	strace $0x9FFFFFFF  }
0xc3: {  	(tm) =	ssettm $0x7FFFFFFF  }
tec
execute0_lowered:
.L_overlay_start_1:
0x0: {  	(tag) =	ssettag $0x1  }
0x1: {  	s1 =	rddreg [dreg:$0x0]  }
0x2: {  	s6 =	rddreg [dreg:$0x1]  }
0x3: {  	s0 =	srdreg.scid;
	s3 =	rddreg [dreg:$0x2]  }
0x4: {  	s2 =	stileid.u32;
	s4 =	simm.s32 $0x0;
	s16 =	simm.s32 $0x80  }
0x5: {  	s17 =	simm.s32 $0x75A0;
	s18 =	simm.s32 $0x76A0;
	s19 =	simm.s32 $0x1  }
0x6: {  	s20 =	simm.s32 $0x7620;
	s7 =	sand.u32 $0x1, s0;
	s0 =	rddreg [dreg:$0x3]  }
0x7: {  	s23 =	simm.s32 $0x0;
	s8 =	smul.u32 $0x13900, s2;
	[smem:$0x7FF] =	sst s4  }
0x8: {  	s14 =	sadd.s32 $0x5C600, s6;
	s28 =	smul.u32 $0x13800, s2;
	s29 =	sshll.u32 s2, $0x6  }
0x9: {  	s21 =	sadd.s32 $0x124800, s3;
	p0 =	seq.s32 s2, $0xF;
	s5 =	sshll.u32 s7, $0x4  }
0xa: {  	_ =	strace $0x8000004A;
	s11 =	ssub.s32 $0x2, s7;
	s13 =	smul.u32 $0x138800, s7  }
0xb: {  	s7 =	sor.u32 $0x1C02, s29;
	s21 =	sshrl.u32 @p0 s21, $0x3;
	s5 =	sor.u32 s2, s5  }
0xc: {  	s9 =	sshrl.u32 s8, $0x3;
	s12 =	sshrl.u32 s11, $0x1;
	s15 =	sadd.s32 s8, s3  }
0xd: {  	s22 =	sadd.s32 s28, s3;
	s5 =	smul.u32 $0x4E2, s5;
	s9 =	sadd.s32 s9, s6  }
0xe: {  	s11 =	ssub.s32 s11, s12;
	s30 =	sadd.s32 s28, s13;
	s13 =	sshrl.u32 s13, $0x3  }
.Ltmp0:
0xf: {  	s12 =	sshrl.u32 s15, $0x3;
	s15 =	simm.s32 $0x4E20;
	(pc) =	sbr.rel .LBB2_1-.Ltmp0, $4  }
0x10: {  	s22 =	sshrl.u32 @!p0 s22, $0x3;
	s31 =	sadd.s32 s14, s13;
	s11 =	smax.u32 s11, $0x1  }
0x11: {  	s13 =	simm.s32 $0x2;
	s10 =	sadd.s32 s5, s6;
	s5 =	sadd.s32 $0x16C00, s6  }
0x12: {  	s6 =	sadd.s32 $0x35400, s9;
	s9 =	sshrl.u32 s30, $0x3;
	s8 =	sadd.s32 $0x2B600, s10  }
0x13: {  	v0 =	vimm.s32 $0x0;
	v1 =	vlaneseq.u32;
	v2 =	vimm.s32 $0x2710;
	s9 =	sadd.s32 s14, s9;
	s10 =	sadd.s32 $0x24900, s31;
	s14 =	simm.s32 $0x2710  }
.LBB2_6:
0x14: {  	[tilespmem:$0x7690] =	vst v3  }
0x15: {  	[tilespmem:s18], [sflag:$0x1] =	stream.indirect.gather [hbm4b:s1+s16], $0x80, s17, s16, $0xb8;
	[tilespmem:$0x1EFA0] =	vst v63  }
0x16: {  	_ =	swait.ge [sflag:s19], $0x4000  }
0x17: {  	[sflag:s19] =	ssyncset.done $0x0  }
0x18: {  	[sflag:s19] =	ssyncadd.s32 $0xFFFFC000  }
0x19: {  	[spmem:s3] =	stream.indirect.scatter.add.f32 [tilespmem:s18], [sflag:$0x2], $0x80, s20, s16, $0xb8;
	[tilespmem:$0x1EFA0] =	vst v63  }
0x1a: {  	_ =	swait.ge [sflag:s13], $0x4000  }
0x1b: {  	[sflag:s13] =	ssyncset.done $0x0  }
0x1c: {  	[sflag:s13] =	ssyncadd.s32 $0xFFFFC000  }
.LBB2_7:
0x1d: {  	[bflag:$0x0] =	sbarrier.arrive $0xFFFF;
	s24 =	simm.s32 @p0 $0x2  }
0x1e: {  	[hbm:s10], [sflag:s7] =	dma.local @p0 [spmem:s21], $0x2800  }
0x1f: {  	s23 =	sadd.s32 $0x1, s23;
	_ =	swait.ge @p0 [sflag:s24], $0x2800  }
0x20: {  	p1 =	sne.s32 s23, s11;
	[sflag:s24] =	ssyncset.done @p0 $0x0  }
.Ltmp1:
0x21: {  	[sflag:s24] =	ssyncadd.s32 @p0 $0xFFFFD800;
	s24 =	simm.s32 @!p0 $0x2;
	(pc) =	sbr.rel @!p1 .LBB2_8-.Ltmp1, $4  }
0x22: {  	[hbm:s9], [sflag:s7] =	dma.local @!p0 [spmem:s22], $0x2700  }
0x23: {  	_ =	swait.ge @!p0 [sflag:s24], $0x2700  }
0x24: {  	[sflag:s24] =	ssyncset.done @!p0 $0x0  }
0x25: {  	[sflag:s24] =	ssyncadd.s32 @!p0 $0xFFFFD900  }
.LBB2_1:
0x26: {  	[spmem:s12], [sflag:s7] =	dma.local [hbm:s6], $0x2720  }
0x27: {  	_ =	swait.ge [sflag:s13], $0x2720  }
0x28: {  	[sflag:s13] =	ssyncset.done $0x0  }
0x29: {  	[sflag:s13] =	ssyncadd.s32 $0xFFFFD8E0  }
0x2a: {  	[tilespmem:s4], [sflag:$0x2] =	stream.linear.gather [hbm4b:s8+s4], $0x2710, $0x38;
	[tilespmem:$0x1EFA0] =	vst v63  }
0x2b: {  	_ =	swait.ge [sflag:s13], $0x2710  }
0x2c: {  	[sflag:s13] =	ssyncset.done $0x0  }
0x2d: {  	[sflag:s13] =	ssyncadd.s32 $0xFFFFD8F0  }
0x2e: {  	[tilespmem:s14], [sflag:$0x2] =	stream.linear.gather [hbm4b:s5+s4], $0x2710, $0x38;
	[tilespmem:$0x1EFA0] =	vst v63  }
0x2f: {  	_ =	swait.ge [sflag:s13], $0x2710  }
0x30: {  	[sflag:s13] =	ssyncset.done $0x0  }
0x31: {  	s24 =	simm.s32 $0x0;
	v3 =	vimm.s32 $0x0;
	[sflag:s13] =	ssyncadd.s32 $0xFFFFD8F0  }
.LBB2_2:
0x32: {  	s25 =	sshra.s32 s24, $0x2  }
0x33: {  	v4 =	vld [tilespmem:s25+$0x0];
	_ =	sdelay $0x4  }
0x34: {  	v5 =	vand.u32 $0x3FFF, v4;
	_ =	sdelay $0x4  }
0x35: {  	v5 =	vld.idx.msk [tilespmem:v5+s14+$0x0], $0xffff;
	_ =	sdelay $0x4  }
0x36: {  	vm0 =	vgt.s32 v5, $0x0  }
0x37: {  	v5 =	vsel vm0, $0x1, v0  }
0x38: {  	(xrf0) =	vadd.scan.msk.s32 $0xffff, v5;
	_ =	sdelay $0x5  }
0x39: {  	v5, _, _ =	vpop (xrf0)  }
0x3a: {  	v5 =	vadd.s32 v5, v3  }
0x3b: {  	v5 =	vadd.s32 $0xFFFFFFFF, v5;
	_ =	sdelay $0x4  }
0x3c: {  	[tilespmem:v5+s15+$0x0] =	vst.idx.msk vm0, v4  }
0x3d: {  	v4 =	vld [tilespmem:s25+$0x10];
	_ =	sdelay $0x4  }
0x3e: {  	v5 =	vand.u32 $0x3FFF, v4;
	_ =	sdelay $0x4  }
0x3f: {  	v5 =	vld.idx.msk [tilespmem:v5+s14+$0x0], $0xffff;
	_ =	sdelay $0x4  }
0x40: {  	vm1 =	vgt.s32 v5, $0x0  }
0x41: {  	v5 =	vsel vm1, $0x1, v0  }
0x42: {  	(xrf0) =	vadd.scan.msk.s32 $0xffff, v5;
	_ =	sdelay $0x1  }
0x43: {  	v5 =	vmpcnt.ones.xlane vm0;
	_ =	sdelay $0x3  }
0x44: {  	v3 =	vadd.s32 v3, v5;
	v5, _, _ =	vpop (xrf0)  }
0x45: {  	v5 =	vadd.s32 v5, v3  }
0x46: {  	v5 =	vadd.s32 $0xFFFFFFFF, v5;
	_ =	sdelay $0x4  }
0x47: {  	[tilespmem:v5+s15+$0x0] =	vst.idx.msk vm1, v4  }
0x48: {  	v4 =	vld [tilespmem:s25+$0x20];
	_ =	sdelay $0x4  }
0x49: {  	v5 =	vand.u32 $0x3FFF, v4;
	_ =	sdelay $0x4  }
0x4a: {  	v5 =	vld.idx.msk [tilespmem:v5+s14+$0x0], $0xffff;
	_ =	sdelay $0x4  }
0x4b: {  	vm13 =	vgt.s32 v5, $0x0  }
0x4c: {  	v5 =	vsel vm13, $0x1, v0  }
0x4d: {  	(xrf0) =	vadd.scan.msk.s32 $0xffff, v5;
	_ =	sdelay $0x1  }
0x4e: {  	v5 =	vmpcnt.ones.xlane vm1;
	_ =	sdelay $0x3  }
0x4f: {  	v3 =	vadd.s32 v3, v5;
	v5, _, _ =	vpop (xrf0)  }
0x50: {  	v5 =	vadd.s32 v5, v3  }
0x51: {  	v5 =	vadd.s32 $0xFFFFFFFF, v5;
	_ =	sdelay $0x4  }
0x52: {  	[tilespmem:v5+s15+$0x0] =	vst.idx.msk vm13, v4  }
0x53: {  	v4 =	vld [tilespmem:s25+$0x30];
	_ =	sdelay $0x4  }
0x54: {  	v5 =	vand.u32 $0x3FFF, v4;
	_ =	sdelay $0x4  }
0x55: {  	v5 =	vld.idx.msk [tilespmem:v5+s14+$0x0], $0xffff;
	_ =	sdelay $0x4  }
0x56: {  	vm14 =	vgt.s32 v5, $0x0  }
0x57: {  	v5 =	vsel vm14, $0x1, v0  }
0x58: {  	(xrf0) =	vadd.scan.msk.s32 $0xffff, v5;
	_ =	sdelay $0x1  }
0x59: {  	v5 =	vmpcnt.ones.xlane vm13;
	_ =	sdelay $0x3  }
0x5a: {  	v3 =	vadd.s32 v3, v5;
	v5, _, _ =	vpop (xrf0)  }
0x5b: {  	v5 =	vadd.s32 v5, v3  }
0x5c: {  	v5 =	vadd.s32 $0xFFFFFFFF, v5;
	_ =	sdelay $0x4  }
0x5d: {  	[tilespmem:v5+s15+$0x0] =	vst.idx.msk vm14, v4  }
0x5e: {  	v4 =	vld [tilespmem:s25+$0x40];
	_ =	sdelay $0x4  }
0x5f: {  	v5 =	vand.u32 $0x3FFF, v4;
	_ =	sdelay $0x4  }
0x60: {  	v5 =	vld.idx.msk [tilespmem:v5+s14+$0x0], $0xffff;
	_ =	sdelay $0x4  }
0x61: {  	vm15 =	vgt.s32 v5, $0x0  }
0x62: {  	v5 =	vsel vm15, $0x1, v0  }
0x63: {  	(xrf0) =	vadd.scan.msk.s32 $0xffff, v5;
	_ =	sdelay $0x1  }
0x64: {  	v5 =	vmpcnt.ones.xlane vm14;
	_ =	sdelay $0x3  }
0x65: {  	v3 =	vadd.s32 v3, v5;
	v5, _, _ =	vpop (xrf0)  }
0x66: {  	v5 =	vadd.s32 v5, v3  }
0x67: {  	p1 =	sne.s32 s24, $0x9B00;
	v5 =	vadd.s32 $0xFFFFFFFF, v5  }
.Ltmp2:
0x68: {  	_ = 	snop;
	(pc) =	sbr.rel @p1 .LBB2_2-.Ltmp2, $3  }
0x69: {  	_ = 	snop  }
0x6a: {  	v6 =	vmpcnt.ones.xlane vm15;
	_ =	sdelay $0x1  }
0x6b: {  	s24 =	sadd.s32 $0x140, s24;
	v3 =	vadd.s32 v3, v6;
	[tilespmem:v5+s15+$0x0] =	vst.idx.msk vm15, v4  }
0x6c: {  	v3 =	vxor.u32 $0x80000000, v3  }
0x6d: {  	(xrf0) =	vmax.scan.msk.u32 $0xffff, v3;
	_ =	sdelay $0x5  }
0x6e: {  	v3, _, _ =	vpop (xrf0)  }
0x6f: {  	(v2sf) =	vpush v3, $0xF;
	_ =	sdelay $0xe  }
0x70: {  	s24 =	spop (v2sf)  }
0x71: {  	s25 =	sxor.u32 $0x80000000, s24;
	s26 =	sadd.s32 $0x8000007F, s24  }
0x72: {  	s29 =	sadd.s32 $0x80000010, s24;
	s28 =	sand.u32 $0xFFFFFF80, s26;
	v3 =	vadd.s32 s25, v1  }
0x73: {  	s30 =	sadd.s32 $0x80000020, s24;
	v4 =	vadd.s32 s29, v1;
	vm0 =	vlt.s32 v3, s28  }
0x74: {  	s31 =	sadd.s32 $0x80000030, s24;
	v5 =	vadd.s32 s30, v1;
	vm1 =	vlt.s32 v4, s28  }
0x75: {  	v6 =	vadd.s32 s31, v1;
	s29 =	sadd.s32 $0x80000040, s24;
	vm2 =	vlt.s32 v5, s28  }
0x76: {  	s30 =	sadd.s32 $0x80000050, s24;
	vm3 =	vlt.s32 v6, s28;
	v7 =	vadd.s32 s29, v1  }
0x77: {  	s31 =	sadd.s32 $0x80000060, s24;
	v8 =	vadd.s32 s30, v1;
	vm4 =	vlt.s32 v7, s28  }
0x78: {  	s24 =	sadd.s32 $0x80000070, s24;
	v9 =	vadd.s32 s31, v1;
	vm5 =	vlt.s32 v8, s28  }
0x79: {  	vm14 =	vlt.s32 v9, s28;
	[tilespmem:v3+s15+$0x0] =	vst.idx.msk vm0, v2;
	v3 =	vadd.s32 s24, v1  }
0x7a: {  	[tilespmem:v4+s15+$0x0] =	vst.idx.msk vm1, v2;
	vm15 =	vlt.s32 v3, s28  }
0x7b: {  	[tilespmem:v5+s15+$0x0] =	vst.idx.msk vm2, v2  }
0x7c: {  	s25 =	sshra.s32 s26, $0x7;
	[tilespmem:v6+s15+$0x0] =	vst.idx.msk vm3, v2  }
0x7d: {  	p1 =	slt.s32 s25, $0x1;
	[tilespmem:v7+s15+$0x0] =	vst.idx.msk vm4, v2  }
.Ltmp3:
0x7e: {  	[tilespmem:v8+s15+$0x0] =	vst.idx.msk vm5, v2;
	(pc) =	sbr.rel @p1 .LBB2_7-.Ltmp3, $4  }
0x7f: {  	[tilespmem:v9+s15+$0x0] =	vst.idx.msk vm14, v2  }
0x80: {  	[tilespmem:v3+s15+$0x0] =	vst.idx.msk vm15, v2  }
0x81: {  	[bflag:$0x0] =	sbarrier.arrive $0xFFFF  }
0x82: {  	s24 =	simm.s32 $0x4E60  }
0x83: {  	v3 =	vld [tilespmem:s24+$0xFFFFFFC0];
	_ =	sdelay $0x4  }
0x84: {  	v4 =	vshra.s32 v3, $0xE  }
0x85: {  	v3 =	vand.u32 $0x3FFF, v3;
	[tilespmem:$0x75A0] =	vst v4  }
0x86: {  	[tilespmem:$0x7620] =	vst v3  }
0x87: {  	v3 =	vld [tilespmem:s24+$0xFFFFFFD0];
	_ =	sdelay $0x4  }
0x88: {  	v4 =	vshra.s32 v3, $0xE  }
0x89: {  	v3 =	vand.u32 $0x3FFF, v3;
	[tilespmem:$0x75B0] =	vst v4  }
0x8a: {  	[tilespmem:$0x7630] =	vst v3  }
0x8b: {  	v3 =	vld [tilespmem:s24+$0xFFFFFFE0];
	_ =	sdelay $0x4  }
0x8c: {  	v4 =	vshra.s32 v3, $0xE  }
0x8d: {  	v3 =	vand.u32 $0x3FFF, v3;
	[tilespmem:$0x75C0] =	vst v4  }
0x8e: {  	[tilespmem:$0x7640] =	vst v3  }
0x8f: {  	v3 =	vld [tilespmem:s24+$0xFFFFFFF0];
	_ =	sdelay $0x4  }
0x90: {  	v4 =	vshra.s32 v3, $0xE  }
0x91: {  	v3 =	vand.u32 $0x3FFF, v3;
	[tilespmem:$0x75D0] =	vst v4  }
0x92: {  	[tilespmem:$0x7650] =	vst v3  }
0x93: {  	v3 =	vld [tilespmem:s24+$0x0];
	_ =	sdelay $0x4  }
0x94: {  	v4 =	vshra.s32 v3, $0xE  }
0x95: {  	v3 =	vand.u32 $0x3FFF, v3;
	[tilespmem:$0x75E0] =	vst v4  }
0x96: {  	[tilespmem:$0x7660] =	vst v3  }
0x97: {  	v3 =	vld [tilespmem:s24+$0x10];
	_ =	sdelay $0x4  }
0x98: {  	v4 =	vshra.s32 v3, $0xE  }
0x99: {  	v3 =	vand.u32 $0x3FFF, v3;
	[tilespmem:$0x75F0] =	vst v4  }
0x9a: {  	[tilespmem:$0x7670] =	vst v3  }
0x9b: {  	v3 =	vld [tilespmem:s24+$0x20];
	_ =	sdelay $0x4  }
0x9c: {  	v4 =	vshra.s32 v3, $0xE  }
0x9d: {  	v3 =	vand.u32 $0x3FFF, v3;
	[tilespmem:$0x7600] =	vst v4  }
0x9e: {  	[tilespmem:$0x7680] =	vst v3  }
0x9f: {  	v3 =	vld [tilespmem:s24+$0x30]  }
0xa0: {  	p1 =	sne.s32 s25, $0x1  }
.Ltmp4:
0xa1: {  	_ = 	snop;
	(pc) =	sbr.rel @!p1 .LBB2_6-.Ltmp4, $3  }
0xa2: {  	_ =	sdelay $0x1  }
0xa3: {  	v4 =	vshra.s32 v3, $0xE  }
0xa4: {  	s25 =	sadd.s32 $0xFFFFFFFF, s25;
	v3 =	vand.u32 $0x3FFF, v3;
	[tilespmem:$0x7610] =	vst v4  }
.LBB2_5:
0xa5: {  	p1 =	sne.s32 s25, $0x1;
	s25 =	sadd.s32 $0xFFFFFFFF, s25;
	[tilespmem:$0x7690] =	vst v3;
	s24 =	sadd.s32 $0x80, s24  }
0xa6: {  	[tilespmem:s18], [sflag:$0x1] =	stream.indirect.gather [hbm4b:s1+s16], $0x80, s17, s16, $0xb8;
	[tilespmem:$0x1EFA0] =	vst v63  }
0xa7: {  	_ =	swait.ge [sflag:s19], $0x4000  }
0xa8: {  	[sflag:s19] =	ssyncset.done $0x0  }
0xa9: {  	[sflag:s19] =	ssyncadd.s32 $0xFFFFC000  }
0xaa: {  	[spmem:s3] =	stream.indirect.scatter.add.f32 [tilespmem:s18], [sflag:$0x2], $0x80, s20, s16, $0xb8;
	[tilespmem:$0x1EFA0] =	vst v63  }
0xab: {  	_ =	swait.ge [sflag:s13], $0x4000  }
0xac: {  	[sflag:s13] =	ssyncset.done $0x0  }
0xad: {  	[sflag:s13] =	ssyncadd.s32 $0xFFFFC000  }
0xae: {  	v3 =	vld [tilespmem:s24+$0xFFFFFFC0];
	_ =	sdelay $0x4  }
0xaf: {  	v4 =	vshra.s32 v3, $0xE;
	v3 =	vand.u32 $0x3FFF, v3  }
0xb0: {  	[tilespmem:$0x75A0] =	vst v4  }
0xb1: {  	[tilespmem:$0x7620] =	vst v3  }
0xb2: {  	v3 =	vld [tilespmem:s24+$0xFFFFFFD0];
	_ =	sdelay $0x4  }
0xb3: {  	v4 =	vshra.s32 v3, $0xE;
	v3 =	vand.u32 $0x3FFF, v3  }
0xb4: {  	[tilespmem:$0x75B0] =	vst v4  }
0xb5: {  	[tilespmem:$0x7630] =	vst v3  }
0xb6: {  	v3 =	vld [tilespmem:s24+$0xFFFFFFE0];
	_ =	sdelay $0x4  }
0xb7: {  	v4 =	vshra.s32 v3, $0xE;
	v3 =	vand.u32 $0x3FFF, v3  }
0xb8: {  	[tilespmem:$0x75C0] =	vst v4  }
0xb9: {  	[tilespmem:$0x7640] =	vst v3  }
0xba: {  	v3 =	vld [tilespmem:s24+$0xFFFFFFF0];
	_ =	sdelay $0x4  }
0xbb: {  	v4 =	vshra.s32 v3, $0xE;
	v3 =	vand.u32 $0x3FFF, v3  }
0xbc: {  	[tilespmem:$0x75D0] =	vst v4  }
0xbd: {  	[tilespmem:$0x7650] =	vst v3  }
0xbe: {  	v3 =	vld [tilespmem:s24+$0x0];
	_ =	sdelay $0x4  }
0xbf: {  	v4 =	vshra.s32 v3, $0xE;
	v3 =	vand.u32 $0x3FFF, v3  }
0xc0: {  	[tilespmem:$0x75E0] =	vst v4  }
0xc1: {  	[tilespmem:$0x7660] =	vst v3  }
0xc2: {  	v3 =	vld [tilespmem:s24+$0x10];
	_ =	sdelay $0x4  }
0xc3: {  	v4 =	vshra.s32 v3, $0xE;
	v3 =	vand.u32 $0x3FFF, v3  }
0xc4: {  	[tilespmem:$0x75F0] =	vst v4  }
0xc5: {  	[tilespmem:$0x7670] =	vst v3  }
0xc6: {  	v3 =	vld [tilespmem:s24+$0x20];
	_ =	sdelay $0x4  }
0xc7: {  	v4 =	vshra.s32 v3, $0xE;
	v3 =	vand.u32 $0x3FFF, v3  }
0xc8: {  	[tilespmem:$0x7600] =	vst v4  }
0xc9: {  	[tilespmem:$0x7680] =	vst v3  }
0xca: {  	v3 =	vld [tilespmem:s24+$0x30];
	_ =	sdelay $0x1  }
.Ltmp5:
0xcb: {  	(pc) =	sbr.rel @p1 .LBB2_5-.Ltmp5, $3  }
0xcc: {  	_ =	sdelay $0x1  }
0xcd: {  	v4 =	vshra.s32 v3, $0xE;
	v3 =	vand.u32 $0x3FFF, v3  }
0xce: {  	[tilespmem:$0x7610] =	vst v4  }
.Ltmp6:
0xcf: {  	_ = 	snop;
	(pc) =	sbr.rel .LBB2_6-.Ltmp6, $1  }
0xd0: {  	_ =	sdelay $0x3  }
.LBB2_8:
0xd1: {  	_ =	sfence.sel $0x180000  }
0xd2: {  	[bflag:$0x0] =	sbarrier.arrive $0xFFFF  }
0xd3: {  	p0 =	sne.s32 s2, $0x0;
	_ =	strace $0x9000004A  }
0xd4: {  	s0 =	sadd.s32 @!p0 $0x100000, s0;
	[bflag:$0x2] =	sbarrier.arrive $0xFFFF  }
0xd5: {  	[sflag:s0] =	ssyncadd.tile.s32 @!p0 $0x1;
	_ =	shalt  }
.Lfunc_end2:
_tile_overlayer_lowered:
.L_overlay_start_2:
0xd6: {  	(tag) =	ssettag $0x2  }
0xd7: {  	s0 =	rddreg [dreg:$0x0];
	s2 =	stileid.u32  }
0xd8: {  	s1 =	rddreg [dreg:$0x1];
	p0 =	sne.s32 s2, $0x0  }
0xd9: {  	s3 =	rddreg [dreg:$0x2];
	[bflag:$0x3] =	sbarrier.arrive $0xFFFF;
	s2 =	simm.s32 @!p0 $0x1C02  }
0xda: {  	[timem:s3], [sflag:s2] =	dma.local @!p0 [hbm:s0], s1  }
0xdb: {  	s0 =	simm.s32 @!p0 $0x2  }
0xdc: {  	_ =	swait.ge @!p0 [sflag:s0], s1  }
0xdd: {  	s1 =	ssub.s32 @!p0 $0x0, s1;
	[sflag:s0] =	ssyncset.done @!p0 $0x0  }
0xde: {  	[sflag:s0] =	ssyncadd.s32 @!p0 s1  }
0xdf: {  	[bflag:$0x3] =	sbarrier.arrive $0xFFFF  }
0xe0: {  	_ =	shalt  }

// kernel: kernel.14.cloned.1.call-start
scs
__scs_entry_jumppad:
0x0: {  	(pc) =	sbr.rel $0x88, $3  }
0x1: {  	(tag) =	ssettag $0x0;
	lr =	simm.s32 $0x1  }
0x2: {  	[smem:$0x3F92] =	sst lr;
	_ =	strace $0xD0000000  }
0x3: {  	_ = 	snop  }
0x4: {  	_ = 	snop  }
0x5: {  	_ = 	snop  }
0x6: {  	_ = 	snop  }
0x7: {  	_ = 	snop  }
__scs_overlays_trampoline_lowered:
0x8: {  	[smem:$0x3FA1] =	sst s0  }
0x9: {  	[smem:$0x3FA2] =	sst s1  }
0xa: {  	[smem:$0x3FA3] =	sst s2  }
0xb: {  	[smem:$0x3FA4] =	sst s3  }
0xc: {  	[smem:$0x3FA5] =	sst s4  }
0xd: {  	[smem:$0x3FA6] =	sst s5  }
0xe: {  	[smem:$0x3FA7] =	sst s6  }
0xf: {  	[smem:$0x3FA8] =	sst s7  }
0x10: {  	[smem:$0x3FA9] =	sst s8  }
0x11: {  	[smem:$0x3FAA] =	sst s9;
	s0 =	simm.s32 @!p0 $0x0  }
0x12: {  	s1 =	sld [smem:$0x3F90];
	s0 =	simm.s32 @p0 $0x1  }
0x13: {  	[smem:$0x3FAB] =	sst s0;
	s0 =	simm.s32 @!p1 $0x0  }
0x14: {  	s2 =	sld [smem:$0x3F8F];
	s0 =	simm.s32 @p1 $0x1  }
0x15: {  	[smem:$0x3FAC] =	sst s0;
	s0 =	simm.s32 @!p2 $0x0  }
0x16: {  	s3 =	sld [smem:$0x3FDB];
	s0 =	simm.s32 @p2 $0x1  }
0x17: {  	s4 =	simm.s32 $0x1BF5;
	[smem:$0x3FAE] =	sst s0  }
0x18: {  	s0 =	sld [smem:$0x3F91];
	_ =	swait.ge [sflag:s4], $0x0  }
0x19: {  	s7 =	sld [smem:$0x3F92]  }
0x1a: {  	s8 =	sadd.s32 $0xFFFFE003, lr  }
0x1b: {  	s9 =	sadd.s32 $0xFFFFFEF7, lr;
	s5 =	simm.s32 $0xFFFFFFFF;
	p2 =	slt.u32 s8, $0xFFFFF086  }
0x1c: {  	p1 =	slt.u32 s9, $0xF7A;
	s5 =	simm.s32 @!p2 $0x0  }
0x1d: {  	s5 =	simm.s32 @p1 $0x1;
	p0 =	seq.s32 s7, s2  }
0x1e: {  	s7 =	smul.u32 @!p0 $0xF7A, s2;
	p2 =	seq.s32 @!p0 s5, $0x0  }
0x1f: {  	s9 =	smul.u32 $0xF7A, s1;
	s8 =	simm.s32 @!p0 $0x1BF5;
	p2 =	por !p2, p0  }
0x20: {  	[sflag:s8] =	ssyncset.s32 @!p0 $0xFFFFF086;
	s6 =	sadd.s32 @!p0 s3, s7;
	s7 =	simm.s32 @!p0 $0x108  }
0x21: {  	s3 =	sadd.s32 s3, s9;
	s6 =	sadd.s32 @!p0 $0x88, s6;
	s7 =	simm.s32 @p2 $0x1082  }
0x22: {  	[simem:s7], [sflag:s8] =	dma.local @!p0 [hbm:s6], $0xF7A  }
0x23: {  	s9 =	sor.u32 $0xD0000000, s2;
	s6 =	simm.s32 $0x108;
	_ =	swait.ge @!p0 [sflag:s8], $0x0  }
0x24: {  	s3 =	sadd.s32 $0x88, s3;
	s6 =	simm.s32 @!p1 $0x1082;
	[sflag:s4] =	ssyncset.s32 $0xFFFFF086  }
0x25: {  	[simem:s6], [sflag:s4] =	dma.local [hbm:s3], $0xF7A  }
0x26: {  	[smem:$0x3F92] =	sst s1;
	(tag) =	ssettag s2;
	_ =	strace s9  }
0x27: {  	s1 =	sld [smem:$0x3FA2]  }
0x28: {  	s2 =	sld [smem:$0x3FA3]  }
0x29: {  	s4 =	sld [smem:$0x3FA5]  }
0x2a: {  	p0 =	seq.s32 s5, $0x0;
	s5 =	sld [smem:$0x3FA6]  }
0x2b: {  	s6 =	sld [smem:$0x3FA7]  }
0x2c: {  	s7 =	sld [smem:$0x3FA8]  }
0x2d: {  	s3 =	simm.s32 $0x108;
	s8 =	sld [smem:$0x3FA9]  }
0x2e: {  	s3 =	simm.s32 @!p0 $0x1082;
	s9 =	sld [smem:$0x3FAA]  }
0x2f: {  	lr =	sadd.s32 s0, s3;
	s0 =	sld [smem:$0x3FA1]  }
0x30: {  	s3 =	sld [smem:$0x3FA4]  }
0x31: {  	[smem:$0x3FAD] =	sst s10  }
0x32: {  	s10 =	sld [smem:$0x3FAB];
	_ =	sdelay $0x3  }
0x33: {  	p0 =	seq.s32 s10, $0x1;
	s10 =	sld [smem:$0x3FAD];
	_ =	sdelay $0x3  }
0x34: {  	[smem:$0x3FAD] =	sst s10  }
0x35: {  	s10 =	sld [smem:$0x3FAC];
	_ =	sdelay $0x3  }
0x36: {  	p1 =	seq.s32 s10, $0x1;
	s10 =	sld [smem:$0x3FAD];
	_ =	sdelay $0x3  }
0x37: {  	[smem:$0x3FAD] =	sst s10  }
0x38: {  	s10 =	sld [smem:$0x3FAE]  }
0x39: {  	_ = 	snop;
	(pc) =	sbr.ind lr, $3  }
0x3a: {  	_ = 	snop  }
0x3b: {  	_ = 	snop  }
0x3c: {  	p2 =	seq.s32 s10, $0x1;
	s10 =	sld [smem:$0x3FAD]  }
0x3d: {  	_ =	shalt  }
0x3e: {  	_ =	shalt  }
0x3f: {  	_ =	shalt  }
0x40: {  	_ =	shalt  }
0x41: {  	_ =	shalt  }
0x42: {  	_ =	shalt  }
0x43: {  	_ =	shalt  }
0x44: {  	_ =	shalt  }
0x45: {  	_ =	shalt  }
0x46: {  	_ =	shalt  }
0x47: {  	_ =	shalt  }
0x48: {  	_ =	shalt  }
0x49: {  	_ =	shalt  }
0x4a: {  	_ =	shalt  }
0x4b: {  	_ =	shalt  }
0x4c: {  	_ =	shalt  }
0x4d: {  	_ =	shalt  }
0x4e: {  	_ =	shalt  }
0x4f: {  	_ =	shalt  }
0x50: {  	_ =	shalt  }
0x51: {  	_ =	shalt  }
0x52: {  	_ =	shalt  }
0x53: {  	_ =	shalt  }
0x54: {  	_ =	shalt  }
0x55: {  	_ =	shalt  }
0x56: {  	_ =	shalt  }
0x57: {  	_ =	shalt  }
0x58: {  	_ =	shalt  }
0x59: {  	_ =	shalt  }
0x5a: {  	_ =	shalt  }
0x5b: {  	_ =	shalt  }
0x5c: {  	_ =	shalt  }
0x5d: {  	_ =	shalt  }
0x5e: {  	_ =	shalt  }
0x5f: {  	_ =	shalt  }
0x60: {  	_ =	shalt  }
0x61: {  	_ =	shalt  }
0x62: {  	_ =	shalt  }
0x63: {  	_ =	shalt  }
0x64: {  	_ =	shalt  }
0x65: {  	_ =	shalt  }
0x66: {  	_ =	shalt  }
0x67: {  	_ =	shalt  }
0x68: {  	_ =	shalt  }
0x69: {  	_ =	shalt  }
0x6a: {  	_ =	shalt  }
0x6b: {  	_ =	shalt  }
0x6c: {  	_ =	shalt  }
0x6d: {  	_ =	shalt  }
0x6e: {  	_ =	shalt  }
0x6f: {  	_ =	shalt  }
0x70: {  	_ =	shalt  }
0x71: {  	_ =	shalt  }
0x72: {  	_ =	shalt  }
0x73: {  	_ =	shalt  }
0x74: {  	_ =	shalt  }
0x75: {  	_ =	shalt  }
0x76: {  	_ =	shalt  }
0x77: {  	_ =	shalt  }
0x78: {  	_ =	shalt  }
0x79: {  	_ =	shalt  }
0x7a: {  	_ =	shalt  }
0x7b: {  	_ =	shalt  }
0x7c: {  	_ =	shalt  }
0x7d: {  	_ =	shalt  }
0x7e: {  	_ =	shalt  }
0x7f: {  	_ =	shalt  }
0x80: {  	_ =	shalt  }
0x81: {  	_ =	shalt  }
0x82: {  	_ =	shalt  }
0x83: {  	_ =	shalt  }
0x84: {  	_ =	shalt  }
0x85: {  	_ =	shalt  }
0x86: {  	_ =	shalt  }
0x87: {  	_ =	shalt  }
.Lfunc_end0:
.L_simem_size_0:
called_computation.2_lowered:
.L_overlay_start_0:
0x88: {  	s2 =	sld [smem:$0x3FD9]  }
0x89: {  	s3 =	sld [smem:$0x3FFE];
	_ =	sdelay $0x1  }
0x8a: {  	s1 =	srdreg.scid  }
0x8b: {  	s0 =	sand.u32 $0x1, s1  }
0x8c: {  	s16 =	sshll.u32 s0, $0xA;
	s2 =	sadd.s32 s3, s2  }
0x8d: {  	s2 =	sadd.s32 s2, s16  }
0x8e: {  	[smem:$0x3FB9] =	sst s2  }
0x8f: {  	_ = 	snop  }
0x90: {  	(tm) =	ssettm $0x1  }
0x91: {  	s17 =	sld [smem:$0x3FFB];
	_ =	sdelay $0x3  }
0x92: {  	_ =	strace s17  }
0x93: {  	s2 =	sld [smem:$0x3FFC];
	_ =	sdelay $0x3  }
0x94: {  	_ =	strace s2  }
0x95: {  	s2 =	sld [smem:$0x3FFD];
	_ =	sdelay $0x3  }
0x96: {  	_ =	strace s2  }
0x97: {  	_ =	strace $0x8FFFFFFF  }
0x98: {  	s18 =	sld [smem:$0x3FDB];
	_ =	sdelay $0x1  }
0x99: {  	s19 =	simm.s32 $_scs_section_size  }
0x9a: {  	s4 =	simm.s32 $_size__tile_overlayer_lowered;
	s5 =	simm.s32 $_tile_overlayer_lowered  }
0x9b: {  	s22 =	simm.s32 $0x1BFF;
	s21 =	sshll.u32 s5, $0x1;
	s2 =	sadd.s32 s19, s18  }
0x9c: {  	s6 =	simm.s32 $0x0;
	s20 =	sshll.u32 s4, $0x1;
	s4 =	sadd.s32 s21, s2  }
0x9d: {  	[timem:s6], [sflag:s22] =	dma.local [hbm:s4], s20  }
0x9e: {  	_ =	swait.ge [sflag:s22], s20  }
0x9f: {  	s3 =	ssub.s32 $0x0, s20;
	[sflag:s22] =	ssyncset.done $0x0  }
0xa0: {  	[sflag:s22] =	ssyncadd.s32 s3;
	_ =	sdelay $0x1  }
0xa1: {  	s23 =	simm.s32 $0x1B8B  }
0xa2: {  	_ =	swait.ge [sflag:s23], $0x1  }
0xa3: {  	[sflag:s23] =	ssyncset.done $0x0  }
0xa4: {  	s25 =	simm.s32 $0x1B8E;
	s24 =	sld [smem:$0x3FFE];
	[sflag:s23] =	ssyncadd.s32 $0xFFFFFFFF  }
0xa5: {  	s26 =	simm.s32 $execute0_lowered;
	[smem:$0x3FD2] =	sst s25  }
0xa6: {  	s4 =	sshll.u32 s26, $0x1;
	_ =	strace $0x8000004C;
	[dreg:$0x1] =	wrdreg $0xFFFFFFFF  }
0xa7: {  	s28 =	simm.s32 $_size_execute0_lowered;
	s2 =	sadd.s32 s2, s4;
	[dreg:$0x0] =	wrdreg $0x0  }
0xa8: {  	s4 =	sshll.u32 s28, $0x1;
	[dreg:$0x2] =	wrdreg s2  }
0xa9: {  	[dreg:$0x3] =	wrdreg s4  }
0xaa: {  	[dreg:$0x4] =	wrdreg $0xC0  }
0xab: {  	_ =	task [dreg:s6], $0x5FFFF  }
0xac: {  	[dreg:$0x1] =	wrdreg $0xFFFFFFFF  }
0xad: {  	[dreg:$0x0] =	wrdreg $0x60  }
0xae: {  	[dreg:$0x2] =	wrdreg s24  }
0xaf: {  	[dreg:$0x3] =	wrdreg $0x107400  }
0xb0: {  	[dreg:$0x4] =	wrdreg $0x9  }
0xb1: {  	_ =	task.clear_ibuf [dreg:s6], $0x5FFFF;
	_ =	strace $0x9000004C  }
0xb2: {  	s29 =	simm.s32 $0x9;
	_ =	strace $0x8000004E  }
0xb3: {  	_ =	swait.ge [sflag:s29], $0x1  }
0xb4: {  	[sflag:s29] =	ssyncadd.s32 $0xFFFFFFFF  }
0xb5: {  	_ =	strace $0x9000004E  }
0xb6: {  	_ =	sfence  }
0xb7: {  	s30 =	sld [smem:$0x0];
	_ =	sdelay $0x2  }
0xb8: {  	s31 =	sshll.u32 s1, $0xD;
	s1 =	sshrl.u32 s1, $0x2  }
0xb9: {  	s3 =	sand.u32 $0x4000, s31;
	s1 =	sadd.s32 s1, s30  }
0xba: {  	s0 =	sor.u32 s3, s0;
	s1 =	sshll.u32 s1, $0x11  }
0xbb: {  	s0 =	sor.u32 s1, s0  }
0xbc: {  	s0 =	sadd.s32 $0x8F2B, s0  }
0xbd: {  	[sflag:s0] =	ssyncadd.remote.s32 $0x1  }
0xbe: {  	_ =	sfence.sel $0xFFFF  }
0xbf: {  	[dreg:$0x0] =	wrdreg $0xFFFFFFFF;
	(pc) =	sbr.abs _section_cstart, $3  }
0xc0: {  	[dreg:$0x1] =	wrdreg $0xFFFFFFFF  }
0xc1: {  	_ =	task.clear_ibuf [dreg:s6], $0x2FFFF;
	_ =	strace $0x9FFFFFFF  }
0xc2: {  	(tm) =	ssettm $0x7FFFFFFF  }
0xc3: {  	_ =	shalt  }
tec
execute0_lowered:
.L_overlay_start_1:
0x0: {  	(tag) =	ssettag $0x1  }
0x1: {  	s0 =	srdreg.scid;
	s7 =	rddreg [dreg:$0x0]  }
0x2: {  	s12 =	stileid.u32;
	s1 =	rddreg [dreg:$0x1]  }
0x3: {  	s2 =	simm.s32 $0x0;
	s11 =	simm.s32 $0x2;
	s14 =	simm.s32 $0x4E70  }
0x4: {  	s15 =	simm.s32 $0x80;
	s16 =	simm.s32 $0x75F0;
	s17 =	simm.s32 $0x76F0  }
0x5: {  	s18 =	simm.s32 $0x1;
	s19 =	simm.s32 $0x7670;
	s20 =	simm.s32 $0x0  }
0x6: {  	s6 =	sand.u32 $0x1, s0;
	[smem:$0x7FF] =	sst s2;
	s5 =	sadd.s32 $0x35400, s7  }
0x7: {  	p1 =	seq.s32 s12, $0x1;
	s0 =	sshll.u32 s6, $0x4;
	s8 =	smul.u32 $0x500, s6  }
0x8: {  	s10 =	ssub.s32 $0x2, s6;
	p0 =	seq.s32 s6, $0x0;
	s6 =	sadd.s32 $0x3600, s7  }
0x9: {  	s3 =	sor.u32 s12, s0;
	s0 =	rddreg [dreg:$0x2];
	_ =	strace $0x8000004D  }
0xa: {  	s31 =	sshrl.u32 s10, $0x1;
	p0 =	por !p0, !p1;
	s4 =	smul.u32 $0x4E2, s3  }
.Ltmp0:
0xb: {  	s3 =	sadd.s32 $0x5C600, s7;
	s8 =	sadd.s32 s8, s7;
	(pc) =	sbr.rel .LBB2_1-.Ltmp0, $4  }
0xc: {  	s10 =	ssub.s32 s10, s31;
	p1 =	por !p0, !p0;
	p0 =	sne.s32 s12, $0x0  }
0xd: {  	v0 =	vimm.s32 $0x0;
	v1 =	vlaneseq.u32;
	s12 =	simm.s32 $0x2760;
	s8 =	sadd.s32 $0x2C00, s8;
	p1 =	por !p1, !p0  }
0xe: {  	v7 =	vimm.s32 $0x60;
	v2 =	vadd.s32 $0x1, v1;
	v3 =	vadd.s32 $0x11, v1;
	s13 =	sshrl.u32 @!p0 s1, $0x3;
	s9 =	sadd.s32 s4, s7;
	s4 =	sadd.s32 $0x16A00, s7  }
0xf: {  	v4 =	vadd.s32 $0x21, v1;
	v5 =	vadd.s32 $0x31, v1;
	v6 =	vadd.s32 $0x41, v1;
	s7 =	sadd.s32 $0x2B600, s9;
	s9 =	smax.u32 s10, $0x1;
	s10 =	simm.s32 $0x2710  }
.LBB2_8:
0x10: {  	[tilespmem:$0x76E0] =	vst v8  }
0x11: {  	[tilespmem:s17], [sflag:$0x1] =	stream.indirect.gather [hbm4b:s3+s15], $0x80, s16, s15, $0xb8;
	[tilespmem:$0x10B40] =	vst v63  }
0x12: {  	_ =	swait.ge [sflag:s18], $0x4000  }
0x13: {  	[sflag:s18] =	ssyncset.done $0x0  }
0x14: {  	[sflag:s18] =	ssyncadd.s32 $0xFFFFC000  }
0x15: {  	[spmem:s1] =	stream.indirect.scatter.add.f32 [tilespmem:s17], [sflag:$0x2], $0x80, s19, s15, $0xb8;
	[tilespmem:$0x10B40] =	vst v63  }
0x16: {  	_ =	swait.ge [sflag:s11], $0x4000  }
0x17: {  	[sflag:s11] =	ssyncset.done $0x0  }
0x18: {  	[sflag:s11] =	ssyncadd.s32 $0xFFFFC000  }
.LBB2_9:
0x19: {  	[bflag:$0x0] =	sbarrier.arrive $0xFFFF  }
0x1a: {  	v8 =	vld @!p0 [tilespmem:$0x2710];
	_ =	sdelay $0x6  }
0x1b: {  	s21 =	simm.s32 @!p0 $0x2760;
	v9 =	vld @!p0 [tilespmem:$0x2720]  }
0x1c: {  	v8 =	vld.idx.msk @!p0 [tilespmem:v8+s21+$0x0], $0xffff;
	_ =	sdelay $0x4  }
0x1d: {  	v8 =	vadd.s32 @!p0 $0xFFFFFFFF, v8  }
0x1e: {  	[tilespmem:$0xB6F0] =	vst @!p0 v8;
	v8 =	vld @!p0 [tilespmem:$0x2730]  }
0x1f: {  	v9 =	vld.idx.msk @!p0 [tilespmem:v9+s21+$0x0], $0xffff;
	_ =	sdelay $0x4  }
0x20: {  	v9 =	vadd.s32 @!p0 $0xFFFFFFFF, v9  }
0x21: {  	[tilespmem:$0xB700] =	vst @!p0 v9;
	v9 =	vld @!p0 [tilespmem:$0x2740]  }
0x22: {  	v8 =	vld.idx.msk @!p0 [tilespmem:v8+s21+$0x0], $0xffff;
	_ =	sdelay $0x4  }
0x23: {  	v8 =	vadd.s32 @!p0 $0xFFFFFFFF, v8  }
0x24: {  	[tilespmem:$0xB710] =	vst @!p0 v8;
	v8 =	vld @!p0 [tilespmem:$0x2750]  }
0x25: {  	v9 =	vld.idx.msk @!p0 [tilespmem:v9+s21+$0x0], $0xffff;
	_ =	sdelay $0x4  }
0x26: {  	v9 =	vadd.s32 @!p0 $0xFFFFFFFF, v9  }
0x27: {  	[tilespmem:$0xB720] =	vst @!p0 v9  }
0x28: {  	v8 =	vld.idx.msk @!p0 [tilespmem:v8+s21+$0x0], $0xffff;
	_ =	sdelay $0x4  }
0x29: {  	v8 =	vadd.s32 @!p0 $0xFFFFFFFF, v8  }
0x2a: {  	s22 =	simm.s32 @!p0 $0xB6F0;
	s23 =	simm.s32 @!p0 $0xB740;
	s21 =	simm.s32 @!p0 $0x50;
	[tilespmem:$0xB730] =	vst @!p0 v8  }
0x2b: {  	[tilespmem:s23], [sflag:$0x1] =	stream.indirect.gather @!p0 [spmem:s1], $0x80, s22, s21, $0xb8;
	[tilespmem:$0x10B40] =	vst v63  }
0x2c: {  	s21 =	simm.s32 @!p0 $0x1  }
0x2d: {  	_ =	swait.ge @!p0 [sflag:s21], $0x2800  }
0x2e: {  	s20 =	sadd.s32 $0x1, s20;
	[sflag:s21] =	ssyncset.done @!p0 $0x0  }
0x2f: {  	p2 =	sne.s32 s20, s9;
	[sflag:s21] =	ssyncadd.s32 @!p0 $0xFFFFD800;
	s21 =	simm.s32 @!p0 $0x0  }
0x30: {  	[hbm4b:s8+s21] =	stream.linear.scatter @!p0 [tilespmem:s23], [sflag:$0x2], $0x2800, $0x38;
	[tilespmem:$0x10B40] =	vst v63  }
.Ltmp1:
0x31: {  	_ = 	snop;
	(pc) =	sbr.rel @!p2 .LBB2_10-.Ltmp1, $4  }
0x32: {  	s21 =	simm.s32 @!p0 $0x2  }
0x33: {  	_ =	swait.ge @!p0 [sflag:s21], $0x2800  }
0x34: {  	[sflag:s21] =	ssyncset.done @!p0 $0x0  }
0x35: {  	[sflag:s21] =	ssyncadd.s32 @!p0 $0xFFFFD800  }
.LBB2_1:
0x36: {  	[tilespmem:s10], [sflag:$0x2] =	stream.linear.gather [hbm4b:s4+s2], $0x50, $0x38;
	[tilespmem:$0x10B40] =	vst v63  }
0x37: {  	_ =	swait.ge [sflag:s11], $0x50  }
0x38: {  	[sflag:s11] =	ssyncset.done $0x0  }
0x39: {  	[sflag:s11] =	ssyncadd.s32 $0xFFFFFFB0  }
0x3a: {  	[tilespmem:s2], [sflag:$0x2] =	stream.linear.gather [hbm4b:s7+s2], $0x2710, $0x38;
	[tilespmem:$0x10B40] =	vst v63  }
0x3b: {  	_ =	swait.ge [sflag:s11], $0x2710  }
0x3c: {  	[sflag:s11] =	ssyncset.done $0x0  }
0x3d: {  	s21 =	simm.s32 $0x40;
	s22 =	simm.s32 $0x0;
	[sflag:s11] =	ssyncadd.s32 $0xFFFFD8F0  }
.LBB2_2:
0x3e: {  	p2 =	sne.s32 s21, $0x9C00;
	[tilespmem:s22+$0x2760] =	vst v0;
	s22 =	smov.u32 s21;
	s21 =	sadd.s32 $0x40, s21  }
.Ltmp2:
0x3f: {  	(pc) =	sbr.rel @p2 .LBB2_2-.Ltmp2, $2  }
0x40: {  	_ =	sdelay $0x2  }
0x41: {  	s22 =	sshra.s32 s22, $0x2  }
0x42: {  	[tilespmem:s22+$0x2760] =	vst v0  }
0x43: {  	v8 =	vld [tilespmem:$0x2710];
	_ =	sdelay $0x7  }
0x44: {  	[tilespmem:v8+s12+$0x0] =	vst.idx.msk $0xffff, v2  }
0x45: {  	v8 =	vld [tilespmem:$0x2720];
	_ =	sdelay $0x7  }
0x46: {  	[tilespmem:v8+s12+$0x0] =	vst.idx.msk $0xffff, v3  }
0x47: {  	v8 =	vld [tilespmem:$0x2730];
	_ =	sdelay $0x7  }
0x48: {  	[tilespmem:v8+s12+$0x0] =	vst.idx.msk $0xffff, v4  }
0x49: {  	v8 =	vld [tilespmem:$0x2740];
	_ =	sdelay $0x7  }
0x4a: {  	[tilespmem:v8+s12+$0x0] =	vst.idx.msk $0xffff, v5  }
0x4b: {  	v8 =	vld [tilespmem:$0x2750];
	_ =	sdelay $0x7  }
0x4c: {  	s21 =	simm.s32 @!p1 $0x50;
	s22 =	simm.s32 @!p1 $0x2710;
	s23 =	simm.s32 @!p1 $0xDF40;
	[tilespmem:v8+s12+$0x0] =	vst.idx.msk $0xffff, v6  }
0x4d: {  	[tilespmem:s23], [sflag:$0x1] =	stream.indirect.gather @!p1 [hbm4b:s3+s21], $0x80, s22, s21, $0xb8;
	[tilespmem:$0x10B40] =	vst v63  }
0x4e: {  	s21 =	simm.s32 @!p1 $0x1  }
0x4f: {  	_ =	swait.ge @!p1 [sflag:s21], $0x2800  }
0x50: {  	[sflag:s21] =	ssyncset.done @!p1 $0x0  }
0x51: {  	[sflag:s21] =	ssyncadd.s32 @!p1 $0xFFFFD800;
	s21 =	simm.s32 @!p1 $0x0  }
0x52: {  	[hbm4b:s6+s21] =	stream.linear.scatter @!p1 [tilespmem:s23], [sflag:$0x2], $0x2800, $0x38;
	[tilespmem:$0x10B40] =	vst v63  }
0x53: {  	s21 =	simm.s32 @!p1 $0x2  }
0x54: {  	_ =	swait.ge @!p1 [sflag:s21], $0x2800  }
0x55: {  	[sflag:s21] =	ssyncset.done @!p1 $0x0  }
0x56: {  	[sflag:s21] =	ssyncadd.s32 @!p1 $0xFFFFD800;
	s21 =	simm.s32 @!p0 $0x1C02  }
0x57: {  	[spmem:s13], [sflag:s21] =	dma.local @!p0 [hbm:s5], $0x800  }
0x58: {  	s21 =	simm.s32 @!p0 $0x2  }
0x59: {  	_ =	swait.ge @!p0 [sflag:s21], $0x800  }
0x5a: {  	[sflag:s21] =	ssyncset.done @!p0 $0x0  }
0x5b: {  	v8 =	vimm.s32 $0x0;
	[sflag:s21] =	ssyncadd.s32 @!p0 $0xFFFFF800;
	s21 =	simm.s32 $0x0  }
.LBB2_4:
0x5c: {  	s22 =	sshra.s32 s21, $0x2  }
0x5d: {  	v9 =	vld [tilespmem:s22+$0x0];
	_ =	sdelay $0x4  }
0x5e: {  	v10 =	vand.u32 $0x3FFF, v9;
	_ =	sdelay $0x4  }
0x5f: {  	v10 =	vld.idx.msk [tilespmem:v10+s12+$0x0], $0xffff;
	_ =	sdelay $0x4  }
0x60: {  	vm0 =	vgt.s32 v10, $0x0  }
0x61: {  	v11 =	vsel vm0, $0x1, v0  }
0x62: {  	(xrf0) =	vadd.scan.msk.s32 $0xffff, v11;
	_ =	sdelay $0x5  }
0x63: {  	v11, _, _ =	vpop (xrf0)  }
0x64: {  	v11 =	vadd.s32 v11, v8  }
0x65: {  	v11 =	vadd.s32 $0xFFFFFFFF, v11;
	_ =	sdelay $0x2  }
0x66: {  	v9 =	vand.u32 $0xFFFFC000, v9;
	v10 =	vadd.s32 $0xFFFFFFFF, v10  }
0x67: {  	v9 =	vor.u32 v9, v10  }
0x68: {  	[tilespmem:v11+s14+$0x0] =	vst.idx.msk vm0, v9  }
0x69: {  	v9 =	vld [tilespmem:s22+$0x10];
	_ =	sdelay $0x4  }
0x6a: {  	v10 =	vand.u32 $0x3FFF, v9;
	_ =	sdelay $0x4  }
0x6b: {  	v10 =	vld.idx.msk [tilespmem:v10+s12+$0x0], $0xffff;
	_ =	sdelay $0x4  }
0x6c: {  	vm1 =	vgt.s32 v10, $0x0  }
0x6d: {  	v11 =	vsel vm1, $0x1, v0  }
0x6e: {  	(xrf0) =	vadd.scan.msk.s32 $0xffff, v11;
	_ =	sdelay $0x1  }
0x6f: {  	v11 =	vmpcnt.ones.xlane vm0;
	_ =	sdelay $0x3  }
0x70: {  	v8 =	vadd.s32 v8, v11;
	v11, _, _ =	vpop (xrf0)  }
0x71: {  	v11 =	vadd.s32 v11, v8  }
0x72: {  	v11 =	vadd.s32 $0xFFFFFFFF, v11;
	_ =	sdelay $0x2  }
0x73: {  	v9 =	vand.u32 $0xFFFFC000, v9;
	v10 =	vadd.s32 $0xFFFFFFFF, v10  }
0x74: {  	v9 =	vor.u32 v9, v10  }
0x75: {  	[tilespmem:v11+s14+$0x0] =	vst.idx.msk vm1, v9  }
0x76: {  	v9 =	vld [tilespmem:s22+$0x20];
	_ =	sdelay $0x4  }
0x77: {  	v10 =	vand.u32 $0x3FFF, v9;
	_ =	sdelay $0x4  }
0x78: {  	v10 =	vld.idx.msk [tilespmem:v10+s12+$0x0], $0xffff;
	_ =	sdelay $0x4  }
0x79: {  	vm13 =	vgt.s32 v10, $0x0  }
0x7a: {  	v11 =	vsel vm13, $0x1, v0  }
0x7b: {  	(xrf0) =	vadd.scan.msk.s32 $0xffff, v11;
	_ =	sdelay $0x1  }
0x7c: {  	v11 =	vmpcnt.ones.xlane vm1;
	_ =	sdelay $0x3  }
0x7d: {  	v8 =	vadd.s32 v8, v11;
	v11, _, _ =	vpop (xrf0)  }
0x7e: {  	v11 =	vadd.s32 v11, v8  }
0x7f: {  	v11 =	vadd.s32 $0xFFFFFFFF, v11;
	_ =	sdelay $0x2  }
0x80: {  	v9 =	vand.u32 $0xFFFFC000, v9;
	v10 =	vadd.s32 $0xFFFFFFFF, v10  }
0x81: {  	v9 =	vor.u32 v9, v10  }
0x82: {  	[tilespmem:v11+s14+$0x0] =	vst.idx.msk vm13, v9  }
0x83: {  	v9 =	vld [tilespmem:s22+$0x30];
	_ =	sdelay $0x4  }
0x84: {  	v10 =	vand.u32 $0x3FFF, v9;
	_ =	sdelay $0x4  }
0x85: {  	v10 =	vld.idx.msk [tilespmem:v10+s12+$0x0], $0xffff;
	_ =	sdelay $0x4  }
0x86: {  	vm14 =	vgt.s32 v10, $0x0  }
0x87: {  	v11 =	vsel vm14, $0x1, v0  }
0x88: {  	(xrf0) =	vadd.scan.msk.s32 $0xffff, v11;
	_ =	sdelay $0x1  }
0x89: {  	v11 =	vmpcnt.ones.xlane vm13;
	_ =	sdelay $0x3  }
0x8a: {  	v8 =	vadd.s32 v8, v11;
	v11, _, _ =	vpop (xrf0)  }
0x8b: {  	v11 =	vadd.s32 v11, v8  }
0x8c: {  	v11 =	vadd.s32 $0xFFFFFFFF, v11;
	_ =	sdelay $0x2  }
0x8d: {  	v9 =	vand.u32 $0xFFFFC000, v9;
	v10 =	vadd.s32 $0xFFFFFFFF, v10  }
0x8e: {  	v9 =	vor.u32 v9, v10  }
0x8f: {  	[tilespmem:v11+s14+$0x0] =	vst.idx.msk vm14, v9  }
0x90: {  	v9 =	vld [tilespmem:s22+$0x40];
	_ =	sdelay $0x4  }
0x91: {  	v10 =	vand.u32 $0x3FFF, v9;
	_ =	sdelay $0x4  }
0x92: {  	v10 =	vld.idx.msk [tilespmem:v10+s12+$0x0], $0xffff;
	_ =	sdelay $0x4  }
0x93: {  	vm15 =	vgt.s32 v10, $0x0  }
0x94: {  	v11 =	vsel vm15, $0x1, v0  }
0x95: {  	(xrf0) =	vadd.scan.msk.s32 $0xffff, v11;
	_ =	sdelay $0x1  }
0x96: {  	v11 =	vmpcnt.ones.xlane vm14;
	_ =	sdelay $0x3  }
0x97: {  	v8 =	vadd.s32 v8, v11;
	v11, _, _ =	vpop (xrf0)  }
0x98: {  	v11 =	vadd.s32 v11, v8  }
0x99: {  	p2 =	sne.s32 s21, $0x9B00;
	v11 =	vadd.s32 $0xFFFFFFFF, v11  }
.Ltmp3:
0x9a: {  	_ = 	snop;
	(pc) =	sbr.rel @p2 .LBB2_4-.Ltmp3, $4  }
0x9b: {  	_ = 	snop  }
0x9c: {  	v9 =	vand.u32 $0xFFFFC000, v9;
	v10 =	vadd.s32 $0xFFFFFFFF, v10;
	v12 =	vmpcnt.ones.xlane vm15  }
0x9d: {  	v9 =	vor.u32 v9, v10  }
0x9e: {  	s21 =	sadd.s32 $0x140, s21;
	v8 =	vadd.s32 v8, v12;
	[tilespmem:v11+s14+$0x0] =	vst.idx.msk vm15, v9  }
0x9f: {  	v8 =	vxor.u32 $0x80000000, v8  }
0xa0: {  	(xrf0) =	vmax.scan.msk.u32 $0xffff, v8;
	_ =	sdelay $0x5  }
0xa1: {  	v8, _, _ =	vpop (xrf0)  }
0xa2: {  	(v2sf) =	vpush v8, $0xF;
	_ =	sdelay $0xe  }
0xa3: {  	s21 =	spop (v2sf)  }
0xa4: {  	s22 =	sxor.u32 $0x80000000, s21;
	s23 =	sadd.s32 $0x8000007F, s21  }
0xa5: {  	s25 =	sadd.s32 $0x80000010, s21;
	s24 =	sand.u32 $0xFFFFFF80, s23;
	v8 =	vadd.s32 s22, v1  }
0xa6: {  	s26 =	sadd.s32 $0x80000020, s21;
	v9 =	vadd.s32 s25, v1;
	vm0 =	vlt.s32 v8, s24  }
0xa7: {  	s28 =	sadd.s32 $0x80000030, s21;
	v10 =	vadd.s32 s26, v1;
	vm1 =	vlt.s32 v9, s24  }
0xa8: {  	s29 =	sadd.s32 $0x80000040, s21;
	v11 =	vadd.s32 s28, v1;
	vm2 =	vlt.s32 v10, s24  }
0xa9: {  	s30 =	sadd.s32 $0x80000050, s21;
	v12 =	vadd.s32 s29, v1;
	vm3 =	vlt.s32 v11, s24  }
0xaa: {  	s31 =	sadd.s32 $0x80000060, s21;
	v13 =	vadd.s32 s30, v1;
	vm4 =	vlt.s32 v12, s24  }
0xab: {  	s21 =	sadd.s32 $0x80000070, s21;
	v14 =	vadd.s32 s31, v1;
	vm5 =	vlt.s32 v13, s24  }
0xac: {  	vm14 =	vlt.s32 v14, s24;
	[tilespmem:v8+s14+$0x0] =	vst.idx.msk vm0, v7;
	v8 =	vadd.s32 s21, v1  }
0xad: {  	[tilespmem:v9+s14+$0x0] =	vst.idx.msk vm1, v7;
	vm15 =	vlt.s32 v8, s24  }
0xae: {  	[tilespmem:v10+s14+$0x0] =	vst.idx.msk vm2, v7  }
0xaf: {  	s22 =	sshra.s32 s23, $0x7;
	[tilespmem:v11+s14+$0x0] =	vst.idx.msk vm3, v7  }
0xb0: {  	p2 =	slt.s32 s22, $0x1;
	[tilespmem:v12+s14+$0x0] =	vst.idx.msk vm4, v7  }
.Ltmp4:
0xb1: {  	[tilespmem:v13+s14+$0x0] =	vst.idx.msk vm5, v7;
	(pc) =	sbr.rel @p2 .LBB2_9-.Ltmp4, $4  }
0xb2: {  	[tilespmem:v14+s14+$0x0] =	vst.idx.msk vm14, v7  }
0xb3: {  	[tilespmem:v8+s14+$0x0] =	vst.idx.msk vm15, v7  }
0xb4: {  	[bflag:$0x0] =	sbarrier.arrive $0xFFFF  }
0xb5: {  	s21 =	simm.s32 $0x4EB0  }
0xb6: {  	v8 =	vld [tilespmem:s21+$0xFFFFFFC0];
	_ =	sdelay $0x4  }
0xb7: {  	v9 =	vshra.s32 v8, $0xE  }
0xb8: {  	v8 =	vand.u32 $0x3FFF, v8;
	[tilespmem:$0x75F0] =	vst v9  }
0xb9: {  	[tilespmem:$0x7670] =	vst v8  }
0xba: {  	v8 =	vld [tilespmem:s21+$0xFFFFFFD0];
	_ =	sdelay $0x4  }
0xbb: {  	v9 =	vshra.s32 v8, $0xE  }
0xbc: {  	v8 =	vand.u32 $0x3FFF, v8;
	[tilespmem:$0x7600] =	vst v9  }
0xbd: {  	[tilespmem:$0x7680] =	vst v8  }
0xbe: {  	v8 =	vld [tilespmem:s21+$0xFFFFFFE0];
	_ =	sdelay $0x4  }
0xbf: {  	v9 =	vshra.s32 v8, $0xE  }
0xc0: {  	v8 =	vand.u32 $0x3FFF, v8;
	[tilespmem:$0x7610] =	vst v9  }
0xc1: {  	[tilespmem:$0x7690] =	vst v8  }
0xc2: {  	v8 =	vld [tilespmem:s21+$0xFFFFFFF0];
	_ =	sdelay $0x4  }
0xc3: {  	v9 =	vshra.s32 v8, $0xE  }
0xc4: {  	v8 =	vand.u32 $0x3FFF, v8;
	[tilespmem:$0x7620] =	vst v9  }
0xc5: {  	[tilespmem:$0x76A0] =	vst v8  }
0xc6: {  	v8 =	vld [tilespmem:s21+$0x0];
	_ =	sdelay $0x4  }
0xc7: {  	v9 =	vshra.s32 v8, $0xE  }
0xc8: {  	v8 =	vand.u32 $0x3FFF, v8;
	[tilespmem:$0x7630] =	vst v9  }
0xc9: {  	[tilespmem:$0x76B0] =	vst v8  }
0xca: {  	v8 =	vld [tilespmem:s21+$0x10];
	_ =	sdelay $0x4  }
0xcb: {  	v9 =	vshra.s32 v8, $0xE  }
0xcc: {  	v8 =	vand.u32 $0x3FFF, v8;
	[tilespmem:$0x7640] =	vst v9  }
0xcd: {  	[tilespmem:$0x76C0] =	vst v8  }
0xce: {  	v8 =	vld [tilespmem:s21+$0x20];
	_ =	sdelay $0x4  }
0xcf: {  	v9 =	vshra.s32 v8, $0xE  }
0xd0: {  	v8 =	vand.u32 $0x3FFF, v8;
	[tilespmem:$0x7650] =	vst v9  }
0xd1: {  	[tilespmem:$0x76D0] =	vst v8  }
0xd2: {  	v8 =	vld [tilespmem:s21+$0x30]  }
0xd3: {  	p2 =	sne.s32 s22, $0x1  }
.Ltmp5:
0xd4: {  	_ = 	snop;
	(pc) =	sbr.rel @!p2 .LBB2_8-.Ltmp5, $3  }
0xd5: {  	_ =	sdelay $0x1  }
0xd6: {  	v9 =	vshra.s32 v8, $0xE  }
0xd7: {  	s22 =	sadd.s32 $0xFFFFFFFF, s22;
	v8 =	vand.u32 $0x3FFF, v8;
	[tilespmem:$0x7660] =	vst v9  }
.LBB2_7:
0xd8: {  	p2 =	sne.s32 s22, $0x1;
	s22 =	sadd.s32 $0xFFFFFFFF, s22;
	[tilespmem:$0x76E0] =	vst v8;
	s21 =	sadd.s32 $0x80, s21  }
0xd9: {  	[tilespmem:s17], [sflag:$0x1] =	stream.indirect.gather [hbm4b:s3+s15], $0x80, s16, s15, $0xb8;
	[tilespmem:$0x10B40] =	vst v63  }
0xda: {  	_ =	swait.ge [sflag:s18], $0x4000  }
0xdb: {  	[sflag:s18] =	ssyncset.done $0x0  }
0xdc: {  	[sflag:s18] =	ssyncadd.s32 $0xFFFFC000  }
0xdd: {  	[spmem:s1] =	stream.indirect.scatter.add.f32 [tilespmem:s17], [sflag:$0x2], $0x80, s19, s15, $0xb8;
	[tilespmem:$0x10B40] =	vst v63  }
0xde: {  	_ =	swait.ge [sflag:s11], $0x4000  }
0xdf: {  	[sflag:s11] =	ssyncset.done $0x0  }
0xe0: {  	[sflag:s11] =	ssyncadd.s32 $0xFFFFC000  }
0xe1: {  	v8 =	vld [tilespmem:s21+$0xFFFFFFC0];
	_ =	sdelay $0x4  }
0xe2: {  	v9 =	vshra.s32 v8, $0xE;
	v8 =	vand.u32 $0x3FFF, v8  }
0xe3: {  	[tilespmem:$0x75F0] =	vst v9  }
0xe4: {  	[tilespmem:$0x7670] =	vst v8  }
0xe5: {  	v8 =	vld [tilespmem:s21+$0xFFFFFFD0];
	_ =	sdelay $0x4  }
0xe6: {  	v9 =	vshra.s32 v8, $0xE;
	v8 =	vand.u32 $0x3FFF, v8  }
0xe7: {  	[tilespmem:$0x7600] =	vst v9  }
0xe8: {  	[tilespmem:$0x7680] =	vst v8  }
0xe9: {  	v8 =	vld [tilespmem:s21+$0xFFFFFFE0];
	_ =	sdelay $0x4  }
0xea: {  	v9 =	vshra.s32 v8, $0xE;
	v8 =	vand.u32 $0x3FFF, v8  }
0xeb: {  	[tilespmem:$0x7610] =	vst v9  }
0xec: {  	[tilespmem:$0x7690] =	vst v8  }
0xed: {  	v8 =	vld [tilespmem:s21+$0xFFFFFFF0];
	_ =	sdelay $0x4  }
0xee: {  	v9 =	vshra.s32 v8, $0xE;
	v8 =	vand.u32 $0x3FFF, v8  }
0xef: {  	[tilespmem:$0x7620] =	vst v9  }
0xf0: {  	[tilespmem:$0x76A0] =	vst v8  }
0xf1: {  	v8 =	vld [tilespmem:s21+$0x0];
	_ =	sdelay $0x4  }
0xf2: {  	v9 =	vshra.s32 v8, $0xE;
	v8 =	vand.u32 $0x3FFF, v8  }
0xf3: {  	[tilespmem:$0x7630] =	vst v9  }
0xf4: {  	[tilespmem:$0x76B0] =	vst v8  }
0xf5: {  	v8 =	vld [tilespmem:s21+$0x10];
	_ =	sdelay $0x4  }
0xf6: {  	v9 =	vshra.s32 v8, $0xE;
	v8 =	vand.u32 $0x3FFF, v8  }
0xf7: {  	[tilespmem:$0x7640] =	vst v9  }
0xf8: {  	[tilespmem:$0x76C0] =	vst v8  }
0xf9: {  	v8 =	vld [tilespmem:s21+$0x20];
	_ =	sdelay $0x4  }
0xfa: {  	v9 =	vshra.s32 v8, $0xE;
	v8 =	vand.u32 $0x3FFF, v8  }
0xfb: {  	[tilespmem:$0x7650] =	vst v9  }
0xfc: {  	[tilespmem:$0x76D0] =	vst v8  }
0xfd: {  	v8 =	vld [tilespmem:s21+$0x30];
	_ =	sdelay $0x1  }
.Ltmp6:
0xfe: {  	(pc) =	sbr.rel @p2 .LBB2_7-.Ltmp6, $3  }
0xff: {  	_ =	sdelay $0x1  }
0x100: {  	v9 =	vshra.s32 v8, $0xE;
	v8 =	vand.u32 $0x3FFF, v8  }
0x101: {  	[tilespmem:$0x7660] =	vst v9  }
.Ltmp7:
0x102: {  	_ = 	snop;
	(pc) =	sbr.rel .LBB2_8-.Ltmp7, $1  }
0x103: {  	_ =	sdelay $0x3  }
.LBB2_10:
0x104: {  	_ =	sfence.sel $0x180000  }
0x105: {  	[bflag:$0x0] =	sbarrier.arrive $0xFFFF  }
0x106: {  	_ =	strace $0x9000004D  }
0x107: {  	s0 =	sadd.s32 @!p0 $0x100000, s0;
	[bflag:$0x2] =	sbarrier.arrive $0xFFFF  }
0x108: {  	[sflag:s0] =	ssyncadd.tile.s32 @!p0 $0x1;
	_ =	shalt  }
.Lfunc_end2:
_tile_overlayer_lowered:
.L_overlay_start_2:
0x109: {  	(tag) =	ssettag $0x2  }
0x10a: {  	s0 =	rddreg [dreg:$0x0];
	s2 =	stileid.u32  }
0x10b: {  	s1 =	rddreg [dreg:$0x1];
	p0 =	sne.s32 s2, $0x0  }
0x10c: {  	s3 =	rddreg [dreg:$0x2];
	[bflag:$0x3] =	sbarrier.arrive $0xFFFF;
	s2 =	simm.s32 @!p0 $0x1C02  }
0x10d: {  	[timem:s3], [sflag:s2] =	dma.local @!p0 [hbm:s0], s1  }
0x10e: {  	s0 =	simm.s32 @!p0 $0x2  }
0x10f: {  	_ =	swait.ge @!p0 [sflag:s0], s1  }
0x110: {  	s1 =	ssub.s32 @!p0 $0x0, s1;
	[sflag:s0] =	ssyncset.done @!p0 $0x0  }
0x111: {  	[sflag:s0] =	ssyncadd.s32 @!p0 s1  }
0x112: {  	[bflag:$0x3] =	sbarrier.arrive $0xFFFF  }
0x113: {  	_ =	shalt  }

// kernel: kernel.8.cloned.1.call-start
scs
__scs_entry_jumppad:
0x0: {  	(pc) =	sbr.rel $0x88, $3  }
0x1: {  	(tag) =	ssettag $0x0;
	lr =	simm.s32 $0x1  }
0x2: {  	[smem:$0x3F92] =	sst lr;
	_ =	strace $0xD0000000  }
0x3: {  	_ = 	snop  }
0x4: {  	_ = 	snop  }
0x5: {  	_ = 	snop  }
0x6: {  	_ = 	snop  }
0x7: {  	_ = 	snop  }
__scs_overlays_trampoline_lowered:
0x8: {  	[smem:$0x3FA1] =	sst s0  }
0x9: {  	[smem:$0x3FA2] =	sst s1  }
0xa: {  	[smem:$0x3FA3] =	sst s2  }
0xb: {  	[smem:$0x3FA4] =	sst s3  }
0xc: {  	[smem:$0x3FA5] =	sst s4  }
0xd: {  	[smem:$0x3FA6] =	sst s5  }
0xe: {  	[smem:$0x3FA7] =	sst s6  }
0xf: {  	[smem:$0x3FA8] =	sst s7  }
0x10: {  	[smem:$0x3FA9] =	sst s8  }
0x11: {  	[smem:$0x3FAA] =	sst s9;
	s0 =	simm.s32 @!p0 $0x0  }
0x12: {  	s1 =	sld [smem:$0x3F90];
	s0 =	simm.s32 @p0 $0x1  }
0x13: {  	[smem:$0x3FAB] =	sst s0;
	s0 =	simm.s32 @!p1 $0x0  }
0x14: {  	s2 =	sld [smem:$0x3F8F];
	s0 =	simm.s32 @p1 $0x1  }
0x15: {  	[smem:$0x3FAC] =	sst s0;
	s0 =	simm.s32 @!p2 $0x0  }
0x16: {  	s3 =	sld [smem:$0x3FDB];
	s0 =	simm.s32 @p2 $0x1  }
0x17: {  	s4 =	simm.s32 $0x1BF5;
	[smem:$0x3FAE] =	sst s0  }
0x18: {  	s0 =	sld [smem:$0x3F91];
	_ =	swait.ge [sflag:s4], $0x0  }
0x19: {  	s7 =	sld [smem:$0x3F92]  }
0x1a: {  	s8 =	sadd.s32 $0xFFFFE003, lr  }
0x1b: {  	s9 =	sadd.s32 $0xFFFFFEF7, lr;
	s5 =	simm.s32 $0xFFFFFFFF;
	p2 =	slt.u32 s8, $0xFFFFF086  }
0x1c: {  	p1 =	slt.u32 s9, $0xF7A;
	s5 =	simm.s32 @!p2 $0x0  }
0x1d: {  	s5 =	simm.s32 @p1 $0x1;
	p0 =	seq.s32 s7, s2  }
0x1e: {  	s7 =	smul.u32 @!p0 $0xF7A, s2;
	p2 =	seq.s32 @!p0 s5, $0x0  }
0x1f: {  	s9 =	smul.u32 $0xF7A, s1;
	s8 =	simm.s32 @!p0 $0x1BF5;
	p2 =	por !p2, p0  }
0x20: {  	[sflag:s8] =	ssyncset.s32 @!p0 $0xFFFFF086;
	s6 =	sadd.s32 @!p0 s3, s7;
	s7 =	simm.s32 @!p0 $0x108  }
0x21: {  	s3 =	sadd.s32 s3, s9;
	s6 =	sadd.s32 @!p0 $0x88, s6;
	s7 =	simm.s32 @p2 $0x1082  }
0x22: {  	[simem:s7], [sflag:s8] =	dma.local @!p0 [hbm:s6], $0xF7A  }
0x23: {  	s9 =	sor.u32 $0xD0000000, s2;
	s6 =	simm.s32 $0x108;
	_ =	swait.ge @!p0 [sflag:s8], $0x0  }
0x24: {  	s3 =	sadd.s32 $0x88, s3;
	s6 =	simm.s32 @!p1 $0x1082;
	[sflag:s4] =	ssyncset.s32 $0xFFFFF086  }
0x25: {  	[simem:s6], [sflag:s4] =	dma.local [hbm:s3], $0xF7A  }
0x26: {  	[smem:$0x3F92] =	sst s1;
	(tag) =	ssettag s2;
	_ =	strace s9  }
0x27: {  	s1 =	sld [smem:$0x3FA2]  }
0x28: {  	s2 =	sld [smem:$0x3FA3]  }
0x29: {  	s4 =	sld [smem:$0x3FA5]  }
0x2a: {  	p0 =	seq.s32 s5, $0x0;
	s5 =	sld [smem:$0x3FA6]  }
0x2b: {  	s6 =	sld [smem:$0x3FA7]  }
0x2c: {  	s7 =	sld [smem:$0x3FA8]  }
0x2d: {  	s3 =	simm.s32 $0x108;
	s8 =	sld [smem:$0x3FA9]  }
0x2e: {  	s3 =	simm.s32 @!p0 $0x1082;
	s9 =	sld [smem:$0x3FAA]  }
0x2f: {  	lr =	sadd.s32 s0, s3;
	s0 =	sld [smem:$0x3FA1]  }
0x30: {  	s3 =	sld [smem:$0x3FA4]  }
0x31: {  	[smem:$0x3FAD] =	sst s10  }
0x32: {  	s10 =	sld [smem:$0x3FAB];
	_ =	sdelay $0x3  }
0x33: {  	p0 =	seq.s32 s10, $0x1;
	s10 =	sld [smem:$0x3FAD];
	_ =	sdelay $0x3  }
0x34: {  	[smem:$0x3FAD] =	sst s10  }
0x35: {  	s10 =	sld [smem:$0x3FAC];
	_ =	sdelay $0x3  }
0x36: {  	p1 =	seq.s32 s10, $0x1;
	s10 =	sld [smem:$0x3FAD];
	_ =	sdelay $0x3  }
0x37: {  	[smem:$0x3FAD] =	sst s10  }
0x38: {  	s10 =	sld [smem:$0x3FAE]  }
0x39: {  	_ = 	snop;
	(pc) =	sbr.ind lr, $3  }
0x3a: {  	_ = 	snop  }
0x3b: {  	_ = 	snop  }
0x3c: {  	p2 =	seq.s32 s10, $0x1;
	s10 =	sld [smem:$0x3FAD]  }
0x3d: {  	_ =	shalt  }
0x3e: {  	_ =	shalt  }
0x3f: {  	_ =	shalt  }
0x40: {  	_ =	shalt  }
0x41: {  	_ =	shalt  }
0x42: {  	_ =	shalt  }
0x43: {  	_ =	shalt  }
0x44: {  	_ =	shalt  }
0x45: {  	_ =	shalt  }
0x46: {  	_ =	shalt  }
0x47: {  	_ =	shalt  }
0x48: {  	_ =	shalt  }
0x49: {  	_ =	shalt  }
0x4a: {  	_ =	shalt  }
0x4b: {  	_ =	shalt  }
0x4c: {  	_ =	shalt  }
0x4d: {  	_ =	shalt  }
0x4e: {  	_ =	shalt  }
0x4f: {  	_ =	shalt  }
0x50: {  	_ =	shalt  }
0x51: {  	_ =	shalt  }
0x52: {  	_ =	shalt  }
0x53: {  	_ =	shalt  }
0x54: {  	_ =	shalt  }
0x55: {  	_ =	shalt  }
0x56: {  	_ =	shalt  }
0x57: {  	_ =	shalt  }
0x58: {  	_ =	shalt  }
0x59: {  	_ =	shalt  }
0x5a: {  	_ =	shalt  }
0x5b: {  	_ =	shalt  }
0x5c: {  	_ =	shalt  }
0x5d: {  	_ =	shalt  }
0x5e: {  	_ =	shalt  }
0x5f: {  	_ =	shalt  }
0x60: {  	_ =	shalt  }
0x61: {  	_ =	shalt  }
0x62: {  	_ =	shalt  }
0x63: {  	_ =	shalt  }
0x64: {  	_ =	shalt  }
0x65: {  	_ =	shalt  }
0x66: {  	_ =	shalt  }
0x67: {  	_ =	shalt  }
0x68: {  	_ =	shalt  }
0x69: {  	_ =	shalt  }
0x6a: {  	_ =	shalt  }
0x6b: {  	_ =	shalt  }
0x6c: {  	_ =	shalt  }
0x6d: {  	_ =	shalt  }
0x6e: {  	_ =	shalt  }
0x6f: {  	_ =	shalt  }
0x70: {  	_ =	shalt  }
0x71: {  	_ =	shalt  }
0x72: {  	_ =	shalt  }
0x73: {  	_ =	shalt  }
0x74: {  	_ =	shalt  }
0x75: {  	_ =	shalt  }
0x76: {  	_ =	shalt  }
0x77: {  	_ =	shalt  }
0x78: {  	_ =	shalt  }
0x79: {  	_ =	shalt  }
0x7a: {  	_ =	shalt  }
0x7b: {  	_ =	shalt  }
0x7c: {  	_ =	shalt  }
0x7d: {  	_ =	shalt  }
0x7e: {  	_ =	shalt  }
0x7f: {  	_ =	shalt  }
0x80: {  	_ =	shalt  }
0x81: {  	_ =	shalt  }
0x82: {  	_ =	shalt  }
0x83: {  	_ =	shalt  }
0x84: {  	_ =	shalt  }
0x85: {  	_ =	shalt  }
0x86: {  	_ =	shalt  }
0x87: {  	_ =	shalt  }
.Lfunc_end0:
.L_simem_size_0:
called_computation_lowered:
.L_overlay_start_0:
0x88: {  	s2 =	sld [smem:$0x3FD9]  }
0x89: {  	s3 =	sld [smem:$0x3FFE];
	_ =	sdelay $0x1  }
0x8a: {  	s1 =	srdreg.scid  }
0x8b: {  	s0 =	sand.u32 $0x1, s1  }
0x8c: {  	s16 =	sshll.u32 s0, $0xA;
	s2 =	sadd.s32 s3, s2  }
0x8d: {  	s2 =	sadd.s32 s2, s16  }
0x8e: {  	[smem:$0x3FB9] =	sst s2  }
0x8f: {  	_ = 	snop  }
0x90: {  	(tm) =	ssettm $0x1  }
0x91: {  	s17 =	sld [smem:$0x3FFB];
	_ =	sdelay $0x3  }
0x92: {  	_ =	strace s17  }
0x93: {  	s2 =	sld [smem:$0x3FFC];
	_ =	sdelay $0x3  }
0x94: {  	_ =	strace s2  }
0x95: {  	s2 =	sld [smem:$0x3FFD];
	_ =	sdelay $0x3  }
0x96: {  	_ =	strace s2  }
0x97: {  	_ =	strace $0x8FFFFFFF  }
0x98: {  	s18 =	sld [smem:$0x3FDB];
	_ =	sdelay $0x1  }
0x99: {  	s19 =	simm.s32 $_scs_section_size  }
0x9a: {  	s4 =	simm.s32 $_size__tile_overlayer_lowered;
	s5 =	simm.s32 $_tile_overlayer_lowered  }
0x9b: {  	s22 =	simm.s32 $0x1BFF;
	s21 =	sshll.u32 s5, $0x1;
	s2 =	sadd.s32 s19, s18  }
0x9c: {  	s6 =	simm.s32 $0x0;
	s20 =	sshll.u32 s4, $0x1;
	s4 =	sadd.s32 s21, s2  }
0x9d: {  	[timem:s6], [sflag:s22] =	dma.local [hbm:s4], s20  }
0x9e: {  	_ =	swait.ge [sflag:s22], s20  }
0x9f: {  	s3 =	ssub.s32 $0x0, s20;
	[sflag:s22] =	ssyncset.done $0x0  }
0xa0: {  	[sflag:s22] =	ssyncadd.s32 s3;
	_ =	sdelay $0x1  }
0xa1: {  	s23 =	simm.s32 $0x1B8B  }
0xa2: {  	_ =	swait.ge [sflag:s23], $0x1  }
0xa3: {  	[sflag:s23] =	ssyncset.done $0x0  }
0xa4: {  	s25 =	simm.s32 $0x1B8E;
	s24 =	sld [smem:$0x3FFE];
	[sflag:s23] =	ssyncadd.s32 $0xFFFFFFFF  }
0xa5: {  	s26 =	simm.s32 $execute0_lowered;
	[smem:$0x3FD2] =	sst s25  }
0xa6: {  	s4 =	sshll.u32 s26, $0x1;
	_ =	strace $0x80000046;
	[dreg:$0x1] =	wrdreg $0xFFFFFFFF  }
0xa7: {  	s28 =	simm.s32 $_size_execute0_lowered;
	s2 =	sadd.s32 s2, s4;
	[dreg:$0x0] =	wrdreg $0x0  }
0xa8: {  	s4 =	sshll.u32 s28, $0x1;
	[dreg:$0x2] =	wrdreg s2  }
0xa9: {  	[dreg:$0x3] =	wrdreg s4  }
0xaa: {  	[dreg:$0x4] =	wrdreg $0xC0  }
0xab: {  	_ =	task [dreg:s6], $0x5FFFF  }
0xac: {  	[dreg:$0x1] =	wrdreg $0xFFFFFFFF  }
0xad: {  	[dreg:$0x0] =	wrdreg $0x60  }
0xae: {  	[dreg:$0x2] =	wrdreg s24  }
0xaf: {  	[dreg:$0x3] =	wrdreg $0xF0000  }
0xb0: {  	[dreg:$0x4] =	wrdreg $0x9  }
0xb1: {  	_ =	task.clear_ibuf [dreg:s6], $0x5FFFF;
	_ =	strace $0x90000046  }
0xb2: {  	s29 =	simm.s32 $0x9;
	_ =	strace $0x80000048  }
0xb3: {  	_ =	swait.ge [sflag:s29], $0x1  }
0xb4: {  	[sflag:s29] =	ssyncadd.s32 $0xFFFFFFFF  }
0xb5: {  	_ =	strace $0x90000048  }
0xb6: {  	_ =	sfence  }
0xb7: {  	s30 =	sld [smem:$0x0];
	_ =	sdelay $0x2  }
0xb8: {  	s31 =	sshll.u32 s1, $0xD;
	s1 =	sshrl.u32 s1, $0x2  }
0xb9: {  	s3 =	sand.u32 $0x4000, s31;
	s1 =	sadd.s32 s1, s30  }
0xba: {  	s0 =	sor.u32 s3, s0;
	s1 =	sshll.u32 s1, $0x11  }
0xbb: {  	s0 =	sor.u32 s1, s0  }
0xbc: {  	s0 =	sadd.s32 $0x8F2B, s0  }
0xbd: {  	[sflag:s0] =	ssyncadd.remote.s32 $0x1  }
0xbe: {  	_ =	sfence.sel $0xFFFF  }
0xbf: {  	[dreg:$0x0] =	wrdreg $0xFFFFFFFF;
	(pc) =	sbr.abs _section_cstart, $3  }
0xc0: {  	[dreg:$0x1] =	wrdreg $0xFFFFFFFF  }
0xc1: {  	_ =	task.clear_ibuf [dreg:s6], $0x2FFFF;
	_ =	strace $0x9FFFFFFF  }
0xc2: {  	(tm) =	ssettm $0x7FFFFFFF  }
0xc3: {  	_ =	shalt  }
tec
execute0_lowered:
.L_overlay_start_1:
0x0: {  	(tag) =	ssettag $0x1  }
0x1: {  	s6 =	rddreg [dreg:$0x0]  }
0x2: {  	s1 =	rddreg [dreg:$0x1]  }
0x3: {  	s2 =	srdreg.scid;
	s0 =	rddreg [dreg:$0x2]  }
0x4: {  	s20 =	stileid.u32;
	s14 =	simm.s32 $0x7580;
	s15 =	simm.s32 $0x1  }
0x5: {  	s16 =	simm.s32 $0x9C90;
	s17 =	simm.s32 $0xC3A0;
	s18 =	simm.s32 $0x7530  }
0x6: {  	s19 =	simm.s32 $0x2710;
	s21 =	simm.s32 $0xEB00;
	s22 =	simm.s32 $0x4E20  }
0x7: {  	s23 =	simm.s32 $0x0;
	s7 =	sand.u32 $0x1, s2;
	s2 =	simm.s32 $0x0  }
0x8: {  	s4 =	sadd.s32 $0x17200, s6;
	s5 =	sadd.s32 $0x16C00, s6;
	s10 =	smul.u32 $0x140, s20  }
0x9: {  	p0 =	sne.s32 s20, $0x0;
	s3 =	sshll.u32 s7, $0x4;
	[smem:$0x7FF] =	sst s2  }
0xa: {  	s9 =	smul.u32 $0xA, s7;
	s7 =	ssub.s32 $0x2, s7;
	s3 =	sor.u32 s20, s3  }
0xb: {  	_ =	strace $0x80000047;
	s30 =	sshrl.u32 s7, $0x1;
	s8 =	smul.u32 $0x4E2, s3  }
.Ltmp0:
0xc: {  	s31 =	sshrl.u32 s10, $0x2;
	s20 =	simm.s32 $0xEAB0;
	(pc) =	sbr.rel .LBB2_1-.Ltmp0, $4  }
0xd: {  	s3 =	sadd.s32 $0x16A00, s6;
	s9 =	sadd.s32 s9, s6;
	s13 =	ssub.s32 s7, s30  }
0xe: {  	s9 =	sadd.s32 $0x2B400, s9;
	s13 =	smax.u32 s13, $0x1;
	s12 =	sadd.s32 s8, s6  }
0xf: {  	s8 =	sadd.s32 s31, s1;
	s6 =	sadd.s32 $0xCA00, s12;
	s7 =	sadd.s32 $0x2C00, s12  }
0x10: {  	v0 =	vimm.s32 $0x1;
	v1 =	vimm.f32 $1.000000000e+00;
	s10 =	sadd.s32 $0x2B600, s12;
	s11 =	sadd.s32 $0x17800, s12;
	s12 =	sadd.s32 $0x21600, s12  }
.LBB2_5:
0x11: {  	[hbm4b:s10+s2] =	stream.linear.scatter [tilespmem:s22], [sflag:$0x1], $0x2710, $0x38;
	[tilespmem:$0xF050] =	vst v63  }
0x12: {  	_ =	swait.ge [sflag:s15], $0x2710  }
0x13: {  	[sflag:s15] =	ssyncset.done $0x0  }
0x14: {  	[sflag:s15] =	ssyncadd.s32 $0xFFFFD8F0  }
0x15: {  	[hbm4b:s11+s2] =	stream.linear.scatter [tilespmem:s16], [sflag:$0x1], $0x2710, $0x38;
	[tilespmem:$0xF050] =	vst v63  }
0x16: {  	s23 =	sadd.s32 $0x1, s23;
	_ =	swait.ge [sflag:s15], $0x2710  }
0x17: {  	p1 =	sne.s32 s23, s13;
	[sflag:s15] =	ssyncset.done $0x0  }
.Ltmp1:
0x18: {  	[sflag:s15] =	ssyncadd.s32 $0xFFFFD8F0;
	(pc) =	sbr.rel @!p1 .LBB2_6-.Ltmp1, $4  }
0x19: {  	[hbm4b:s12+s2] =	stream.linear.scatter [tilespmem:s17], [sflag:$0x1], $0x2710, $0x38;
	[tilespmem:$0xF050] =	vst v63  }
0x1a: {  	_ =	swait.ge [sflag:s15], $0x2710  }
0x1b: {  	[sflag:s15] =	ssyncset.done $0x0  }
0x1c: {  	[sflag:s15] =	ssyncadd.s32 $0xFFFFD8F0  }
.LBB2_1:
0x1d: {  	[tilespmem:s14], [sflag:$0x1] =	stream.linear.gather [hbm4b:s4+s2], $0x2710, $0x38;
	[tilespmem:$0xF050] =	vst v63  }
0x1e: {  	_ =	swait.ge [sflag:s15], $0x2710  }
0x1f: {  	[sflag:s15] =	ssyncset.done $0x0  }
0x20: {  	[sflag:s15] =	ssyncadd.s32 $0xFFFFD8F0  }
0x21: {  	[tilespmem:s16], [sflag:$0x1] =	stream.linear.gather [hbm4b:s4+s2], $0x2710, $0x38;
	[tilespmem:$0xF050] =	vst v63  }
0x22: {  	_ =	swait.ge [sflag:s15], $0x2710  }
0x23: {  	[sflag:s15] =	ssyncset.done $0x0  }
0x24: {  	[sflag:s15] =	ssyncadd.s32 $0xFFFFD8F0  }
0x25: {  	[tilespmem:s17], [sflag:$0x1] =	stream.linear.gather [hbm4b:s5+s2], $0x2710, $0x38;
	[tilespmem:$0xF050] =	vst v63  }
0x26: {  	_ =	swait.ge [sflag:s15], $0x2710  }
0x27: {  	[sflag:s15] =	ssyncset.done $0x0  }
0x28: {  	[sflag:s15] =	ssyncadd.s32 $0xFFFFD8F0  }
0x29: {  	[tilespmem:s18], [sflag:$0x1] =	stream.linear.gather [hbm4b:s3+s2], $0x50, $0x38;
	[tilespmem:$0xF050] =	vst v63  }
0x2a: {  	_ =	swait.ge [sflag:s15], $0x50  }
0x2b: {  	[sflag:s15] =	ssyncset.done $0x0  }
0x2c: {  	[sflag:s15] =	ssyncadd.s32 $0xFFFFFFB0  }
0x2d: {  	[tilespmem:s2], [sflag:$0x1] =	stream.linear.gather [hbm4b:s6+s2], $0x2710, $0x38;
	[tilespmem:$0xF050] =	vst v63  }
0x2e: {  	_ =	swait.ge [sflag:s15], $0x2710  }
0x2f: {  	[sflag:s15] =	ssyncset.done $0x0  }
0x30: {  	[sflag:s15] =	ssyncadd.s32 $0xFFFFD8F0  }
0x31: {  	[tilespmem:s19], [sflag:$0x1] =	stream.linear.gather [hbm4b:s7+s2], $0x2710, $0x38;
	[tilespmem:$0xF050] =	vst v63  }
0x32: {  	_ =	swait.ge [sflag:s15], $0x2710  }
0x33: {  	[sflag:s15] =	ssyncset.done $0x0  }
0x34: {  	[sflag:s15] =	ssyncadd.s32 $0xFFFFD8F0  }
0x35: {  	v2 =	vld [tilespmem:$0x7530];
	_ =	sdelay $0x7  }
0x36: {  	[tilespmem:v2+s14+$0x0] =	vst.idx.msk $0xffff, v0  }
0x37: {  	[tilespmem:v2+s16+$0x0] =	vst.idx.msk $0xffff, v0  }
0x38: {  	v2 =	vld [tilespmem:$0x7540];
	_ =	sdelay $0x7  }
0x39: {  	[tilespmem:v2+s14+$0x0] =	vst.idx.msk $0xffff, v0  }
0x3a: {  	[tilespmem:v2+s16+$0x0] =	vst.idx.msk $0xffff, v0  }
0x3b: {  	v2 =	vld [tilespmem:$0x7550];
	_ =	sdelay $0x7  }
0x3c: {  	[tilespmem:v2+s14+$0x0] =	vst.idx.msk $0xffff, v0  }
0x3d: {  	[tilespmem:v2+s16+$0x0] =	vst.idx.msk $0xffff, v0  }
0x3e: {  	v2 =	vld [tilespmem:$0x7560];
	_ =	sdelay $0x7  }
0x3f: {  	[tilespmem:v2+s14+$0x0] =	vst.idx.msk $0xffff, v0  }
0x40: {  	[tilespmem:v2+s16+$0x0] =	vst.idx.msk $0xffff, v0  }
0x41: {  	v2 =	vld [tilespmem:$0x7570];
	_ =	sdelay $0x7  }
0x42: {  	[tilespmem:v2+s14+$0x0] =	vst.idx.msk $0xffff, v0  }
0x43: {  	s24 =	simm.s32 $0x0;
	[tilespmem:v2+s16+$0x0] =	vst.idx.msk $0xffff, v0  }
.LBB2_2:
0x44: {  	s25 =	sshra.s32 s24, $0x2  }
0x45: {  	v2 =	vld [tilespmem:s25+$0x2710]  }
0x46: {  	v3 =	vld [tilespmem:s25+$0x0];
	_ =	sdelay $0x4  }
0x47: {  	v4 =	vshll.u32 v3, $0xE  }
0x48: {  	v4 =	vor.u32 v2, v4  }
0x49: {  	[tilespmem:s25+$0x4E20] =	vst v4  }
0x4a: {  	[tilespmem:v2+s17+$0x0] =	vst.idx.add.f32.msk $0xffff, v1  }
0x4b: {  	v2 =	vld.idx.msk [tilespmem:v2+s14+$0x0], $0xffff;
	_ =	sdelay $0x4  }
0x4c: {  	vm0 =	vgt.s32 v2, $0x0;
	_ =	sdelay $0x5  }
0x4d: {  	[tilespmem:v3+s16+$0x0] =	vst.idx.msk vm0, v0  }
0x4e: {  	v2 =	vld [tilespmem:s25+$0x2720]  }
0x4f: {  	v3 =	vld [tilespmem:s25+$0x10];
	_ =	sdelay $0x4  }
0x50: {  	v60 =	vshll.u32 v3, $0xE  }
0x51: {  	v4 =	vor.u32 v2, v60  }
0x52: {  	[tilespmem:s25+$0x4E30] =	vst v4  }
0x53: {  	[tilespmem:v2+s17+$0x0] =	vst.idx.add.f32.msk $0xffff, v1  }
0x54: {  	v2 =	vld.idx.msk [tilespmem:v2+s14+$0x0], $0xffff;
	_ =	sdelay $0x4  }
0x55: {  	vm12 =	vgt.s32 v2, $0x0;
	_ =	sdelay $0x5  }
0x56: {  	[tilespmem:v3+s16+$0x0] =	vst.idx.msk vm12, v0  }
0x57: {  	v2 =	vld [tilespmem:s25+$0x2730]  }
0x58: {  	v3 =	vld [tilespmem:s25+$0x20];
	_ =	sdelay $0x4  }
0x59: {  	v61 =	vshll.u32 v3, $0xE  }
0x5a: {  	v4 =	vor.u32 v2, v61  }
0x5b: {  	[tilespmem:s25+$0x4E40] =	vst v4  }
0x5c: {  	[tilespmem:v2+s17+$0x0] =	vst.idx.add.f32.msk $0xffff, v1  }
0x5d: {  	v2 =	vld.idx.msk [tilespmem:v2+s14+$0x0], $0xffff;
	_ =	sdelay $0x4  }
0x5e: {  	vm13 =	vgt.s32 v2, $0x0;
	_ =	sdelay $0x5  }
0x5f: {  	[tilespmem:v3+s16+$0x0] =	vst.idx.msk vm13, v0  }
0x60: {  	v2 =	vld [tilespmem:s25+$0x2740]  }
0x61: {  	v3 =	vld [tilespmem:s25+$0x30];
	_ =	sdelay $0x4  }
0x62: {  	v62 =	vshll.u32 v3, $0xE  }
0x63: {  	v4 =	vor.u32 v2, v62  }
0x64: {  	[tilespmem:s25+$0x4E50] =	vst v4  }
0x65: {  	[tilespmem:v2+s17+$0x0] =	vst.idx.add.f32.msk $0xffff, v1  }
0x66: {  	v2 =	vld.idx.msk [tilespmem:v2+s14+$0x0], $0xffff;
	_ =	sdelay $0x4  }
0x67: {  	vm14 =	vgt.s32 v2, $0x0;
	_ =	sdelay $0x5  }
0x68: {  	[tilespmem:v3+s16+$0x0] =	vst.idx.msk vm14, v0  }
0x69: {  	v2 =	vld [tilespmem:s25+$0x2750]  }
0x6a: {  	v3 =	vld [tilespmem:s25+$0x40];
	_ =	sdelay $0x4  }
0x6b: {  	v63 =	vshll.u32 v3, $0xE  }
0x6c: {  	v4 =	vor.u32 v2, v63  }
0x6d: {  	[tilespmem:s25+$0x4E60] =	vst v4  }
0x6e: {  	[tilespmem:v2+s17+$0x0] =	vst.idx.add.f32.msk $0xffff, v1  }
0x6f: {  	v2 =	vld.idx.msk [tilespmem:v2+s14+$0x0], $0xffff;
	_ =	sdelay $0x4  }
0x70: {  	vm15 =	vgt.s32 v2, $0x0  }
0x71: {  	p1 =	sne.s32 s24, $0x9B00  }
.Ltmp2:
0x72: {  	_ = 	snop;
	(pc) =	sbr.rel @p1 .LBB2_2-.Ltmp2, $2  }
0x73: {  	_ =	sdelay $0x2  }
0x74: {  	s24 =	sadd.s32 $0x140, s24;
	[tilespmem:v3+s16+$0x0] =	vst.idx.msk vm15, v0  }
0x75: {  	v2 =	vld [tilespmem:$0x7530];
	_ =	sdelay $0x5  }
0x76: {  	v3 =	vld [tilespmem:$0x7540];
	_ =	sdelay $0x1  }
0x77: {  	v2 =	vld.idx.msk [tilespmem:v2+s17+$0x0], $0xffff;
	_ =	sdelay $0x3  }
0x78: {  	v4 =	vld [tilespmem:$0x7550]  }
0x79: {  	[tilespmem:$0xEAB0] =	vst v2  }
0x7a: {  	v2 =	vld.idx.msk [tilespmem:v3+s17+$0x0], $0xffff;
	_ =	sdelay $0x3  }
0x7b: {  	v3 =	vld [tilespmem:$0x7560]  }
0x7c: {  	[tilespmem:$0xEAC0] =	vst v2  }
0x7d: {  	v2 =	vld.idx.msk [tilespmem:v4+s17+$0x0], $0xffff;
	_ =	sdelay $0x3  }
0x7e: {  	v63 =	vld [tilespmem:$0x7570]  }
0x7f: {  	[tilespmem:$0xEAD0] =	vst v2  }
0x80: {  	v2 =	vld.idx.msk [tilespmem:v3+s17+$0x0], $0xffff;
	_ =	sdelay $0x4  }
0x81: {  	[tilespmem:$0xEAE0] =	vst v2  }
0x82: {  	v2 =	vld.idx.msk [tilespmem:v63+s17+$0x0], $0xffff;
	_ =	sdelay $0x4  }
0x83: {  	[tilespmem:$0xEAF0] =	vst v2  }
0x84: {  	[spmem:s8] =	stream.linear.scatter [tilespmem:s20], [sflag:$0x1], $0x50, $0x38;
	[tilespmem:$0xF050] =	vst v63  }
.Ltmp3:
0x85: {  	_ =	swait.ge [sflag:s15], $0x50;
	(pc) =	sbr.rel @p0 .LBB2_5-.Ltmp3, $3  }
0x86: {  	[sflag:s15] =	ssyncset.done $0x0  }
0x87: {  	[sflag:s15] =	ssyncadd.s32 $0xFFFFFFB0  }
0x88: {  	[bflag:$0x0] =	sbarrier.arrive $0xFFFF;
	_ =	sdelay $0x1  }
0x89: {  	[tilespmem:s21], [sflag:$0x1] =	stream.linear.gather [spmem:s1], $0x500, $0x38;
	[tilespmem:$0xF050] =	vst v63  }
0x8a: {  	_ =	swait.ge [sflag:s15], $0x500  }
0x8b: {  	[sflag:s15] =	ssyncset.done $0x0  }
0x8c: {  	[sflag:s15] =	ssyncadd.s32 $0xFFFFFB00  }
0x8d: {  	v2 =	vld [tilespmem:$0xEB00]  }
0x8e: {  	v3 =	vld [tilespmem:$0xEB50]  }
0x8f: {  	v4 =	vld [tilespmem:$0xEBA0]  }
0x90: {  	v5 =	vld [tilespmem:$0xEBF0]  }
0x91: {  	v6 =	vld [tilespmem:$0xEC40]  }
0x92: {  	v7 =	vld [tilespmem:$0xEC90]  }
0x93: {  	v8 =	vld [tilespmem:$0xECE0]  }
0x94: {  	v9 =	vld [tilespmem:$0xED30]  }
0x95: {  	v10 =	vld [tilespmem:$0xED80]  }
0x96: {  	v11 =	vld [tilespmem:$0xEDD0]  }
0x97: {  	v12 =	vld [tilespmem:$0xEE20]  }
0x98: {  	v13 =	vld [tilespmem:$0xEE70]  }
0x99: {  	v14 =	vld [tilespmem:$0xEEC0]  }
0x9a: {  	v15 =	vld [tilespmem:$0xEF10]  }
0x9b: {  	v16 =	vld [tilespmem:$0xEF60]  }
0x9c: {  	v17 =	vld [tilespmem:$0xEFB0]  }
0x9d: {  	v18 =	vld [tilespmem:$0xEB10]  }
0x9e: {  	v19 =	vld [tilespmem:$0xEB60]  }
0x9f: {  	v20 =	vld [tilespmem:$0xEBB0]  }
0xa0: {  	v21 =	vld [tilespmem:$0xEC00]  }
0xa1: {  	v22 =	vld [tilespmem:$0xEC50]  }
0xa2: {  	v23 =	vld [tilespmem:$0xECA0]  }
0xa3: {  	v24 =	vld [tilespmem:$0xECF0]  }
0xa4: {  	v25 =	vld [tilespmem:$0xED40]  }
0xa5: {  	v26 =	vld [tilespmem:$0xED90]  }
0xa6: {  	v27 =	vld [tilespmem:$0xEDE0]  }
0xa7: {  	v28 =	vld [tilespmem:$0xEE80]  }
0xa8: {  	v29 =	vld [tilespmem:$0xEF20]  }
0xa9: {  	v30 =	vld [tilespmem:$0xEFC0]  }
0xaa: {  	v50 =	vld [tilespmem:$0xEB20]  }
0xab: {  	v31 =	vld [tilespmem:$0xEB70]  }
0xac: {  	v51 =	vld [tilespmem:$0xEBC0]  }
0xad: {  	v32 =	vld [tilespmem:$0xEC10]  }
0xae: {  	v52 =	vld [tilespmem:$0xEC60]  }
0xaf: {  	v33 =	vld [tilespmem:$0xECB0];
	v2 =	vadd.f32 v3, v2  }
0xb0: {  	v53 =	vld [tilespmem:$0xED00]  }
0xb1: {  	v34 =	vld [tilespmem:$0xED50];
	v2 =	vadd.f32 v4, v2  }
0xb2: {  	v54 =	vld [tilespmem:$0xEDA0]  }
0xb3: {  	v35 =	vld [tilespmem:$0xEDF0];
	v2 =	vadd.f32 v5, v2  }
0xb4: {  	v55 =	vld [tilespmem:$0xEE40]  }
0xb5: {  	v36 =	vld [tilespmem:$0xEE90];
	v2 =	vadd.f32 v6, v2  }
0xb6: {  	v37 =	vld [tilespmem:$0xEF30]  }
0xb7: {  	v38 =	vld [tilespmem:$0xEFD0];
	v2 =	vadd.f32 v7, v2  }
0xb8: {  	v56 =	vld [tilespmem:$0xEB30]  }
0xb9: {  	v39 =	vld [tilespmem:$0xEB80];
	v2 =	vadd.f32 v8, v2  }
0xba: {  	v57 =	vld [tilespmem:$0xEB40]  }
0xbb: {  	v40 =	vld [tilespmem:$0xEB90];
	v2 =	vadd.f32 v9, v2  }
0xbc: {  	v58 =	vld [tilespmem:$0xEBD0]  }
0xbd: {  	v59 =	vld [tilespmem:$0xEBE0];
	v18 =	vadd.f32 v19, v18;
	v2 =	vadd.f32 v10, v2  }
0xbe: {  	v60 =	vld [tilespmem:$0xEC20]  }
0xbf: {  	v61 =	vld [tilespmem:$0xEC30];
	v18 =	vadd.f32 v20, v18;
	v2 =	vadd.f32 v11, v2  }
0xc0: {  	v63 =	vld [tilespmem:$0xEC70]  }
0xc1: {  	v41 =	vld [tilespmem:$0xED10];
	v18 =	vadd.f32 v21, v18;
	v2 =	vadd.f32 v12, v2  }
0xc2: {  	v42 =	vld [tilespmem:$0xED20];
	v62 =	vadd.f32 v40, v57;
	v6 =	vadd.f32 v31, v50  }
0xc3: {  	v43 =	vld [tilespmem:$0xED60];
	v18 =	vadd.f32 v22, v18;
	v2 =	vadd.f32 v13, v2  }
0xc4: {  	v31 =	vld [tilespmem:$0xEC80];
	v6 =	vadd.f32 v51, v6;
	v7 =	vadd.f32 v59, v62  }
0xc5: {  	v44 =	vld [tilespmem:$0xED70];
	v2 =	vadd.f32 v14, v2;
	v14 =	vadd.f32 v39, v56  }
0xc6: {  	v40 =	vld [tilespmem:$0xECD0];
	v18 =	vadd.f32 v23, v18;
	v6 =	vadd.f32 v32, v6  }
0xc7: {  	v45 =	vld [tilespmem:$0xEDB0];
	v7 =	vadd.f32 v61, v7;
	v14 =	vadd.f32 v58, v14  }
0xc8: {  	v18 =	vadd.f32 v24, v18;
	v6 =	vadd.f32 v52, v6;
	v39 =	vld [tilespmem:$0xECC0]  }
0xc9: {  	v47 =	vld [tilespmem:$0xEDC0];
	v7 =	vadd.f32 v31, v7;
	v14 =	vadd.f32 v60, v14  }
0xca: {  	v48 =	vld [tilespmem:$0xEE00];
	v46 =	vadd.f32 v25, v18;
	v6 =	vadd.f32 v33, v6  }
0xcb: {  	v49 =	vld [tilespmem:$0xEE10];
	v7 =	vadd.f32 v40, v7;
	v14 =	vadd.f32 v63, v14  }
0xcc: {  	v3 =	vld [tilespmem:$0xEE30];
	v6 =	vadd.f32 v53, v6;
	v2 =	vadd.f32 v15, v2  }
0xcd: {  	v4 =	vld [tilespmem:$0xEED0];
	v7 =	vadd.f32 v42, v7;
	v14 =	vadd.f32 v39, v14  }
0xce: {  	v5 =	vld [tilespmem:$0xEF70];
	v6 =	vadd.f32 v34, v6;
	v2 =	vadd.f32 v16, v2  }
0xcf: {  	v50 =	vld [tilespmem:$0xEE50];
	v7 =	vadd.f32 v44, v7;
	v8 =	vadd.f32 v41, v14  }
0xd0: {  	v51 =	vld [tilespmem:$0xEE60];
	v6 =	vadd.f32 v54, v6;
	v2 =	vadd.f32 v17, v2  }
0xd1: {  	v52 =	vld [tilespmem:$0xEEA0];
	v17 =	vadd.f32 v26, v46;
	v8 =	vadd.f32 v43, v8  }
0xd2: {  	v53 =	vld [tilespmem:$0xEEB0];
	v7 =	vadd.f32 v47, v7;
	v6 =	vadd.f32 v35, v6  }
0xd3: {  	v12 =	vld [tilespmem:$0xEEE0];
	v17 =	vadd.f32 v27, v17;
	v8 =	vadd.f32 v45, v8  }
0xd4: {  	v13 =	vld [tilespmem:$0xEF80];
	v7 =	vadd.f32 v49, v7;
	v6 =	vadd.f32 v55, v6  }
0xd5: {  	v55 =	vld [tilespmem:$0xEF00];
	v3 =	vadd.f32 v3, v17;
	v8 =	vadd.f32 v48, v8  }
0xd6: {  	v54 =	vld [tilespmem:$0xEEF0];
	v7 =	vadd.f32 v51, v7;
	v6 =	vadd.f32 v36, v6  }
0xd7: {  	v58 =	vld [tilespmem:$0xEF50];
	v3 =	vadd.f32 v28, v3;
	v8 =	vadd.f32 v50, v8  }
0xd8: {  	v56 =	vld [tilespmem:$0xEF40];
	v7 =	vadd.f32 v53, v7;
	v6 =	vadd.f32 v12, v6  }
0xd9: {  	v60 =	vld [tilespmem:$0xEFA0];
	v3 =	vadd.f32 v4, v3;
	v57 =	vadd.f32 v52, v8  }
0xda: {  	v59 =	vld [tilespmem:$0xEF90];
	v7 =	vadd.f32 v55, v7;
	v6 =	vadd.f32 v37, v6  }
0xdb: {  	v62 =	vld [tilespmem:$0xEFF0];
	v3 =	vadd.f32 v29, v3;
	v4 =	vadd.f32 v54, v57  }
0xdc: {  	v61 =	vld [tilespmem:$0xEFE0];
	v7 =	vadd.f32 v58, v7;
	v6 =	vadd.f32 v13, v6  }
0xdd: {  	v3 =	vadd.f32 v5, v3;
	v4 =	vadd.f32 v56, v4  }
0xde: {  	[tilespmem:$0xEAB0] =	vst v2;
	v63 =	vadd.f32 v60, v7;
	v2 =	vadd.f32 v38, v6  }
0xdf: {  	v3 =	vadd.f32 v30, v3;
	v4 =	vadd.f32 v59, v4  }
0xe0: {  	[tilespmem:$0xEAD0] =	vst v2;
	v2 =	vadd.f32 v62, v63  }
0xe1: {  	[tilespmem:$0xEAC0] =	vst v3;
	v3 =	vadd.f32 v61, v4  }
0xe2: {  	[tilespmem:$0xEAF0] =	vst v2  }
.Ltmp4:
0xe3: {  	[tilespmem:$0xEAE0] =	vst v3;
	(pc) =	sbr.rel .LBB2_5-.Ltmp4, $4  }
0xe4: {  	[hbm4b:s9+s2] =	stream.linear.scatter [tilespmem:s20], [sflag:$0x1], $0x50, $0x38;
	[tilespmem:$0xF050] =	vst v63  }
0xe5: {  	_ =	swait.ge [sflag:s15], $0x50  }
0xe6: {  	[sflag:s15] =	ssyncset.done $0x0  }
0xe7: {  	[sflag:s15] =	ssyncadd.s32 $0xFFFFFFB0  }
.LBB2_6:
0xe8: {  	_ =	sfence.sel $0x180000  }
0xe9: {  	[bflag:$0x0] =	sbarrier.arrive $0xFFFF  }
0xea: {  	_ =	strace $0x90000047  }
0xeb: {  	s0 =	sadd.s32 @!p0 $0x100000, s0;
	[bflag:$0x2] =	sbarrier.arrive $0xFFFF  }
0xec: {  	[sflag:s0] =	ssyncadd.tile.s32 @!p0 $0x1;
	_ =	shalt  }
.Lfunc_end2:
_tile_overlayer_lowered:
.L_overlay_start_2:
0xed: {  	(tag) =	ssettag $0x2  }
0xee: {  	s0 =	rddreg [dreg:$0x0];
	s2 =	stileid.u32  }
0xef: {  	s1 =	rddreg [dreg:$0x1];
	p0 =	sne.s32 s2, $0x0  }
0xf0: {  	s3 =	rddreg [dreg:$0x2];
	[bflag:$0x3] =	sbarrier.arrive $0xFFFF;
	s2 =	simm.s32 @!p0 $0x1C01  }
0xf1: {  	[timem:s3], [sflag:s2] =	dma.local @!p0 [hbm:s0], s1  }
0xf2: {  	s0 =	simm.s32 @!p0 $0x1  }
0xf3: {  	_ =	swait.ge @!p0 [sflag:s0], s1  }
0xf4: {  	s1 =	ssub.s32 @!p0 $0x0, s1;
	[sflag:s0] =	ssyncset.done @!p0 $0x0  }
0xf5: {  	[sflag:s0] =	ssyncadd.s32 @!p0 s1  }
0xf6: {  	[bflag:$0x3] =	sbarrier.arrive $0xFFFF  }
0xf7: {  	_ =	shalt  }

</sc_bundles>
